<compile_context>
chip_gen: v7x
topology: tpu7x:2x2x1
jax: 0.10.2.dev20260603
libtpu: 0.0.44.dev20260713+nightly
codegen_flags: <defaults>
</compile_context>

<pallas_src>
import functools

import jax
import jax.numpy as jnp
from jax import lax
from jax.experimental import pallas as pl
from jax.experimental.pallas import tpu as pltpu
from jax.experimental.pallas import tpu_sc as plsc

_N = 100000
_EMB = 128
_NUM_CAT = 4
_NUM_SCALAR = 64
_NFEAT = _NUM_CAT + _NUM_SCALAR

_NW = 32
_CHUNK = 125
_NCHUNKS = _N // _CHUNK
_NSETS = 5

_SPLIT = 48000
_BLK = 2000


def _gather_sum_half(idx_r, emb0, emb1, emb2, emb3, *, chunk0, cpw, out_rows,
                     out_chunk0):
    mesh = plsc.VectorSubcoreMesh(core_axis_name="c", subcore_axis_name="s")

    @functools.partial(
        pl.kernel,
        out_type=jax.ShapeDtypeStruct((out_rows, _EMB), jnp.float32),
        mesh=mesh,
        scratch_types=[
            pltpu.VMEM((cpw, _NUM_CAT, _CHUNK), jnp.int32),
            *[pltpu.VMEM((_CHUNK, _EMB), jnp.float32) for _ in range(_NSETS)],
            *[pltpu.SemaphoreType.DMA for _ in range(_NSETS)],
            *[pltpu.SemaphoreType.DMA for _ in range(_NSETS)],
        ],
        compiler_params=pltpu.CompilerParams(use_tc_tiling_on_sc=False),
    )
    def run(idx_hbm, t0, t1, t2, t3, out_hbm, iv_all, *bufs_and_sems):
        accs = bufs_and_sems[:_NSETS]
        sems = bufs_and_sems[_NSETS:2 * _NSETS]
        osems = bufs_and_sems[2 * _NSETS:3 * _NSETS]
        tabs = (t0, t1, t2, t3)
        cid = lax.axis_index("c")
        sid = lax.axis_index("s")
        wid = sid * 2 + cid
        base = chunk0 + wid * cpw

        pltpu.sync_copy(idx_hbm.at[pl.ds(base, cpw)], iv_all)

        def s1_fire_first(c):
            p = c % _NSETS
            if c >= _NSETS:
                pltpu.make_async_copy(
                    accs[p], out_hbm.at[pl.ds(0, _CHUNK)], osems[p]).wait()
            pltpu.async_copy(tabs[0].at[iv_all.at[c, 0]], accs[p], sems[p])

        def s2_fire_adds(c):
            p = c % _NSETS
            pltpu.make_async_copy(
                tabs[0].at[iv_all.at[c, 0]], accs[p], sems[p]).wait()
            for t in (1, 2, 3):
                pltpu.async_copy(tabs[t].at[iv_all.at[c, t]], accs[p],
                                 sems[p], add=True)

        def s3_write_out(c):
            p = c % _NSETS
            for t in (1, 2, 3):
                pltpu.make_async_copy(
                    tabs[t].at[iv_all.at[c, t]], accs[p], sems[p]).wait()
            pltpu.async_copy(
                accs[p],
                out_hbm.at[pl.ds((base - out_chunk0 + c) * _CHUNK, _CHUNK)],
                osems[p])

        for c in range(cpw + 2):
            if c < cpw:
                s1_fire_first(c)
            if 1 <= c and c - 1 < cpw:
                s2_fire_adds(c - 1)
            if 2 <= c and c - 2 < cpw:
                s3_write_out(c - 2)

        for p in range(min(_NSETS, cpw)):
            pltpu.make_async_copy(
                accs[p], out_hbm.at[pl.ds(0, _CHUNK)], osems[p]).wait()

    return run(idx_r, emb0, emb1, emb2, emb3)


def _linear_add_h1(partial_full, x, W68, b2):
    def body(p_ref, x_ref, w_ref, b_ref, o_ref):
        o_ref[...] = (
            p_ref[...]
            + jnp.dot(x_ref[...], w_ref[...], preferred_element_type=jnp.float32)
            + b_ref[...]
        )

    return pl.pallas_call(
        body,
        grid=(_SPLIT // _BLK,),
        in_specs=[
            pl.BlockSpec((_BLK, _EMB), lambda i: (i, 0)),
            pl.BlockSpec((_BLK, _NFEAT), lambda i: (i, 0)),
            pl.BlockSpec((_NFEAT, _EMB), lambda i: (0, 0)),
            pl.BlockSpec((1, _EMB), lambda i: (0, 0)),
        ],
        out_specs=pl.BlockSpec((_BLK, _EMB), lambda i: (i, 0)),
        out_shape=jax.ShapeDtypeStruct((_N, _EMB), jnp.float32),
        input_output_aliases={0: 0},
    )(partial_full, x, W68, b2)


def _linear_add_h2(out_h1, partial2, x, W68, b2):
    nblk1 = _SPLIT // _BLK

    def body(o_in_ref, p_ref, x_ref, w_ref, b_ref, o_ref):
        del o_in_ref
        o_ref[...] = (
            p_ref[...]
            + jnp.dot(x_ref[...], w_ref[...], preferred_element_type=jnp.float32)
            + b_ref[...]
        )

    return pl.pallas_call(
        body,
        grid=((_N - _SPLIT) // _BLK,),
        in_specs=[
            pl.BlockSpec(memory_space=pltpu.MemorySpace.HBM),
            pl.BlockSpec((_BLK, _EMB), lambda i: (i, 0)),
            pl.BlockSpec((_BLK, _NFEAT), lambda i: (i + nblk1, 0)),
            pl.BlockSpec((_NFEAT, _EMB), lambda i: (0, 0)),
            pl.BlockSpec((1, _EMB), lambda i: (0, 0)),
        ],
        out_specs=pl.BlockSpec((_BLK, _EMB), lambda i: (i + nblk1, 0)),
        out_shape=jax.ShapeDtypeStruct((_N, _EMB), jnp.float32),
        input_output_aliases={0: 0},
    )(out_h1, partial2, x, W68, b2)


def kernel(x, emb0, emb1, emb2, emb3, W, b):
    idx = x[:, :_NUM_CAT].astype(jnp.int32)
    idx_r = idx.reshape(_NCHUNKS, _CHUNK, _NUM_CAT).transpose(0, 2, 1)
    split_chunks = _SPLIT // _CHUNK
    p1 = _gather_sum_half(idx_r, emb0, emb1, emb2, emb3,
                          chunk0=0, cpw=split_chunks // _NW,
                          out_rows=_N, out_chunk0=0)
    p2 = _gather_sum_half(idx_r, emb0, emb1, emb2, emb3,
                          chunk0=split_chunks,
                          cpw=(_NCHUNKS - split_chunks) // _NW,
                          out_rows=_N - _SPLIT, out_chunk0=split_chunks)
    W68 = jnp.concatenate([jnp.zeros((_NUM_CAT, _EMB), jnp.float32), W], axis=0)
    b2 = b.reshape(1, _EMB)
    o1 = _linear_add_h1(p1, x, W68, b2)
    return _linear_add_h2(o1, p2, x, W68, b2)

# --- scband reference (transcript-rebuilt; emitter-appended) ---
"""Pipeline reference for scband-atom-encoder-60103772340558 (READ-ONLY COPY).

The authoritative reference and input builder live on the scoring server;
editing this copy changes nothing except your own understanding.
"""

import jax, jax.numpy as jnp
import numpy as np

N = 100000
NUM_CAT = 4
NUM_SCALAR = 64  # 16 scalar + 48 sigma_embed_dim
EMB = 128
VOCAB = 50000


def _xavier(key, shape):
    bound = float(np.sqrt(6.0 / (shape[0] + shape[1])))
    return jax.random.uniform(key, shape, jnp.float32, -bound, bound)


def setup_inputs(seed: int = 0) -> dict:
    key = jax.random.key(seed)
    ks = jax.random.split(key, 8)
    # single mixed tensor: first NUM_CAT columns are categorical indices (cast to float),
    # remaining NUM_SCALAR columns are scalar features
    x = jax.random.randint(ks[0], (N, NUM_CAT + NUM_SCALAR), 0, VOCAB).astype(jnp.float32)
    emb0 = _xavier(ks[1], (VOCAB, EMB))
    emb1 = _xavier(ks[2], (VOCAB, EMB))
    emb2 = _xavier(ks[3], (VOCAB, EMB))
    emb3 = _xavier(ks[4], (VOCAB, EMB))
    # torch Linear(in=NUM_SCALAR, out=EMB): store W as (in, out) so y = x @ W + b
    bound = float(1.0 / np.sqrt(NUM_SCALAR))
    W = jax.random.uniform(ks[5], (NUM_SCALAR, EMB), jnp.float32, -bound, bound)
    b = jax.random.uniform(ks[6], (EMB,), jnp.float32, -bound, bound)
    return {"x": x, "emb0": emb0, "emb1": emb1, "emb2": emb2, "emb3": emb3, "W": W, "b": b}


def reference(x, emb0, emb1, emb2, emb3, W, b):
    tables = [emb0, emb1, emb2, emb3]
    idx = x[:, :NUM_CAT].astype(jnp.int32)
    x_embedding = jnp.zeros((x.shape[0], EMB), dtype=jnp.float32)
    for i in range(NUM_CAT):
        x_embedding = x_embedding + jnp.take(tables[i], idx[:, i], axis=0)
    scalars = x[:, NUM_CAT:NUM_CAT + NUM_SCALAR]
    x_embedding = x_embedding + scalars @ W + b
    return x_embedding

if __name__ == "__main__":
    import jax
    _d = setup_inputs()
    print(jax.jit(kernel)(*tuple(_d.values())))

</pallas_src>

<mosaic_0001>
#map = affine_map<(d0, d1) -> (0, 0, 0)>
#map1 = affine_map<(d0, d1) -> (0, 0)>
module attributes {stable_mosaic.version = 14 : i64} {
  func.func @run(%arg0: i32, %arg1: i32, %arg2: memref<800x4x125xi32, #tpu.memory_space<hbm>>, %arg3: memref<50000x128xf32, #tpu.memory_space<hbm>>, %arg4: memref<50000x128xf32, #tpu.memory_space<hbm>>, %arg5: memref<50000x128xf32, #tpu.memory_space<hbm>>, %arg6: memref<50000x128xf32, #tpu.memory_space<hbm>>, %arg7: memref<100000x128xf32, #tpu.memory_space<hbm>>, %arg8: memref<12x4x125xi32, #tpu.memory_space<vmem>>, %arg9: memref<125x128xf32, #tpu.memory_space<vmem>>, %arg10: memref<125x128xf32, #tpu.memory_space<vmem>>, %arg11: memref<125x128xf32, #tpu.memory_space<vmem>>, %arg12: memref<125x128xf32, #tpu.memory_space<vmem>>, %arg13: memref<125x128xf32, #tpu.memory_space<vmem>>, %arg14: memref<!tpu.dma_semaphore, #tpu.memory_space<semaphore_mem>>, %arg15: memref<!tpu.dma_semaphore, #tpu.memory_space<semaphore_mem>>, %arg16: memref<!tpu.dma_semaphore, #tpu.memory_space<semaphore_mem>>, %arg17: memref<!tpu.dma_semaphore, #tpu.memory_space<semaphore_mem>>, %arg18: memref<!tpu.dma_semaphore, #tpu.memory_space<semaphore_mem>>, %arg19: memref<!tpu.dma_semaphore, #tpu.memory_space<semaphore_mem>>, %arg20: memref<!tpu.dma_semaphore, #tpu.memory_space<semaphore_mem>>, %arg21: memref<!tpu.dma_semaphore, #tpu.memory_space<semaphore_mem>>, %arg22: memref<!tpu.dma_semaphore, #tpu.memory_space<semaphore_mem>>, %arg23: memref<!tpu.dma_semaphore, #tpu.memory_space<semaphore_mem>>) attributes {dimension_semantics = [#tpu.dimension_semantics<core_parallel>, #tpu.dimension_semantics<subcore_parallel>], iteration_bounds = array<i64: 2, 16>, scalar_prefetch = 0 : i64, scratch_operands = 16 : i64, tpu.core_type = #tpu.core_type<sc_vector_subcore>, window_params = [{transform_indices = #map}, {transform_indices = #map1}, {transform_indices = #map1}, {transform_indices = #map1}, {transform_indices = #map1}, {transform_indices = #map1}]} {
    %mul3A = arith.constant 2 : i32
    %mul3A_0 = arith.muli %arg1, %mul3A : i32
    %add3A = arith.addi %mul3A_0, %arg0 : i32
    %mul3A_1 = arith.constant 12 : i32
    %mul3A_2 = arith.muli %add3A, %mul3A_1 : i32
    %add3A_3 = arith.constant 0 : i32
    %add3A_4 = arith.addi %add3A_3, %mul3A_2 : i32
    "tpu.region"() ({
      %run_scoped3A = tpu.sem_alloc : memref<!tpu.dma_semaphore, #tpu.memory_space<semaphore_mem>>
      %dma_start3A_962 = arith.constant 0 : i32
      %dma_start3A_963 = arith.constant 0 : i32
      %dma_start3A_964 = tpu.memref_slice %arg2[%add3A_4, %dma_start3A_962, %dma_start3A_963] : memref<800x4x125xi32, #tpu.memory_space<hbm>> -> memref<12x4x125xi32, #tpu.memory_space<hbm>>
      %dma_start3A_965 = arith.constant 0 : i32
      %dma_start3A_966 = arith.constant 0 : i32
      %dma_start3A_967 = tpu.memref_slice %arg2[%add3A_4, %dma_start3A_965, %dma_start3A_966] : memref<800x4x125xi32, #tpu.memory_space<hbm>> -> memref<12x4x125xi32, #tpu.memory_space<hbm>>
      tpu.enqueue_dma source(%dma_start3A_967 : memref<12x4x125xi32, #tpu.memory_space<hbm>>) target(%arg8 : memref<12x4x125xi32, #tpu.memory_space<vmem>>) target_semaphore(%run_scoped3A : memref<!tpu.dma_semaphore, #tpu.memory_space<semaphore_mem>>)
      %dma_wait3A_968 = arith.constant 0 : i32
      %dma_wait3A_969 = arith.constant 0 : i32
      %dma_wait3A_970 = tpu.memref_slice %arg2[%add3A_4, %dma_wait3A_968, %dma_wait3A_969] : memref<800x4x125xi32, #tpu.memory_space<hbm>> -> memref<12x4x125xi32, #tpu.memory_space<hbm>>
      %dma_wait3A_971 = arith.constant 0 : i32
      %dma_wait3A_972 = arith.constant 0 : i32
      %dma_wait3A_973 = tpu.memref_slice %arg2[%add3A_4, %dma_wait3A_971, %dma_wait3A_972] : memref<800x4x125xi32, #tpu.memory_space<hbm>> -> memref<12x4x125xi32, #tpu.memory_space<hbm>>
      tpu.wait_dma2 semaphore(%run_scoped3A : memref<!tpu.dma_semaphore, #tpu.memory_space<semaphore_mem>>) src(%dma_wait3A_973 : memref<12x4x125xi32, #tpu.memory_space<hbm>>) dst(%arg8 : memref<12x4x125xi32, #tpu.memory_space<vmem>>)
      tpu.yield
    }) : () -> ()
    %dma_start3A = arith.constant 0 : i32
    %dma_start3A_5 = arith.constant 0 : i32
    %dma_start3A_6 = arith.constant 0 : i32
    %dma_start3A_7 = tpu.memref_slice %arg8[%dma_start3A, %dma_start3A_5, %dma_start3A_6] : memref<12x4x125xi32, #tpu.memory_space<vmem>> -> memref<1x1x125xi32, #tpu.memory_space<vmem>>
    %dma_start3A_8 = tpu.memref_squeeze %dma_start3A_7 : memref<1x1x125xi32, #tpu.memory_space<vmem>> -> memref<125xi32, #tpu.memory_space<vmem>>
    %dma_start3A_9 = arith.constant 0 : i32
    %dma_start3A_10 = arith.constant 0 : i32
    %dma_start3A_11 = tpu.memref_slice %arg3[%dma_start3A_9, %dma_start3A_10] : memref<50000x128xf32, #tpu.memory_space<hbm>> -> memref<50000x128xf32, #tpu.memory_space<hbm>>
    tpu.enqueue_indirect_dma source(%dma_start3A_11 : memref<50000x128xf32, #tpu.memory_space<hbm>>) target(%arg9 : memref<125x128xf32, #tpu.memory_space<vmem>>) offsets(%dma_start3A_8 : memref<125xi32, #tpu.memory_space<vmem>>) semaphore(%arg14 : memref<!tpu.dma_semaphore, #tpu.memory_space<semaphore_mem>>)
    %dma_start3A_12 = arith.constant 1 : i32
    %dma_start3A_13 = arith.constant 0 : i32
    %dma_start3A_14 = arith.constant 0 : i32
    %dma_start3A_15 = tpu.memref_slice %arg8[%dma_start3A_12, %dma_start3A_13, %dma_start3A_14] : memref<12x4x125xi32, #tpu.memory_space<vmem>> -> memref<1x1x125xi32, #tpu.memory_space<vmem>>
    %dma_start3A_16 = tpu.memref_squeeze %dma_start3A_15 : memref<1x1x125xi32, #tpu.memory_space<vmem>> -> memref<125xi32, #tpu.memory_space<vmem>>
    %dma_start3A_17 = arith.constant 0 : i32
    %dma_start3A_18 = arith.constant 0 : i32
    %dma_start3A_19 = tpu.memref_slice %arg3[%dma_start3A_17, %dma_start3A_18] : memref<50000x128xf32, #tpu.memory_space<hbm>> -> memref<50000x128xf32, #tpu.memory_space<hbm>>
    tpu.enqueue_indirect_dma source(%dma_start3A_19 : memref<50000x128xf32, #tpu.memory_space<hbm>>) target(%arg10 : memref<125x128xf32, #tpu.memory_space<vmem>>) offsets(%dma_start3A_16 : memref<125xi32, #tpu.memory_space<vmem>>) semaphore(%arg15 : memref<!tpu.dma_semaphore, #tpu.memory_space<semaphore_mem>>)
    %dma_wait3A = arith.constant 0 : i32
    %dma_wait3A_20 = arith.constant 0 : i32
    %dma_wait3A_21 = arith.constant 0 : i32
    %dma_wait3A_22 = tpu.memref_slice %arg8[%dma_wait3A, %dma_wait3A_20, %dma_wait3A_21] : memref<12x4x125xi32, #tpu.memory_space<vmem>> -> memref<1x1x125xi32, #tpu.memory_space<vmem>>
    %dma_wait3A_23 = tpu.memref_squeeze %dma_wait3A_22 : memref<1x1x125xi32, #tpu.memory_space<vmem>> -> memref<125xi32, #tpu.memory_space<vmem>>
    %dma_wait3A_24 = arith.constant 0 : i32
    %dma_wait3A_25 = arith.constant 0 : i32
    %dma_wait3A_26 = tpu.memref_slice %arg3[%dma_wait3A_24, %dma_wait3A_25] : memref<50000x128xf32, #tpu.memory_space<hbm>> -> memref<50000x128xf32, #tpu.memory_space<hbm>>
    tpu.wait_indirect_dma semaphore(%arg14 : memref<!tpu.dma_semaphore, #tpu.memory_space<semaphore_mem>>) src(%dma_wait3A_26 : memref<50000x128xf32, #tpu.memory_space<hbm>>) dst(%arg9 : memref<125x128xf32, #tpu.memory_space<vmem>>)
    %dma_start3A_27 = arith.constant 0 : i32
    %dma_start3A_28 = arith.constant 1 : i32
    %dma_start3A_29 = arith.constant 0 : i32
    %dma_start3A_30 = tpu.memref_slice %arg8[%dma_start3A_27, %dma_start3A_28, %dma_start3A_29] : memref<12x4x125xi32, #tpu.memory_space<vmem>> -> memref<1x1x125xi32, #tpu.memory_space<vmem>>
    %dma_start3A_31 = tpu.memref_squeeze %dma_start3A_30 : memref<1x1x125xi32, #tpu.memory_space<vmem>> -> memref<125xi32, #tpu.memory_space<vmem>>
    %dma_start3A_32 = arith.constant 0 : i32
    %dma_start3A_33 = arith.constant 0 : i32
    %dma_start3A_34 = tpu.memref_slice %arg4[%dma_start3A_32, %dma_start3A_33] : memref<50000x128xf32, #tpu.memory_space<hbm>> -> memref<50000x128xf32, #tpu.memory_space<hbm>>
    tpu.enqueue_indirect_dma source(%dma_start3A_34 : memref<50000x128xf32, #tpu.memory_space<hbm>>) target(%arg9 : memref<125x128xf32, #tpu.memory_space<vmem>>) offsets(%dma_start3A_31 : memref<125xi32, #tpu.memory_space<vmem>>) semaphore(%arg14 : memref<!tpu.dma_semaphore, #tpu.memory_space<semaphore_mem>>) {add = true}
    %dma_start3A_35 = arith.constant 0 : i32
    %dma_start3A_36 = arith.constant 2 : i32
    %dma_start3A_37 = arith.constant 0 : i32
    %dma_start3A_38 = tpu.memref_slice %arg8[%dma_start3A_35, %dma_start3A_36, %dma_start3A_37] : memref<12x4x125xi32, #tpu.memory_space<vmem>> -> memref<1x1x125xi32, #tpu.memory_space<vmem>>
    %dma_start3A_39 = tpu.memref_squeeze %dma_start3A_38 : memref<1x1x125xi32, #tpu.memory_space<vmem>> -> memref<125xi32, #tpu.memory_space<vmem>>
    %dma_start3A_40 = arith.constant 0 : i32
    %dma_start3A_41 = arith.constant 0 : i32
    %dma_start3A_42 = tpu.memref_slice %arg5[%dma_start3A_40, %dma_start3A_41] : memref<50000x128xf32, #tpu.memory_space<hbm>> -> memref<50000x128xf32, #tpu.memory_space<hbm>>
    tpu.enqueue_indirect_dma source(%dma_start3A_42 : memref<50000x128xf32, #tpu.memory_space<hbm>>) target(%arg9 : memref<125x128xf32, #tpu.memory_space<vmem>>) offsets(%dma_start3A_39 : memref<125xi32, #tpu.memory_space<vmem>>) semaphore(%arg14 : memref<!tpu.dma_semaphore, #tpu.memory_space<semaphore_mem>>) {add = true}
    %dma_start3A_43 = arith.constant 0 : i32
    %dma_start3A_44 = arith.constant 3 : i32
    %dma_start3A_45 = arith.constant 0 : i32
    %dma_start3A_46 = tpu.memref_slice %arg8[%dma_start3A_43, %dma_start3A_44, %dma_start3A_45] : memref<12x4x125xi32, #tpu.memory_space<vmem>> -> memref<1x1x125xi32, #tpu.memory_space<vmem>>
    %dma_start3A_47 = tpu.memref_squeeze %dma_start3A_46 : memref<1x1x125xi32, #tpu.memory_space<vmem>> -> memref<125xi32, #tpu.memory_space<vmem>>
    %dma_start3A_48 = arith.constant 0 : i32
    %dma_start3A_49 = arith.constant 0 : i32
    %dma_start3A_50 = tpu.memref_slice %arg6[%dma_start3A_48, %dma_start3A_49] : memref<50000x128xf32, #tpu.memory_space<hbm>> -> memref<50000x128xf32, #tpu.memory_space<hbm>>
    tpu.enqueue_indirect_dma source(%dma_start3A_50 : memref<50000x128xf32, #tpu.memory_space<hbm>>) target(%arg9 : memref<125x128xf32, #tpu.memory_space<vmem>>) offsets(%dma_start3A_47 : memref<125xi32, #tpu.memory_space<vmem>>) semaphore(%arg14 : memref<!tpu.dma_semaphore, #tpu.memory_space<semaphore_mem>>) {add = true}
    %dma_start3A_51 = arith.constant 2 : i32
    %dma_start3A_52 = arith.constant 0 : i32
    %dma_start3A_53 = arith.constant 0 : i32
    %dma_start3A_54 = tpu.memref_slice %arg8[%dma_start3A_51, %dma_start3A_52, %dma_start3A_53] : memref<12x4x125xi32, #tpu.memory_space<vmem>> -> memref<1x1x125xi32, #tpu.memory_space<vmem>>
    %dma_start3A_55 = tpu.memref_squeeze %dma_start3A_54 : memref<1x1x125xi32, #tpu.memory_space<vmem>> -> memref<125xi32, #tpu.memory_space<vmem>>
    %dma_start3A_56 = arith.constant 0 : i32
    %dma_start3A_57 = arith.constant 0 : i32
    %dma_start3A_58 = tpu.memref_slice %arg3[%dma_start3A_56, %dma_start3A_57] : memref<50000x128xf32, #tpu.memory_space<hbm>> -> memref<50000x128xf32, #tpu.memory_space<hbm>>
    tpu.enqueue_indirect_dma source(%dma_start3A_58 : memref<50000x128xf32, #tpu.memory_space<hbm>>) target(%arg11 : memref<125x128xf32, #tpu.memory_space<vmem>>) offsets(%dma_start3A_55 : memref<125xi32, #tpu.memory_space<vmem>>) semaphore(%arg16 : memref<!tpu.dma_semaphore, #tpu.memory_space<semaphore_mem>>)
    %dma_wait3A_59 = arith.constant 1 : i32
    %dma_wait3A_60 = arith.constant 0 : i32
    %dma_wait3A_61 = arith.constant 0 : i32
    %dma_wait3A_62 = tpu.memref_slice %arg8[%dma_wait3A_59, %dma_wait3A_60, %dma_wait3A_61] : memref<12x4x125xi32, #tpu.memory_space<vmem>> -> memref<1x1x125xi32, #tpu.memory_space<vmem>>
    %dma_wait3A_63 = tpu.memref_squeeze %dma_wait3A_62 : memref<1x1x125xi32, #tpu.memory_space<vmem>> -> memref<125xi32, #tpu.memory_space<vmem>>
    %dma_wait3A_64 = arith.constant 0 : i32
    %dma_wait3A_65 = arith.constant 0 : i32
    %dma_wait3A_66 = tpu.memref_slice %arg3[%dma_wait3A_64, %dma_wait3A_65] : memref<50000x128xf32, #tpu.memory_space<hbm>> -> memref<50000x128xf32, #tpu.memory_space<hbm>>
    tpu.wait_indirect_dma semaphore(%arg15 : memref<!tpu.dma_semaphore, #tpu.memory_space<semaphore_mem>>) src(%dma_wait3A_66 : memref<50000x128xf32, #tpu.memory_space<hbm>>) dst(%arg10 : memref<125x128xf32, #tpu.memory_space<vmem>>)
    %dma_start3A_67 = arith.constant 1 : i32
    %dma_start3A_68 = arith.constant 1 : i32
    %dma_start3A_69 = arith.constant 0 : i32
    %dma_start3A_70 = tpu.memref_slice %arg8[%dma_start3A_67, %dma_start3A_68, %dma_start3A_69] : memref<12x4x125xi32, #tpu.memory_space<vmem>> -> memref<1x1x125xi32, #tpu.memory_space<vmem>>
    %dma_start3A_71 = tpu.memref_squeeze %dma_start3A_70 : memref<1x1x125xi32, #tpu.memory_space<vmem>> -> memref<125xi32, #tpu.memory_space<vmem>>
    %dma_start3A_72 = arith.constant 0 : i32
    %dma_start3A_73 = arith.constant 0 : i32
    %dma_start3A_74 = tpu.memref_slice %arg4[%dma_start3A_72, %dma_start3A_73] : memref<50000x128xf32, #tpu.memory_space<hbm>> -> memref<50000x128xf32, #tpu.memory_space<hbm>>
    tpu.enqueue_indirect_dma source(%dma_start3A_74 : memref<50000x128xf32, #tpu.memory_space<hbm>>) target(%arg10 : memref<125x128xf32, #tpu.memory_space<vmem>>) offsets(%dma_start3A_71 : memref<125xi32, #tpu.memory_space<vmem>>) semaphore(%arg15 : memref<!tpu.dma_semaphore, #tpu.memory_space<semaphore_mem>>) {add = true}
    %dma_start3A_75 = arith.constant 1 : i32
    %dma_start3A_76 = arith.constant 2 : i32
    %dma_start3A_77 = arith.constant 0 : i32
    %dma_start3A_78 = tpu.memref_slice %arg8[%dma_start3A_75, %dma_start3A_76, %dma_start3A_77] : memref<12x4x125xi32, #tpu.memory_space<vmem>> -> memref<1x1x125xi32, #tpu.memory_space<vmem>>
    %dma_start3A_79 = tpu.memref_squeeze %dma_start3A_78 : memref<1x1x125xi32, #tpu.memory_space<vmem>> -> memref<125xi32, #tpu.memory_space<vmem>>
    %dma_start3A_80 = arith.constant 0 : i32
    %dma_start3A_81 = arith.constant 0 : i32
    %dma_start3A_82 = tpu.memref_slice %arg5[%dma_start3A_80, %dma_start3A_81] : memref<50000x128xf32, #tpu.memory_space<hbm>> -> memref<50000x128xf32, #tpu.memory_space<hbm>>
    tpu.enqueue_indirect_dma source(%dma_start3A_82 : memref<50000x128xf32, #tpu.memory_space<hbm>>) target(%arg10 : memref<125x128xf32, #tpu.memory_space<vmem>>) offsets(%dma_start3A_79 : memref<125xi32, #tpu.memory_space<vmem>>) semaphore(%arg15 : memref<!tpu.dma_semaphore, #tpu.memory_space<semaphore_mem>>) {add = true}
    %dma_start3A_83 = arith.constant 1 : i32
    %dma_start3A_84 = arith.constant 3 : i32
    %dma_start3A_85 = arith.constant 0 : i32
    %dma_start3A_86 = tpu.memref_slice %arg8[%dma_start3A_83, %dma_start3A_84, %dma_start3A_85] : memref<12x4x125xi32, #tpu.memory_space<vmem>> -> memref<1x1x125xi32, #tpu.memory_space<vmem>>
    %dma_start3A_87 = tpu.memref_squeeze %dma_start3A_86 : memref<1x1x125xi32, #tpu.memory_space<vmem>> -> memref<125xi32, #tpu.memory_space<vmem>>
    %dma_start3A_88 = arith.constant 0 : i32
    %dma_start3A_89 = arith.constant 0 : i32
    %dma_start3A_90 = tpu.memref_slice %arg6[%dma_start3A_88, %dma_start3A_89] : memref<50000x128xf32, #tpu.memory_space<hbm>> -> memref<50000x128xf32, #tpu.memory_space<hbm>>
    tpu.enqueue_indirect_dma source(%dma_start3A_90 : memref<50000x128xf32, #tpu.memory_space<hbm>>) target(%arg10 : memref<125x128xf32, #tpu.memory_space<vmem>>) offsets(%dma_start3A_87 : memref<125xi32, #tpu.memory_space<vmem>>) semaphore(%arg15 : memref<!tpu.dma_semaphore, #tpu.memory_space<semaphore_mem>>) {add = true}
    %dma_wait3A_91 = arith.constant 0 : i32
    %dma_wait3A_92 = arith.constant 1 : i32
    %dma_wait3A_93 = arith.constant 0 : i32
    %dma_wait3A_94 = tpu.memref_slice %arg8[%dma_wait3A_91, %dma_wait3A_92, %dma_wait3A_93] : memref<12x4x125xi32, #tpu.memory_space<vmem>> -> memref<1x1x125xi32, #tpu.memory_space<vmem>>
    %dma_wait3A_95 = tpu.memref_squeeze %dma_wait3A_94 : memref<1x1x125xi32, #tpu.memory_space<vmem>> -> memref<125xi32, #tpu.memory_space<vmem>>
    %dma_wait3A_96 = arith.constant 0 : i32
    %dma_wait3A_97 = arith.constant 0 : i32
    %dma_wait3A_98 = tpu.memref_slice %arg4[%dma_wait3A_96, %dma_wait3A_97] : memref<50000x128xf32, #tpu.memory_space<hbm>> -> memref<50000x128xf32, #tpu.memory_space<hbm>>
    tpu.wait_indirect_dma semaphore(%arg14 : memref<!tpu.dma_semaphore, #tpu.memory_space<semaphore_mem>>) src(%dma_wait3A_98 : memref<50000x128xf32, #tpu.memory_space<hbm>>) dst(%arg9 : memref<125x128xf32, #tpu.memory_space<vmem>>)
    %dma_wait3A_99 = arith.constant 0 : i32
    %dma_wait3A_100 = arith.constant 2 : i32
    %dma_wait3A_101 = arith.constant 0 : i32
    %dma_wait3A_102 = tpu.memref_slice %arg8[%dma_wait3A_99, %dma_wait3A_100, %dma_wait3A_101] : memref<12x4x125xi32, #tpu.memory_space<vmem>> -> memref<1x1x125xi32, #tpu.memory_space<vmem>>
    %dma_wait3A_103 = tpu.memref_squeeze %dma_wait3A_102 : memref<1x1x125xi32, #tpu.memory_space<vmem>> -> memref<125xi32, #tpu.memory_space<vmem>>
    %dma_wait3A_104 = arith.constant 0 : i32
    %dma_wait3A_105 = arith.constant 0 : i32
    %dma_wait3A_106 = tpu.memref_slice %arg5[%dma_wait3A_104, %dma_wait3A_105] : memref<50000x128xf32, #tpu.memory_space<hbm>> -> memref<50000x128xf32, #tpu.memory_space<hbm>>
    tpu.wait_indirect_dma semaphore(%arg14 : memref<!tpu.dma_semaphore, #tpu.memory_space<semaphore_mem>>) src(%dma_wait3A_106 : memref<50000x128xf32, #tpu.memory_space<hbm>>) dst(%arg9 : memref<125x128xf32, #tpu.memory_space<vmem>>)
    %dma_wait3A_107 = arith.constant 0 : i32
    %dma_wait3A_108 = arith.constant 3 : i32
    %dma_wait3A_109 = arith.constant 0 : i32
    %dma_wait3A_110 = tpu.memref_slice %arg8[%dma_wait3A_107, %dma_wait3A_108, %dma_wait3A_109] : memref<12x4x125xi32, #tpu.memory_space<vmem>> -> memref<1x1x125xi32, #tpu.memory_space<vmem>>
    %dma_wait3A_111 = tpu.memref_squeeze %dma_wait3A_110 : memref<1x1x125xi32, #tpu.memory_space<vmem>> -> memref<125xi32, #tpu.memory_space<vmem>>
    %dma_wait3A_112 = arith.constant 0 : i32
    %dma_wait3A_113 = arith.constant 0 : i32
    %dma_wait3A_114 = tpu.memref_slice %arg6[%dma_wait3A_112, %dma_wait3A_113] : memref<50000x128xf32, #tpu.memory_space<hbm>> -> memref<50000x128xf32, #tpu.memory_space<hbm>>
    tpu.wait_indirect_dma semaphore(%arg14 : memref<!tpu.dma_semaphore, #tpu.memory_space<semaphore_mem>>) src(%dma_wait3A_114 : memref<50000x128xf32, #tpu.memory_space<hbm>>) dst(%arg9 : memref<125x128xf32, #tpu.memory_space<vmem>>)
    %sub3A = arith.constant 0 : i32
    %sub3A_115 = arith.subi %add3A_4, %sub3A : i32
    %add3A_116 = arith.constant 0 : i32
    %add3A_117 = arith.addi %sub3A_115, %add3A_116 : i32
    %mul3A_118 = arith.constant 125 : i32
    %mul3A_119 = arith.muli %add3A_117, %mul3A_118 : i32
    %dma_start3A_120 = arith.constant 0 : i32
    %dma_start3A_121 = tpu.memref_slice %arg7[%mul3A_119, %dma_start3A_120] : memref<100000x128xf32, #tpu.memory_space<hbm>> -> memref<125x128xf32, #tpu.memory_space<hbm>>
    %dma_start3A_122 = arith.constant 0 : i32
    %dma_start3A_123 = tpu.memref_slice %arg7[%mul3A_119, %dma_start3A_122] : memref<100000x128xf32, #tpu.memory_space<hbm>> -> memref<125x128xf32, #tpu.memory_space<hbm>>
    tpu.enqueue_dma source(%arg9 : memref<125x128xf32, #tpu.memory_space<vmem>>) target(%dma_start3A_123 : memref<125x128xf32, #tpu.memory_space<hbm>>) target_semaphore(%arg19 : memref<!tpu.dma_semaphore, #tpu.memory_space<semaphore_mem>>)
    %dma_start3A_124 = arith.constant 3 : i32
    %dma_start3A_125 = arith.constant 0 : i32
    %dma_start3A_126 = arith.constant 0 : i32
    %dma_start3A_127 = tpu.memref_slice %arg8[%dma_start3A_124, %dma_start3A_125, %dma_start3A_126] : memref<12x4x125xi32, #tpu.memory_space<vmem>> -> memref<1x1x125xi32, #tpu.memory_space<vmem>>
    %dma_start3A_128 = tpu.memref_squeeze %dma_start3A_127 : memref<1x1x125xi32, #tpu.memory_space<vmem>> -> memref<125xi32, #tpu.memory_space<vmem>>
    %dma_start3A_129 = arith.constant 0 : i32
    %dma_start3A_130 = arith.constant 0 : i32
    %dma_start3A_131 = tpu.memref_slice %arg3[%dma_start3A_129, %dma_start3A_130] : memref<50000x128xf32, #tpu.memory_space<hbm>> -> memref<50000x128xf32, #tpu.memory_space<hbm>>
    tpu.enqueue_indirect_dma source(%dma_start3A_131 : memref<50000x128xf32, #tpu.memory_space<hbm>>) target(%arg12 : memref<125x128xf32, #tpu.memory_space<vmem>>) offsets(%dma_start3A_128 : memref<125xi32, #tpu.memory_space<vmem>>) semaphore(%arg17 : memref<!tpu.dma_semaphore, #tpu.memory_space<semaphore_mem>>)
    %dma_wait3A_132 = arith.constant 2 : i32
    %dma_wait3A_133 = arith.constant 0 : i32
    %dma_wait3A_134 = arith.constant 0 : i32
    %dma_wait3A_135 = tpu.memref_slice %arg8[%dma_wait3A_132, %dma_wait3A_133, %dma_wait3A_134] : memref<12x4x125xi32, #tpu.memory_space<vmem>> -> memref<1x1x125xi32, #tpu.memory_space<vmem>>
    %dma_wait3A_136 = tpu.memref_squeeze %dma_wait3A_135 : memref<1x1x125xi32, #tpu.memory_space<vmem>> -> memref<125xi32, #tpu.memory_space<vmem>>
    %dma_wait3A_137 = arith.constant 0 : i32
    %dma_wait3A_138 = arith.constant 0 : i32
    %dma_wait3A_139 = tpu.memref_slice %arg3[%dma_wait3A_137, %dma_wait3A_138] : memref<50000x128xf32, #tpu.memory_space<hbm>> -> memref<50000x128xf32, #tpu.memory_space<hbm>>
    tpu.wait_indirect_dma semaphore(%arg16 : memref<!tpu.dma_semaphore, #tpu.memory_space<semaphore_mem>>) src(%dma_wait3A_139 : memref<50000x128xf32, #tpu.memory_space<hbm>>) dst(%arg11 : memref<125x128xf32, #tpu.memory_space<vmem>>)
    %dma_start3A_140 = arith.constant 2 : i32
    %dma_start3A_141 = arith.constant 1 : i32
    %dma_start3A_142 = arith.constant 0 : i32
    %dma_start3A_143 = tpu.memref_slice %arg8[%dma_start3A_140, %dma_start3A_141, %dma_start3A_142] : memref<12x4x125xi32, #tpu.memory_space<vmem>> -> memref<1x1x125xi32, #tpu.memory_space<vmem>>
    %dma_start3A_144 = tpu.memref_squeeze %dma_start3A_143 : memref<1x1x125xi32, #tpu.memory_space<vmem>> -> memref<125xi32, #tpu.memory_space<vmem>>
    %dma_start3A_145 = arith.constant 0 : i32
    %dma_start3A_146 = arith.constant 0 : i32
    %dma_start3A_147 = tpu.memref_slice %arg4[%dma_start3A_145, %dma_start3A_146] : memref<50000x128xf32, #tpu.memory_space<hbm>> -> memref<50000x128xf32, #tpu.memory_space<hbm>>
    tpu.enqueue_indirect_dma source(%dma_start3A_147 : memref<50000x128xf32, #tpu.memory_space<hbm>>) target(%arg11 : memref<125x128xf32, #tpu.memory_space<vmem>>) offsets(%dma_start3A_144 : memref<125xi32, #tpu.memory_space<vmem>>) semaphore(%arg16 : memref<!tpu.dma_semaphore, #tpu.memory_space<semaphore_mem>>) {add = true}
    %dma_start3A_148 = arith.constant 2 : i32
    %dma_start3A_149 = arith.constant 2 : i32
    %dma_start3A_150 = arith.constant 0 : i32
    %dma_start3A_151 = tpu.memref_slice %arg8[%dma_start3A_148, %dma_start3A_149, %dma_start3A_150] : memref<12x4x125xi32, #tpu.memory_space<vmem>> -> memref<1x1x125xi32, #tpu.memory_space<vmem>>
    %dma_start3A_152 = tpu.memref_squeeze %dma_start3A_151 : memref<1x1x125xi32, #tpu.memory_space<vmem>> -> memref<125xi32, #tpu.memory_space<vmem>>
    %dma_start3A_153 = arith.constant 0 : i32
    %dma_start3A_154 = arith.constant 0 : i32
    %dma_start3A_155 = tpu.memref_slice %arg5[%dma_start3A_153, %dma_start3A_154] : memref<50000x128xf32, #tpu.memory_space<hbm>> -> memref<50000x128xf32, #tpu.memory_space<hbm>>
    tpu.enqueue_indirect_dma source(%dma_start3A_155 : memref<50000x128xf32, #tpu.memory_space<hbm>>) target(%arg11 : memref<125x128xf32, #tpu.memory_space<vmem>>) offsets(%dma_start3A_152 : memref<125xi32, #tpu.memory_space<vmem>>) semaphore(%arg16 : memref<!tpu.dma_semaphore, #tpu.memory_space<semaphore_mem>>) {add = true}
    %dma_start3A_156 = arith.constant 2 : i32
    %dma_start3A_157 = arith.constant 3 : i32
    %dma_start3A_158 = arith.constant 0 : i32
    %dma_start3A_159 = tpu.memref_slice %arg8[%dma_start3A_156, %dma_start3A_157, %dma_start3A_158] : memref<12x4x125xi32, #tpu.memory_space<vmem>> -> memref<1x1x125xi32, #tpu.memory_space<vmem>>
    %dma_start3A_160 = tpu.memref_squeeze %dma_start3A_159 : memref<1x1x125xi32, #tpu.memory_space<vmem>> -> memref<125xi32, #tpu.memory_space<vmem>>
    %dma_start3A_161 = arith.constant 0 : i32
    %dma_start3A_162 = arith.constant 0 : i32
    %dma_start3A_163 = tpu.memref_slice %arg6[%dma_start3A_161, %dma_start3A_162] : memref<50000x128xf32, #tpu.memory_space<hbm>> -> memref<50000x128xf32, #tpu.memory_space<hbm>>
    tpu.enqueue_indirect_dma source(%dma_start3A_163 : memref<50000x128xf32, #tpu.memory_space<hbm>>) target(%arg11 : memref<125x128xf32, #tpu.memory_space<vmem>>) offsets(%dma_start3A_160 : memref<125xi32, #tpu.memory_space<vmem>>) semaphore(%arg16 : memref<!tpu.dma_semaphore, #tpu.memory_space<semaphore_mem>>) {add = true}
    %dma_wait3A_164 = arith.constant 1 : i32
    %dma_wait3A_165 = arith.constant 1 : i32
    %dma_wait3A_166 = arith.constant 0 : i32
    %dma_wait3A_167 = tpu.memref_slice %arg8[%dma_wait3A_164, %dma_wait3A_165, %dma_wait3A_166] : memref<12x4x125xi32, #tpu.memory_space<vmem>> -> memref<1x1x125xi32, #tpu.memory_space<vmem>>
    %dma_wait3A_168 = tpu.memref_squeeze %dma_wait3A_167 : memref<1x1x125xi32, #tpu.memory_space<vmem>> -> memref<125xi32, #tpu.memory_space<vmem>>
    %dma_wait3A_169 = arith.constant 0 : i32
    %dma_wait3A_170 = arith.constant 0 : i32
    %dma_wait3A_171 = tpu.memref_slice %arg4[%dma_wait3A_169, %dma_wait3A_170] : memref<50000x128xf32, #tpu.memory_space<hbm>> -> memref<50000x128xf32, #tpu.memory_space<hbm>>
    tpu.wait_indirect_dma semaphore(%arg15 : memref<!tpu.dma_semaphore, #tpu.memory_space<semaphore_mem>>) src(%dma_wait3A_171 : memref<50000x128xf32, #tpu.memory_space<hbm>>) dst(%arg10 : memref<125x128xf32, #tpu.memory_space<vmem>>)
    %dma_wait3A_172 = arith.constant 1 : i32
    %dma_wait3A_173 = arith.constant 2 : i32
    %dma_wait3A_174 = arith.constant 0 : i32
    %dma_wait3A_175 = tpu.memref_slice %arg8[%dma_wait3A_172, %dma_wait3A_173, %dma_wait3A_174] : memref<12x4x125xi32, #tpu.memory_space<vmem>> -> memref<1x1x125xi32, #tpu.memory_space<vmem>>
    %dma_wait3A_176 = tpu.memref_squeeze %dma_wait3A_175 : memref<1x1x125xi32, #tpu.memory_space<vmem>> -> memref<125xi32, #tpu.memory_space<vmem>>
    %dma_wait3A_177 = arith.constant 0 : i32
    %dma_wait3A_178 = arith.constant 0 : i32
    %dma_wait3A_179 = tpu.memref_slice %arg5[%dma_wait3A_177, %dma_wait3A_178] : memref<50000x128xf32, #tpu.memory_space<hbm>> -> memref<50000x128xf32, #tpu.memory_space<hbm>>
    tpu.wait_indirect_dma semaphore(%arg15 : memref<!tpu.dma_semaphore, #tpu.memory_space<semaphore_mem>>) src(%dma_wait3A_179 : memref<50000x128xf32, #tpu.memory_space<hbm>>) dst(%arg10 : memref<125x128xf32, #tpu.memory_space<vmem>>)
    %dma_wait3A_180 = arith.constant 1 : i32
    %dma_wait3A_181 = arith.constant 3 : i32
    %dma_wait3A_182 = arith.constant 0 : i32
    %dma_wait3A_183 = tpu.memref_slice %arg8[%dma_wait3A_180, %dma_wait3A_181, %dma_wait3A_182] : memref<12x4x125xi32, #tpu.memory_space<vmem>> -> memref<1x1x125xi32, #tpu.memory_space<vmem>>
    %dma_wait3A_184 = tpu.memref_squeeze %dma_wait3A_183 : memref<1x1x125xi32, #tpu.memory_space<vmem>> -> memref<125xi32, #tpu.memory_space<vmem>>
    %dma_wait3A_185 = arith.constant 0 : i32
    %dma_wait3A_186 = arith.constant 0 : i32
    %dma_wait3A_187 = tpu.memref_slice %arg6[%dma_wait3A_185, %dma_wait3A_186] : memref<50000x128xf32, #tpu.memory_space<hbm>> -> memref<50000x128xf32, #tpu.memory_space<hbm>>
    tpu.wait_indirect_dma semaphore(%arg15 : memref<!tpu.dma_semaphore, #tpu.memory_space<semaphore_mem>>) src(%dma_wait3A_187 : memref<50000x128xf32, #tpu.memory_space<hbm>>) dst(%arg10 : memref<125x128xf32, #tpu.memory_space<vmem>>)
    %sub3A_188 = arith.constant 0 : i32
    %sub3A_189 = arith.subi %add3A_4, %sub3A_188 : i32
    %add3A_190 = arith.constant 1 : i32
    %add3A_191 = arith.addi %sub3A_189, %add3A_190 : i32
    %mul3A_192 = arith.constant 125 : i32
    %mul3A_193 = arith.muli %add3A_191, %mul3A_192 : i32
    %dma_start3A_194 = arith.constant 0 : i32
    %dma_start3A_195 = tpu.memref_slice %arg7[%mul3A_193, %dma_start3A_194] : memref<100000x128xf32, #tpu.memory_space<hbm>> -> memref<125x128xf32, #tpu.memory_space<hbm>>
    %dma_start3A_196 = arith.constant 0 : i32
    %dma_start3A_197 = tpu.memref_slice %arg7[%mul3A_193, %dma_start3A_196] : memref<100000x128xf32, #tpu.memory_space<hbm>> -> memref<125x128xf32, #tpu.memory_space<hbm>>
    tpu.enqueue_dma source(%arg10 : memref<125x128xf32, #tpu.memory_space<vmem>>) target(%dma_start3A_197 : memref<125x128xf32, #tpu.memory_space<hbm>>) target_semaphore(%arg20 : memref<!tpu.dma_semaphore, #tpu.memory_space<semaphore_mem>>)
    %dma_start3A_198 = arith.constant 4 : i32
    %dma_start3A_199 = arith.constant 0 : i32
    %dma_start3A_200 = arith.constant 0 : i32
    %dma_start3A_201 = tpu.memref_slice %arg8[%dma_start3A_198, %dma_start3A_199, %dma_start3A_200] : memref<12x4x125xi32, #tpu.memory_space<vmem>> -> memref<1x1x125xi32, #tpu.memory_space<vmem>>
    %dma_start3A_202 = tpu.memref_squeeze %dma_start3A_201 : memref<1x1x125xi32, #tpu.memory_space<vmem>> -> memref<125xi32, #tpu.memory_space<vmem>>
    %dma_start3A_203 = arith.constant 0 : i32
    %dma_start3A_204 = arith.constant 0 : i32
    %dma_start3A_205 = tpu.memref_slice %arg3[%dma_start3A_203, %dma_start3A_204] : memref<50000x128xf32, #tpu.memory_space<hbm>> -> memref<50000x128xf32, #tpu.memory_space<hbm>>
    tpu.enqueue_indirect_dma source(%dma_start3A_205 : memref<50000x128xf32, #tpu.memory_space<hbm>>) target(%arg13 : memref<125x128xf32, #tpu.memory_space<vmem>>) offsets(%dma_start3A_202 : memref<125xi32, #tpu.memory_space<vmem>>) semaphore(%arg18 : memref<!tpu.dma_semaphore, #tpu.memory_space<semaphore_mem>>)
    %dma_wait3A_206 = arith.constant 3 : i32
    %dma_wait3A_207 = arith.constant 0 : i32
    %dma_wait3A_208 = arith.constant 0 : i32
    %dma_wait3A_209 = tpu.memref_slice %arg8[%dma_wait3A_206, %dma_wait3A_207, %dma_wait3A_208] : memref<12x4x125xi32, #tpu.memory_space<vmem>> -> memref<1x1x125xi32, #tpu.memory_space<vmem>>
    %dma_wait3A_210 = tpu.memref_squeeze %dma_wait3A_209 : memref<1x1x125xi32, #tpu.memory_space<vmem>> -> memref<125xi32, #tpu.memory_space<vmem>>
    %dma_wait3A_211 = arith.constant 0 : i32
    %dma_wait3A_212 = arith.constant 0 : i32
    %dma_wait3A_213 = tpu.memref_slice %arg3[%dma_wait3A_211, %dma_wait3A_212] : memref<50000x128xf32, #tpu.memory_space<hbm>> -> memref<50000x128xf32, #tpu.memory_space<hbm>>
    tpu.wait_indirect_dma semaphore(%arg17 : memref<!tpu.dma_semaphore, #tpu.memory_space<semaphore_mem>>) src(%dma_wait3A_213 : memref<50000x128xf32, #tpu.memory_space<hbm>>) dst(%arg12 : memref<125x128xf32, #tpu.memory_space<vmem>>)
    %dma_start3A_214 = arith.constant 3 : i32
    %dma_start3A_215 = arith.constant 1 : i32
    %dma_start3A_216 = arith.constant 0 : i32
    %dma_start3A_217 = tpu.memref_slice %arg8[%dma_start3A_214, %dma_start3A_215, %dma_start3A_216] : memref<12x4x125xi32, #tpu.memory_space<vmem>> -> memref<1x1x125xi32, #tpu.memory_space<vmem>>
    %dma_start3A_218 = tpu.memref_squeeze %dma_start3A_217 : memref<1x1x125xi32, #tpu.memory_space<vmem>> -> memref<125xi32, #tpu.memory_space<vmem>>
    %dma_start3A_219 = arith.constant 0 : i32
    %dma_start3A_220 = arith.constant 0 : i32
    %dma_start3A_221 = tpu.memref_slice %arg4[%dma_start3A_219, %dma_start3A_220] : memref<50000x128xf32, #tpu.memory_space<hbm>> -> memref<50000x128xf32, #tpu.memory_space<hbm>>
    tpu.enqueue_indirect_dma source(%dma_start3A_221 : memref<50000x128xf32, #tpu.memory_space<hbm>>) target(%arg12 : memref<125x128xf32, #tpu.memory_space<vmem>>) offsets(%dma_start3A_218 : memref<125xi32, #tpu.memory_space<vmem>>) semaphore(%arg17 : memref<!tpu.dma_semaphore, #tpu.memory_space<semaphore_mem>>) {add = true}
    %dma_start3A_222 = arith.constant 3 : i32
    %dma_start3A_223 = arith.constant 2 : i32
    %dma_start3A_224 = arith.constant 0 : i32
    %dma_start3A_225 = tpu.memref_slice %arg8[%dma_start3A_222, %dma_start3A_223, %dma_start3A_224] : memref<12x4x125xi32, #tpu.memory_space<vmem>> -> memref<1x1x125xi32, #tpu.memory_space<vmem>>
    %dma_start3A_226 = tpu.memref_squeeze %dma_start3A_225 : memref<1x1x125xi32, #tpu.memory_space<vmem>> -> memref<125xi32, #tpu.memory_space<vmem>>
    %dma_start3A_227 = arith.constant 0 : i32
    %dma_start3A_228 = arith.constant 0 : i32
    %dma_start3A_229 = tpu.memref_slice %arg5[%dma_start3A_227, %dma_start3A_228] : memref<50000x128xf32, #tpu.memory_space<hbm>> -> memref<50000x128xf32, #tpu.memory_space<hbm>>
    tpu.enqueue_indirect_dma source(%dma_start3A_229 : memref<50000x128xf32, #tpu.memory_space<hbm>>) target(%arg12 : memref<125x128xf32, #tpu.memory_space<vmem>>) offsets(%dma_start3A_226 : memref<125xi32, #tpu.memory_space<vmem>>) semaphore(%arg17 : memref<!tpu.dma_semaphore, #tpu.memory_space<semaphore_mem>>) {add = true}
    %dma_start3A_230 = arith.constant 3 : i32
    %dma_start3A_231 = arith.constant 3 : i32
    %dma_start3A_232 = arith.constant 0 : i32
    %dma_start3A_233 = tpu.memref_slice %arg8[%dma_start3A_230, %dma_start3A_231, %dma_start3A_232] : memref<12x4x125xi32, #tpu.memory_space<vmem>> -> memref<1x1x125xi32, #tpu.memory_space<vmem>>
    %dma_start3A_234 = tpu.memref_squeeze %dma_start3A_233 : memref<1x1x125xi32, #tpu.memory_space<vmem>> -> memref<125xi32, #tpu.memory_space<vmem>>
    %dma_start3A_235 = arith.constant 0 : i32
    %dma_start3A_236 = arith.constant 0 : i32
    %dma_start3A_237 = tpu.memref_slice %arg6[%dma_start3A_235, %dma_start3A_236] : memref<50000x128xf32, #tpu.memory_space<hbm>> -> memref<50000x128xf32, #tpu.memory_space<hbm>>
    tpu.enqueue_indirect_dma source(%dma_start3A_237 : memref<50000x128xf32, #tpu.memory_space<hbm>>) target(%arg12 : memref<125x128xf32, #tpu.memory_space<vmem>>) offsets(%dma_start3A_234 : memref<125xi32, #tpu.memory_space<vmem>>) semaphore(%arg17 : memref<!tpu.dma_semaphore, #tpu.memory_space<semaphore_mem>>) {add = true}
    %dma_wait3A_238 = arith.constant 2 : i32
    %dma_wait3A_239 = arith.constant 1 : i32
    %dma_wait3A_240 = arith.constant 0 : i32
    %dma_wait3A_241 = tpu.memref_slice %arg8[%dma_wait3A_238, %dma_wait3A_239, %dma_wait3A_240] : memref<12x4x125xi32, #tpu.memory_space<vmem>> -> memref<1x1x125xi32, #tpu.memory_space<vmem>>
    %dma_wait3A_242 = tpu.memref_squeeze %dma_wait3A_241 : memref<1x1x125xi32, #tpu.memory_space<vmem>> -> memref<125xi32, #tpu.memory_space<vmem>>
    %dma_wait3A_243 = arith.constant 0 : i32
    %dma_wait3A_244 = arith.constant 0 : i32
    %dma_wait3A_245 = tpu.memref_slice %arg4[%dma_wait3A_243, %dma_wait3A_244] : memref<50000x128xf32, #tpu.memory_space<hbm>> -> memref<50000x128xf32, #tpu.memory_space<hbm>>
    tpu.wait_indirect_dma semaphore(%arg16 : memref<!tpu.dma_semaphore, #tpu.memory_space<semaphore_mem>>) src(%dma_wait3A_245 : memref<50000x128xf32, #tpu.memory_space<hbm>>) dst(%arg11 : memref<125x128xf32, #tpu.memory_space<vmem>>)
    %dma_wait3A_246 = arith.constant 2 : i32
    %dma_wait3A_247 = arith.constant 2 : i32
    %dma_wait3A_248 = arith.constant 0 : i32
    %dma_wait3A_249 = tpu.memref_slice %arg8[%dma_wait3A_246, %dma_wait3A_247, %dma_wait3A_248] : memref<12x4x125xi32, #tpu.memory_space<vmem>> -> memref<1x1x125xi32, #tpu.memory_space<vmem>>
    %dma_wait3A_250 = tpu.memref_squeeze %dma_wait3A_249 : memref<1x1x125xi32, #tpu.memory_space<vmem>> -> memref<125xi32, #tpu.memory_space<vmem>>
    %dma_wait3A_251 = arith.constant 0 : i32
    %dma_wait3A_252 = arith.constant 0 : i32
    %dma_wait3A_253 = tpu.memref_slice %arg5[%dma_wait3A_251, %dma_wait3A_252] : memref<50000x128xf32, #tpu.memory_space<hbm>> -> memref<50000x128xf32, #tpu.memory_space<hbm>>
    tpu.wait_indirect_dma semaphore(%arg16 : memref<!tpu.dma_semaphore, #tpu.memory_space<semaphore_mem>>) src(%dma_wait3A_253 : memref<50000x128xf32, #tpu.memory_space<hbm>>) dst(%arg11 : memref<125x128xf32, #tpu.memory_space<vmem>>)
    %dma_wait3A_254 = arith.constant 2 : i32
    %dma_wait3A_255 = arith.constant 3 : i32
    %dma_wait3A_256 = arith.constant 0 : i32
    %dma_wait3A_257 = tpu.memref_slice %arg8[%dma_wait3A_254, %dma_wait3A_255, %dma_wait3A_256] : memref<12x4x125xi32, #tpu.memory_space<vmem>> -> memref<1x1x125xi32, #tpu.memory_space<vmem>>
    %dma_wait3A_258 = tpu.memref_squeeze %dma_wait3A_257 : memref<1x1x125xi32, #tpu.memory_space<vmem>> -> memref<125xi32, #tpu.memory_space<vmem>>
    %dma_wait3A_259 = arith.constant 0 : i32
    %dma_wait3A_260 = arith.constant 0 : i32
    %dma_wait3A_261 = tpu.memref_slice %arg6[%dma_wait3A_259, %dma_wait3A_260] : memref<50000x128xf32, #tpu.memory_space<hbm>> -> memref<50000x128xf32, #tpu.memory_space<hbm>>
    tpu.wait_indirect_dma semaphore(%arg16 : memref<!tpu.dma_semaphore, #tpu.memory_space<semaphore_mem>>) src(%dma_wait3A_261 : memref<50000x128xf32, #tpu.memory_space<hbm>>) dst(%arg11 : memref<125x128xf32, #tpu.memory_space<vmem>>)
    %sub3A_262 = arith.constant 0 : i32
    %sub3A_263 = arith.subi %add3A_4, %sub3A_262 : i32
    %add3A_264 = arith.constant 2 : i32
    %add3A_265 = arith.addi %sub3A_263, %add3A_264 : i32
    %mul3A_266 = arith.constant 125 : i32
    %mul3A_267 = arith.muli %add3A_265, %mul3A_266 : i32
    %dma_start3A_268 = arith.constant 0 : i32
    %dma_start3A_269 = tpu.memref_slice %arg7[%mul3A_267, %dma_start3A_268] : memref<100000x128xf32, #tpu.memory_space<hbm>> -> memref<125x128xf32, #tpu.memory_space<hbm>>
    %dma_start3A_270 = arith.constant 0 : i32
    %dma_start3A_271 = tpu.memref_slice %arg7[%mul3A_267, %dma_start3A_270] : memref<100000x128xf32, #tpu.memory_space<hbm>> -> memref<125x128xf32, #tpu.memory_space<hbm>>
    tpu.enqueue_dma source(%arg11 : memref<125x128xf32, #tpu.memory_space<vmem>>) target(%dma_start3A_271 : memref<125x128xf32, #tpu.memory_space<hbm>>) target_semaphore(%arg21 : memref<!tpu.dma_semaphore, #tpu.memory_space<semaphore_mem>>)
    %dma_wait3A_272 = arith.constant 0 : i32
    %dma_wait3A_273 = arith.constant 0 : i32
    %dma_wait3A_274 = tpu.memref_slice %arg7[%dma_wait3A_272, %dma_wait3A_273] : memref<100000x128xf32, #tpu.memory_space<hbm>> -> memref<125x128xf32, #tpu.memory_space<hbm>>
    %dma_wait3A_275 = arith.constant 0 : i32
    %dma_wait3A_276 = arith.constant 0 : i32
    %dma_wait3A_277 = tpu.memref_slice %arg7[%dma_wait3A_275, %dma_wait3A_276] : memref<100000x128xf32, #tpu.memory_space<hbm>> -> memref<125x128xf32, #tpu.memory_space<hbm>>
    tpu.wait_dma2 semaphore(%arg19 : memref<!tpu.dma_semaphore, #tpu.memory_space<semaphore_mem>>) src(%arg9 : memref<125x128xf32, #tpu.memory_space<vmem>>) dst(%dma_wait3A_277 : memref<125x128xf32, #tpu.memory_space<hbm>>)
    %dma_start3A_278 = arith.constant 5 : i32
    %dma_start3A_279 = arith.constant 0 : i32
    %dma_start3A_280 = arith.constant 0 : i32
    %dma_start3A_281 = tpu.memref_slice %arg8[%dma_start3A_278, %dma_start3A_279, %dma_start3A_280] : memref<12x4x125xi32, #tpu.memory_space<vmem>> -> memref<1x1x125xi32, #tpu.memory_space<vmem>>
    %dma_start3A_282 = tpu.memref_squeeze %dma_start3A_281 : memref<1x1x125xi32, #tpu.memory_space<vmem>> -> memref<125xi32, #tpu.memory_space<vmem>>
    %dma_start3A_283 = arith.constant 0 : i32
    %dma_start3A_284 = arith.constant 0 : i32
    %dma_start3A_285 = tpu.memref_slice %arg3[%dma_start3A_283, %dma_start3A_284] : memref<50000x128xf32, #tpu.memory_space<hbm>> -> memref<50000x128xf32, #tpu.memory_space<hbm>>
    tpu.enqueue_indirect_dma source(%dma_start3A_285 : memref<50000x128xf32, #tpu.memory_space<hbm>>) target(%arg9 : memref<125x128xf32, #tpu.memory_space<vmem>>) offsets(%dma_start3A_282 : memref<125xi32, #tpu.memory_space<vmem>>) semaphore(%arg14 : memref<!tpu.dma_semaphore, #tpu.memory_space<semaphore_mem>>)
    %dma_wait3A_286 = arith.constant 4 : i32
    %dma_wait3A_287 = arith.constant 0 : i32
    %dma_wait3A_288 = arith.constant 0 : i32
    %dma_wait3A_289 = tpu.memref_slice %arg8[%dma_wait3A_286, %dma_wait3A_287, %dma_wait3A_288] : memref<12x4x125xi32, #tpu.memory_space<vmem>> -> memref<1x1x125xi32, #tpu.memory_space<vmem>>
    %dma_wait3A_290 = tpu.memref_squeeze %dma_wait3A_289 : memref<1x1x125xi32, #tpu.memory_space<vmem>> -> memref<125xi32, #tpu.memory_space<vmem>>
    %dma_wait3A_291 = arith.constant 0 : i32
    %dma_wait3A_292 = arith.constant 0 : i32
    %dma_wait3A_293 = tpu.memref_slice %arg3[%dma_wait3A_291, %dma_wait3A_292] : memref<50000x128xf32, #tpu.memory_space<hbm>> -> memref<50000x128xf32, #tpu.memory_space<hbm>>
    tpu.wait_indirect_dma semaphore(%arg18 : memref<!tpu.dma_semaphore, #tpu.memory_space<semaphore_mem>>) src(%dma_wait3A_293 : memref<50000x128xf32, #tpu.memory_space<hbm>>) dst(%arg13 : memref<125x128xf32, #tpu.memory_space<vmem>>)
    %dma_start3A_294 = arith.constant 4 : i32
    %dma_start3A_295 = arith.constant 1 : i32
    %dma_start3A_296 = arith.constant 0 : i32
    %dma_start3A_297 = tpu.memref_slice %arg8[%dma_start3A_294, %dma_start3A_295, %dma_start3A_296] : memref<12x4x125xi32, #tpu.memory_space<vmem>> -> memref<1x1x125xi32, #tpu.memory_space<vmem>>
    %dma_start3A_298 = tpu.memref_squeeze %dma_start3A_297 : memref<1x1x125xi32, #tpu.memory_space<vmem>> -> memref<125xi32, #tpu.memory_space<vmem>>
    %dma_start3A_299 = arith.constant 0 : i32
    %dma_start3A_300 = arith.constant 0 : i32
    %dma_start3A_301 = tpu.memref_slice %arg4[%dma_start3A_299, %dma_start3A_300] : memref<50000x128xf32, #tpu.memory_space<hbm>> -> memref<50000x128xf32, #tpu.memory_space<hbm>>
    tpu.enqueue_indirect_dma source(%dma_start3A_301 : memref<50000x128xf32, #tpu.memory_space<hbm>>) target(%arg13 : memref<125x128xf32, #tpu.memory_space<vmem>>) offsets(%dma_start3A_298 : memref<125xi32, #tpu.memory_space<vmem>>) semaphore(%arg18 : memref<!tpu.dma_semaphore, #tpu.memory_space<semaphore_mem>>) {add = true}
    %dma_start3A_302 = arith.constant 4 : i32
    %dma_start3A_303 = arith.constant 2 : i32
    %dma_start3A_304 = arith.constant 0 : i32
    %dma_start3A_305 = tpu.memref_slice %arg8[%dma_start3A_302, %dma_start3A_303, %dma_start3A_304] : memref<12x4x125xi32, #tpu.memory_space<vmem>> -> memref<1x1x125xi32, #tpu.memory_space<vmem>>
    %dma_start3A_306 = tpu.memref_squeeze %dma_start3A_305 : memref<1x1x125xi32, #tpu.memory_space<vmem>> -> memref<125xi32, #tpu.memory_space<vmem>>
    %dma_start3A_307 = arith.constant 0 : i32
    %dma_start3A_308 = arith.constant 0 : i32
    %dma_start3A_309 = tpu.memref_slice %arg5[%dma_start3A_307, %dma_start3A_308] : memref<50000x128xf32, #tpu.memory_space<hbm>> -> memref<50000x128xf32, #tpu.memory_space<hbm>>
    tpu.enqueue_indirect_dma source(%dma_start3A_309 : memref<50000x128xf32, #tpu.memory_space<hbm>>) target(%arg13 : memref<125x128xf32, #tpu.memory_space<vmem>>) offsets(%dma_start3A_306 : memref<125xi32, #tpu.memory_space<vmem>>) semaphore(%arg18 : memref<!tpu.dma_semaphore, #tpu.memory_space<semaphore_mem>>) {add = true}
    %dma_start3A_310 = arith.constant 4 : i32
    %dma_start3A_311 = arith.constant 3 : i32
    %dma_start3A_312 = arith.constant 0 : i32
    %dma_start3A_313 = tpu.memref_slice %arg8[%dma_start3A_310, %dma_start3A_311, %dma_start3A_312] : memref<12x4x125xi32, #tpu.memory_space<vmem>> -> memref<1x1x125xi32, #tpu.memory_space<vmem>>
    %dma_start3A_314 = tpu.memref_squeeze %dma_start3A_313 : memref<1x1x125xi32, #tpu.memory_space<vmem>> -> memref<125xi32, #tpu.memory_space<vmem>>
    %dma_start3A_315 = arith.constant 0 : i32
    %dma_start3A_316 = arith.constant 0 : i32
    %dma_start3A_317 = tpu.memref_slice %arg6[%dma_start3A_315, %dma_start3A_316] : memref<50000x128xf32, #tpu.memory_space<hbm>> -> memref<50000x128xf32, #tpu.memory_space<hbm>>
    tpu.enqueue_indirect_dma source(%dma_start3A_317 : memref<50000x128xf32, #tpu.memory_space<hbm>>) target(%arg13 : memref<125x128xf32, #tpu.memory_space<vmem>>) offsets(%dma_start3A_314 : memref<125xi32, #tpu.memory_space<vmem>>) semaphore(%arg18 : memref<!tpu.dma_semaphore, #tpu.memory_space<semaphore_mem>>) {add = true}
    %dma_wait3A_318 = arith.constant 3 : i32
    %dma_wait3A_319 = arith.constant 1 : i32
    %dma_wait3A_320 = arith.constant 0 : i32
    %dma_wait3A_321 = tpu.memref_slice %arg8[%dma_wait3A_318, %dma_wait3A_319, %dma_wait3A_320] : memref<12x4x125xi32, #tpu.memory_space<vmem>> -> memref<1x1x125xi32, #tpu.memory_space<vmem>>
    %dma_wait3A_322 = tpu.memref_squeeze %dma_wait3A_321 : memref<1x1x125xi32, #tpu.memory_space<vmem>> -> memref<125xi32, #tpu.memory_space<vmem>>
    %dma_wait3A_323 = arith.constant 0 : i32
    %dma_wait3A_324 = arith.constant 0 : i32
    %dma_wait3A_325 = tpu.memref_slice %arg4[%dma_wait3A_323, %dma_wait3A_324] : memref<50000x128xf32, #tpu.memory_space<hbm>> -> memref<50000x128xf32, #tpu.memory_space<hbm>>
    tpu.wait_indirect_dma semaphore(%arg17 : memref<!tpu.dma_semaphore, #tpu.memory_space<semaphore_mem>>) src(%dma_wait3A_325 : memref<50000x128xf32, #tpu.memory_space<hbm>>) dst(%arg12 : memref<125x128xf32, #tpu.memory_space<vmem>>)
    %dma_wait3A_326 = arith.constant 3 : i32
    %dma_wait3A_327 = arith.constant 2 : i32
    %dma_wait3A_328 = arith.constant 0 : i32
    %dma_wait3A_329 = tpu.memref_slice %arg8[%dma_wait3A_326, %dma_wait3A_327, %dma_wait3A_328] : memref<12x4x125xi32, #tpu.memory_space<vmem>> -> memref<1x1x125xi32, #tpu.memory_space<vmem>>
    %dma_wait3A_330 = tpu.memref_squeeze %dma_wait3A_329 : memref<1x1x125xi32, #tpu.memory_space<vmem>> -> memref<125xi32, #tpu.memory_space<vmem>>
    %dma_wait3A_331 = arith.constant 0 : i32
    %dma_wait3A_332 = arith.constant 0 : i32
    %dma_wait3A_333 = tpu.memref_slice %arg5[%dma_wait3A_331, %dma_wait3A_332] : memref<50000x128xf32, #tpu.memory_space<hbm>> -> memref<50000x128xf32, #tpu.memory_space<hbm>>
    tpu.wait_indirect_dma semaphore(%arg17 : memref<!tpu.dma_semaphore, #tpu.memory_space<semaphore_mem>>) src(%dma_wait3A_333 : memref<50000x128xf32, #tpu.memory_space<hbm>>) dst(%arg12 : memref<125x128xf32, #tpu.memory_space<vmem>>)
    %dma_wait3A_334 = arith.constant 3 : i32
    %dma_wait3A_335 = arith.constant 3 : i32
    %dma_wait3A_336 = arith.constant 0 : i32
    %dma_wait3A_337 = tpu.memref_slice %arg8[%dma_wait3A_334, %dma_wait3A_335, %dma_wait3A_336] : memref<12x4x125xi32, #tpu.memory_space<vmem>> -> memref<1x1x125xi32, #tpu.memory_space<vmem>>
    %dma_wait3A_338 = tpu.memref_squeeze %dma_wait3A_337 : memref<1x1x125xi32, #tpu.memory_space<vmem>> -> memref<125xi32, #tpu.memory_space<vmem>>
    %dma_wait3A_339 = arith.constant 0 : i32
    %dma_wait3A_340 = arith.constant 0 : i32
    %dma_wait3A_341 = tpu.memref_slice %arg6[%dma_wait3A_339, %dma_wait3A_340] : memref<50000x128xf32, #tpu.memory_space<hbm>> -> memref<50000x128xf32, #tpu.memory_space<hbm>>
    tpu.wait_indirect_dma semaphore(%arg17 : memref<!tpu.dma_semaphore, #tpu.memory_space<semaphore_mem>>) src(%dma_wait3A_341 : memref<50000x128xf32, #tpu.memory_space<hbm>>) dst(%arg12 : memref<125x128xf32, #tpu.memory_space<vmem>>)
    %sub3A_342 = arith.constant 0 : i32
    %sub3A_343 = arith.subi %add3A_4, %sub3A_342 : i32
    %add3A_344 = arith.constant 3 : i32
    %add3A_345 = arith.addi %sub3A_343, %add3A_344 : i32
    %mul3A_346 = arith.constant 125 : i32
    %mul3A_347 = arith.muli %add3A_345, %mul3A_346 : i32
    %dma_start3A_348 = arith.constant 0 : i32
    %dma_start3A_349 = tpu.memref_slice %arg7[%mul3A_347, %dma_start3A_348] : memref<100000x128xf32, #tpu.memory_space<hbm>> -> memref<125x128xf32, #tpu.memory_space<hbm>>
    %dma_start3A_350 = arith.constant 0 : i32
    %dma_start3A_351 = tpu.memref_slice %arg7[%mul3A_347, %dma_start3A_350] : memref<100000x128xf32, #tpu.memory_space<hbm>> -> memref<125x128xf32, #tpu.memory_space<hbm>>
    tpu.enqueue_dma source(%arg12 : memref<125x128xf32, #tpu.memory_space<vmem>>) target(%dma_start3A_351 : memref<125x128xf32, #tpu.memory_space<hbm>>) target_semaphore(%arg22 : memref<!tpu.dma_semaphore, #tpu.memory_space<semaphore_mem>>)
    %dma_wait3A_352 = arith.constant 0 : i32
    %dma_wait3A_353 = arith.constant 0 : i32
    %dma_wait3A_354 = tpu.memref_slice %arg7[%dma_wait3A_352, %dma_wait3A_353] : memref<100000x128xf32, #tpu.memory_space<hbm>> -> memref<125x128xf32, #tpu.memory_space<hbm>>
    %dma_wait3A_355 = arith.constant 0 : i32
    %dma_wait3A_356 = arith.constant 0 : i32
    %dma_wait3A_357 = tpu.memref_slice %arg7[%dma_wait3A_355, %dma_wait3A_356] : memref<100000x128xf32, #tpu.memory_space<hbm>> -> memref<125x128xf32, #tpu.memory_space<hbm>>
    tpu.wait_dma2 semaphore(%arg20 : memref<!tpu.dma_semaphore, #tpu.memory_space<semaphore_mem>>) src(%arg10 : memref<125x128xf32, #tpu.memory_space<vmem>>) dst(%dma_wait3A_357 : memref<125x128xf32, #tpu.memory_space<hbm>>)
    %dma_start3A_358 = arith.constant 6 : i32
    %dma_start3A_359 = arith.constant 0 : i32
    %dma_start3A_360 = arith.constant 0 : i32
    %dma_start3A_361 = tpu.memref_slice %arg8[%dma_start3A_358, %dma_start3A_359, %dma_start3A_360] : memref<12x4x125xi32, #tpu.memory_space<vmem>> -> memref<1x1x125xi32, #tpu.memory_space<vmem>>
    %dma_start3A_362 = tpu.memref_squeeze %dma_start3A_361 : memref<1x1x125xi32, #tpu.memory_space<vmem>> -> memref<125xi32, #tpu.memory_space<vmem>>
    %dma_start3A_363 = arith.constant 0 : i32
    %dma_start3A_364 = arith.constant 0 : i32
    %dma_start3A_365 = tpu.memref_slice %arg3[%dma_start3A_363, %dma_start3A_364] : memref<50000x128xf32, #tpu.memory_space<hbm>> -> memref<50000x128xf32, #tpu.memory_space<hbm>>
    tpu.enqueue_indirect_dma source(%dma_start3A_365 : memref<50000x128xf32, #tpu.memory_space<hbm>>) target(%arg10 : memref<125x128xf32, #tpu.memory_space<vmem>>) offsets(%dma_start3A_362 : memref<125xi32, #tpu.memory_space<vmem>>) semaphore(%arg15 : memref<!tpu.dma_semaphore, #tpu.memory_space<semaphore_mem>>)
    %dma_wait3A_366 = arith.constant 5 : i32
    %dma_wait3A_367 = arith.constant 0 : i32
    %dma_wait3A_368 = arith.constant 0 : i32
    %dma_wait3A_369 = tpu.memref_slice %arg8[%dma_wait3A_366, %dma_wait3A_367, %dma_wait3A_368] : memref<12x4x125xi32, #tpu.memory_space<vmem>> -> memref<1x1x125xi32, #tpu.memory_space<vmem>>
    %dma_wait3A_370 = tpu.memref_squeeze %dma_wait3A_369 : memref<1x1x125xi32, #tpu.memory_space<vmem>> -> memref<125xi32, #tpu.memory_space<vmem>>
    %dma_wait3A_371 = arith.constant 0 : i32
    %dma_wait3A_372 = arith.constant 0 : i32
    %dma_wait3A_373 = tpu.memref_slice %arg3[%dma_wait3A_371, %dma_wait3A_372] : memref<50000x128xf32, #tpu.memory_space<hbm>> -> memref<50000x128xf32, #tpu.memory_space<hbm>>
    tpu.wait_indirect_dma semaphore(%arg14 : memref<!tpu.dma_semaphore, #tpu.memory_space<semaphore_mem>>) src(%dma_wait3A_373 : memref<50000x128xf32, #tpu.memory_space<hbm>>) dst(%arg9 : memref<125x128xf32, #tpu.memory_space<vmem>>)
    %dma_start3A_374 = arith.constant 5 : i32
    %dma_start3A_375 = arith.constant 1 : i32
    %dma_start3A_376 = arith.constant 0 : i32
    %dma_start3A_377 = tpu.memref_slice %arg8[%dma_start3A_374, %dma_start3A_375, %dma_start3A_376] : memref<12x4x125xi32, #tpu.memory_space<vmem>> -> memref<1x1x125xi32, #tpu.memory_space<vmem>>
    %dma_start3A_378 = tpu.memref_squeeze %dma_start3A_377 : memref<1x1x125xi32, #tpu.memory_space<vmem>> -> memref<125xi32, #tpu.memory_space<vmem>>
    %dma_start3A_379 = arith.constant 0 : i32
    %dma_start3A_380 = arith.constant 0 : i32
    %dma_start3A_381 = tpu.memref_slice %arg4[%dma_start3A_379, %dma_start3A_380] : memref<50000x128xf32, #tpu.memory_space<hbm>> -> memref<50000x128xf32, #tpu.memory_space<hbm>>
    tpu.enqueue_indirect_dma source(%dma_start3A_381 : memref<50000x128xf32, #tpu.memory_space<hbm>>) target(%arg9 : memref<125x128xf32, #tpu.memory_space<vmem>>) offsets(%dma_start3A_378 : memref<125xi32, #tpu.memory_space<vmem>>) semaphore(%arg14 : memref<!tpu.dma_semaphore, #tpu.memory_space<semaphore_mem>>) {add = true}
    %dma_start3A_382 = arith.constant 5 : i32
    %dma_start3A_383 = arith.constant 2 : i32
    %dma_start3A_384 = arith.constant 0 : i32
    %dma_start3A_385 = tpu.memref_slice %arg8[%dma_start3A_382, %dma_start3A_383, %dma_start3A_384] : memref<12x4x125xi32, #tpu.memory_space<vmem>> -> memref<1x1x125xi32, #tpu.memory_space<vmem>>
    %dma_start3A_386 = tpu.memref_squeeze %dma_start3A_385 : memref<1x1x125xi32, #tpu.memory_space<vmem>> -> memref<125xi32, #tpu.memory_space<vmem>>
    %dma_start3A_387 = arith.constant 0 : i32
    %dma_start3A_388 = arith.constant 0 : i32
    %dma_start3A_389 = tpu.memref_slice %arg5[%dma_start3A_387, %dma_start3A_388] : memref<50000x128xf32, #tpu.memory_space<hbm>> -> memref<50000x128xf32, #tpu.memory_space<hbm>>
    tpu.enqueue_indirect_dma source(%dma_start3A_389 : memref<50000x128xf32, #tpu.memory_space<hbm>>) target(%arg9 : memref<125x128xf32, #tpu.memory_space<vmem>>) offsets(%dma_start3A_386 : memref<125xi32, #tpu.memory_space<vmem>>) semaphore(%arg14 : memref<!tpu.dma_semaphore, #tpu.memory_space<semaphore_mem>>) {add = true}
    %dma_start3A_390 = arith.constant 5 : i32
    %dma_start3A_391 = arith.constant 3 : i32
    %dma_start3A_392 = arith.constant 0 : i32
    %dma_start3A_393 = tpu.memref_slice %arg8[%dma_start3A_390, %dma_start3A_391, %dma_start3A_392] : memref<12x4x125xi32, #tpu.memory_space<vmem>> -> memref<1x1x125xi32, #tpu.memory_space<vmem>>
    %dma_start3A_394 = tpu.memref_squeeze %dma_start3A_393 : memref<1x1x125xi32, #tpu.memory_space<vmem>> -> memref<125xi32, #tpu.memory_space<vmem>>
    %dma_start3A_395 = arith.constant 0 : i32
    %dma_start3A_396 = arith.constant 0 : i32
    %dma_start3A_397 = tpu.memref_slice %arg6[%dma_start3A_395, %dma_start3A_396] : memref<50000x128xf32, #tpu.memory_space<hbm>> -> memref<50000x128xf32, #tpu.memory_space<hbm>>
    tpu.enqueue_indirect_dma source(%dma_start3A_397 : memref<50000x128xf32, #tpu.memory_space<hbm>>) target(%arg9 : memref<125x128xf32, #tpu.memory_space<vmem>>) offsets(%dma_start3A_394 : memref<125xi32, #tpu.memory_space<vmem>>) semaphore(%arg14 : memref<!tpu.dma_semaphore, #tpu.memory_space<semaphore_mem>>) {add = true}
    %dma_wait3A_398 = arith.constant 4 : i32
    %dma_wait3A_399 = arith.constant 1 : i32
    %dma_wait3A_400 = arith.constant 0 : i32
    %dma_wait3A_401 = tpu.memref_slice %arg8[%dma_wait3A_398, %dma_wait3A_399, %dma_wait3A_400] : memref<12x4x125xi32, #tpu.memory_space<vmem>> -> memref<1x1x125xi32, #tpu.memory_space<vmem>>
    %dma_wait3A_402 = tpu.memref_squeeze %dma_wait3A_401 : memref<1x1x125xi32, #tpu.memory_space<vmem>> -> memref<125xi32, #tpu.memory_space<vmem>>
    %dma_wait3A_403 = arith.constant 0 : i32
    %dma_wait3A_404 = arith.constant 0 : i32
    %dma_wait3A_405 = tpu.memref_slice %arg4[%dma_wait3A_403, %dma_wait3A_404] : memref<50000x128xf32, #tpu.memory_space<hbm>> -> memref<50000x128xf32, #tpu.memory_space<hbm>>
    tpu.wait_indirect_dma semaphore(%arg18 : memref<!tpu.dma_semaphore, #tpu.memory_space<semaphore_mem>>) src(%dma_wait3A_405 : memref<50000x128xf32, #tpu.memory_space<hbm>>) dst(%arg13 : memref<125x128xf32, #tpu.memory_space<vmem>>)
    %dma_wait3A_406 = arith.constant 4 : i32
    %dma_wait3A_407 = arith.constant 2 : i32
    %dma_wait3A_408 = arith.constant 0 : i32
    %dma_wait3A_409 = tpu.memref_slice %arg8[%dma_wait3A_406, %dma_wait3A_407, %dma_wait3A_408] : memref<12x4x125xi32, #tpu.memory_space<vmem>> -> memref<1x1x125xi32, #tpu.memory_space<vmem>>
    %dma_wait3A_410 = tpu.memref_squeeze %dma_wait3A_409 : memref<1x1x125xi32, #tpu.memory_space<vmem>> -> memref<125xi32, #tpu.memory_space<vmem>>
    %dma_wait3A_411 = arith.constant 0 : i32
    %dma_wait3A_412 = arith.constant 0 : i32
    %dma_wait3A_413 = tpu.memref_slice %arg5[%dma_wait3A_411, %dma_wait3A_412] : memref<50000x128xf32, #tpu.memory_space<hbm>> -> memref<50000x128xf32, #tpu.memory_space<hbm>>
    tpu.wait_indirect_dma semaphore(%arg18 : memref<!tpu.dma_semaphore, #tpu.memory_space<semaphore_mem>>) src(%dma_wait3A_413 : memref<50000x128xf32, #tpu.memory_space<hbm>>) dst(%arg13 : memref<125x128xf32, #tpu.memory_space<vmem>>)
    %dma_wait3A_414 = arith.constant 4 : i32
    %dma_wait3A_415 = arith.constant 3 : i32
    %dma_wait3A_416 = arith.constant 0 : i32
    %dma_wait3A_417 = tpu.memref_slice %arg8[%dma_wait3A_414, %dma_wait3A_415, %dma_wait3A_416] : memref<12x4x125xi32, #tpu.memory_space<vmem>> -> memref<1x1x125xi32, #tpu.memory_space<vmem>>
    %dma_wait3A_418 = tpu.memref_squeeze %dma_wait3A_417 : memref<1x1x125xi32, #tpu.memory_space<vmem>> -> memref<125xi32, #tpu.memory_space<vmem>>
    %dma_wait3A_419 = arith.constant 0 : i32
    %dma_wait3A_420 = arith.constant 0 : i32
    %dma_wait3A_421 = tpu.memref_slice %arg6[%dma_wait3A_419, %dma_wait3A_420] : memref<50000x128xf32, #tpu.memory_space<hbm>> -> memref<50000x128xf32, #tpu.memory_space<hbm>>
    tpu.wait_indirect_dma semaphore(%arg18 : memref<!tpu.dma_semaphore, #tpu.memory_space<semaphore_mem>>) src(%dma_wait3A_421 : memref<50000x128xf32, #tpu.memory_space<hbm>>) dst(%arg13 : memref<125x128xf32, #tpu.memory_space<vmem>>)
    %sub3A_422 = arith.constant 0 : i32
    %sub3A_423 = arith.subi %add3A_4, %sub3A_422 : i32
    %add3A_424 = arith.constant 4 : i32
    %add3A_425 = arith.addi %sub3A_423, %add3A_424 : i32
    %mul3A_426 = arith.constant 125 : i32
    %mul3A_427 = arith.muli %add3A_425, %mul3A_426 : i32
    %dma_start3A_428 = arith.constant 0 : i32
    %dma_start3A_429 = tpu.memref_slice %arg7[%mul3A_427, %dma_start3A_428] : memref<100000x128xf32, #tpu.memory_space<hbm>> -> memref<125x128xf32, #tpu.memory_space<hbm>>
    %dma_start3A_430 = arith.constant 0 : i32
    %dma_start3A_431 = tpu.memref_slice %arg7[%mul3A_427, %dma_start3A_430] : memref<100000x128xf32, #tpu.memory_space<hbm>> -> memref<125x128xf32, #tpu.memory_space<hbm>>
    tpu.enqueue_dma source(%arg13 : memref<125x128xf32, #tpu.memory_space<vmem>>) target(%dma_start3A_431 : memref<125x128xf32, #tpu.memory_space<hbm>>) target_semaphore(%arg23 : memref<!tpu.dma_semaphore, #tpu.memory_space<semaphore_mem>>)
    %dma_wait3A_432 = arith.constant 0 : i32
    %dma_wait3A_433 = arith.constant 0 : i32
    %dma_wait3A_434 = tpu.memref_slice %arg7[%dma_wait3A_432, %dma_wait3A_433] : memref<100000x128xf32, #tpu.memory_space<hbm>> -> memref<125x128xf32, #tpu.memory_space<hbm>>
    %dma_wait3A_435 = arith.constant 0 : i32
    %dma_wait3A_436 = arith.constant 0 : i32
    %dma_wait3A_437 = tpu.memref_slice %arg7[%dma_wait3A_435, %dma_wait3A_436] : memref<100000x128xf32, #tpu.memory_space<hbm>> -> memref<125x128xf32, #tpu.memory_space<hbm>>
    tpu.wait_dma2 semaphore(%arg21 : memref<!tpu.dma_semaphore, #tpu.memory_space<semaphore_mem>>) src(%arg11 : memref<125x128xf32, #tpu.memory_space<vmem>>) dst(%dma_wait3A_437 : memref<125x128xf32, #tpu.memory_space<hbm>>)
    %dma_start3A_438 = arith.constant 7 : i32
    %dma_start3A_439 = arith.constant 0 : i32
    %dma_start3A_440 = arith.constant 0 : i32
    %dma_start3A_441 = tpu.memref_slice %arg8[%dma_start3A_438, %dma_start3A_439, %dma_start3A_440] : memref<12x4x125xi32, #tpu.memory_space<vmem>> -> memref<1x1x125xi32, #tpu.memory_space<vmem>>
    %dma_start3A_442 = tpu.memref_squeeze %dma_start3A_441 : memref<1x1x125xi32, #tpu.memory_space<vmem>> -> memref<125xi32, #tpu.memory_space<vmem>>
    %dma_start3A_443 = arith.constant 0 : i32
    %dma_start3A_444 = arith.constant 0 : i32
    %dma_start3A_445 = tpu.memref_slice %arg3[%dma_start3A_443, %dma_start3A_444] : memref<50000x128xf32, #tpu.memory_space<hbm>> -> memref<50000x128xf32, #tpu.memory_space<hbm>>
    tpu.enqueue_indirect_dma source(%dma_start3A_445 : memref<50000x128xf32, #tpu.memory_space<hbm>>) target(%arg11 : memref<125x128xf32, #tpu.memory_space<vmem>>) offsets(%dma_start3A_442 : memref<125xi32, #tpu.memory_space<vmem>>) semaphore(%arg16 : memref<!tpu.dma_semaphore, #tpu.memory_space<semaphore_mem>>)
    %dma_wait3A_446 = arith.constant 6 : i32
    %dma_wait3A_447 = arith.constant 0 : i32
    %dma_wait3A_448 = arith.constant 0 : i32
    %dma_wait3A_449 = tpu.memref_slice %arg8[%dma_wait3A_446, %dma_wait3A_447, %dma_wait3A_448] : memref<12x4x125xi32, #tpu.memory_space<vmem>> -> memref<1x1x125xi32, #tpu.memory_space<vmem>>
    %dma_wait3A_450 = tpu.memref_squeeze %dma_wait3A_449 : memref<1x1x125xi32, #tpu.memory_space<vmem>> -> memref<125xi32, #tpu.memory_space<vmem>>
    %dma_wait3A_451 = arith.constant 0 : i32
    %dma_wait3A_452 = arith.constant 0 : i32
    %dma_wait3A_453 = tpu.memref_slice %arg3[%dma_wait3A_451, %dma_wait3A_452] : memref<50000x128xf32, #tpu.memory_space<hbm>> -> memref<50000x128xf32, #tpu.memory_space<hbm>>
    tpu.wait_indirect_dma semaphore(%arg15 : memref<!tpu.dma_semaphore, #tpu.memory_space<semaphore_mem>>) src(%dma_wait3A_453 : memref<50000x128xf32, #tpu.memory_space<hbm>>) dst(%arg10 : memref<125x128xf32, #tpu.memory_space<vmem>>)
    %dma_start3A_454 = arith.constant 6 : i32
    %dma_start3A_455 = arith.constant 1 : i32
    %dma_start3A_456 = arith.constant 0 : i32
    %dma_start3A_457 = tpu.memref_slice %arg8[%dma_start3A_454, %dma_start3A_455, %dma_start3A_456] : memref<12x4x125xi32, #tpu.memory_space<vmem>> -> memref<1x1x125xi32, #tpu.memory_space<vmem>>
    %dma_start3A_458 = tpu.memref_squeeze %dma_start3A_457 : memref<1x1x125xi32, #tpu.memory_space<vmem>> -> memref<125xi32, #tpu.memory_space<vmem>>
    %dma_start3A_459 = arith.constant 0 : i32
    %dma_start3A_460 = arith.constant 0 : i32
    %dma_start3A_461 = tpu.memref_slice %arg4[%dma_start3A_459, %dma_start3A_460] : memref<50000x128xf32, #tpu.memory_space<hbm>> -> memref<50000x128xf32, #tpu.memory_space<hbm>>
    tpu.enqueue_indirect_dma source(%dma_start3A_461 : memref<50000x128xf32, #tpu.memory_space<hbm>>) target(%arg10 : memref<125x128xf32, #tpu.memory_space<vmem>>) offsets(%dma_start3A_458 : memref<125xi32, #tpu.memory_space<vmem>>) semaphore(%arg15 : memref<!tpu.dma_semaphore, #tpu.memory_space<semaphore_mem>>) {add = true}
    %dma_start3A_462 = arith.constant 6 : i32
    %dma_start3A_463 = arith.constant 2 : i32
    %dma_start3A_464 = arith.constant 0 : i32
    %dma_start3A_465 = tpu.memref_slice %arg8[%dma_start3A_462, %dma_start3A_463, %dma_start3A_464] : memref<12x4x125xi32, #tpu.memory_space<vmem>> -> memref<1x1x125xi32, #tpu.memory_space<vmem>>
    %dma_start3A_466 = tpu.memref_squeeze %dma_start3A_465 : memref<1x1x125xi32, #tpu.memory_space<vmem>> -> memref<125xi32, #tpu.memory_space<vmem>>
    %dma_start3A_467 = arith.constant 0 : i32
    %dma_start3A_468 = arith.constant 0 : i32
    %dma_start3A_469 = tpu.memref_slice %arg5[%dma_start3A_467, %dma_start3A_468] : memref<50000x128xf32, #tpu.memory_space<hbm>> -> memref<50000x128xf32, #tpu.memory_space<hbm>>
    tpu.enqueue_indirect_dma source(%dma_start3A_469 : memref<50000x128xf32, #tpu.memory_space<hbm>>) target(%arg10 : memref<125x128xf32, #tpu.memory_space<vmem>>) offsets(%dma_start3A_466 : memref<125xi32, #tpu.memory_space<vmem>>) semaphore(%arg15 : memref<!tpu.dma_semaphore, #tpu.memory_space<semaphore_mem>>) {add = true}
    %dma_start3A_470 = arith.constant 6 : i32
    %dma_start3A_471 = arith.constant 3 : i32
    %dma_start3A_472 = arith.constant 0 : i32
    %dma_start3A_473 = tpu.memref_slice %arg8[%dma_start3A_470, %dma_start3A_471, %dma_start3A_472] : memref<12x4x125xi32, #tpu.memory_space<vmem>> -> memref<1x1x125xi32, #tpu.memory_space<vmem>>
    %dma_start3A_474 = tpu.memref_squeeze %dma_start3A_473 : memref<1x1x125xi32, #tpu.memory_space<vmem>> -> memref<125xi32, #tpu.memory_space<vmem>>
    %dma_start3A_475 = arith.constant 0 : i32
    %dma_start3A_476 = arith.constant 0 : i32
    %dma_start3A_477 = tpu.memref_slice %arg6[%dma_start3A_475, %dma_start3A_476] : memref<50000x128xf32, #tpu.memory_space<hbm>> -> memref<50000x128xf32, #tpu.memory_space<hbm>>
    tpu.enqueue_indirect_dma source(%dma_start3A_477 : memref<50000x128xf32, #tpu.memory_space<hbm>>) target(%arg10 : memref<125x128xf32, #tpu.memory_space<vmem>>) offsets(%dma_start3A_474 : memref<125xi32, #tpu.memory_space<vmem>>) semaphore(%arg15 : memref<!tpu.dma_semaphore, #tpu.memory_space<semaphore_mem>>) {add = true}
    %dma_wait3A_478 = arith.constant 5 : i32
    %dma_wait3A_479 = arith.constant 1 : i32
    %dma_wait3A_480 = arith.constant 0 : i32
    %dma_wait3A_481 = tpu.memref_slice %arg8[%dma_wait3A_478, %dma_wait3A_479, %dma_wait3A_480] : memref<12x4x125xi32, #tpu.memory_space<vmem>> -> memref<1x1x125xi32, #tpu.memory_space<vmem>>
    %dma_wait3A_482 = tpu.memref_squeeze %dma_wait3A_481 : memref<1x1x125xi32, #tpu.memory_space<vmem>> -> memref<125xi32, #tpu.memory_space<vmem>>
    %dma_wait3A_483 = arith.constant 0 : i32
    %dma_wait3A_484 = arith.constant 0 : i32
    %dma_wait3A_485 = tpu.memref_slice %arg4[%dma_wait3A_483, %dma_wait3A_484] : memref<50000x128xf32, #tpu.memory_space<hbm>> -> memref<50000x128xf32, #tpu.memory_space<hbm>>
    tpu.wait_indirect_dma semaphore(%arg14 : memref<!tpu.dma_semaphore, #tpu.memory_space<semaphore_mem>>) src(%dma_wait3A_485 : memref<50000x128xf32, #tpu.memory_space<hbm>>) dst(%arg9 : memref<125x128xf32, #tpu.memory_space<vmem>>)
    %dma_wait3A_486 = arith.constant 5 : i32
    %dma_wait3A_487 = arith.constant 2 : i32
    %dma_wait3A_488 = arith.constant 0 : i32
    %dma_wait3A_489 = tpu.memref_slice %arg8[%dma_wait3A_486, %dma_wait3A_487, %dma_wait3A_488] : memref<12x4x125xi32, #tpu.memory_space<vmem>> -> memref<1x1x125xi32, #tpu.memory_space<vmem>>
    %dma_wait3A_490 = tpu.memref_squeeze %dma_wait3A_489 : memref<1x1x125xi32, #tpu.memory_space<vmem>> -> memref<125xi32, #tpu.memory_space<vmem>>
    %dma_wait3A_491 = arith.constant 0 : i32
    %dma_wait3A_492 = arith.constant 0 : i32
    %dma_wait3A_493 = tpu.memref_slice %arg5[%dma_wait3A_491, %dma_wait3A_492] : memref<50000x128xf32, #tpu.memory_space<hbm>> -> memref<50000x128xf32, #tpu.memory_space<hbm>>
    tpu.wait_indirect_dma semaphore(%arg14 : memref<!tpu.dma_semaphore, #tpu.memory_space<semaphore_mem>>) src(%dma_wait3A_493 : memref<50000x128xf32, #tpu.memory_space<hbm>>) dst(%arg9 : memref<125x128xf32, #tpu.memory_space<vmem>>)
    %dma_wait3A_494 = arith.constant 5 : i32
    %dma_wait3A_495 = arith.constant 3 : i32
    %dma_wait3A_496 = arith.constant 0 : i32
    %dma_wait3A_497 = tpu.memref_slice %arg8[%dma_wait3A_494, %dma_wait3A_495, %dma_wait3A_496] : memref<12x4x125xi32, #tpu.memory_space<vmem>> -> memref<1x1x125xi32, #tpu.memory_space<vmem>>
    %dma_wait3A_498 = tpu.memref_squeeze %dma_wait3A_497 : memref<1x1x125xi32, #tpu.memory_space<vmem>> -> memref<125xi32, #tpu.memory_space<vmem>>
    %dma_wait3A_499 = arith.constant 0 : i32
    %dma_wait3A_500 = arith.constant 0 : i32
    %dma_wait3A_501 = tpu.memref_slice %arg6[%dma_wait3A_499, %dma_wait3A_500] : memref<50000x128xf32, #tpu.memory_space<hbm>> -> memref<50000x128xf32, #tpu.memory_space<hbm>>
    tpu.wait_indirect_dma semaphore(%arg14 : memref<!tpu.dma_semaphore, #tpu.memory_space<semaphore_mem>>) src(%dma_wait3A_501 : memref<50000x128xf32, #tpu.memory_space<hbm>>) dst(%arg9 : memref<125x128xf32, #tpu.memory_space<vmem>>)
    %sub3A_502 = arith.constant 0 : i32
    %sub3A_503 = arith.subi %add3A_4, %sub3A_502 : i32
    %add3A_504 = arith.constant 5 : i32
    %add3A_505 = arith.addi %sub3A_503, %add3A_504 : i32
    %mul3A_506 = arith.constant 125 : i32
    %mul3A_507 = arith.muli %add3A_505, %mul3A_506 : i32
    %dma_start3A_508 = arith.constant 0 : i32
    %dma_start3A_509 = tpu.memref_slice %arg7[%mul3A_507, %dma_start3A_508] : memref<100000x128xf32, #tpu.memory_space<hbm>> -> memref<125x128xf32, #tpu.memory_space<hbm>>
    %dma_start3A_510 = arith.constant 0 : i32
    %dma_start3A_511 = tpu.memref_slice %arg7[%mul3A_507, %dma_start3A_510] : memref<100000x128xf32, #tpu.memory_space<hbm>> -> memref<125x128xf32, #tpu.memory_space<hbm>>
    tpu.enqueue_dma source(%arg9 : memref<125x128xf32, #tpu.memory_space<vmem>>) target(%dma_start3A_511 : memref<125x128xf32, #tpu.memory_space<hbm>>) target_semaphore(%arg19 : memref<!tpu.dma_semaphore, #tpu.memory_space<semaphore_mem>>)
    %dma_wait3A_512 = arith.constant 0 : i32
    %dma_wait3A_513 = arith.constant 0 : i32
    %dma_wait3A_514 = tpu.memref_slice %arg7[%dma_wait3A_512, %dma_wait3A_513] : memref<100000x128xf32, #tpu.memory_space<hbm>> -> memref<125x128xf32, #tpu.memory_space<hbm>>
    %dma_wait3A_515 = arith.constant 0 : i32
    %dma_wait3A_516 = arith.constant 0 : i32
    %dma_wait3A_517 = tpu.memref_slice %arg7[%dma_wait3A_515, %dma_wait3A_516] : memref<100000x128xf32, #tpu.memory_space<hbm>> -> memref<125x128xf32, #tpu.memory_space<hbm>>
    tpu.wait_dma2 semaphore(%arg22 : memref<!tpu.dma_semaphore, #tpu.memory_space<semaphore_mem>>) src(%arg12 : memref<125x128xf32, #tpu.memory_space<vmem>>) dst(%dma_wait3A_517 : memref<125x128xf32, #tpu.memory_space<hbm>>)
    %dma_start3A_518 = arith.constant 8 : i32
    %dma_start3A_519 = arith.constant 0 : i32
    %dma_start3A_520 = arith.constant 0 : i32
    %dma_start3A_521 = tpu.memref_slice %arg8[%dma_start3A_518, %dma_start3A_519, %dma_start3A_520] : memref<12x4x125xi32, #tpu.memory_space<vmem>> -> memref<1x1x125xi32, #tpu.memory_space<vmem>>
    %dma_start3A_522 = tpu.memref_squeeze %dma_start3A_521 : memref<1x1x125xi32, #tpu.memory_space<vmem>> -> memref<125xi32, #tpu.memory_space<vmem>>
    %dma_start3A_523 = arith.constant 0 : i32
    %dma_start3A_524 = arith.constant 0 : i32
    %dma_start3A_525 = tpu.memref_slice %arg3[%dma_start3A_523, %dma_start3A_524] : memref<50000x128xf32, #tpu.memory_space<hbm>> -> memref<50000x128xf32, #tpu.memory_space<hbm>>
    tpu.enqueue_indirect_dma source(%dma_start3A_525 : memref<50000x128xf32, #tpu.memory_space<hbm>>) target(%arg12 : memref<125x128xf32, #tpu.memory_space<vmem>>) offsets(%dma_start3A_522 : memref<125xi32, #tpu.memory_space<vmem>>) semaphore(%arg17 : memref<!tpu.dma_semaphore, #tpu.memory_space<semaphore_mem>>)
    %dma_wait3A_526 = arith.constant 7 : i32
    %dma_wait3A_527 = arith.constant 0 : i32
    %dma_wait3A_528 = arith.constant 0 : i32
    %dma_wait3A_529 = tpu.memref_slice %arg8[%dma_wait3A_526, %dma_wait3A_527, %dma_wait3A_528] : memref<12x4x125xi32, #tpu.memory_space<vmem>> -> memref<1x1x125xi32, #tpu.memory_space<vmem>>
    %dma_wait3A_530 = tpu.memref_squeeze %dma_wait3A_529 : memref<1x1x125xi32, #tpu.memory_space<vmem>> -> memref<125xi32, #tpu.memory_space<vmem>>
    %dma_wait3A_531 = arith.constant 0 : i32
    %dma_wait3A_532 = arith.constant 0 : i32
    %dma_wait3A_533 = tpu.memref_slice %arg3[%dma_wait3A_531, %dma_wait3A_532] : memref<50000x128xf32, #tpu.memory_space<hbm>> -> memref<50000x128xf32, #tpu.memory_space<hbm>>
    tpu.wait_indirect_dma semaphore(%arg16 : memref<!tpu.dma_semaphore, #tpu.memory_space<semaphore_mem>>) src(%dma_wait3A_533 : memref<50000x128xf32, #tpu.memory_space<hbm>>) dst(%arg11 : memref<125x128xf32, #tpu.memory_space<vmem>>)
    %dma_start3A_534 = arith.constant 7 : i32
    %dma_start3A_535 = arith.constant 1 : i32
    %dma_start3A_536 = arith.constant 0 : i32
    %dma_start3A_537 = tpu.memref_slice %arg8[%dma_start3A_534, %dma_start3A_535, %dma_start3A_536] : memref<12x4x125xi32, #tpu.memory_space<vmem>> -> memref<1x1x125xi32, #tpu.memory_space<vmem>>
    %dma_start3A_538 = tpu.memref_squeeze %dma_start3A_537 : memref<1x1x125xi32, #tpu.memory_space<vmem>> -> memref<125xi32, #tpu.memory_space<vmem>>
    %dma_start3A_539 = arith.constant 0 : i32
    %dma_start3A_540 = arith.constant 0 : i32
    %dma_start3A_541 = tpu.memref_slice %arg4[%dma_start3A_539, %dma_start3A_540] : memref<50000x128xf32, #tpu.memory_space<hbm>> -> memref<50000x128xf32, #tpu.memory_space<hbm>>
    tpu.enqueue_indirect_dma source(%dma_start3A_541 : memref<50000x128xf32, #tpu.memory_space<hbm>>) target(%arg11 : memref<125x128xf32, #tpu.memory_space<vmem>>) offsets(%dma_start3A_538 : memref<125xi32, #tpu.memory_space<vmem>>) semaphore(%arg16 : memref<!tpu.dma_semaphore, #tpu.memory_space<semaphore_mem>>) {add = true}
    %dma_start3A_542 = arith.constant 7 : i32
    %dma_start3A_543 = arith.constant 2 : i32
    %dma_start3A_544 = arith.constant 0 : i32
    %dma_start3A_545 = tpu.memref_slice %arg8[%dma_start3A_542, %dma_start3A_543, %dma_start3A_544] : memref<12x4x125xi32, #tpu.memory_space<vmem>> -> memref<1x1x125xi32, #tpu.memory_space<vmem>>
    %dma_start3A_546 = tpu.memref_squeeze %dma_start3A_545 : memref<1x1x125xi32, #tpu.memory_space<vmem>> -> memref<125xi32, #tpu.memory_space<vmem>>
    %dma_start3A_547 = arith.constant 0 : i32
    %dma_start3A_548 = arith.constant 0 : i32
    %dma_start3A_549 = tpu.memref_slice %arg5[%dma_start3A_547, %dma_start3A_548] : memref<50000x128xf32, #tpu.memory_space<hbm>> -> memref<50000x128xf32, #tpu.memory_space<hbm>>
    tpu.enqueue_indirect_dma source(%dma_start3A_549 : memref<50000x128xf32, #tpu.memory_space<hbm>>) target(%arg11 : memref<125x128xf32, #tpu.memory_space<vmem>>) offsets(%dma_start3A_546 : memref<125xi32, #tpu.memory_space<vmem>>) semaphore(%arg16 : memref<!tpu.dma_semaphore, #tpu.memory_space<semaphore_mem>>) {add = true}
    %dma_start3A_550 = arith.constant 7 : i32
    %dma_start3A_551 = arith.constant 3 : i32
    %dma_start3A_552 = arith.constant 0 : i32
    %dma_start3A_553 = tpu.memref_slice %arg8[%dma_start3A_550, %dma_start3A_551, %dma_start3A_552] : memref<12x4x125xi32, #tpu.memory_space<vmem>> -> memref<1x1x125xi32, #tpu.memory_space<vmem>>
    %dma_start3A_554 = tpu.memref_squeeze %dma_start3A_553 : memref<1x1x125xi32, #tpu.memory_space<vmem>> -> memref<125xi32, #tpu.memory_space<vmem>>
    %dma_start3A_555 = arith.constant 0 : i32
    %dma_start3A_556 = arith.constant 0 : i32
    %dma_start3A_557 = tpu.memref_slice %arg6[%dma_start3A_555, %dma_start3A_556] : memref<50000x128xf32, #tpu.memory_space<hbm>> -> memref<50000x128xf32, #tpu.memory_space<hbm>>
    tpu.enqueue_indirect_dma source(%dma_start3A_557 : memref<50000x128xf32, #tpu.memory_space<hbm>>) target(%arg11 : memref<125x128xf32, #tpu.memory_space<vmem>>) offsets(%dma_start3A_554 : memref<125xi32, #tpu.memory_space<vmem>>) semaphore(%arg16 : memref<!tpu.dma_semaphore, #tpu.memory_space<semaphore_mem>>) {add = true}
    %dma_wait3A_558 = arith.constant 6 : i32
    %dma_wait3A_559 = arith.constant 1 : i32
    %dma_wait3A_560 = arith.constant 0 : i32
    %dma_wait3A_561 = tpu.memref_slice %arg8[%dma_wait3A_558, %dma_wait3A_559, %dma_wait3A_560] : memref<12x4x125xi32, #tpu.memory_space<vmem>> -> memref<1x1x125xi32, #tpu.memory_space<vmem>>
    %dma_wait3A_562 = tpu.memref_squeeze %dma_wait3A_561 : memref<1x1x125xi32, #tpu.memory_space<vmem>> -> memref<125xi32, #tpu.memory_space<vmem>>
    %dma_wait3A_563 = arith.constant 0 : i32
    %dma_wait3A_564 = arith.constant 0 : i32
    %dma_wait3A_565 = tpu.memref_slice %arg4[%dma_wait3A_563, %dma_wait3A_564] : memref<50000x128xf32, #tpu.memory_space<hbm>> -> memref<50000x128xf32, #tpu.memory_space<hbm>>
    tpu.wait_indirect_dma semaphore(%arg15 : memref<!tpu.dma_semaphore, #tpu.memory_space<semaphore_mem>>) src(%dma_wait3A_565 : memref<50000x128xf32, #tpu.memory_space<hbm>>) dst(%arg10 : memref<125x128xf32, #tpu.memory_space<vmem>>)
    %dma_wait3A_566 = arith.constant 6 : i32
    %dma_wait3A_567 = arith.constant 2 : i32
    %dma_wait3A_568 = arith.constant 0 : i32
    %dma_wait3A_569 = tpu.memref_slice %arg8[%dma_wait3A_566, %dma_wait3A_567, %dma_wait3A_568] : memref<12x4x125xi32, #tpu.memory_space<vmem>> -> memref<1x1x125xi32, #tpu.memory_space<vmem>>
    %dma_wait3A_570 = tpu.memref_squeeze %dma_wait3A_569 : memref<1x1x125xi32, #tpu.memory_space<vmem>> -> memref<125xi32, #tpu.memory_space<vmem>>
    %dma_wait3A_571 = arith.constant 0 : i32
    %dma_wait3A_572 = arith.constant 0 : i32
    %dma_wait3A_573 = tpu.memref_slice %arg5[%dma_wait3A_571, %dma_wait3A_572] : memref<50000x128xf32, #tpu.memory_space<hbm>> -> memref<50000x128xf32, #tpu.memory_space<hbm>>
    tpu.wait_indirect_dma semaphore(%arg15 : memref<!tpu.dma_semaphore, #tpu.memory_space<semaphore_mem>>) src(%dma_wait3A_573 : memref<50000x128xf32, #tpu.memory_space<hbm>>) dst(%arg10 : memref<125x128xf32, #tpu.memory_space<vmem>>)
    %dma_wait3A_574 = arith.constant 6 : i32
    %dma_wait3A_575 = arith.constant 3 : i32
    %dma_wait3A_576 = arith.constant 0 : i32
    %dma_wait3A_577 = tpu.memref_slice %arg8[%dma_wait3A_574, %dma_wait3A_575, %dma_wait3A_576] : memref<12x4x125xi32, #tpu.memory_space<vmem>> -> memref<1x1x125xi32, #tpu.memory_space<vmem>>
    %dma_wait3A_578 = tpu.memref_squeeze %dma_wait3A_577 : memref<1x1x125xi32, #tpu.memory_space<vmem>> -> memref<125xi32, #tpu.memory_space<vmem>>
    %dma_wait3A_579 = arith.constant 0 : i32
    %dma_wait3A_580 = arith.constant 0 : i32
    %dma_wait3A_581 = tpu.memref_slice %arg6[%dma_wait3A_579, %dma_wait3A_580] : memref<50000x128xf32, #tpu.memory_space<hbm>> -> memref<50000x128xf32, #tpu.memory_space<hbm>>
    tpu.wait_indirect_dma semaphore(%arg15 : memref<!tpu.dma_semaphore, #tpu.memory_space<semaphore_mem>>) src(%dma_wait3A_581 : memref<50000x128xf32, #tpu.memory_space<hbm>>) dst(%arg10 : memref<125x128xf32, #tpu.memory_space<vmem>>)
    %sub3A_582 = arith.constant 0 : i32
    %sub3A_583 = arith.subi %add3A_4, %sub3A_582 : i32
    %add3A_584 = arith.constant 6 : i32
    %add3A_585 = arith.addi %sub3A_583, %add3A_584 : i32
    %mul3A_586 = arith.constant 125 : i32
    %mul3A_587 = arith.muli %add3A_585, %mul3A_586 : i32
    %dma_start3A_588 = arith.constant 0 : i32
    %dma_start3A_589 = tpu.memref_slice %arg7[%mul3A_587, %dma_start3A_588] : memref<100000x128xf32, #tpu.memory_space<hbm>> -> memref<125x128xf32, #tpu.memory_space<hbm>>
    %dma_start3A_590 = arith.constant 0 : i32
    %dma_start3A_591 = tpu.memref_slice %arg7[%mul3A_587, %dma_start3A_590] : memref<100000x128xf32, #tpu.memory_space<hbm>> -> memref<125x128xf32, #tpu.memory_space<hbm>>
    tpu.enqueue_dma source(%arg10 : memref<125x128xf32, #tpu.memory_space<vmem>>) target(%dma_start3A_591 : memref<125x128xf32, #tpu.memory_space<hbm>>) target_semaphore(%arg20 : memref<!tpu.dma_semaphore, #tpu.memory_space<semaphore_mem>>)
    %dma_wait3A_592 = arith.constant 0 : i32
    %dma_wait3A_593 = arith.constant 0 : i32
    %dma_wait3A_594 = tpu.memref_slice %arg7[%dma_wait3A_592, %dma_wait3A_593] : memref<100000x128xf32, #tpu.memory_space<hbm>> -> memref<125x128xf32, #tpu.memory_space<hbm>>
    %dma_wait3A_595 = arith.constant 0 : i32
    %dma_wait3A_596 = arith.constant 0 : i32
    %dma_wait3A_597 = tpu.memref_slice %arg7[%dma_wait3A_595, %dma_wait3A_596] : memref<100000x128xf32, #tpu.memory_space<hbm>> -> memref<125x128xf32, #tpu.memory_space<hbm>>
    tpu.wait_dma2 semaphore(%arg23 : memref<!tpu.dma_semaphore, #tpu.memory_space<semaphore_mem>>) src(%arg13 : memref<125x128xf32, #tpu.memory_space<vmem>>) dst(%dma_wait3A_597 : memref<125x128xf32, #tpu.memory_space<hbm>>)
    %dma_start3A_598 = arith.constant 9 : i32
    %dma_start3A_599 = arith.constant 0 : i32
    %dma_start3A_600 = arith.constant 0 : i32
    %dma_start3A_601 = tpu.memref_slice %arg8[%dma_start3A_598, %dma_start3A_599, %dma_start3A_600] : memref<12x4x125xi32, #tpu.memory_space<vmem>> -> memref<1x1x125xi32, #tpu.memory_space<vmem>>
    %dma_start3A_602 = tpu.memref_squeeze %dma_start3A_601 : memref<1x1x125xi32, #tpu.memory_space<vmem>> -> memref<125xi32, #tpu.memory_space<vmem>>
    %dma_start3A_603 = arith.constant 0 : i32
    %dma_start3A_604 = arith.constant 0 : i32
    %dma_start3A_605 = tpu.memref_slice %arg3[%dma_start3A_603, %dma_start3A_604] : memref<50000x128xf32, #tpu.memory_space<hbm>> -> memref<50000x128xf32, #tpu.memory_space<hbm>>
    tpu.enqueue_indirect_dma source(%dma_start3A_605 : memref<50000x128xf32, #tpu.memory_space<hbm>>) target(%arg13 : memref<125x128xf32, #tpu.memory_space<vmem>>) offsets(%dma_start3A_602 : memref<125xi32, #tpu.memory_space<vmem>>) semaphore(%arg18 : memref<!tpu.dma_semaphore, #tpu.memory_space<semaphore_mem>>)
    %dma_wait3A_606 = arith.constant 8 : i32
    %dma_wait3A_607 = arith.constant 0 : i32
    %dma_wait3A_608 = arith.constant 0 : i32
    %dma_wait3A_609 = tpu.memref_slice %arg8[%dma_wait3A_606, %dma_wait3A_607, %dma_wait3A_608] : memref<12x4x125xi32, #tpu.memory_space<vmem>> -> memref<1x1x125xi32, #tpu.memory_space<vmem>>
    %dma_wait3A_610 = tpu.memref_squeeze %dma_wait3A_609 : memref<1x1x125xi32, #tpu.memory_space<vmem>> -> memref<125xi32, #tpu.memory_space<vmem>>
    %dma_wait3A_611 = arith.constant 0 : i32
    %dma_wait3A_612 = arith.constant 0 : i32
    %dma_wait3A_613 = tpu.memref_slice %arg3[%dma_wait3A_611, %dma_wait3A_612] : memref<50000x128xf32, #tpu.memory_space<hbm>> -> memref<50000x128xf32, #tpu.memory_space<hbm>>
    tpu.wait_indirect_dma semaphore(%arg17 : memref<!tpu.dma_semaphore, #tpu.memory_space<semaphore_mem>>) src(%dma_wait3A_613 : memref<50000x128xf32, #tpu.memory_space<hbm>>) dst(%arg12 : memref<125x128xf32, #tpu.memory_space<vmem>>)
    %dma_start3A_614 = arith.constant 8 : i32
    %dma_start3A_615 = arith.constant 1 : i32
    %dma_start3A_616 = arith.constant 0 : i32
    %dma_start3A_617 = tpu.memref_slice %arg8[%dma_start3A_614, %dma_start3A_615, %dma_start3A_616] : memref<12x4x125xi32, #tpu.memory_space<vmem>> -> memref<1x1x125xi32, #tpu.memory_space<vmem>>
    %dma_start3A_618 = tpu.memref_squeeze %dma_start3A_617 : memref<1x1x125xi32, #tpu.memory_space<vmem>> -> memref<125xi32, #tpu.memory_space<vmem>>
    %dma_start3A_619 = arith.constant 0 : i32
    %dma_start3A_620 = arith.constant 0 : i32
    %dma_start3A_621 = tpu.memref_slice %arg4[%dma_start3A_619, %dma_start3A_620] : memref<50000x128xf32, #tpu.memory_space<hbm>> -> memref<50000x128xf32, #tpu.memory_space<hbm>>
    tpu.enqueue_indirect_dma source(%dma_start3A_621 : memref<50000x128xf32, #tpu.memory_space<hbm>>) target(%arg12 : memref<125x128xf32, #tpu.memory_space<vmem>>) offsets(%dma_start3A_618 : memref<125xi32, #tpu.memory_space<vmem>>) semaphore(%arg17 : memref<!tpu.dma_semaphore, #tpu.memory_space<semaphore_mem>>) {add = true}
    %dma_start3A_622 = arith.constant 8 : i32
    %dma_start3A_623 = arith.constant 2 : i32
    %dma_start3A_624 = arith.constant 0 : i32
    %dma_start3A_625 = tpu.memref_slice %arg8[%dma_start3A_622, %dma_start3A_623, %dma_start3A_624] : memref<12x4x125xi32, #tpu.memory_space<vmem>> -> memref<1x1x125xi32, #tpu.memory_space<vmem>>
    %dma_start3A_626 = tpu.memref_squeeze %dma_start3A_625 : memref<1x1x125xi32, #tpu.memory_space<vmem>> -> memref<125xi32, #tpu.memory_space<vmem>>
    %dma_start3A_627 = arith.constant 0 : i32
    %dma_start3A_628 = arith.constant 0 : i32
    %dma_start3A_629 = tpu.memref_slice %arg5[%dma_start3A_627, %dma_start3A_628] : memref<50000x128xf32, #tpu.memory_space<hbm>> -> memref<50000x128xf32, #tpu.memory_space<hbm>>
    tpu.enqueue_indirect_dma source(%dma_start3A_629 : memref<50000x128xf32, #tpu.memory_space<hbm>>) target(%arg12 : memref<125x128xf32, #tpu.memory_space<vmem>>) offsets(%dma_start3A_626 : memref<125xi32, #tpu.memory_space<vmem>>) semaphore(%arg17 : memref<!tpu.dma_semaphore, #tpu.memory_space<semaphore_mem>>) {add = true}
    %dma_start3A_630 = arith.constant 8 : i32
    %dma_start3A_631 = arith.constant 3 : i32
    %dma_start3A_632 = arith.constant 0 : i32
    %dma_start3A_633 = tpu.memref_slice %arg8[%dma_start3A_630, %dma_start3A_631, %dma_start3A_632] : memref<12x4x125xi32, #tpu.memory_space<vmem>> -> memref<1x1x125xi32, #tpu.memory_space<vmem>>
    %dma_start3A_634 = tpu.memref_squeeze %dma_start3A_633 : memref<1x1x125xi32, #tpu.memory_space<vmem>> -> memref<125xi32, #tpu.memory_space<vmem>>
    %dma_start3A_635 = arith.constant 0 : i32
    %dma_start3A_636 = arith.constant 0 : i32
    %dma_start3A_637 = tpu.memref_slice %arg6[%dma_start3A_635, %dma_start3A_636] : memref<50000x128xf32, #tpu.memory_space<hbm>> -> memref<50000x128xf32, #tpu.memory_space<hbm>>
    tpu.enqueue_indirect_dma source(%dma_start3A_637 : memref<50000x128xf32, #tpu.memory_space<hbm>>) target(%arg12 : memref<125x128xf32, #tpu.memory_space<vmem>>) offsets(%dma_start3A_634 : memref<125xi32, #tpu.memory_space<vmem>>) semaphore(%arg17 : memref<!tpu.dma_semaphore, #tpu.memory_space<semaphore_mem>>) {add = true}
    %dma_wait3A_638 = arith.constant 7 : i32
    %dma_wait3A_639 = arith.constant 1 : i32
    %dma_wait3A_640 = arith.constant 0 : i32
    %dma_wait3A_641 = tpu.memref_slice %arg8[%dma_wait3A_638, %dma_wait3A_639, %dma_wait3A_640] : memref<12x4x125xi32, #tpu.memory_space<vmem>> -> memref<1x1x125xi32, #tpu.memory_space<vmem>>
    %dma_wait3A_642 = tpu.memref_squeeze %dma_wait3A_641 : memref<1x1x125xi32, #tpu.memory_space<vmem>> -> memref<125xi32, #tpu.memory_space<vmem>>
    %dma_wait3A_643 = arith.constant 0 : i32
    %dma_wait3A_644 = arith.constant 0 : i32
    %dma_wait3A_645 = tpu.memref_slice %arg4[%dma_wait3A_643, %dma_wait3A_644] : memref<50000x128xf32, #tpu.memory_space<hbm>> -> memref<50000x128xf32, #tpu.memory_space<hbm>>
    tpu.wait_indirect_dma semaphore(%arg16 : memref<!tpu.dma_semaphore, #tpu.memory_space<semaphore_mem>>) src(%dma_wait3A_645 : memref<50000x128xf32, #tpu.memory_space<hbm>>) dst(%arg11 : memref<125x128xf32, #tpu.memory_space<vmem>>)
    %dma_wait3A_646 = arith.constant 7 : i32
    %dma_wait3A_647 = arith.constant 2 : i32
    %dma_wait3A_648 = arith.constant 0 : i32
    %dma_wait3A_649 = tpu.memref_slice %arg8[%dma_wait3A_646, %dma_wait3A_647, %dma_wait3A_648] : memref<12x4x125xi32, #tpu.memory_space<vmem>> -> memref<1x1x125xi32, #tpu.memory_space<vmem>>
    %dma_wait3A_650 = tpu.memref_squeeze %dma_wait3A_649 : memref<1x1x125xi32, #tpu.memory_space<vmem>> -> memref<125xi32, #tpu.memory_space<vmem>>
    %dma_wait3A_651 = arith.constant 0 : i32
    %dma_wait3A_652 = arith.constant 0 : i32
    %dma_wait3A_653 = tpu.memref_slice %arg5[%dma_wait3A_651, %dma_wait3A_652] : memref<50000x128xf32, #tpu.memory_space<hbm>> -> memref<50000x128xf32, #tpu.memory_space<hbm>>
    tpu.wait_indirect_dma semaphore(%arg16 : memref<!tpu.dma_semaphore, #tpu.memory_space<semaphore_mem>>) src(%dma_wait3A_653 : memref<50000x128xf32, #tpu.memory_space<hbm>>) dst(%arg11 : memref<125x128xf32, #tpu.memory_space<vmem>>)
    %dma_wait3A_654 = arith.constant 7 : i32
    %dma_wait3A_655 = arith.constant 3 : i32
    %dma_wait3A_656 = arith.constant 0 : i32
    %dma_wait3A_657 = tpu.memref_slice %arg8[%dma_wait3A_654, %dma_wait3A_655, %dma_wait3A_656] : memref<12x4x125xi32, #tpu.memory_space<vmem>> -> memref<1x1x125xi32, #tpu.memory_space<vmem>>
    %dma_wait3A_658 = tpu.memref_squeeze %dma_wait3A_657 : memref<1x1x125xi32, #tpu.memory_space<vmem>> -> memref<125xi32, #tpu.memory_space<vmem>>
    %dma_wait3A_659 = arith.constant 0 : i32
    %dma_wait3A_660 = arith.constant 0 : i32
    %dma_wait3A_661 = tpu.memref_slice %arg6[%dma_wait3A_659, %dma_wait3A_660] : memref<50000x128xf32, #tpu.memory_space<hbm>> -> memref<50000x128xf32, #tpu.memory_space<hbm>>
    tpu.wait_indirect_dma semaphore(%arg16 : memref<!tpu.dma_semaphore, #tpu.memory_space<semaphore_mem>>) src(%dma_wait3A_661 : memref<50000x128xf32, #tpu.memory_space<hbm>>) dst(%arg11 : memref<125x128xf32, #tpu.memory_space<vmem>>)
    %sub3A_662 = arith.constant 0 : i32
    %sub3A_663 = arith.subi %add3A_4, %sub3A_662 : i32
    %add3A_664 = arith.constant 7 : i32
    %add3A_665 = arith.addi %sub3A_663, %add3A_664 : i32
    %mul3A_666 = arith.constant 125 : i32
    %mul3A_667 = arith.muli %add3A_665, %mul3A_666 : i32
    %dma_start3A_668 = arith.constant 0 : i32
    %dma_start3A_669 = tpu.memref_slice %arg7[%mul3A_667, %dma_start3A_668] : memref<100000x128xf32, #tpu.memory_space<hbm>> -> memref<125x128xf32, #tpu.memory_space<hbm>>
    %dma_start3A_670 = arith.constant 0 : i32
    %dma_start3A_671 = tpu.memref_slice %arg7[%mul3A_667, %dma_start3A_670] : memref<100000x128xf32, #tpu.memory_space<hbm>> -> memref<125x128xf32, #tpu.memory_space<hbm>>
    tpu.enqueue_dma source(%arg11 : memref<125x128xf32, #tpu.memory_space<vmem>>) target(%dma_start3A_671 : memref<125x128xf32, #tpu.memory_space<hbm>>) target_semaphore(%arg21 : memref<!tpu.dma_semaphore, #tpu.memory_space<semaphore_mem>>)
    %dma_wait3A_672 = arith.constant 0 : i32
    %dma_wait3A_673 = arith.constant 0 : i32
    %dma_wait3A_674 = tpu.memref_slice %arg7[%dma_wait3A_672, %dma_wait3A_673] : memref<100000x128xf32, #tpu.memory_space<hbm>> -> memref<125x128xf32, #tpu.memory_space<hbm>>
    %dma_wait3A_675 = arith.constant 0 : i32
    %dma_wait3A_676 = arith.constant 0 : i32
    %dma_wait3A_677 = tpu.memref_slice %arg7[%dma_wait3A_675, %dma_wait3A_676] : memref<100000x128xf32, #tpu.memory_space<hbm>> -> memref<125x128xf32, #tpu.memory_space<hbm>>
    tpu.wait_dma2 semaphore(%arg19 : memref<!tpu.dma_semaphore, #tpu.memory_space<semaphore_mem>>) src(%arg9 : memref<125x128xf32, #tpu.memory_space<vmem>>) dst(%dma_wait3A_677 : memref<125x128xf32, #tpu.memory_space<hbm>>)
    %dma_start3A_678 = arith.constant 10 : i32
    %dma_start3A_679 = arith.constant 0 : i32
    %dma_start3A_680 = arith.constant 0 : i32
    %dma_start3A_681 = tpu.memref_slice %arg8[%dma_start3A_678, %dma_start3A_679, %dma_start3A_680] : memref<12x4x125xi32, #tpu.memory_space<vmem>> -> memref<1x1x125xi32, #tpu.memory_space<vmem>>
    %dma_start3A_682 = tpu.memref_squeeze %dma_start3A_681 : memref<1x1x125xi32, #tpu.memory_space<vmem>> -> memref<125xi32, #tpu.memory_space<vmem>>
    %dma_start3A_683 = arith.constant 0 : i32
    %dma_start3A_684 = arith.constant 0 : i32
    %dma_start3A_685 = tpu.memref_slice %arg3[%dma_start3A_683, %dma_start3A_684] : memref<50000x128xf32, #tpu.memory_space<hbm>> -> memref<50000x128xf32, #tpu.memory_space<hbm>>
    tpu.enqueue_indirect_dma source(%dma_start3A_685 : memref<50000x128xf32, #tpu.memory_space<hbm>>) target(%arg9 : memref<125x128xf32, #tpu.memory_space<vmem>>) offsets(%dma_start3A_682 : memref<125xi32, #tpu.memory_space<vmem>>) semaphore(%arg14 : memref<!tpu.dma_semaphore, #tpu.memory_space<semaphore_mem>>)
    %dma_wait3A_686 = arith.constant 9 : i32
    %dma_wait3A_687 = arith.constant 0 : i32
    %dma_wait3A_688 = arith.constant 0 : i32
    %dma_wait3A_689 = tpu.memref_slice %arg8[%dma_wait3A_686, %dma_wait3A_687, %dma_wait3A_688] : memref<12x4x125xi32, #tpu.memory_space<vmem>> -> memref<1x1x125xi32, #tpu.memory_space<vmem>>
    %dma_wait3A_690 = tpu.memref_squeeze %dma_wait3A_689 : memref<1x1x125xi32, #tpu.memory_space<vmem>> -> memref<125xi32, #tpu.memory_space<vmem>>
    %dma_wait3A_691 = arith.constant 0 : i32
    %dma_wait3A_692 = arith.constant 0 : i32
    %dma_wait3A_693 = tpu.memref_slice %arg3[%dma_wait3A_691, %dma_wait3A_692] : memref<50000x128xf32, #tpu.memory_space<hbm>> -> memref<50000x128xf32, #tpu.memory_space<hbm>>
    tpu.wait_indirect_dma semaphore(%arg18 : memref<!tpu.dma_semaphore, #tpu.memory_space<semaphore_mem>>) src(%dma_wait3A_693 : memref<50000x128xf32, #tpu.memory_space<hbm>>) dst(%arg13 : memref<125x128xf32, #tpu.memory_space<vmem>>)
    %dma_start3A_694 = arith.constant 9 : i32
    %dma_start3A_695 = arith.constant 1 : i32
    %dma_start3A_696 = arith.constant 0 : i32
    %dma_start3A_697 = tpu.memref_slice %arg8[%dma_start3A_694, %dma_start3A_695, %dma_start3A_696] : memref<12x4x125xi32, #tpu.memory_space<vmem>> -> memref<1x1x125xi32, #tpu.memory_space<vmem>>
    %dma_start3A_698 = tpu.memref_squeeze %dma_start3A_697 : memref<1x1x125xi32, #tpu.memory_space<vmem>> -> memref<125xi32, #tpu.memory_space<vmem>>
    %dma_start3A_699 = arith.constant 0 : i32
    %dma_start3A_700 = arith.constant 0 : i32
    %dma_start3A_701 = tpu.memref_slice %arg4[%dma_start3A_699, %dma_start3A_700] : memref<50000x128xf32, #tpu.memory_space<hbm>> -> memref<50000x128xf32, #tpu.memory_space<hbm>>
    tpu.enqueue_indirect_dma source(%dma_start3A_701 : memref<50000x128xf32, #tpu.memory_space<hbm>>) target(%arg13 : memref<125x128xf32, #tpu.memory_space<vmem>>) offsets(%dma_start3A_698 : memref<125xi32, #tpu.memory_space<vmem>>) semaphore(%arg18 : memref<!tpu.dma_semaphore, #tpu.memory_space<semaphore_mem>>) {add = true}
    %dma_start3A_702 = arith.constant 9 : i32
    %dma_start3A_703 = arith.constant 2 : i32
    %dma_start3A_704 = arith.constant 0 : i32
    %dma_start3A_705 = tpu.memref_slice %arg8[%dma_start3A_702, %dma_start3A_703, %dma_start3A_704] : memref<12x4x125xi32, #tpu.memory_space<vmem>> -> memref<1x1x125xi32, #tpu.memory_space<vmem>>
    %dma_start3A_706 = tpu.memref_squeeze %dma_start3A_705 : memref<1x1x125xi32, #tpu.memory_space<vmem>> -> memref<125xi32, #tpu.memory_space<vmem>>
    %dma_start3A_707 = arith.constant 0 : i32
    %dma_start3A_708 = arith.constant 0 : i32
    %dma_start3A_709 = tpu.memref_slice %arg5[%dma_start3A_707, %dma_start3A_708] : memref<50000x128xf32, #tpu.memory_space<hbm>> -> memref<50000x128xf32, #tpu.memory_space<hbm>>
    tpu.enqueue_indirect_dma source(%dma_start3A_709 : memref<50000x128xf32, #tpu.memory_space<hbm>>) target(%arg13 : memref<125x128xf32, #tpu.memory_space<vmem>>) offsets(%dma_start3A_706 : memref<125xi32, #tpu.memory_space<vmem>>) semaphore(%arg18 : memref<!tpu.dma_semaphore, #tpu.memory_space<semaphore_mem>>) {add = true}
    %dma_start3A_710 = arith.constant 9 : i32
    %dma_start3A_711 = arith.constant 3 : i32
    %dma_start3A_712 = arith.constant 0 : i32
    %dma_start3A_713 = tpu.memref_slice %arg8[%dma_start3A_710, %dma_start3A_711, %dma_start3A_712] : memref<12x4x125xi32, #tpu.memory_space<vmem>> -> memref<1x1x125xi32, #tpu.memory_space<vmem>>
    %dma_start3A_714 = tpu.memref_squeeze %dma_start3A_713 : memref<1x1x125xi32, #tpu.memory_space<vmem>> -> memref<125xi32, #tpu.memory_space<vmem>>
    %dma_start3A_715 = arith.constant 0 : i32
    %dma_start3A_716 = arith.constant 0 : i32
    %dma_start3A_717 = tpu.memref_slice %arg6[%dma_start3A_715, %dma_start3A_716] : memref<50000x128xf32, #tpu.memory_space<hbm>> -> memref<50000x128xf32, #tpu.memory_space<hbm>>
    tpu.enqueue_indirect_dma source(%dma_start3A_717 : memref<50000x128xf32, #tpu.memory_space<hbm>>) target(%arg13 : memref<125x128xf32, #tpu.memory_space<vmem>>) offsets(%dma_start3A_714 : memref<125xi32, #tpu.memory_space<vmem>>) semaphore(%arg18 : memref<!tpu.dma_semaphore, #tpu.memory_space<semaphore_mem>>) {add = true}
    %dma_wait3A_718 = arith.constant 8 : i32
    %dma_wait3A_719 = arith.constant 1 : i32
    %dma_wait3A_720 = arith.constant 0 : i32
    %dma_wait3A_721 = tpu.memref_slice %arg8[%dma_wait3A_718, %dma_wait3A_719, %dma_wait3A_720] : memref<12x4x125xi32, #tpu.memory_space<vmem>> -> memref<1x1x125xi32, #tpu.memory_space<vmem>>
    %dma_wait3A_722 = tpu.memref_squeeze %dma_wait3A_721 : memref<1x1x125xi32, #tpu.memory_space<vmem>> -> memref<125xi32, #tpu.memory_space<vmem>>
    %dma_wait3A_723 = arith.constant 0 : i32
    %dma_wait3A_724 = arith.constant 0 : i32
    %dma_wait3A_725 = tpu.memref_slice %arg4[%dma_wait3A_723, %dma_wait3A_724] : memref<50000x128xf32, #tpu.memory_space<hbm>> -> memref<50000x128xf32, #tpu.memory_space<hbm>>
    tpu.wait_indirect_dma semaphore(%arg17 : memref<!tpu.dma_semaphore, #tpu.memory_space<semaphore_mem>>) src(%dma_wait3A_725 : memref<50000x128xf32, #tpu.memory_space<hbm>>) dst(%arg12 : memref<125x128xf32, #tpu.memory_space<vmem>>)
    %dma_wait3A_726 = arith.constant 8 : i32
    %dma_wait3A_727 = arith.constant 2 : i32
    %dma_wait3A_728 = arith.constant 0 : i32
    %dma_wait3A_729 = tpu.memref_slice %arg8[%dma_wait3A_726, %dma_wait3A_727, %dma_wait3A_728] : memref<12x4x125xi32, #tpu.memory_space<vmem>> -> memref<1x1x125xi32, #tpu.memory_space<vmem>>
    %dma_wait3A_730 = tpu.memref_squeeze %dma_wait3A_729 : memref<1x1x125xi32, #tpu.memory_space<vmem>> -> memref<125xi32, #tpu.memory_space<vmem>>
    %dma_wait3A_731 = arith.constant 0 : i32
    %dma_wait3A_732 = arith.constant 0 : i32
    %dma_wait3A_733 = tpu.memref_slice %arg5[%dma_wait3A_731, %dma_wait3A_732] : memref<50000x128xf32, #tpu.memory_space<hbm>> -> memref<50000x128xf32, #tpu.memory_space<hbm>>
    tpu.wait_indirect_dma semaphore(%arg17 : memref<!tpu.dma_semaphore, #tpu.memory_space<semaphore_mem>>) src(%dma_wait3A_733 : memref<50000x128xf32, #tpu.memory_space<hbm>>) dst(%arg12 : memref<125x128xf32, #tpu.memory_space<vmem>>)
    %dma_wait3A_734 = arith.constant 8 : i32
    %dma_wait3A_735 = arith.constant 3 : i32
    %dma_wait3A_736 = arith.constant 0 : i32
    %dma_wait3A_737 = tpu.memref_slice %arg8[%dma_wait3A_734, %dma_wait3A_735, %dma_wait3A_736] : memref<12x4x125xi32, #tpu.memory_space<vmem>> -> memref<1x1x125xi32, #tpu.memory_space<vmem>>
    %dma_wait3A_738 = tpu.memref_squeeze %dma_wait3A_737 : memref<1x1x125xi32, #tpu.memory_space<vmem>> -> memref<125xi32, #tpu.memory_space<vmem>>
    %dma_wait3A_739 = arith.constant 0 : i32
    %dma_wait3A_740 = arith.constant 0 : i32
    %dma_wait3A_741 = tpu.memref_slice %arg6[%dma_wait3A_739, %dma_wait3A_740] : memref<50000x128xf32, #tpu.memory_space<hbm>> -> memref<50000x128xf32, #tpu.memory_space<hbm>>
    tpu.wait_indirect_dma semaphore(%arg17 : memref<!tpu.dma_semaphore, #tpu.memory_space<semaphore_mem>>) src(%dma_wait3A_741 : memref<50000x128xf32, #tpu.memory_space<hbm>>) dst(%arg12 : memref<125x128xf32, #tpu.memory_space<vmem>>)
    %sub3A_742 = arith.constant 0 : i32
    %sub3A_743 = arith.subi %add3A_4, %sub3A_742 : i32
    %add3A_744 = arith.constant 8 : i32
    %add3A_745 = arith.addi %sub3A_743, %add3A_744 : i32
    %mul3A_746 = arith.constant 125 : i32
    %mul3A_747 = arith.muli %add3A_745, %mul3A_746 : i32
    %dma_start3A_748 = arith.constant 0 : i32
    %dma_start3A_749 = tpu.memref_slice %arg7[%mul3A_747, %dma_start3A_748] : memref<100000x128xf32, #tpu.memory_space<hbm>> -> memref<125x128xf32, #tpu.memory_space<hbm>>
    %dma_start3A_750 = arith.constant 0 : i32
    %dma_start3A_751 = tpu.memref_slice %arg7[%mul3A_747, %dma_start3A_750] : memref<100000x128xf32, #tpu.memory_space<hbm>> -> memref<125x128xf32, #tpu.memory_space<hbm>>
    tpu.enqueue_dma source(%arg12 : memref<125x128xf32, #tpu.memory_space<vmem>>) target(%dma_start3A_751 : memref<125x128xf32, #tpu.memory_space<hbm>>) target_semaphore(%arg22 : memref<!tpu.dma_semaphore, #tpu.memory_space<semaphore_mem>>)
    %dma_wait3A_752 = arith.constant 0 : i32
    %dma_wait3A_753 = arith.constant 0 : i32
    %dma_wait3A_754 = tpu.memref_slice %arg7[%dma_wait3A_752, %dma_wait3A_753] : memref<100000x128xf32, #tpu.memory_space<hbm>> -> memref<125x128xf32, #tpu.memory_space<hbm>>
    %dma_wait3A_755 = arith.constant 0 : i32
    %dma_wait3A_756 = arith.constant 0 : i32
    %dma_wait3A_757 = tpu.memref_slice %arg7[%dma_wait3A_755, %dma_wait3A_756] : memref<100000x128xf32, #tpu.memory_space<hbm>> -> memref<125x128xf32, #tpu.memory_space<hbm>>
    tpu.wait_dma2 semaphore(%arg20 : memref<!tpu.dma_semaphore, #tpu.memory_space<semaphore_mem>>) src(%arg10 : memref<125x128xf32, #tpu.memory_space<vmem>>) dst(%dma_wait3A_757 : memref<125x128xf32, #tpu.memory_space<hbm>>)
    %dma_start3A_758 = arith.constant 11 : i32
    %dma_start3A_759 = arith.constant 0 : i32
    %dma_start3A_760 = arith.constant 0 : i32
    %dma_start3A_761 = tpu.memref_slice %arg8[%dma_start3A_758, %dma_start3A_759, %dma_start3A_760] : memref<12x4x125xi32, #tpu.memory_space<vmem>> -> memref<1x1x125xi32, #tpu.memory_space<vmem>>
    %dma_start3A_762 = tpu.memref_squeeze %dma_start3A_761 : memref<1x1x125xi32, #tpu.memory_space<vmem>> -> memref<125xi32, #tpu.memory_space<vmem>>
    %dma_start3A_763 = arith.constant 0 : i32
    %dma_start3A_764 = arith.constant 0 : i32
    %dma_start3A_765 = tpu.memref_slice %arg3[%dma_start3A_763, %dma_start3A_764] : memref<50000x128xf32, #tpu.memory_space<hbm>> -> memref<50000x128xf32, #tpu.memory_space<hbm>>
    tpu.enqueue_indirect_dma source(%dma_start3A_765 : memref<50000x128xf32, #tpu.memory_space<hbm>>) target(%arg10 : memref<125x128xf32, #tpu.memory_space<vmem>>) offsets(%dma_start3A_762 : memref<125xi32, #tpu.memory_space<vmem>>) semaphore(%arg15 : memref<!tpu.dma_semaphore, #tpu.memory_space<semaphore_mem>>)
    %dma_wait3A_766 = arith.constant 10 : i32
    %dma_wait3A_767 = arith.constant 0 : i32
    %dma_wait3A_768 = arith.constant 0 : i32
    %dma_wait3A_769 = tpu.memref_slice %arg8[%dma_wait3A_766, %dma_wait3A_767, %dma_wait3A_768] : memref<12x4x125xi32, #tpu.memory_space<vmem>> -> memref<1x1x125xi32, #tpu.memory_space<vmem>>
    %dma_wait3A_770 = tpu.memref_squeeze %dma_wait3A_769 : memref<1x1x125xi32, #tpu.memory_space<vmem>> -> memref<125xi32, #tpu.memory_space<vmem>>
    %dma_wait3A_771 = arith.constant 0 : i32
    %dma_wait3A_772 = arith.constant 0 : i32
    %dma_wait3A_773 = tpu.memref_slice %arg3[%dma_wait3A_771, %dma_wait3A_772] : memref<50000x128xf32, #tpu.memory_space<hbm>> -> memref<50000x128xf32, #tpu.memory_space<hbm>>
    tpu.wait_indirect_dma semaphore(%arg14 : memref<!tpu.dma_semaphore, #tpu.memory_space<semaphore_mem>>) src(%dma_wait3A_773 : memref<50000x128xf32, #tpu.memory_space<hbm>>) dst(%arg9 : memref<125x128xf32, #tpu.memory_space<vmem>>)
    %dma_start3A_774 = arith.constant 10 : i32
    %dma_start3A_775 = arith.constant 1 : i32
    %dma_start3A_776 = arith.constant 0 : i32
    %dma_start3A_777 = tpu.memref_slice %arg8[%dma_start3A_774, %dma_start3A_775, %dma_start3A_776] : memref<12x4x125xi32, #tpu.memory_space<vmem>> -> memref<1x1x125xi32, #tpu.memory_space<vmem>>
    %dma_start3A_778 = tpu.memref_squeeze %dma_start3A_777 : memref<1x1x125xi32, #tpu.memory_space<vmem>> -> memref<125xi32, #tpu.memory_space<vmem>>
    %dma_start3A_779 = arith.constant 0 : i32
    %dma_start3A_780 = arith.constant 0 : i32
    %dma_start3A_781 = tpu.memref_slice %arg4[%dma_start3A_779, %dma_start3A_780] : memref<50000x128xf32, #tpu.memory_space<hbm>> -> memref<50000x128xf32, #tpu.memory_space<hbm>>
    tpu.enqueue_indirect_dma source(%dma_start3A_781 : memref<50000x128xf32, #tpu.memory_space<hbm>>) target(%arg9 : memref<125x128xf32, #tpu.memory_space<vmem>>) offsets(%dma_start3A_778 : memref<125xi32, #tpu.memory_space<vmem>>) semaphore(%arg14 : memref<!tpu.dma_semaphore, #tpu.memory_space<semaphore_mem>>) {add = true}
    %dma_start3A_782 = arith.constant 10 : i32
    %dma_start3A_783 = arith.constant 2 : i32
    %dma_start3A_784 = arith.constant 0 : i32
    %dma_start3A_785 = tpu.memref_slice %arg8[%dma_start3A_782, %dma_start3A_783, %dma_start3A_784] : memref<12x4x125xi32, #tpu.memory_space<vmem>> -> memref<1x1x125xi32, #tpu.memory_space<vmem>>
    %dma_start3A_786 = tpu.memref_squeeze %dma_start3A_785 : memref<1x1x125xi32, #tpu.memory_space<vmem>> -> memref<125xi32, #tpu.memory_space<vmem>>
    %dma_start3A_787 = arith.constant 0 : i32
    %dma_start3A_788 = arith.constant 0 : i32
    %dma_start3A_789 = tpu.memref_slice %arg5[%dma_start3A_787, %dma_start3A_788] : memref<50000x128xf32, #tpu.memory_space<hbm>> -> memref<50000x128xf32, #tpu.memory_space<hbm>>
    tpu.enqueue_indirect_dma source(%dma_start3A_789 : memref<50000x128xf32, #tpu.memory_space<hbm>>) target(%arg9 : memref<125x128xf32, #tpu.memory_space<vmem>>) offsets(%dma_start3A_786 : memref<125xi32, #tpu.memory_space<vmem>>) semaphore(%arg14 : memref<!tpu.dma_semaphore, #tpu.memory_space<semaphore_mem>>) {add = true}
    %dma_start3A_790 = arith.constant 10 : i32
    %dma_start3A_791 = arith.constant 3 : i32
    %dma_start3A_792 = arith.constant 0 : i32
    %dma_start3A_793 = tpu.memref_slice %arg8[%dma_start3A_790, %dma_start3A_791, %dma_start3A_792] : memref<12x4x125xi32, #tpu.memory_space<vmem>> -> memref<1x1x125xi32, #tpu.memory_space<vmem>>
    %dma_start3A_794 = tpu.memref_squeeze %dma_start3A_793 : memref<1x1x125xi32, #tpu.memory_space<vmem>> -> memref<125xi32, #tpu.memory_space<vmem>>
    %dma_start3A_795 = arith.constant 0 : i32
    %dma_start3A_796 = arith.constant 0 : i32
    %dma_start3A_797 = tpu.memref_slice %arg6[%dma_start3A_795, %dma_start3A_796] : memref<50000x128xf32, #tpu.memory_space<hbm>> -> memref<50000x128xf32, #tpu.memory_space<hbm>>
    tpu.enqueue_indirect_dma source(%dma_start3A_797 : memref<50000x128xf32, #tpu.memory_space<hbm>>) target(%arg9 : memref<125x128xf32, #tpu.memory_space<vmem>>) offsets(%dma_start3A_794 : memref<125xi32, #tpu.memory_space<vmem>>) semaphore(%arg14 : memref<!tpu.dma_semaphore, #tpu.memory_space<semaphore_mem>>) {add = true}
    %dma_wait3A_798 = arith.constant 9 : i32
    %dma_wait3A_799 = arith.constant 1 : i32
    %dma_wait3A_800 = arith.constant 0 : i32
    %dma_wait3A_801 = tpu.memref_slice %arg8[%dma_wait3A_798, %dma_wait3A_799, %dma_wait3A_800] : memref<12x4x125xi32, #tpu.memory_space<vmem>> -> memref<1x1x125xi32, #tpu.memory_space<vmem>>
    %dma_wait3A_802 = tpu.memref_squeeze %dma_wait3A_801 : memref<1x1x125xi32, #tpu.memory_space<vmem>> -> memref<125xi32, #tpu.memory_space<vmem>>
    %dma_wait3A_803 = arith.constant 0 : i32
    %dma_wait3A_804 = arith.constant 0 : i32
    %dma_wait3A_805 = tpu.memref_slice %arg4[%dma_wait3A_803, %dma_wait3A_804] : memref<50000x128xf32, #tpu.memory_space<hbm>> -> memref<50000x128xf32, #tpu.memory_space<hbm>>
    tpu.wait_indirect_dma semaphore(%arg18 : memref<!tpu.dma_semaphore, #tpu.memory_space<semaphore_mem>>) src(%dma_wait3A_805 : memref<50000x128xf32, #tpu.memory_space<hbm>>) dst(%arg13 : memref<125x128xf32, #tpu.memory_space<vmem>>)
    %dma_wait3A_806 = arith.constant 9 : i32
    %dma_wait3A_807 = arith.constant 2 : i32
    %dma_wait3A_808 = arith.constant 0 : i32
    %dma_wait3A_809 = tpu.memref_slice %arg8[%dma_wait3A_806, %dma_wait3A_807, %dma_wait3A_808] : memref<12x4x125xi32, #tpu.memory_space<vmem>> -> memref<1x1x125xi32, #tpu.memory_space<vmem>>
    %dma_wait3A_810 = tpu.memref_squeeze %dma_wait3A_809 : memref<1x1x125xi32, #tpu.memory_space<vmem>> -> memref<125xi32, #tpu.memory_space<vmem>>
    %dma_wait3A_811 = arith.constant 0 : i32
    %dma_wait3A_812 = arith.constant 0 : i32
    %dma_wait3A_813 = tpu.memref_slice %arg5[%dma_wait3A_811, %dma_wait3A_812] : memref<50000x128xf32, #tpu.memory_space<hbm>> -> memref<50000x128xf32, #tpu.memory_space<hbm>>
    tpu.wait_indirect_dma semaphore(%arg18 : memref<!tpu.dma_semaphore, #tpu.memory_space<semaphore_mem>>) src(%dma_wait3A_813 : memref<50000x128xf32, #tpu.memory_space<hbm>>) dst(%arg13 : memref<125x128xf32, #tpu.memory_space<vmem>>)
    %dma_wait3A_814 = arith.constant 9 : i32
    %dma_wait3A_815 = arith.constant 3 : i32
    %dma_wait3A_816 = arith.constant 0 : i32
    %dma_wait3A_817 = tpu.memref_slice %arg8[%dma_wait3A_814, %dma_wait3A_815, %dma_wait3A_816] : memref<12x4x125xi32, #tpu.memory_space<vmem>> -> memref<1x1x125xi32, #tpu.memory_space<vmem>>
    %dma_wait3A_818 = tpu.memref_squeeze %dma_wait3A_817 : memref<1x1x125xi32, #tpu.memory_space<vmem>> -> memref<125xi32, #tpu.memory_space<vmem>>
    %dma_wait3A_819 = arith.constant 0 : i32
    %dma_wait3A_820 = arith.constant 0 : i32
    %dma_wait3A_821 = tpu.memref_slice %arg6[%dma_wait3A_819, %dma_wait3A_820] : memref<50000x128xf32, #tpu.memory_space<hbm>> -> memref<50000x128xf32, #tpu.memory_space<hbm>>
    tpu.wait_indirect_dma semaphore(%arg18 : memref<!tpu.dma_semaphore, #tpu.memory_space<semaphore_mem>>) src(%dma_wait3A_821 : memref<50000x128xf32, #tpu.memory_space<hbm>>) dst(%arg13 : memref<125x128xf32, #tpu.memory_space<vmem>>)
    %sub3A_822 = arith.constant 0 : i32
    %sub3A_823 = arith.subi %add3A_4, %sub3A_822 : i32
    %add3A_824 = arith.constant 9 : i32
    %add3A_825 = arith.addi %sub3A_823, %add3A_824 : i32
    %mul3A_826 = arith.constant 125 : i32
    %mul3A_827 = arith.muli %add3A_825, %mul3A_826 : i32
    %dma_start3A_828 = arith.constant 0 : i32
    %dma_start3A_829 = tpu.memref_slice %arg7[%mul3A_827, %dma_start3A_828] : memref<100000x128xf32, #tpu.memory_space<hbm>> -> memref<125x128xf32, #tpu.memory_space<hbm>>
    %dma_start3A_830 = arith.constant 0 : i32
    %dma_start3A_831 = tpu.memref_slice %arg7[%mul3A_827, %dma_start3A_830] : memref<100000x128xf32, #tpu.memory_space<hbm>> -> memref<125x128xf32, #tpu.memory_space<hbm>>
    tpu.enqueue_dma source(%arg13 : memref<125x128xf32, #tpu.memory_space<vmem>>) target(%dma_start3A_831 : memref<125x128xf32, #tpu.memory_space<hbm>>) target_semaphore(%arg23 : memref<!tpu.dma_semaphore, #tpu.memory_space<semaphore_mem>>)
    %dma_wait3A_832 = arith.constant 11 : i32
    %dma_wait3A_833 = arith.constant 0 : i32
    %dma_wait3A_834 = arith.constant 0 : i32
    %dma_wait3A_835 = tpu.memref_slice %arg8[%dma_wait3A_832, %dma_wait3A_833, %dma_wait3A_834] : memref<12x4x125xi32, #tpu.memory_space<vmem>> -> memref<1x1x125xi32, #tpu.memory_space<vmem>>
    %dma_wait3A_836 = tpu.memref_squeeze %dma_wait3A_835 : memref<1x1x125xi32, #tpu.memory_space<vmem>> -> memref<125xi32, #tpu.memory_space<vmem>>
    %dma_wait3A_837 = arith.constant 0 : i32
    %dma_wait3A_838 = arith.constant 0 : i32
    %dma_wait3A_839 = tpu.memref_slice %arg3[%dma_wait3A_837, %dma_wait3A_838] : memref<50000x128xf32, #tpu.memory_space<hbm>> -> memref<50000x128xf32, #tpu.memory_space<hbm>>
    tpu.wait_indirect_dma semaphore(%arg15 : memref<!tpu.dma_semaphore, #tpu.memory_space<semaphore_mem>>) src(%dma_wait3A_839 : memref<50000x128xf32, #tpu.memory_space<hbm>>) dst(%arg10 : memref<125x128xf32, #tpu.memory_space<vmem>>)
    %dma_start3A_840 = arith.constant 11 : i32
    %dma_start3A_841 = arith.constant 1 : i32
    %dma_start3A_842 = arith.constant 0 : i32
    %dma_start3A_843 = tpu.memref_slice %arg8[%dma_start3A_840, %dma_start3A_841, %dma_start3A_842] : memref<12x4x125xi32, #tpu.memory_space<vmem>> -> memref<1x1x125xi32, #tpu.memory_space<vmem>>
    %dma_start3A_844 = tpu.memref_squeeze %dma_start3A_843 : memref<1x1x125xi32, #tpu.memory_space<vmem>> -> memref<125xi32, #tpu.memory_space<vmem>>
    %dma_start3A_845 = arith.constant 0 : i32
    %dma_start3A_846 = arith.constant 0 : i32
    %dma_start3A_847 = tpu.memref_slice %arg4[%dma_start3A_845, %dma_start3A_846] : memref<50000x128xf32, #tpu.memory_space<hbm>> -> memref<50000x128xf32, #tpu.memory_space<hbm>>
    tpu.enqueue_indirect_dma source(%dma_start3A_847 : memref<50000x128xf32, #tpu.memory_space<hbm>>) target(%arg10 : memref<125x128xf32, #tpu.memory_space<vmem>>) offsets(%dma_start3A_844 : memref<125xi32, #tpu.memory_space<vmem>>) semaphore(%arg15 : memref<!tpu.dma_semaphore, #tpu.memory_space<semaphore_mem>>) {add = true}
    %dma_start3A_848 = arith.constant 11 : i32
    %dma_start3A_849 = arith.constant 2 : i32
    %dma_start3A_850 = arith.constant 0 : i32
    %dma_start3A_851 = tpu.memref_slice %arg8[%dma_start3A_848, %dma_start3A_849, %dma_start3A_850] : memref<12x4x125xi32, #tpu.memory_space<vmem>> -> memref<1x1x125xi32, #tpu.memory_space<vmem>>
    %dma_start3A_852 = tpu.memref_squeeze %dma_start3A_851 : memref<1x1x125xi32, #tpu.memory_space<vmem>> -> memref<125xi32, #tpu.memory_space<vmem>>
    %dma_start3A_853 = arith.constant 0 : i32
    %dma_start3A_854 = arith.constant 0 : i32
    %dma_start3A_855 = tpu.memref_slice %arg5[%dma_start3A_853, %dma_start3A_854] : memref<50000x128xf32, #tpu.memory_space<hbm>> -> memref<50000x128xf32, #tpu.memory_space<hbm>>
    tpu.enqueue_indirect_dma source(%dma_start3A_855 : memref<50000x128xf32, #tpu.memory_space<hbm>>) target(%arg10 : memref<125x128xf32, #tpu.memory_space<vmem>>) offsets(%dma_start3A_852 : memref<125xi32, #tpu.memory_space<vmem>>) semaphore(%arg15 : memref<!tpu.dma_semaphore, #tpu.memory_space<semaphore_mem>>) {add = true}
    %dma_start3A_856 = arith.constant 11 : i32
    %dma_start3A_857 = arith.constant 3 : i32
    %dma_start3A_858 = arith.constant 0 : i32
    %dma_start3A_859 = tpu.memref_slice %arg8[%dma_start3A_856, %dma_start3A_857, %dma_start3A_858] : memref<12x4x125xi32, #tpu.memory_space<vmem>> -> memref<1x1x125xi32, #tpu.memory_space<vmem>>
    %dma_start3A_860 = tpu.memref_squeeze %dma_start3A_859 : memref<1x1x125xi32, #tpu.memory_space<vmem>> -> memref<125xi32, #tpu.memory_space<vmem>>
    %dma_start3A_861 = arith.constant 0 : i32
    %dma_start3A_862 = arith.constant 0 : i32
    %dma_start3A_863 = tpu.memref_slice %arg6[%dma_start3A_861, %dma_start3A_862] : memref<50000x128xf32, #tpu.memory_space<hbm>> -> memref<50000x128xf32, #tpu.memory_space<hbm>>
    tpu.enqueue_indirect_dma source(%dma_start3A_863 : memref<50000x128xf32, #tpu.memory_space<hbm>>) target(%arg10 : memref<125x128xf32, #tpu.memory_space<vmem>>) offsets(%dma_start3A_860 : memref<125xi32, #tpu.memory_space<vmem>>) semaphore(%arg15 : memref<!tpu.dma_semaphore, #tpu.memory_space<semaphore_mem>>) {add = true}
    %dma_wait3A_864 = arith.constant 10 : i32
    %dma_wait3A_865 = arith.constant 1 : i32
    %dma_wait3A_866 = arith.constant 0 : i32
    %dma_wait3A_867 = tpu.memref_slice %arg8[%dma_wait3A_864, %dma_wait3A_865, %dma_wait3A_866] : memref<12x4x125xi32, #tpu.memory_space<vmem>> -> memref<1x1x125xi32, #tpu.memory_space<vmem>>
    %dma_wait3A_868 = tpu.memref_squeeze %dma_wait3A_867 : memref<1x1x125xi32, #tpu.memory_space<vmem>> -> memref<125xi32, #tpu.memory_space<vmem>>
    %dma_wait3A_869 = arith.constant 0 : i32
    %dma_wait3A_870 = arith.constant 0 : i32
    %dma_wait3A_871 = tpu.memref_slice %arg4[%dma_wait3A_869, %dma_wait3A_870] : memref<50000x128xf32, #tpu.memory_space<hbm>> -> memref<50000x128xf32, #tpu.memory_space<hbm>>
    tpu.wait_indirect_dma semaphore(%arg14 : memref<!tpu.dma_semaphore, #tpu.memory_space<semaphore_mem>>) src(%dma_wait3A_871 : memref<50000x128xf32, #tpu.memory_space<hbm>>) dst(%arg9 : memref<125x128xf32, #tpu.memory_space<vmem>>)
    %dma_wait3A_872 = arith.constant 10 : i32
    %dma_wait3A_873 = arith.constant 2 : i32
    %dma_wait3A_874 = arith.constant 0 : i32
    %dma_wait3A_875 = tpu.memref_slice %arg8[%dma_wait3A_872, %dma_wait3A_873, %dma_wait3A_874] : memref<12x4x125xi32, #tpu.memory_space<vmem>> -> memref<1x1x125xi32, #tpu.memory_space<vmem>>
    %dma_wait3A_876 = tpu.memref_squeeze %dma_wait3A_875 : memref<1x1x125xi32, #tpu.memory_space<vmem>> -> memref<125xi32, #tpu.memory_space<vmem>>
    %dma_wait3A_877 = arith.constant 0 : i32
    %dma_wait3A_878 = arith.constant 0 : i32
    %dma_wait3A_879 = tpu.memref_slice %arg5[%dma_wait3A_877, %dma_wait3A_878] : memref<50000x128xf32, #tpu.memory_space<hbm>> -> memref<50000x128xf32, #tpu.memory_space<hbm>>
    tpu.wait_indirect_dma semaphore(%arg14 : memref<!tpu.dma_semaphore, #tpu.memory_space<semaphore_mem>>) src(%dma_wait3A_879 : memref<50000x128xf32, #tpu.memory_space<hbm>>) dst(%arg9 : memref<125x128xf32, #tpu.memory_space<vmem>>)
    %dma_wait3A_880 = arith.constant 10 : i32
    %dma_wait3A_881 = arith.constant 3 : i32
    %dma_wait3A_882 = arith.constant 0 : i32
    %dma_wait3A_883 = tpu.memref_slice %arg8[%dma_wait3A_880, %dma_wait3A_881, %dma_wait3A_882] : memref<12x4x125xi32, #tpu.memory_space<vmem>> -> memref<1x1x125xi32, #tpu.memory_space<vmem>>
    %dma_wait3A_884 = tpu.memref_squeeze %dma_wait3A_883 : memref<1x1x125xi32, #tpu.memory_space<vmem>> -> memref<125xi32, #tpu.memory_space<vmem>>
    %dma_wait3A_885 = arith.constant 0 : i32
    %dma_wait3A_886 = arith.constant 0 : i32
    %dma_wait3A_887 = tpu.memref_slice %arg6[%dma_wait3A_885, %dma_wait3A_886] : memref<50000x128xf32, #tpu.memory_space<hbm>> -> memref<50000x128xf32, #tpu.memory_space<hbm>>
    tpu.wait_indirect_dma semaphore(%arg14 : memref<!tpu.dma_semaphore, #tpu.memory_space<semaphore_mem>>) src(%dma_wait3A_887 : memref<50000x128xf32, #tpu.memory_space<hbm>>) dst(%arg9 : memref<125x128xf32, #tpu.memory_space<vmem>>)
    %sub3A_888 = arith.constant 0 : i32
    %sub3A_889 = arith.subi %add3A_4, %sub3A_888 : i32
    %add3A_890 = arith.constant 10 : i32
    %add3A_891 = arith.addi %sub3A_889, %add3A_890 : i32
    %mul3A_892 = arith.constant 125 : i32
    %mul3A_893 = arith.muli %add3A_891, %mul3A_892 : i32
    %dma_start3A_894 = arith.constant 0 : i32
    %dma_start3A_895 = tpu.memref_slice %arg7[%mul3A_893, %dma_start3A_894] : memref<100000x128xf32, #tpu.memory_space<hbm>> -> memref<125x128xf32, #tpu.memory_space<hbm>>
    %dma_start3A_896 = arith.constant 0 : i32
    %dma_start3A_897 = tpu.memref_slice %arg7[%mul3A_893, %dma_start3A_896] : memref<100000x128xf32, #tpu.memory_space<hbm>> -> memref<125x128xf32, #tpu.memory_space<hbm>>
    tpu.enqueue_dma source(%arg9 : memref<125x128xf32, #tpu.memory_space<vmem>>) target(%dma_start3A_897 : memref<125x128xf32, #tpu.memory_space<hbm>>) target_semaphore(%arg19 : memref<!tpu.dma_semaphore, #tpu.memory_space<semaphore_mem>>)
    %dma_wait3A_898 = arith.constant 11 : i32
    %dma_wait3A_899 = arith.constant 1 : i32
    %dma_wait3A_900 = arith.constant 0 : i32
    %dma_wait3A_901 = tpu.memref_slice %arg8[%dma_wait3A_898, %dma_wait3A_899, %dma_wait3A_900] : memref<12x4x125xi32, #tpu.memory_space<vmem>> -> memref<1x1x125xi32, #tpu.memory_space<vmem>>
    %dma_wait3A_902 = tpu.memref_squeeze %dma_wait3A_901 : memref<1x1x125xi32, #tpu.memory_space<vmem>> -> memref<125xi32, #tpu.memory_space<vmem>>
    %dma_wait3A_903 = arith.constant 0 : i32
    %dma_wait3A_904 = arith.constant 0 : i32
    %dma_wait3A_905 = tpu.memref_slice %arg4[%dma_wait3A_903, %dma_wait3A_904] : memref<50000x128xf32, #tpu.memory_space<hbm>> -> memref<50000x128xf32, #tpu.memory_space<hbm>>
    tpu.wait_indirect_dma semaphore(%arg15 : memref<!tpu.dma_semaphore, #tpu.memory_space<semaphore_mem>>) src(%dma_wait3A_905 : memref<50000x128xf32, #tpu.memory_space<hbm>>) dst(%arg10 : memref<125x128xf32, #tpu.memory_space<vmem>>)
    %dma_wait3A_906 = arith.constant 11 : i32
    %dma_wait3A_907 = arith.constant 2 : i32
    %dma_wait3A_908 = arith.constant 0 : i32
    %dma_wait3A_909 = tpu.memref_slice %arg8[%dma_wait3A_906, %dma_wait3A_907, %dma_wait3A_908] : memref<12x4x125xi32, #tpu.memory_space<vmem>> -> memref<1x1x125xi32, #tpu.memory_space<vmem>>
    %dma_wait3A_910 = tpu.memref_squeeze %dma_wait3A_909 : memref<1x1x125xi32, #tpu.memory_space<vmem>> -> memref<125xi32, #tpu.memory_space<vmem>>
    %dma_wait3A_911 = arith.constant 0 : i32
    %dma_wait3A_912 = arith.constant 0 : i32
    %dma_wait3A_913 = tpu.memref_slice %arg5[%dma_wait3A_911, %dma_wait3A_912] : memref<50000x128xf32, #tpu.memory_space<hbm>> -> memref<50000x128xf32, #tpu.memory_space<hbm>>
    tpu.wait_indirect_dma semaphore(%arg15 : memref<!tpu.dma_semaphore, #tpu.memory_space<semaphore_mem>>) src(%dma_wait3A_913 : memref<50000x128xf32, #tpu.memory_space<hbm>>) dst(%arg10 : memref<125x128xf32, #tpu.memory_space<vmem>>)
    %dma_wait3A_914 = arith.constant 11 : i32
    %dma_wait3A_915 = arith.constant 3 : i32
    %dma_wait3A_916 = arith.constant 0 : i32
    %dma_wait3A_917 = tpu.memref_slice %arg8[%dma_wait3A_914, %dma_wait3A_915, %dma_wait3A_916] : memref<12x4x125xi32, #tpu.memory_space<vmem>> -> memref<1x1x125xi32, #tpu.memory_space<vmem>>
    %dma_wait3A_918 = tpu.memref_squeeze %dma_wait3A_917 : memref<1x1x125xi32, #tpu.memory_space<vmem>> -> memref<125xi32, #tpu.memory_space<vmem>>
    %dma_wait3A_919 = arith.constant 0 : i32
    %dma_wait3A_920 = arith.constant 0 : i32
    %dma_wait3A_921 = tpu.memref_slice %arg6[%dma_wait3A_919, %dma_wait3A_920] : memref<50000x128xf32, #tpu.memory_space<hbm>> -> memref<50000x128xf32, #tpu.memory_space<hbm>>
    tpu.wait_indirect_dma semaphore(%arg15 : memref<!tpu.dma_semaphore, #tpu.memory_space<semaphore_mem>>) src(%dma_wait3A_921 : memref<50000x128xf32, #tpu.memory_space<hbm>>) dst(%arg10 : memref<125x128xf32, #tpu.memory_space<vmem>>)
    %sub3A_922 = arith.constant 0 : i32
    %sub3A_923 = arith.subi %add3A_4, %sub3A_922 : i32
    %add3A_924 = arith.constant 11 : i32
    %add3A_925 = arith.addi %sub3A_923, %add3A_924 : i32
    %mul3A_926 = arith.constant 125 : i32
    %mul3A_927 = arith.muli %add3A_925, %mul3A_926 : i32
    %dma_start3A_928 = arith.constant 0 : i32
    %dma_start3A_929 = tpu.memref_slice %arg7[%mul3A_927, %dma_start3A_928] : memref<100000x128xf32, #tpu.memory_space<hbm>> -> memref<125x128xf32, #tpu.memory_space<hbm>>
    %dma_start3A_930 = arith.constant 0 : i32
    %dma_start3A_931 = tpu.memref_slice %arg7[%mul3A_927, %dma_start3A_930] : memref<100000x128xf32, #tpu.memory_space<hbm>> -> memref<125x128xf32, #tpu.memory_space<hbm>>
    tpu.enqueue_dma source(%arg10 : memref<125x128xf32, #tpu.memory_space<vmem>>) target(%dma_start3A_931 : memref<125x128xf32, #tpu.memory_space<hbm>>) target_semaphore(%arg20 : memref<!tpu.dma_semaphore, #tpu.memory_space<semaphore_mem>>)
    %dma_wait3A_932 = arith.constant 0 : i32
    %dma_wait3A_933 = arith.constant 0 : i32
    %dma_wait3A_934 = tpu.memref_slice %arg7[%dma_wait3A_932, %dma_wait3A_933] : memref<100000x128xf32, #tpu.memory_space<hbm>> -> memref<125x128xf32, #tpu.memory_space<hbm>>
    %dma_wait3A_935 = arith.constant 0 : i32
    %dma_wait3A_936 = arith.constant 0 : i32
    %dma_wait3A_937 = tpu.memref_slice %arg7[%dma_wait3A_935, %dma_wait3A_936] : memref<100000x128xf32, #tpu.memory_space<hbm>> -> memref<125x128xf32, #tpu.memory_space<hbm>>
    tpu.wait_dma2 semaphore(%arg19 : memref<!tpu.dma_semaphore, #tpu.memory_space<semaphore_mem>>) src(%arg9 : memref<125x128xf32, #tpu.memory_space<vmem>>) dst(%dma_wait3A_937 : memref<125x128xf32, #tpu.memory_space<hbm>>)
    %dma_wait3A_938 = arith.constant 0 : i32
    %dma_wait3A_939 = arith.constant 0 : i32
    %dma_wait3A_940 = tpu.memref_slice %arg7[%dma_wait3A_938, %dma_wait3A_939] : memref<100000x128xf32, #tpu.memory_space<hbm>> -> memref<125x128xf32, #tpu.memory_space<hbm>>
    %dma_wait3A_941 = arith.constant 0 : i32
    %dma_wait3A_942 = arith.constant 0 : i32
    %dma_wait3A_943 = tpu.memref_slice %arg7[%dma_wait3A_941, %dma_wait3A_942] : memref<100000x128xf32, #tpu.memory_space<hbm>> -> memref<125x128xf32, #tpu.memory_space<hbm>>
    tpu.wait_dma2 semaphore(%arg20 : memref<!tpu.dma_semaphore, #tpu.memory_space<semaphore_mem>>) src(%arg10 : memref<125x128xf32, #tpu.memory_space<vmem>>) dst(%dma_wait3A_943 : memref<125x128xf32, #tpu.memory_space<hbm>>)
    %dma_wait3A_944 = arith.constant 0 : i32
    %dma_wait3A_945 = arith.constant 0 : i32
    %dma_wait3A_946 = tpu.memref_slice %arg7[%dma_wait3A_944, %dma_wait3A_945] : memref<100000x128xf32, #tpu.memory_space<hbm>> -> memref<125x128xf32, #tpu.memory_space<hbm>>
    %dma_wait3A_947 = arith.constant 0 : i32
    %dma_wait3A_948 = arith.constant 0 : i32
    %dma_wait3A_949 = tpu.memref_slice %arg7[%dma_wait3A_947, %dma_wait3A_948] : memref<100000x128xf32, #tpu.memory_space<hbm>> -> memref<125x128xf32, #tpu.memory_space<hbm>>
    tpu.wait_dma2 semaphore(%arg21 : memref<!tpu.dma_semaphore, #tpu.memory_space<semaphore_mem>>) src(%arg11 : memref<125x128xf32, #tpu.memory_space<vmem>>) dst(%dma_wait3A_949 : memref<125x128xf32, #tpu.memory_space<hbm>>)
    %dma_wait3A_950 = arith.constant 0 : i32
    %dma_wait3A_951 = arith.constant 0 : i32
    %dma_wait3A_952 = tpu.memref_slice %arg7[%dma_wait3A_950, %dma_wait3A_951] : memref<100000x128xf32, #tpu.memory_space<hbm>> -> memref<125x128xf32, #tpu.memory_space<hbm>>
    %dma_wait3A_953 = arith.constant 0 : i32
    %dma_wait3A_954 = arith.constant 0 : i32
    %dma_wait3A_955 = tpu.memref_slice %arg7[%dma_wait3A_953, %dma_wait3A_954] : memref<100000x128xf32, #tpu.memory_space<hbm>> -> memref<125x128xf32, #tpu.memory_space<hbm>>
    tpu.wait_dma2 semaphore(%arg22 : memref<!tpu.dma_semaphore, #tpu.memory_space<semaphore_mem>>) src(%arg12 : memref<125x128xf32, #tpu.memory_space<vmem>>) dst(%dma_wait3A_955 : memref<125x128xf32, #tpu.memory_space<hbm>>)
    %dma_wait3A_956 = arith.constant 0 : i32
    %dma_wait3A_957 = arith.constant 0 : i32
    %dma_wait3A_958 = tpu.memref_slice %arg7[%dma_wait3A_956, %dma_wait3A_957] : memref<100000x128xf32, #tpu.memory_space<hbm>> -> memref<125x128xf32, #tpu.memory_space<hbm>>
    %dma_wait3A_959 = arith.constant 0 : i32
    %dma_wait3A_960 = arith.constant 0 : i32
    %dma_wait3A_961 = tpu.memref_slice %arg7[%dma_wait3A_959, %dma_wait3A_960] : memref<100000x128xf32, #tpu.memory_space<hbm>> -> memref<125x128xf32, #tpu.memory_space<hbm>>
    tpu.wait_dma2 semaphore(%arg23 : memref<!tpu.dma_semaphore, #tpu.memory_space<semaphore_mem>>) src(%arg13 : memref<125x128xf32, #tpu.memory_space<vmem>>) dst(%dma_wait3A_961 : memref<125x128xf32, #tpu.memory_space<hbm>>)
    return
  }
}

#map = affine_map<(d0, d1) -> (0, 0, 0)>
#map1 = affine_map<(d0, d1) -> (0, 0)>
module attributes {stable_mosaic.version = 14 : i64} {
  func.func @run(%arg0: i32, %arg1: i32, %arg2: memref<800x4x125xi32, #tpu.memory_space<hbm>>, %arg3: memref<50000x128xf32, #tpu.memory_space<hbm>>, %arg4: memref<50000x128xf32, #tpu.memory_space<hbm>>, %arg5: memref<50000x128xf32, #tpu.memory_space<hbm>>, %arg6: memref<50000x128xf32, #tpu.memory_space<hbm>>, %arg7: memref<52000x128xf32, #tpu.memory_space<hbm>>, %arg8: memref<13x4x125xi32, #tpu.memory_space<vmem>>, %arg9: memref<125x128xf32, #tpu.memory_space<vmem>>, %arg10: memref<125x128xf32, #tpu.memory_space<vmem>>, %arg11: memref<125x128xf32, #tpu.memory_space<vmem>>, %arg12: memref<125x128xf32, #tpu.memory_space<vmem>>, %arg13: memref<125x128xf32, #tpu.memory_space<vmem>>, %arg14: memref<!tpu.dma_semaphore, #tpu.memory_space<semaphore_mem>>, %arg15: memref<!tpu.dma_semaphore, #tpu.memory_space<semaphore_mem>>, %arg16: memref<!tpu.dma_semaphore, #tpu.memory_space<semaphore_mem>>, %arg17: memref<!tpu.dma_semaphore, #tpu.memory_space<semaphore_mem>>, %arg18: memref<!tpu.dma_semaphore, #tpu.memory_space<semaphore_mem>>, %arg19: memref<!tpu.dma_semaphore, #tpu.memory_space<semaphore_mem>>, %arg20: memref<!tpu.dma_semaphore, #tpu.memory_space<semaphore_mem>>, %arg21: memref<!tpu.dma_semaphore, #tpu.memory_space<semaphore_mem>>, %arg22: memref<!tpu.dma_semaphore, #tpu.memory_space<semaphore_mem>>, %arg23: memref<!tpu.dma_semaphore, #tpu.memory_space<semaphore_mem>>) attributes {dimension_semantics = [#tpu.dimension_semantics<core_parallel>, #tpu.dimension_semantics<subcore_parallel>], iteration_bounds = array<i64: 2, 16>, scalar_prefetch = 0 : i64, scratch_operands = 16 : i64, tpu.core_type = #tpu.core_type<sc_vector_subcore>, window_params = [{transform_indices = #map}, {transform_indices = #map1}, {transform_indices = #map1}, {transform_indices = #map1}, {transform_indices = #map1}, {transform_indices = #map1}]} {
    %mul3A = arith.constant 2 : i32
    %mul3A_0 = arith.muli %arg1, %mul3A : i32
    %add3A = arith.addi %mul3A_0, %arg0 : i32
    %mul3A_1 = arith.constant 13 : i32
    %mul3A_2 = arith.muli %add3A, %mul3A_1 : i32
    %add3A_3 = arith.constant 384 : i32
    %add3A_4 = arith.addi %add3A_3, %mul3A_2 : i32
    "tpu.region"() ({
      %run_scoped3A = tpu.sem_alloc : memref<!tpu.dma_semaphore, #tpu.memory_space<semaphore_mem>>
      %dma_start3A_1042 = arith.constant 0 : i32
      %dma_start3A_1043 = arith.constant 0 : i32
      %dma_start3A_1044 = tpu.memref_slice %arg2[%add3A_4, %dma_start3A_1042, %dma_start3A_1043] : memref<800x4x125xi32, #tpu.memory_space<hbm>> -> memref<13x4x125xi32, #tpu.memory_space<hbm>>
      %dma_start3A_1045 = arith.constant 0 : i32
      %dma_start3A_1046 = arith.constant 0 : i32
      %dma_start3A_1047 = tpu.memref_slice %arg2[%add3A_4, %dma_start3A_1045, %dma_start3A_1046] : memref<800x4x125xi32, #tpu.memory_space<hbm>> -> memref<13x4x125xi32, #tpu.memory_space<hbm>>
      tpu.enqueue_dma source(%dma_start3A_1047 : memref<13x4x125xi32, #tpu.memory_space<hbm>>) target(%arg8 : memref<13x4x125xi32, #tpu.memory_space<vmem>>) target_semaphore(%run_scoped3A : memref<!tpu.dma_semaphore, #tpu.memory_space<semaphore_mem>>)
      %dma_wait3A_1048 = arith.constant 0 : i32
      %dma_wait3A_1049 = arith.constant 0 : i32
      %dma_wait3A_1050 = tpu.memref_slice %arg2[%add3A_4, %dma_wait3A_1048, %dma_wait3A_1049] : memref<800x4x125xi32, #tpu.memory_space<hbm>> -> memref<13x4x125xi32, #tpu.memory_space<hbm>>
      %dma_wait3A_1051 = arith.constant 0 : i32
      %dma_wait3A_1052 = arith.constant 0 : i32
      %dma_wait3A_1053 = tpu.memref_slice %arg2[%add3A_4, %dma_wait3A_1051, %dma_wait3A_1052] : memref<800x4x125xi32, #tpu.memory_space<hbm>> -> memref<13x4x125xi32, #tpu.memory_space<hbm>>
      tpu.wait_dma2 semaphore(%run_scoped3A : memref<!tpu.dma_semaphore, #tpu.memory_space<semaphore_mem>>) src(%dma_wait3A_1053 : memref<13x4x125xi32, #tpu.memory_space<hbm>>) dst(%arg8 : memref<13x4x125xi32, #tpu.memory_space<vmem>>)
      tpu.yield
    }) : () -> ()
    %dma_start3A = arith.constant 0 : i32
    %dma_start3A_5 = arith.constant 0 : i32
    %dma_start3A_6 = arith.constant 0 : i32
    %dma_start3A_7 = tpu.memref_slice %arg8[%dma_start3A, %dma_start3A_5, %dma_start3A_6] : memref<13x4x125xi32, #tpu.memory_space<vmem>> -> memref<1x1x125xi32, #tpu.memory_space<vmem>>
    %dma_start3A_8 = tpu.memref_squeeze %dma_start3A_7 : memref<1x1x125xi32, #tpu.memory_space<vmem>> -> memref<125xi32, #tpu.memory_space<vmem>>
    %dma_start3A_9 = arith.constant 0 : i32
    %dma_start3A_10 = arith.constant 0 : i32
    %dma_start3A_11 = tpu.memref_slice %arg3[%dma_start3A_9, %dma_start3A_10] : memref<50000x128xf32, #tpu.memory_space<hbm>> -> memref<50000x128xf32, #tpu.memory_space<hbm>>
    tpu.enqueue_indirect_dma source(%dma_start3A_11 : memref<50000x128xf32, #tpu.memory_space<hbm>>) target(%arg9 : memref<125x128xf32, #tpu.memory_space<vmem>>) offsets(%dma_start3A_8 : memref<125xi32, #tpu.memory_space<vmem>>) semaphore(%arg14 : memref<!tpu.dma_semaphore, #tpu.memory_space<semaphore_mem>>)
    %dma_start3A_12 = arith.constant 1 : i32
    %dma_start3A_13 = arith.constant 0 : i32
    %dma_start3A_14 = arith.constant 0 : i32
    %dma_start3A_15 = tpu.memref_slice %arg8[%dma_start3A_12, %dma_start3A_13, %dma_start3A_14] : memref<13x4x125xi32, #tpu.memory_space<vmem>> -> memref<1x1x125xi32, #tpu.memory_space<vmem>>
    %dma_start3A_16 = tpu.memref_squeeze %dma_start3A_15 : memref<1x1x125xi32, #tpu.memory_space<vmem>> -> memref<125xi32, #tpu.memory_space<vmem>>
    %dma_start3A_17 = arith.constant 0 : i32
    %dma_start3A_18 = arith.constant 0 : i32
    %dma_start3A_19 = tpu.memref_slice %arg3[%dma_start3A_17, %dma_start3A_18] : memref<50000x128xf32, #tpu.memory_space<hbm>> -> memref<50000x128xf32, #tpu.memory_space<hbm>>
    tpu.enqueue_indirect_dma source(%dma_start3A_19 : memref<50000x128xf32, #tpu.memory_space<hbm>>) target(%arg10 : memref<125x128xf32, #tpu.memory_space<vmem>>) offsets(%dma_start3A_16 : memref<125xi32, #tpu.memory_space<vmem>>) semaphore(%arg15 : memref<!tpu.dma_semaphore, #tpu.memory_space<semaphore_mem>>)
    %dma_wait3A = arith.constant 0 : i32
    %dma_wait3A_20 = arith.constant 0 : i32
    %dma_wait3A_21 = arith.constant 0 : i32
    %dma_wait3A_22 = tpu.memref_slice %arg8[%dma_wait3A, %dma_wait3A_20, %dma_wait3A_21] : memref<13x4x125xi32, #tpu.memory_space<vmem>> -> memref<1x1x125xi32, #tpu.memory_space<vmem>>
    %dma_wait3A_23 = tpu.memref_squeeze %dma_wait3A_22 : memref<1x1x125xi32, #tpu.memory_space<vmem>> -> memref<125xi32, #tpu.memory_space<vmem>>
    %dma_wait3A_24 = arith.constant 0 : i32
    %dma_wait3A_25 = arith.constant 0 : i32
    %dma_wait3A_26 = tpu.memref_slice %arg3[%dma_wait3A_24, %dma_wait3A_25] : memref<50000x128xf32, #tpu.memory_space<hbm>> -> memref<50000x128xf32, #tpu.memory_space<hbm>>
    tpu.wait_indirect_dma semaphore(%arg14 : memref<!tpu.dma_semaphore, #tpu.memory_space<semaphore_mem>>) src(%dma_wait3A_26 : memref<50000x128xf32, #tpu.memory_space<hbm>>) dst(%arg9 : memref<125x128xf32, #tpu.memory_space<vmem>>)
    %dma_start3A_27 = arith.constant 0 : i32
    %dma_start3A_28 = arith.constant 1 : i32
    %dma_start3A_29 = arith.constant 0 : i32
    %dma_start3A_30 = tpu.memref_slice %arg8[%dma_start3A_27, %dma_start3A_28, %dma_start3A_29] : memref<13x4x125xi32, #tpu.memory_space<vmem>> -> memref<1x1x125xi32, #tpu.memory_space<vmem>>
    %dma_start3A_31 = tpu.memref_squeeze %dma_start3A_30 : memref<1x1x125xi32, #tpu.memory_space<vmem>> -> memref<125xi32, #tpu.memory_space<vmem>>
    %dma_start3A_32 = arith.constant 0 : i32
    %dma_start3A_33 = arith.constant 0 : i32
    %dma_start3A_34 = tpu.memref_slice %arg4[%dma_start3A_32, %dma_start3A_33] : memref<50000x128xf32, #tpu.memory_space<hbm>> -> memref<50000x128xf32, #tpu.memory_space<hbm>>
    tpu.enqueue_indirect_dma source(%dma_start3A_34 : memref<50000x128xf32, #tpu.memory_space<hbm>>) target(%arg9 : memref<125x128xf32, #tpu.memory_space<vmem>>) offsets(%dma_start3A_31 : memref<125xi32, #tpu.memory_space<vmem>>) semaphore(%arg14 : memref<!tpu.dma_semaphore, #tpu.memory_space<semaphore_mem>>) {add = true}
    %dma_start3A_35 = arith.constant 0 : i32
    %dma_start3A_36 = arith.constant 2 : i32
    %dma_start3A_37 = arith.constant 0 : i32
    %dma_start3A_38 = tpu.memref_slice %arg8[%dma_start3A_35, %dma_start3A_36, %dma_start3A_37] : memref<13x4x125xi32, #tpu.memory_space<vmem>> -> memref<1x1x125xi32, #tpu.memory_space<vmem>>
    %dma_start3A_39 = tpu.memref_squeeze %dma_start3A_38 : memref<1x1x125xi32, #tpu.memory_space<vmem>> -> memref<125xi32, #tpu.memory_space<vmem>>
    %dma_start3A_40 = arith.constant 0 : i32
    %dma_start3A_41 = arith.constant 0 : i32
    %dma_start3A_42 = tpu.memref_slice %arg5[%dma_start3A_40, %dma_start3A_41] : memref<50000x128xf32, #tpu.memory_space<hbm>> -> memref<50000x128xf32, #tpu.memory_space<hbm>>
    tpu.enqueue_indirect_dma source(%dma_start3A_42 : memref<50000x128xf32, #tpu.memory_space<hbm>>) target(%arg9 : memref<125x128xf32, #tpu.memory_space<vmem>>) offsets(%dma_start3A_39 : memref<125xi32, #tpu.memory_space<vmem>>) semaphore(%arg14 : memref<!tpu.dma_semaphore, #tpu.memory_space<semaphore_mem>>) {add = true}
    %dma_start3A_43 = arith.constant 0 : i32
    %dma_start3A_44 = arith.constant 3 : i32
    %dma_start3A_45 = arith.constant 0 : i32
    %dma_start3A_46 = tpu.memref_slice %arg8[%dma_start3A_43, %dma_start3A_44, %dma_start3A_45] : memref<13x4x125xi32, #tpu.memory_space<vmem>> -> memref<1x1x125xi32, #tpu.memory_space<vmem>>
    %dma_start3A_47 = tpu.memref_squeeze %dma_start3A_46 : memref<1x1x125xi32, #tpu.memory_space<vmem>> -> memref<125xi32, #tpu.memory_space<vmem>>
    %dma_start3A_48 = arith.constant 0 : i32
    %dma_start3A_49 = arith.constant 0 : i32
    %dma_start3A_50 = tpu.memref_slice %arg6[%dma_start3A_48, %dma_start3A_49] : memref<50000x128xf32, #tpu.memory_space<hbm>> -> memref<50000x128xf32, #tpu.memory_space<hbm>>
    tpu.enqueue_indirect_dma source(%dma_start3A_50 : memref<50000x128xf32, #tpu.memory_space<hbm>>) target(%arg9 : memref<125x128xf32, #tpu.memory_space<vmem>>) offsets(%dma_start3A_47 : memref<125xi32, #tpu.memory_space<vmem>>) semaphore(%arg14 : memref<!tpu.dma_semaphore, #tpu.memory_space<semaphore_mem>>) {add = true}
    %dma_start3A_51 = arith.constant 2 : i32
    %dma_start3A_52 = arith.constant 0 : i32
    %dma_start3A_53 = arith.constant 0 : i32
    %dma_start3A_54 = tpu.memref_slice %arg8[%dma_start3A_51, %dma_start3A_52, %dma_start3A_53] : memref<13x4x125xi32, #tpu.memory_space<vmem>> -> memref<1x1x125xi32, #tpu.memory_space<vmem>>
    %dma_start3A_55 = tpu.memref_squeeze %dma_start3A_54 : memref<1x1x125xi32, #tpu.memory_space<vmem>> -> memref<125xi32, #tpu.memory_space<vmem>>
    %dma_start3A_56 = arith.constant 0 : i32
    %dma_start3A_57 = arith.constant 0 : i32
    %dma_start3A_58 = tpu.memref_slice %arg3[%dma_start3A_56, %dma_start3A_57] : memref<50000x128xf32, #tpu.memory_space<hbm>> -> memref<50000x128xf32, #tpu.memory_space<hbm>>
    tpu.enqueue_indirect_dma source(%dma_start3A_58 : memref<50000x128xf32, #tpu.memory_space<hbm>>) target(%arg11 : memref<125x128xf32, #tpu.memory_space<vmem>>) offsets(%dma_start3A_55 : memref<125xi32, #tpu.memory_space<vmem>>) semaphore(%arg16 : memref<!tpu.dma_semaphore, #tpu.memory_space<semaphore_mem>>)
    %dma_wait3A_59 = arith.constant 1 : i32
    %dma_wait3A_60 = arith.constant 0 : i32
    %dma_wait3A_61 = arith.constant 0 : i32
    %dma_wait3A_62 = tpu.memref_slice %arg8[%dma_wait3A_59, %dma_wait3A_60, %dma_wait3A_61] : memref<13x4x125xi32, #tpu.memory_space<vmem>> -> memref<1x1x125xi32, #tpu.memory_space<vmem>>
    %dma_wait3A_63 = tpu.memref_squeeze %dma_wait3A_62 : memref<1x1x125xi32, #tpu.memory_space<vmem>> -> memref<125xi32, #tpu.memory_space<vmem>>
    %dma_wait3A_64 = arith.constant 0 : i32
    %dma_wait3A_65 = arith.constant 0 : i32
    %dma_wait3A_66 = tpu.memref_slice %arg3[%dma_wait3A_64, %dma_wait3A_65] : memref<50000x128xf32, #tpu.memory_space<hbm>> -> memref<50000x128xf32, #tpu.memory_space<hbm>>
    tpu.wait_indirect_dma semaphore(%arg15 : memref<!tpu.dma_semaphore, #tpu.memory_space<semaphore_mem>>) src(%dma_wait3A_66 : memref<50000x128xf32, #tpu.memory_space<hbm>>) dst(%arg10 : memref<125x128xf32, #tpu.memory_space<vmem>>)
    %dma_start3A_67 = arith.constant 1 : i32
    %dma_start3A_68 = arith.constant 1 : i32
    %dma_start3A_69 = arith.constant 0 : i32
    %dma_start3A_70 = tpu.memref_slice %arg8[%dma_start3A_67, %dma_start3A_68, %dma_start3A_69] : memref<13x4x125xi32, #tpu.memory_space<vmem>> -> memref<1x1x125xi32, #tpu.memory_space<vmem>>
    %dma_start3A_71 = tpu.memref_squeeze %dma_start3A_70 : memref<1x1x125xi32, #tpu.memory_space<vmem>> -> memref<125xi32, #tpu.memory_space<vmem>>
    %dma_start3A_72 = arith.constant 0 : i32
    %dma_start3A_73 = arith.constant 0 : i32
    %dma_start3A_74 = tpu.memref_slice %arg4[%dma_start3A_72, %dma_start3A_73] : memref<50000x128xf32, #tpu.memory_space<hbm>> -> memref<50000x128xf32, #tpu.memory_space<hbm>>
    tpu.enqueue_indirect_dma source(%dma_start3A_74 : memref<50000x128xf32, #tpu.memory_space<hbm>>) target(%arg10 : memref<125x128xf32, #tpu.memory_space<vmem>>) offsets(%dma_start3A_71 : memref<125xi32, #tpu.memory_space<vmem>>) semaphore(%arg15 : memref<!tpu.dma_semaphore, #tpu.memory_space<semaphore_mem>>) {add = true}
    %dma_start3A_75 = arith.constant 1 : i32
    %dma_start3A_76 = arith.constant 2 : i32
    %dma_start3A_77 = arith.constant 0 : i32
    %dma_start3A_78 = tpu.memref_slice %arg8[%dma_start3A_75, %dma_start3A_76, %dma_start3A_77] : memref<13x4x125xi32, #tpu.memory_space<vmem>> -> memref<1x1x125xi32, #tpu.memory_space<vmem>>
    %dma_start3A_79 = tpu.memref_squeeze %dma_start3A_78 : memref<1x1x125xi32, #tpu.memory_space<vmem>> -> memref<125xi32, #tpu.memory_space<vmem>>
    %dma_start3A_80 = arith.constant 0 : i32
    %dma_start3A_81 = arith.constant 0 : i32
    %dma_start3A_82 = tpu.memref_slice %arg5[%dma_start3A_80, %dma_start3A_81] : memref<50000x128xf32, #tpu.memory_space<hbm>> -> memref<50000x128xf32, #tpu.memory_space<hbm>>
    tpu.enqueue_indirect_dma source(%dma_start3A_82 : memref<50000x128xf32, #tpu.memory_space<hbm>>) target(%arg10 : memref<125x128xf32, #tpu.memory_space<vmem>>) offsets(%dma_start3A_79 : memref<125xi32, #tpu.memory_space<vmem>>) semaphore(%arg15 : memref<!tpu.dma_semaphore, #tpu.memory_space<semaphore_mem>>) {add = true}
    %dma_start3A_83 = arith.constant 1 : i32
    %dma_start3A_84 = arith.constant 3 : i32
    %dma_start3A_85 = arith.constant 0 : i32
    %dma_start3A_86 = tpu.memref_slice %arg8[%dma_start3A_83, %dma_start3A_84, %dma_start3A_85] : memref<13x4x125xi32, #tpu.memory_space<vmem>> -> memref<1x1x125xi32, #tpu.memory_space<vmem>>
    %dma_start3A_87 = tpu.memref_squeeze %dma_start3A_86 : memref<1x1x125xi32, #tpu.memory_space<vmem>> -> memref<125xi32, #tpu.memory_space<vmem>>
    %dma_start3A_88 = arith.constant 0 : i32
    %dma_start3A_89 = arith.constant 0 : i32
    %dma_start3A_90 = tpu.memref_slice %arg6[%dma_start3A_88, %dma_start3A_89] : memref<50000x128xf32, #tpu.memory_space<hbm>> -> memref<50000x128xf32, #tpu.memory_space<hbm>>
    tpu.enqueue_indirect_dma source(%dma_start3A_90 : memref<50000x128xf32, #tpu.memory_space<hbm>>) target(%arg10 : memref<125x128xf32, #tpu.memory_space<vmem>>) offsets(%dma_start3A_87 : memref<125xi32, #tpu.memory_space<vmem>>) semaphore(%arg15 : memref<!tpu.dma_semaphore, #tpu.memory_space<semaphore_mem>>) {add = true}
    %dma_wait3A_91 = arith.constant 0 : i32
    %dma_wait3A_92 = arith.constant 1 : i32
    %dma_wait3A_93 = arith.constant 0 : i32
    %dma_wait3A_94 = tpu.memref_slice %arg8[%dma_wait3A_91, %dma_wait3A_92, %dma_wait3A_93] : memref<13x4x125xi32, #tpu.memory_space<vmem>> -> memref<1x1x125xi32, #tpu.memory_space<vmem>>
    %dma_wait3A_95 = tpu.memref_squeeze %dma_wait3A_94 : memref<1x1x125xi32, #tpu.memory_space<vmem>> -> memref<125xi32, #tpu.memory_space<vmem>>
    %dma_wait3A_96 = arith.constant 0 : i32
    %dma_wait3A_97 = arith.constant 0 : i32
    %dma_wait3A_98 = tpu.memref_slice %arg4[%dma_wait3A_96, %dma_wait3A_97] : memref<50000x128xf32, #tpu.memory_space<hbm>> -> memref<50000x128xf32, #tpu.memory_space<hbm>>
    tpu.wait_indirect_dma semaphore(%arg14 : memref<!tpu.dma_semaphore, #tpu.memory_space<semaphore_mem>>) src(%dma_wait3A_98 : memref<50000x128xf32, #tpu.memory_space<hbm>>) dst(%arg9 : memref<125x128xf32, #tpu.memory_space<vmem>>)
    %dma_wait3A_99 = arith.constant 0 : i32
    %dma_wait3A_100 = arith.constant 2 : i32
    %dma_wait3A_101 = arith.constant 0 : i32
    %dma_wait3A_102 = tpu.memref_slice %arg8[%dma_wait3A_99, %dma_wait3A_100, %dma_wait3A_101] : memref<13x4x125xi32, #tpu.memory_space<vmem>> -> memref<1x1x125xi32, #tpu.memory_space<vmem>>
    %dma_wait3A_103 = tpu.memref_squeeze %dma_wait3A_102 : memref<1x1x125xi32, #tpu.memory_space<vmem>> -> memref<125xi32, #tpu.memory_space<vmem>>
    %dma_wait3A_104 = arith.constant 0 : i32
    %dma_wait3A_105 = arith.constant 0 : i32
    %dma_wait3A_106 = tpu.memref_slice %arg5[%dma_wait3A_104, %dma_wait3A_105] : memref<50000x128xf32, #tpu.memory_space<hbm>> -> memref<50000x128xf32, #tpu.memory_space<hbm>>
    tpu.wait_indirect_dma semaphore(%arg14 : memref<!tpu.dma_semaphore, #tpu.memory_space<semaphore_mem>>) src(%dma_wait3A_106 : memref<50000x128xf32, #tpu.memory_space<hbm>>) dst(%arg9 : memref<125x128xf32, #tpu.memory_space<vmem>>)
    %dma_wait3A_107 = arith.constant 0 : i32
    %dma_wait3A_108 = arith.constant 3 : i32
    %dma_wait3A_109 = arith.constant 0 : i32
    %dma_wait3A_110 = tpu.memref_slice %arg8[%dma_wait3A_107, %dma_wait3A_108, %dma_wait3A_109] : memref<13x4x125xi32, #tpu.memory_space<vmem>> -> memref<1x1x125xi32, #tpu.memory_space<vmem>>
    %dma_wait3A_111 = tpu.memref_squeeze %dma_wait3A_110 : memref<1x1x125xi32, #tpu.memory_space<vmem>> -> memref<125xi32, #tpu.memory_space<vmem>>
    %dma_wait3A_112 = arith.constant 0 : i32
    %dma_wait3A_113 = arith.constant 0 : i32
    %dma_wait3A_114 = tpu.memref_slice %arg6[%dma_wait3A_112, %dma_wait3A_113] : memref<50000x128xf32, #tpu.memory_space<hbm>> -> memref<50000x128xf32, #tpu.memory_space<hbm>>
    tpu.wait_indirect_dma semaphore(%arg14 : memref<!tpu.dma_semaphore, #tpu.memory_space<semaphore_mem>>) src(%dma_wait3A_114 : memref<50000x128xf32, #tpu.memory_space<hbm>>) dst(%arg9 : memref<125x128xf32, #tpu.memory_space<vmem>>)
    %sub3A = arith.constant 384 : i32
    %sub3A_115 = arith.subi %add3A_4, %sub3A : i32
    %add3A_116 = arith.constant 0 : i32
    %add3A_117 = arith.addi %sub3A_115, %add3A_116 : i32
    %mul3A_118 = arith.constant 125 : i32
    %mul3A_119 = arith.muli %add3A_117, %mul3A_118 : i32
    %dma_start3A_120 = arith.constant 0 : i32
    %dma_start3A_121 = tpu.memref_slice %arg7[%mul3A_119, %dma_start3A_120] : memref<52000x128xf32, #tpu.memory_space<hbm>> -> memref<125x128xf32, #tpu.memory_space<hbm>>
    %dma_start3A_122 = arith.constant 0 : i32
    %dma_start3A_123 = tpu.memref_slice %arg7[%mul3A_119, %dma_start3A_122] : memref<52000x128xf32, #tpu.memory_space<hbm>> -> memref<125x128xf32, #tpu.memory_space<hbm>>
    tpu.enqueue_dma source(%arg9 : memref<125x128xf32, #tpu.memory_space<vmem>>) target(%dma_start3A_123 : memref<125x128xf32, #tpu.memory_space<hbm>>) target_semaphore(%arg19 : memref<!tpu.dma_semaphore, #tpu.memory_space<semaphore_mem>>)
    %dma_start3A_124 = arith.constant 3 : i32
    %dma_start3A_125 = arith.constant 0 : i32
    %dma_start3A_126 = arith.constant 0 : i32
    %dma_start3A_127 = tpu.memref_slice %arg8[%dma_start3A_124, %dma_start3A_125, %dma_start3A_126] : memref<13x4x125xi32, #tpu.memory_space<vmem>> -> memref<1x1x125xi32, #tpu.memory_space<vmem>>
    %dma_start3A_128 = tpu.memref_squeeze %dma_start3A_127 : memref<1x1x125xi32, #tpu.memory_space<vmem>> -> memref<125xi32, #tpu.memory_space<vmem>>
    %dma_start3A_129 = arith.constant 0 : i32
    %dma_start3A_130 = arith.constant 0 : i32
    %dma_start3A_131 = tpu.memref_slice %arg3[%dma_start3A_129, %dma_start3A_130] : memref<50000x128xf32, #tpu.memory_space<hbm>> -> memref<50000x128xf32, #tpu.memory_space<hbm>>
    tpu.enqueue_indirect_dma source(%dma_start3A_131 : memref<50000x128xf32, #tpu.memory_space<hbm>>) target(%arg12 : memref<125x128xf32, #tpu.memory_space<vmem>>) offsets(%dma_start3A_128 : memref<125xi32, #tpu.memory_space<vmem>>) semaphore(%arg17 : memref<!tpu.dma_semaphore, #tpu.memory_space<semaphore_mem>>)
    %dma_wait3A_132 = arith.constant 2 : i32
    %dma_wait3A_133 = arith.constant 0 : i32
    %dma_wait3A_134 = arith.constant 0 : i32
    %dma_wait3A_135 = tpu.memref_slice %arg8[%dma_wait3A_132, %dma_wait3A_133, %dma_wait3A_134] : memref<13x4x125xi32, #tpu.memory_space<vmem>> -> memref<1x1x125xi32, #tpu.memory_space<vmem>>
    %dma_wait3A_136 = tpu.memref_squeeze %dma_wait3A_135 : memref<1x1x125xi32, #tpu.memory_space<vmem>> -> memref<125xi32, #tpu.memory_space<vmem>>
    %dma_wait3A_137 = arith.constant 0 : i32
    %dma_wait3A_138 = arith.constant 0 : i32
    %dma_wait3A_139 = tpu.memref_slice %arg3[%dma_wait3A_137, %dma_wait3A_138] : memref<50000x128xf32, #tpu.memory_space<hbm>> -> memref<50000x128xf32, #tpu.memory_space<hbm>>
    tpu.wait_indirect_dma semaphore(%arg16 : memref<!tpu.dma_semaphore, #tpu.memory_space<semaphore_mem>>) src(%dma_wait3A_139 : memref<50000x128xf32, #tpu.memory_space<hbm>>) dst(%arg11 : memref<125x128xf32, #tpu.memory_space<vmem>>)
    %dma_start3A_140 = arith.constant 2 : i32
    %dma_start3A_141 = arith.constant 1 : i32
    %dma_start3A_142 = arith.constant 0 : i32
    %dma_start3A_143 = tpu.memref_slice %arg8[%dma_start3A_140, %dma_start3A_141, %dma_start3A_142] : memref<13x4x125xi32, #tpu.memory_space<vmem>> -> memref<1x1x125xi32, #tpu.memory_space<vmem>>
    %dma_start3A_144 = tpu.memref_squeeze %dma_start3A_143 : memref<1x1x125xi32, #tpu.memory_space<vmem>> -> memref<125xi32, #tpu.memory_space<vmem>>
    %dma_start3A_145 = arith.constant 0 : i32
    %dma_start3A_146 = arith.constant 0 : i32
    %dma_start3A_147 = tpu.memref_slice %arg4[%dma_start3A_145, %dma_start3A_146] : memref<50000x128xf32, #tpu.memory_space<hbm>> -> memref<50000x128xf32, #tpu.memory_space<hbm>>
    tpu.enqueue_indirect_dma source(%dma_start3A_147 : memref<50000x128xf32, #tpu.memory_space<hbm>>) target(%arg11 : memref<125x128xf32, #tpu.memory_space<vmem>>) offsets(%dma_start3A_144 : memref<125xi32, #tpu.memory_space<vmem>>) semaphore(%arg16 : memref<!tpu.dma_semaphore, #tpu.memory_space<semaphore_mem>>) {add = true}
    %dma_start3A_148 = arith.constant 2 : i32
    %dma_start3A_149 = arith.constant 2 : i32
    %dma_start3A_150 = arith.constant 0 : i32
    %dma_start3A_151 = tpu.memref_slice %arg8[%dma_start3A_148, %dma_start3A_149, %dma_start3A_150] : memref<13x4x125xi32, #tpu.memory_space<vmem>> -> memref<1x1x125xi32, #tpu.memory_space<vmem>>
    %dma_start3A_152 = tpu.memref_squeeze %dma_start3A_151 : memref<1x1x125xi32, #tpu.memory_space<vmem>> -> memref<125xi32, #tpu.memory_space<vmem>>
    %dma_start3A_153 = arith.constant 0 : i32
    %dma_start3A_154 = arith.constant 0 : i32
    %dma_start3A_155 = tpu.memref_slice %arg5[%dma_start3A_153, %dma_start3A_154] : memref<50000x128xf32, #tpu.memory_space<hbm>> -> memref<50000x128xf32, #tpu.memory_space<hbm>>
    tpu.enqueue_indirect_dma source(%dma_start3A_155 : memref<50000x128xf32, #tpu.memory_space<hbm>>) target(%arg11 : memref<125x128xf32, #tpu.memory_space<vmem>>) offsets(%dma_start3A_152 : memref<125xi32, #tpu.memory_space<vmem>>) semaphore(%arg16 : memref<!tpu.dma_semaphore, #tpu.memory_space<semaphore_mem>>) {add = true}
    %dma_start3A_156 = arith.constant 2 : i32
    %dma_start3A_157 = arith.constant 3 : i32
    %dma_start3A_158 = arith.constant 0 : i32
    %dma_start3A_159 = tpu.memref_slice %arg8[%dma_start3A_156, %dma_start3A_157, %dma_start3A_158] : memref<13x4x125xi32, #tpu.memory_space<vmem>> -> memref<1x1x125xi32, #tpu.memory_space<vmem>>
    %dma_start3A_160 = tpu.memref_squeeze %dma_start3A_159 : memref<1x1x125xi32, #tpu.memory_space<vmem>> -> memref<125xi32, #tpu.memory_space<vmem>>
    %dma_start3A_161 = arith.constant 0 : i32
    %dma_start3A_162 = arith.constant 0 : i32
    %dma_start3A_163 = tpu.memref_slice %arg6[%dma_start3A_161, %dma_start3A_162] : memref<50000x128xf32, #tpu.memory_space<hbm>> -> memref<50000x128xf32, #tpu.memory_space<hbm>>
    tpu.enqueue_indirect_dma source(%dma_start3A_163 : memref<50000x128xf32, #tpu.memory_space<hbm>>) target(%arg11 : memref<125x128xf32, #tpu.memory_space<vmem>>) offsets(%dma_start3A_160 : memref<125xi32, #tpu.memory_space<vmem>>) semaphore(%arg16 : memref<!tpu.dma_semaphore, #tpu.memory_space<semaphore_mem>>) {add = true}
    %dma_wait3A_164 = arith.constant 1 : i32
    %dma_wait3A_165 = arith.constant 1 : i32
    %dma_wait3A_166 = arith.constant 0 : i32
    %dma_wait3A_167 = tpu.memref_slice %arg8[%dma_wait3A_164, %dma_wait3A_165, %dma_wait3A_166] : memref<13x4x125xi32, #tpu.memory_space<vmem>> -> memref<1x1x125xi32, #tpu.memory_space<vmem>>
    %dma_wait3A_168 = tpu.memref_squeeze %dma_wait3A_167 : memref<1x1x125xi32, #tpu.memory_space<vmem>> -> memref<125xi32, #tpu.memory_space<vmem>>
    %dma_wait3A_169 = arith.constant 0 : i32
    %dma_wait3A_170 = arith.constant 0 : i32
    %dma_wait3A_171 = tpu.memref_slice %arg4[%dma_wait3A_169, %dma_wait3A_170] : memref<50000x128xf32, #tpu.memory_space<hbm>> -> memref<50000x128xf32, #tpu.memory_space<hbm>>
    tpu.wait_indirect_dma semaphore(%arg15 : memref<!tpu.dma_semaphore, #tpu.memory_space<semaphore_mem>>) src(%dma_wait3A_171 : memref<50000x128xf32, #tpu.memory_space<hbm>>) dst(%arg10 : memref<125x128xf32, #tpu.memory_space<vmem>>)
    %dma_wait3A_172 = arith.constant 1 : i32
    %dma_wait3A_173 = arith.constant 2 : i32
    %dma_wait3A_174 = arith.constant 0 : i32
    %dma_wait3A_175 = tpu.memref_slice %arg8[%dma_wait3A_172, %dma_wait3A_173, %dma_wait3A_174] : memref<13x4x125xi32, #tpu.memory_space<vmem>> -> memref<1x1x125xi32, #tpu.memory_space<vmem>>
    %dma_wait3A_176 = tpu.memref_squeeze %dma_wait3A_175 : memref<1x1x125xi32, #tpu.memory_space<vmem>> -> memref<125xi32, #tpu.memory_space<vmem>>
    %dma_wait3A_177 = arith.constant 0 : i32
    %dma_wait3A_178 = arith.constant 0 : i32
    %dma_wait3A_179 = tpu.memref_slice %arg5[%dma_wait3A_177, %dma_wait3A_178] : memref<50000x128xf32, #tpu.memory_space<hbm>> -> memref<50000x128xf32, #tpu.memory_space<hbm>>
    tpu.wait_indirect_dma semaphore(%arg15 : memref<!tpu.dma_semaphore, #tpu.memory_space<semaphore_mem>>) src(%dma_wait3A_179 : memref<50000x128xf32, #tpu.memory_space<hbm>>) dst(%arg10 : memref<125x128xf32, #tpu.memory_space<vmem>>)
    %dma_wait3A_180 = arith.constant 1 : i32
    %dma_wait3A_181 = arith.constant 3 : i32
    %dma_wait3A_182 = arith.constant 0 : i32
    %dma_wait3A_183 = tpu.memref_slice %arg8[%dma_wait3A_180, %dma_wait3A_181, %dma_wait3A_182] : memref<13x4x125xi32, #tpu.memory_space<vmem>> -> memref<1x1x125xi32, #tpu.memory_space<vmem>>
    %dma_wait3A_184 = tpu.memref_squeeze %dma_wait3A_183 : memref<1x1x125xi32, #tpu.memory_space<vmem>> -> memref<125xi32, #tpu.memory_space<vmem>>
    %dma_wait3A_185 = arith.constant 0 : i32
    %dma_wait3A_186 = arith.constant 0 : i32
    %dma_wait3A_187 = tpu.memref_slice %arg6[%dma_wait3A_185, %dma_wait3A_186] : memref<50000x128xf32, #tpu.memory_space<hbm>> -> memref<50000x128xf32, #tpu.memory_space<hbm>>
    tpu.wait_indirect_dma semaphore(%arg15 : memref<!tpu.dma_semaphore, #tpu.memory_space<semaphore_mem>>) src(%dma_wait3A_187 : memref<50000x128xf32, #tpu.memory_space<hbm>>) dst(%arg10 : memref<125x128xf32, #tpu.memory_space<vmem>>)
    %sub3A_188 = arith.constant 384 : i32
    %sub3A_189 = arith.subi %add3A_4, %sub3A_188 : i32
    %add3A_190 = arith.constant 1 : i32
    %add3A_191 = arith.addi %sub3A_189, %add3A_190 : i32
    %mul3A_192 = arith.constant 125 : i32
    %mul3A_193 = arith.muli %add3A_191, %mul3A_192 : i32
    %dma_start3A_194 = arith.constant 0 : i32
    %dma_start3A_195 = tpu.memref_slice %arg7[%mul3A_193, %dma_start3A_194] : memref<52000x128xf32, #tpu.memory_space<hbm>> -> memref<125x128xf32, #tpu.memory_space<hbm>>
    %dma_start3A_196 = arith.constant 0 : i32
    %dma_start3A_197 = tpu.memref_slice %arg7[%mul3A_193, %dma_start3A_196] : memref<52000x128xf32, #tpu.memory_space<hbm>> -> memref<125x128xf32, #tpu.memory_space<hbm>>
    tpu.enqueue_dma source(%arg10 : memref<125x128xf32, #tpu.memory_space<vmem>>) target(%dma_start3A_197 : memref<125x128xf32, #tpu.memory_space<hbm>>) target_semaphore(%arg20 : memref<!tpu.dma_semaphore, #tpu.memory_space<semaphore_mem>>)
    %dma_start3A_198 = arith.constant 4 : i32
    %dma_start3A_199 = arith.constant 0 : i32
    %dma_start3A_200 = arith.constant 0 : i32
    %dma_start3A_201 = tpu.memref_slice %arg8[%dma_start3A_198, %dma_start3A_199, %dma_start3A_200] : memref<13x4x125xi32, #tpu.memory_space<vmem>> -> memref<1x1x125xi32, #tpu.memory_space<vmem>>
    %dma_start3A_202 = tpu.memref_squeeze %dma_start3A_201 : memref<1x1x125xi32, #tpu.memory_space<vmem>> -> memref<125xi32, #tpu.memory_space<vmem>>
    %dma_start3A_203 = arith.constant 0 : i32
    %dma_start3A_204 = arith.constant 0 : i32
    %dma_start3A_205 = tpu.memref_slice %arg3[%dma_start3A_203, %dma_start3A_204] : memref<50000x128xf32, #tpu.memory_space<hbm>> -> memref<50000x128xf32, #tpu.memory_space<hbm>>
    tpu.enqueue_indirect_dma source(%dma_start3A_205 : memref<50000x128xf32, #tpu.memory_space<hbm>>) target(%arg13 : memref<125x128xf32, #tpu.memory_space<vmem>>) offsets(%dma_start3A_202 : memref<125xi32, #tpu.memory_space<vmem>>) semaphore(%arg18 : memref<!tpu.dma_semaphore, #tpu.memory_space<semaphore_mem>>)
    %dma_wait3A_206 = arith.constant 3 : i32
    %dma_wait3A_207 = arith.constant 0 : i32
    %dma_wait3A_208 = arith.constant 0 : i32
    %dma_wait3A_209 = tpu.memref_slice %arg8[%dma_wait3A_206, %dma_wait3A_207, %dma_wait3A_208] : memref<13x4x125xi32, #tpu.memory_space<vmem>> -> memref<1x1x125xi32, #tpu.memory_space<vmem>>
    %dma_wait3A_210 = tpu.memref_squeeze %dma_wait3A_209 : memref<1x1x125xi32, #tpu.memory_space<vmem>> -> memref<125xi32, #tpu.memory_space<vmem>>
    %dma_wait3A_211 = arith.constant 0 : i32
    %dma_wait3A_212 = arith.constant 0 : i32
    %dma_wait3A_213 = tpu.memref_slice %arg3[%dma_wait3A_211, %dma_wait3A_212] : memref<50000x128xf32, #tpu.memory_space<hbm>> -> memref<50000x128xf32, #tpu.memory_space<hbm>>
    tpu.wait_indirect_dma semaphore(%arg17 : memref<!tpu.dma_semaphore, #tpu.memory_space<semaphore_mem>>) src(%dma_wait3A_213 : memref<50000x128xf32, #tpu.memory_space<hbm>>) dst(%arg12 : memref<125x128xf32, #tpu.memory_space<vmem>>)
    %dma_start3A_214 = arith.constant 3 : i32
    %dma_start3A_215 = arith.constant 1 : i32
    %dma_start3A_216 = arith.constant 0 : i32
    %dma_start3A_217 = tpu.memref_slice %arg8[%dma_start3A_214, %dma_start3A_215, %dma_start3A_216] : memref<13x4x125xi32, #tpu.memory_space<vmem>> -> memref<1x1x125xi32, #tpu.memory_space<vmem>>
    %dma_start3A_218 = tpu.memref_squeeze %dma_start3A_217 : memref<1x1x125xi32, #tpu.memory_space<vmem>> -> memref<125xi32, #tpu.memory_space<vmem>>
    %dma_start3A_219 = arith.constant 0 : i32
    %dma_start3A_220 = arith.constant 0 : i32
    %dma_start3A_221 = tpu.memref_slice %arg4[%dma_start3A_219, %dma_start3A_220] : memref<50000x128xf32, #tpu.memory_space<hbm>> -> memref<50000x128xf32, #tpu.memory_space<hbm>>
    tpu.enqueue_indirect_dma source(%dma_start3A_221 : memref<50000x128xf32, #tpu.memory_space<hbm>>) target(%arg12 : memref<125x128xf32, #tpu.memory_space<vmem>>) offsets(%dma_start3A_218 : memref<125xi32, #tpu.memory_space<vmem>>) semaphore(%arg17 : memref<!tpu.dma_semaphore, #tpu.memory_space<semaphore_mem>>) {add = true}
    %dma_start3A_222 = arith.constant 3 : i32
    %dma_start3A_223 = arith.constant 2 : i32
    %dma_start3A_224 = arith.constant 0 : i32
    %dma_start3A_225 = tpu.memref_slice %arg8[%dma_start3A_222, %dma_start3A_223, %dma_start3A_224] : memref<13x4x125xi32, #tpu.memory_space<vmem>> -> memref<1x1x125xi32, #tpu.memory_space<vmem>>
    %dma_start3A_226 = tpu.memref_squeeze %dma_start3A_225 : memref<1x1x125xi32, #tpu.memory_space<vmem>> -> memref<125xi32, #tpu.memory_space<vmem>>
    %dma_start3A_227 = arith.constant 0 : i32
    %dma_start3A_228 = arith.constant 0 : i32
    %dma_start3A_229 = tpu.memref_slice %arg5[%dma_start3A_227, %dma_start3A_228] : memref<50000x128xf32, #tpu.memory_space<hbm>> -> memref<50000x128xf32, #tpu.memory_space<hbm>>
    tpu.enqueue_indirect_dma source(%dma_start3A_229 : memref<50000x128xf32, #tpu.memory_space<hbm>>) target(%arg12 : memref<125x128xf32, #tpu.memory_space<vmem>>) offsets(%dma_start3A_226 : memref<125xi32, #tpu.memory_space<vmem>>) semaphore(%arg17 : memref<!tpu.dma_semaphore, #tpu.memory_space<semaphore_mem>>) {add = true}
    %dma_start3A_230 = arith.constant 3 : i32
    %dma_start3A_231 = arith.constant 3 : i32
    %dma_start3A_232 = arith.constant 0 : i32
    %dma_start3A_233 = tpu.memref_slice %arg8[%dma_start3A_230, %dma_start3A_231, %dma_start3A_232] : memref<13x4x125xi32, #tpu.memory_space<vmem>> -> memref<1x1x125xi32, #tpu.memory_space<vmem>>
    %dma_start3A_234 = tpu.memref_squeeze %dma_start3A_233 : memref<1x1x125xi32, #tpu.memory_space<vmem>> -> memref<125xi32, #tpu.memory_space<vmem>>
    %dma_start3A_235 = arith.constant 0 : i32
    %dma_start3A_236 = arith.constant 0 : i32
    %dma_start3A_237 = tpu.memref_slice %arg6[%dma_start3A_235, %dma_start3A_236] : memref<50000x128xf32, #tpu.memory_space<hbm>> -> memref<50000x128xf32, #tpu.memory_space<hbm>>
    tpu.enqueue_indirect_dma source(%dma_start3A_237 : memref<50000x128xf32, #tpu.memory_space<hbm>>) target(%arg12 : memref<125x128xf32, #tpu.memory_space<vmem>>) offsets(%dma_start3A_234 : memref<125xi32, #tpu.memory_space<vmem>>) semaphore(%arg17 : memref<!tpu.dma_semaphore, #tpu.memory_space<semaphore_mem>>) {add = true}
    %dma_wait3A_238 = arith.constant 2 : i32
    %dma_wait3A_239 = arith.constant 1 : i32
    %dma_wait3A_240 = arith.constant 0 : i32
    %dma_wait3A_241 = tpu.memref_slice %arg8[%dma_wait3A_238, %dma_wait3A_239, %dma_wait3A_240] : memref<13x4x125xi32, #tpu.memory_space<vmem>> -> memref<1x1x125xi32, #tpu.memory_space<vmem>>
    %dma_wait3A_242 = tpu.memref_squeeze %dma_wait3A_241 : memref<1x1x125xi32, #tpu.memory_space<vmem>> -> memref<125xi32, #tpu.memory_space<vmem>>
    %dma_wait3A_243 = arith.constant 0 : i32
    %dma_wait3A_244 = arith.constant 0 : i32
    %dma_wait3A_245 = tpu.memref_slice %arg4[%dma_wait3A_243, %dma_wait3A_244] : memref<50000x128xf32, #tpu.memory_space<hbm>> -> memref<50000x128xf32, #tpu.memory_space<hbm>>
    tpu.wait_indirect_dma semaphore(%arg16 : memref<!tpu.dma_semaphore, #tpu.memory_space<semaphore_mem>>) src(%dma_wait3A_245 : memref<50000x128xf32, #tpu.memory_space<hbm>>) dst(%arg11 : memref<125x128xf32, #tpu.memory_space<vmem>>)
    %dma_wait3A_246 = arith.constant 2 : i32
    %dma_wait3A_247 = arith.constant 2 : i32
    %dma_wait3A_248 = arith.constant 0 : i32
    %dma_wait3A_249 = tpu.memref_slice %arg8[%dma_wait3A_246, %dma_wait3A_247, %dma_wait3A_248] : memref<13x4x125xi32, #tpu.memory_space<vmem>> -> memref<1x1x125xi32, #tpu.memory_space<vmem>>
    %dma_wait3A_250 = tpu.memref_squeeze %dma_wait3A_249 : memref<1x1x125xi32, #tpu.memory_space<vmem>> -> memref<125xi32, #tpu.memory_space<vmem>>
    %dma_wait3A_251 = arith.constant 0 : i32
    %dma_wait3A_252 = arith.constant 0 : i32
    %dma_wait3A_253 = tpu.memref_slice %arg5[%dma_wait3A_251, %dma_wait3A_252] : memref<50000x128xf32, #tpu.memory_space<hbm>> -> memref<50000x128xf32, #tpu.memory_space<hbm>>
    tpu.wait_indirect_dma semaphore(%arg16 : memref<!tpu.dma_semaphore, #tpu.memory_space<semaphore_mem>>) src(%dma_wait3A_253 : memref<50000x128xf32, #tpu.memory_space<hbm>>) dst(%arg11 : memref<125x128xf32, #tpu.memory_space<vmem>>)
    %dma_wait3A_254 = arith.constant 2 : i32
    %dma_wait3A_255 = arith.constant 3 : i32
    %dma_wait3A_256 = arith.constant 0 : i32
    %dma_wait3A_257 = tpu.memref_slice %arg8[%dma_wait3A_254, %dma_wait3A_255, %dma_wait3A_256] : memref<13x4x125xi32, #tpu.memory_space<vmem>> -> memref<1x1x125xi32, #tpu.memory_space<vmem>>
    %dma_wait3A_258 = tpu.memref_squeeze %dma_wait3A_257 : memref<1x1x125xi32, #tpu.memory_space<vmem>> -> memref<125xi32, #tpu.memory_space<vmem>>
    %dma_wait3A_259 = arith.constant 0 : i32
    %dma_wait3A_260 = arith.constant 0 : i32
    %dma_wait3A_261 = tpu.memref_slice %arg6[%dma_wait3A_259, %dma_wait3A_260] : memref<50000x128xf32, #tpu.memory_space<hbm>> -> memref<50000x128xf32, #tpu.memory_space<hbm>>
    tpu.wait_indirect_dma semaphore(%arg16 : memref<!tpu.dma_semaphore, #tpu.memory_space<semaphore_mem>>) src(%dma_wait3A_261 : memref<50000x128xf32, #tpu.memory_space<hbm>>) dst(%arg11 : memref<125x128xf32, #tpu.memory_space<vmem>>)
    %sub3A_262 = arith.constant 384 : i32
    %sub3A_263 = arith.subi %add3A_4, %sub3A_262 : i32
    %add3A_264 = arith.constant 2 : i32
    %add3A_265 = arith.addi %sub3A_263, %add3A_264 : i32
    %mul3A_266 = arith.constant 125 : i32
    %mul3A_267 = arith.muli %add3A_265, %mul3A_266 : i32
    %dma_start3A_268 = arith.constant 0 : i32
    %dma_start3A_269 = tpu.memref_slice %arg7[%mul3A_267, %dma_start3A_268] : memref<52000x128xf32, #tpu.memory_space<hbm>> -> memref<125x128xf32, #tpu.memory_space<hbm>>
    %dma_start3A_270 = arith.constant 0 : i32
    %dma_start3A_271 = tpu.memref_slice %arg7[%mul3A_267, %dma_start3A_270] : memref<52000x128xf32, #tpu.memory_space<hbm>> -> memref<125x128xf32, #tpu.memory_space<hbm>>
    tpu.enqueue_dma source(%arg11 : memref<125x128xf32, #tpu.memory_space<vmem>>) target(%dma_start3A_271 : memref<125x128xf32, #tpu.memory_space<hbm>>) target_semaphore(%arg21 : memref<!tpu.dma_semaphore, #tpu.memory_space<semaphore_mem>>)
    %dma_wait3A_272 = arith.constant 0 : i32
    %dma_wait3A_273 = arith.constant 0 : i32
    %dma_wait3A_274 = tpu.memref_slice %arg7[%dma_wait3A_272, %dma_wait3A_273] : memref<52000x128xf32, #tpu.memory_space<hbm>> -> memref<125x128xf32, #tpu.memory_space<hbm>>
    %dma_wait3A_275 = arith.constant 0 : i32
    %dma_wait3A_276 = arith.constant 0 : i32
    %dma_wait3A_277 = tpu.memref_slice %arg7[%dma_wait3A_275, %dma_wait3A_276] : memref<52000x128xf32, #tpu.memory_space<hbm>> -> memref<125x128xf32, #tpu.memory_space<hbm>>
    tpu.wait_dma2 semaphore(%arg19 : memref<!tpu.dma_semaphore, #tpu.memory_space<semaphore_mem>>) src(%arg9 : memref<125x128xf32, #tpu.memory_space<vmem>>) dst(%dma_wait3A_277 : memref<125x128xf32, #tpu.memory_space<hbm>>)
    %dma_start3A_278 = arith.constant 5 : i32
    %dma_start3A_279 = arith.constant 0 : i32
    %dma_start3A_280 = arith.constant 0 : i32
    %dma_start3A_281 = tpu.memref_slice %arg8[%dma_start3A_278, %dma_start3A_279, %dma_start3A_280] : memref<13x4x125xi32, #tpu.memory_space<vmem>> -> memref<1x1x125xi32, #tpu.memory_space<vmem>>
    %dma_start3A_282 = tpu.memref_squeeze %dma_start3A_281 : memref<1x1x125xi32, #tpu.memory_space<vmem>> -> memref<125xi32, #tpu.memory_space<vmem>>
    %dma_start3A_283 = arith.constant 0 : i32
    %dma_start3A_284 = arith.constant 0 : i32
    %dma_start3A_285 = tpu.memref_slice %arg3[%dma_start3A_283, %dma_start3A_284] : memref<50000x128xf32, #tpu.memory_space<hbm>> -> memref<50000x128xf32, #tpu.memory_space<hbm>>
    tpu.enqueue_indirect_dma source(%dma_start3A_285 : memref<50000x128xf32, #tpu.memory_space<hbm>>) target(%arg9 : memref<125x128xf32, #tpu.memory_space<vmem>>) offsets(%dma_start3A_282 : memref<125xi32, #tpu.memory_space<vmem>>) semaphore(%arg14 : memref<!tpu.dma_semaphore, #tpu.memory_space<semaphore_mem>>)
    %dma_wait3A_286 = arith.constant 4 : i32
    %dma_wait3A_287 = arith.constant 0 : i32
    %dma_wait3A_288 = arith.constant 0 : i32
    %dma_wait3A_289 = tpu.memref_slice %arg8[%dma_wait3A_286, %dma_wait3A_287, %dma_wait3A_288] : memref<13x4x125xi32, #tpu.memory_space<vmem>> -> memref<1x1x125xi32, #tpu.memory_space<vmem>>
    %dma_wait3A_290 = tpu.memref_squeeze %dma_wait3A_289 : memref<1x1x125xi32, #tpu.memory_space<vmem>> -> memref<125xi32, #tpu.memory_space<vmem>>
    %dma_wait3A_291 = arith.constant 0 : i32
    %dma_wait3A_292 = arith.constant 0 : i32
    %dma_wait3A_293 = tpu.memref_slice %arg3[%dma_wait3A_291, %dma_wait3A_292] : memref<50000x128xf32, #tpu.memory_space<hbm>> -> memref<50000x128xf32, #tpu.memory_space<hbm>>
    tpu.wait_indirect_dma semaphore(%arg18 : memref<!tpu.dma_semaphore, #tpu.memory_space<semaphore_mem>>) src(%dma_wait3A_293 : memref<50000x128xf32, #tpu.memory_space<hbm>>) dst(%arg13 : memref<125x128xf32, #tpu.memory_space<vmem>>)
    %dma_start3A_294 = arith.constant 4 : i32
    %dma_start3A_295 = arith.constant 1 : i32
    %dma_start3A_296 = arith.constant 0 : i32
    %dma_start3A_297 = tpu.memref_slice %arg8[%dma_start3A_294, %dma_start3A_295, %dma_start3A_296] : memref<13x4x125xi32, #tpu.memory_space<vmem>> -> memref<1x1x125xi32, #tpu.memory_space<vmem>>
    %dma_start3A_298 = tpu.memref_squeeze %dma_start3A_297 : memref<1x1x125xi32, #tpu.memory_space<vmem>> -> memref<125xi32, #tpu.memory_space<vmem>>
    %dma_start3A_299 = arith.constant 0 : i32
    %dma_start3A_300 = arith.constant 0 : i32
    %dma_start3A_301 = tpu.memref_slice %arg4[%dma_start3A_299, %dma_start3A_300] : memref<50000x128xf32, #tpu.memory_space<hbm>> -> memref<50000x128xf32, #tpu.memory_space<hbm>>
    tpu.enqueue_indirect_dma source(%dma_start3A_301 : memref<50000x128xf32, #tpu.memory_space<hbm>>) target(%arg13 : memref<125x128xf32, #tpu.memory_space<vmem>>) offsets(%dma_start3A_298 : memref<125xi32, #tpu.memory_space<vmem>>) semaphore(%arg18 : memref<!tpu.dma_semaphore, #tpu.memory_space<semaphore_mem>>) {add = true}
    %dma_start3A_302 = arith.constant 4 : i32
    %dma_start3A_303 = arith.constant 2 : i32
    %dma_start3A_304 = arith.constant 0 : i32
    %dma_start3A_305 = tpu.memref_slice %arg8[%dma_start3A_302, %dma_start3A_303, %dma_start3A_304] : memref<13x4x125xi32, #tpu.memory_space<vmem>> -> memref<1x1x125xi32, #tpu.memory_space<vmem>>
    %dma_start3A_306 = tpu.memref_squeeze %dma_start3A_305 : memref<1x1x125xi32, #tpu.memory_space<vmem>> -> memref<125xi32, #tpu.memory_space<vmem>>
    %dma_start3A_307 = arith.constant 0 : i32
    %dma_start3A_308 = arith.constant 0 : i32
    %dma_start3A_309 = tpu.memref_slice %arg5[%dma_start3A_307, %dma_start3A_308] : memref<50000x128xf32, #tpu.memory_space<hbm>> -> memref<50000x128xf32, #tpu.memory_space<hbm>>
    tpu.enqueue_indirect_dma source(%dma_start3A_309 : memref<50000x128xf32, #tpu.memory_space<hbm>>) target(%arg13 : memref<125x128xf32, #tpu.memory_space<vmem>>) offsets(%dma_start3A_306 : memref<125xi32, #tpu.memory_space<vmem>>) semaphore(%arg18 : memref<!tpu.dma_semaphore, #tpu.memory_space<semaphore_mem>>) {add = true}
    %dma_start3A_310 = arith.constant 4 : i32
    %dma_start3A_311 = arith.constant 3 : i32
    %dma_start3A_312 = arith.constant 0 : i32
    %dma_start3A_313 = tpu.memref_slice %arg8[%dma_start3A_310, %dma_start3A_311, %dma_start3A_312] : memref<13x4x125xi32, #tpu.memory_space<vmem>> -> memref<1x1x125xi32, #tpu.memory_space<vmem>>
    %dma_start3A_314 = tpu.memref_squeeze %dma_start3A_313 : memref<1x1x125xi32, #tpu.memory_space<vmem>> -> memref<125xi32, #tpu.memory_space<vmem>>
    %dma_start3A_315 = arith.constant 0 : i32
    %dma_start3A_316 = arith.constant 0 : i32
    %dma_start3A_317 = tpu.memref_slice %arg6[%dma_start3A_315, %dma_start3A_316] : memref<50000x128xf32, #tpu.memory_space<hbm>> -> memref<50000x128xf32, #tpu.memory_space<hbm>>
    tpu.enqueue_indirect_dma source(%dma_start3A_317 : memref<50000x128xf32, #tpu.memory_space<hbm>>) target(%arg13 : memref<125x128xf32, #tpu.memory_space<vmem>>) offsets(%dma_start3A_314 : memref<125xi32, #tpu.memory_space<vmem>>) semaphore(%arg18 : memref<!tpu.dma_semaphore, #tpu.memory_space<semaphore_mem>>) {add = true}
    %dma_wait3A_318 = arith.constant 3 : i32
    %dma_wait3A_319 = arith.constant 1 : i32
    %dma_wait3A_320 = arith.constant 0 : i32
    %dma_wait3A_321 = tpu.memref_slice %arg8[%dma_wait3A_318, %dma_wait3A_319, %dma_wait3A_320] : memref<13x4x125xi32, #tpu.memory_space<vmem>> -> memref<1x1x125xi32, #tpu.memory_space<vmem>>
    %dma_wait3A_322 = tpu.memref_squeeze %dma_wait3A_321 : memref<1x1x125xi32, #tpu.memory_space<vmem>> -> memref<125xi32, #tpu.memory_space<vmem>>
    %dma_wait3A_323 = arith.constant 0 : i32
    %dma_wait3A_324 = arith.constant 0 : i32
    %dma_wait3A_325 = tpu.memref_slice %arg4[%dma_wait3A_323, %dma_wait3A_324] : memref<50000x128xf32, #tpu.memory_space<hbm>> -> memref<50000x128xf32, #tpu.memory_space<hbm>>
    tpu.wait_indirect_dma semaphore(%arg17 : memref<!tpu.dma_semaphore, #tpu.memory_space<semaphore_mem>>) src(%dma_wait3A_325 : memref<50000x128xf32, #tpu.memory_space<hbm>>) dst(%arg12 : memref<125x128xf32, #tpu.memory_space<vmem>>)
    %dma_wait3A_326 = arith.constant 3 : i32
    %dma_wait3A_327 = arith.constant 2 : i32
    %dma_wait3A_328 = arith.constant 0 : i32
    %dma_wait3A_329 = tpu.memref_slice %arg8[%dma_wait3A_326, %dma_wait3A_327, %dma_wait3A_328] : memref<13x4x125xi32, #tpu.memory_space<vmem>> -> memref<1x1x125xi32, #tpu.memory_space<vmem>>
    %dma_wait3A_330 = tpu.memref_squeeze %dma_wait3A_329 : memref<1x1x125xi32, #tpu.memory_space<vmem>> -> memref<125xi32, #tpu.memory_space<vmem>>
    %dma_wait3A_331 = arith.constant 0 : i32
    %dma_wait3A_332 = arith.constant 0 : i32
    %dma_wait3A_333 = tpu.memref_slice %arg5[%dma_wait3A_331, %dma_wait3A_332] : memref<50000x128xf32, #tpu.memory_space<hbm>> -> memref<50000x128xf32, #tpu.memory_space<hbm>>
    tpu.wait_indirect_dma semaphore(%arg17 : memref<!tpu.dma_semaphore, #tpu.memory_space<semaphore_mem>>) src(%dma_wait3A_333 : memref<50000x128xf32, #tpu.memory_space<hbm>>) dst(%arg12 : memref<125x128xf32, #tpu.memory_space<vmem>>)
    %dma_wait3A_334 = arith.constant 3 : i32
    %dma_wait3A_335 = arith.constant 3 : i32
    %dma_wait3A_336 = arith.constant 0 : i32
    %dma_wait3A_337 = tpu.memref_slice %arg8[%dma_wait3A_334, %dma_wait3A_335, %dma_wait3A_336] : memref<13x4x125xi32, #tpu.memory_space<vmem>> -> memref<1x1x125xi32, #tpu.memory_space<vmem>>
    %dma_wait3A_338 = tpu.memref_squeeze %dma_wait3A_337 : memref<1x1x125xi32, #tpu.memory_space<vmem>> -> memref<125xi32, #tpu.memory_space<vmem>>
    %dma_wait3A_339 = arith.constant 0 : i32
    %dma_wait3A_340 = arith.constant 0 : i32
    %dma_wait3A_341 = tpu.memref_slice %arg6[%dma_wait3A_339, %dma_wait3A_340] : memref<50000x128xf32, #tpu.memory_space<hbm>> -> memref<50000x128xf32, #tpu.memory_space<hbm>>
    tpu.wait_indirect_dma semaphore(%arg17 : memref<!tpu.dma_semaphore, #tpu.memory_space<semaphore_mem>>) src(%dma_wait3A_341 : memref<50000x128xf32, #tpu.memory_space<hbm>>) dst(%arg12 : memref<125x128xf32, #tpu.memory_space<vmem>>)
    %sub3A_342 = arith.constant 384 : i32
    %sub3A_343 = arith.subi %add3A_4, %sub3A_342 : i32
    %add3A_344 = arith.constant 3 : i32
    %add3A_345 = arith.addi %sub3A_343, %add3A_344 : i32
    %mul3A_346 = arith.constant 125 : i32
    %mul3A_347 = arith.muli %add3A_345, %mul3A_346 : i32
    %dma_start3A_348 = arith.constant 0 : i32
    %dma_start3A_349 = tpu.memref_slice %arg7[%mul3A_347, %dma_start3A_348] : memref<52000x128xf32, #tpu.memory_space<hbm>> -> memref<125x128xf32, #tpu.memory_space<hbm>>
    %dma_start3A_350 = arith.constant 0 : i32
    %dma_start3A_351 = tpu.memref_slice %arg7[%mul3A_347, %dma_start3A_350] : memref<52000x128xf32, #tpu.memory_space<hbm>> -> memref<125x128xf32, #tpu.memory_space<hbm>>
    tpu.enqueue_dma source(%arg12 : memref<125x128xf32, #tpu.memory_space<vmem>>) target(%dma_start3A_351 : memref<125x128xf32, #tpu.memory_space<hbm>>) target_semaphore(%arg22 : memref<!tpu.dma_semaphore, #tpu.memory_space<semaphore_mem>>)
    %dma_wait3A_352 = arith.constant 0 : i32
    %dma_wait3A_353 = arith.constant 0 : i32
    %dma_wait3A_354 = tpu.memref_slice %arg7[%dma_wait3A_352, %dma_wait3A_353] : memref<52000x128xf32, #tpu.memory_space<hbm>> -> memref<125x128xf32, #tpu.memory_space<hbm>>
    %dma_wait3A_355 = arith.constant 0 : i32
    %dma_wait3A_356 = arith.constant 0 : i32
    %dma_wait3A_357 = tpu.memref_slice %arg7[%dma_wait3A_355, %dma_wait3A_356] : memref<52000x128xf32, #tpu.memory_space<hbm>> -> memref<125x128xf32, #tpu.memory_space<hbm>>
    tpu.wait_dma2 semaphore(%arg20 : memref<!tpu.dma_semaphore, #tpu.memory_space<semaphore_mem>>) src(%arg10 : memref<125x128xf32, #tpu.memory_space<vmem>>) dst(%dma_wait3A_357 : memref<125x128xf32, #tpu.memory_space<hbm>>)
    %dma_start3A_358 = arith.constant 6 : i32
    %dma_start3A_359 = arith.constant 0 : i32
    %dma_start3A_360 = arith.constant 0 : i32
    %dma_start3A_361 = tpu.memref_slice %arg8[%dma_start3A_358, %dma_start3A_359, %dma_start3A_360] : memref<13x4x125xi32, #tpu.memory_space<vmem>> -> memref<1x1x125xi32, #tpu.memory_space<vmem>>
    %dma_start3A_362 = tpu.memref_squeeze %dma_start3A_361 : memref<1x1x125xi32, #tpu.memory_space<vmem>> -> memref<125xi32, #tpu.memory_space<vmem>>
    %dma_start3A_363 = arith.constant 0 : i32
    %dma_start3A_364 = arith.constant 0 : i32
    %dma_start3A_365 = tpu.memref_slice %arg3[%dma_start3A_363, %dma_start3A_364] : memref<50000x128xf32, #tpu.memory_space<hbm>> -> memref<50000x128xf32, #tpu.memory_space<hbm>>
    tpu.enqueue_indirect_dma source(%dma_start3A_365 : memref<50000x128xf32, #tpu.memory_space<hbm>>) target(%arg10 : memref<125x128xf32, #tpu.memory_space<vmem>>) offsets(%dma_start3A_362 : memref<125xi32, #tpu.memory_space<vmem>>) semaphore(%arg15 : memref<!tpu.dma_semaphore, #tpu.memory_space<semaphore_mem>>)
    %dma_wait3A_366 = arith.constant 5 : i32
    %dma_wait3A_367 = arith.constant 0 : i32
    %dma_wait3A_368 = arith.constant 0 : i32
    %dma_wait3A_369 = tpu.memref_slice %arg8[%dma_wait3A_366, %dma_wait3A_367, %dma_wait3A_368] : memref<13x4x125xi32, #tpu.memory_space<vmem>> -> memref<1x1x125xi32, #tpu.memory_space<vmem>>
    %dma_wait3A_370 = tpu.memref_squeeze %dma_wait3A_369 : memref<1x1x125xi32, #tpu.memory_space<vmem>> -> memref<125xi32, #tpu.memory_space<vmem>>
    %dma_wait3A_371 = arith.constant 0 : i32
    %dma_wait3A_372 = arith.constant 0 : i32
    %dma_wait3A_373 = tpu.memref_slice %arg3[%dma_wait3A_371, %dma_wait3A_372] : memref<50000x128xf32, #tpu.memory_space<hbm>> -> memref<50000x128xf32, #tpu.memory_space<hbm>>
    tpu.wait_indirect_dma semaphore(%arg14 : memref<!tpu.dma_semaphore, #tpu.memory_space<semaphore_mem>>) src(%dma_wait3A_373 : memref<50000x128xf32, #tpu.memory_space<hbm>>) dst(%arg9 : memref<125x128xf32, #tpu.memory_space<vmem>>)
    %dma_start3A_374 = arith.constant 5 : i32
    %dma_start3A_375 = arith.constant 1 : i32
    %dma_start3A_376 = arith.constant 0 : i32
    %dma_start3A_377 = tpu.memref_slice %arg8[%dma_start3A_374, %dma_start3A_375, %dma_start3A_376] : memref<13x4x125xi32, #tpu.memory_space<vmem>> -> memref<1x1x125xi32, #tpu.memory_space<vmem>>
    %dma_start3A_378 = tpu.memref_squeeze %dma_start3A_377 : memref<1x1x125xi32, #tpu.memory_space<vmem>> -> memref<125xi32, #tpu.memory_space<vmem>>
    %dma_start3A_379 = arith.constant 0 : i32
    %dma_start3A_380 = arith.constant 0 : i32
    %dma_start3A_381 = tpu.memref_slice %arg4[%dma_start3A_379, %dma_start3A_380] : memref<50000x128xf32, #tpu.memory_space<hbm>> -> memref<50000x128xf32, #tpu.memory_space<hbm>>
    tpu.enqueue_indirect_dma source(%dma_start3A_381 : memref<50000x128xf32, #tpu.memory_space<hbm>>) target(%arg9 : memref<125x128xf32, #tpu.memory_space<vmem>>) offsets(%dma_start3A_378 : memref<125xi32, #tpu.memory_space<vmem>>) semaphore(%arg14 : memref<!tpu.dma_semaphore, #tpu.memory_space<semaphore_mem>>) {add = true}
    %dma_start3A_382 = arith.constant 5 : i32
    %dma_start3A_383 = arith.constant 2 : i32
    %dma_start3A_384 = arith.constant 0 : i32
    %dma_start3A_385 = tpu.memref_slice %arg8[%dma_start3A_382, %dma_start3A_383, %dma_start3A_384] : memref<13x4x125xi32, #tpu.memory_space<vmem>> -> memref<1x1x125xi32, #tpu.memory_space<vmem>>
    %dma_start3A_386 = tpu.memref_squeeze %dma_start3A_385 : memref<1x1x125xi32, #tpu.memory_space<vmem>> -> memref<125xi32, #tpu.memory_space<vmem>>
    %dma_start3A_387 = arith.constant 0 : i32
    %dma_start3A_388 = arith.constant 0 : i32
    %dma_start3A_389 = tpu.memref_slice %arg5[%dma_start3A_387, %dma_start3A_388] : memref<50000x128xf32, #tpu.memory_space<hbm>> -> memref<50000x128xf32, #tpu.memory_space<hbm>>
    tpu.enqueue_indirect_dma source(%dma_start3A_389 : memref<50000x128xf32, #tpu.memory_space<hbm>>) target(%arg9 : memref<125x128xf32, #tpu.memory_space<vmem>>) offsets(%dma_start3A_386 : memref<125xi32, #tpu.memory_space<vmem>>) semaphore(%arg14 : memref<!tpu.dma_semaphore, #tpu.memory_space<semaphore_mem>>) {add = true}
    %dma_start3A_390 = arith.constant 5 : i32
    %dma_start3A_391 = arith.constant 3 : i32
    %dma_start3A_392 = arith.constant 0 : i32
    %dma_start3A_393 = tpu.memref_slice %arg8[%dma_start3A_390, %dma_start3A_391, %dma_start3A_392] : memref<13x4x125xi32, #tpu.memory_space<vmem>> -> memref<1x1x125xi32, #tpu.memory_space<vmem>>
    %dma_start3A_394 = tpu.memref_squeeze %dma_start3A_393 : memref<1x1x125xi32, #tpu.memory_space<vmem>> -> memref<125xi32, #tpu.memory_space<vmem>>
    %dma_start3A_395 = arith.constant 0 : i32
    %dma_start3A_396 = arith.constant 0 : i32
    %dma_start3A_397 = tpu.memref_slice %arg6[%dma_start3A_395, %dma_start3A_396] : memref<50000x128xf32, #tpu.memory_space<hbm>> -> memref<50000x128xf32, #tpu.memory_space<hbm>>
    tpu.enqueue_indirect_dma source(%dma_start3A_397 : memref<50000x128xf32, #tpu.memory_space<hbm>>) target(%arg9 : memref<125x128xf32, #tpu.memory_space<vmem>>) offsets(%dma_start3A_394 : memref<125xi32, #tpu.memory_space<vmem>>) semaphore(%arg14 : memref<!tpu.dma_semaphore, #tpu.memory_space<semaphore_mem>>) {add = true}
    %dma_wait3A_398 = arith.constant 4 : i32
    %dma_wait3A_399 = arith.constant 1 : i32
    %dma_wait3A_400 = arith.constant 0 : i32
    %dma_wait3A_401 = tpu.memref_slice %arg8[%dma_wait3A_398, %dma_wait3A_399, %dma_wait3A_400] : memref<13x4x125xi32, #tpu.memory_space<vmem>> -> memref<1x1x125xi32, #tpu.memory_space<vmem>>
    %dma_wait3A_402 = tpu.memref_squeeze %dma_wait3A_401 : memref<1x1x125xi32, #tpu.memory_space<vmem>> -> memref<125xi32, #tpu.memory_space<vmem>>
    %dma_wait3A_403 = arith.constant 0 : i32
    %dma_wait3A_404 = arith.constant 0 : i32
    %dma_wait3A_405 = tpu.memref_slice %arg4[%dma_wait3A_403, %dma_wait3A_404] : memref<50000x128xf32, #tpu.memory_space<hbm>> -> memref<50000x128xf32, #tpu.memory_space<hbm>>
    tpu.wait_indirect_dma semaphore(%arg18 : memref<!tpu.dma_semaphore, #tpu.memory_space<semaphore_mem>>) src(%dma_wait3A_405 : memref<50000x128xf32, #tpu.memory_space<hbm>>) dst(%arg13 : memref<125x128xf32, #tpu.memory_space<vmem>>)
    %dma_wait3A_406 = arith.constant 4 : i32
    %dma_wait3A_407 = arith.constant 2 : i32
    %dma_wait3A_408 = arith.constant 0 : i32
    %dma_wait3A_409 = tpu.memref_slice %arg8[%dma_wait3A_406, %dma_wait3A_407, %dma_wait3A_408] : memref<13x4x125xi32, #tpu.memory_space<vmem>> -> memref<1x1x125xi32, #tpu.memory_space<vmem>>
    %dma_wait3A_410 = tpu.memref_squeeze %dma_wait3A_409 : memref<1x1x125xi32, #tpu.memory_space<vmem>> -> memref<125xi32, #tpu.memory_space<vmem>>
    %dma_wait3A_411 = arith.constant 0 : i32
    %dma_wait3A_412 = arith.constant 0 : i32
    %dma_wait3A_413 = tpu.memref_slice %arg5[%dma_wait3A_411, %dma_wait3A_412] : memref<50000x128xf32, #tpu.memory_space<hbm>> -> memref<50000x128xf32, #tpu.memory_space<hbm>>
    tpu.wait_indirect_dma semaphore(%arg18 : memref<!tpu.dma_semaphore, #tpu.memory_space<semaphore_mem>>) src(%dma_wait3A_413 : memref<50000x128xf32, #tpu.memory_space<hbm>>) dst(%arg13 : memref<125x128xf32, #tpu.memory_space<vmem>>)
    %dma_wait3A_414 = arith.constant 4 : i32
    %dma_wait3A_415 = arith.constant 3 : i32
    %dma_wait3A_416 = arith.constant 0 : i32
    %dma_wait3A_417 = tpu.memref_slice %arg8[%dma_wait3A_414, %dma_wait3A_415, %dma_wait3A_416] : memref<13x4x125xi32, #tpu.memory_space<vmem>> -> memref<1x1x125xi32, #tpu.memory_space<vmem>>
    %dma_wait3A_418 = tpu.memref_squeeze %dma_wait3A_417 : memref<1x1x125xi32, #tpu.memory_space<vmem>> -> memref<125xi32, #tpu.memory_space<vmem>>
    %dma_wait3A_419 = arith.constant 0 : i32
    %dma_wait3A_420 = arith.constant 0 : i32
    %dma_wait3A_421 = tpu.memref_slice %arg6[%dma_wait3A_419, %dma_wait3A_420] : memref<50000x128xf32, #tpu.memory_space<hbm>> -> memref<50000x128xf32, #tpu.memory_space<hbm>>
    tpu.wait_indirect_dma semaphore(%arg18 : memref<!tpu.dma_semaphore, #tpu.memory_space<semaphore_mem>>) src(%dma_wait3A_421 : memref<50000x128xf32, #tpu.memory_space<hbm>>) dst(%arg13 : memref<125x128xf32, #tpu.memory_space<vmem>>)
    %sub3A_422 = arith.constant 384 : i32
    %sub3A_423 = arith.subi %add3A_4, %sub3A_422 : i32
    %add3A_424 = arith.constant 4 : i32
    %add3A_425 = arith.addi %sub3A_423, %add3A_424 : i32
    %mul3A_426 = arith.constant 125 : i32
    %mul3A_427 = arith.muli %add3A_425, %mul3A_426 : i32
    %dma_start3A_428 = arith.constant 0 : i32
    %dma_start3A_429 = tpu.memref_slice %arg7[%mul3A_427, %dma_start3A_428] : memref<52000x128xf32, #tpu.memory_space<hbm>> -> memref<125x128xf32, #tpu.memory_space<hbm>>
    %dma_start3A_430 = arith.constant 0 : i32
    %dma_start3A_431 = tpu.memref_slice %arg7[%mul3A_427, %dma_start3A_430] : memref<52000x128xf32, #tpu.memory_space<hbm>> -> memref<125x128xf32, #tpu.memory_space<hbm>>
    tpu.enqueue_dma source(%arg13 : memref<125x128xf32, #tpu.memory_space<vmem>>) target(%dma_start3A_431 : memref<125x128xf32, #tpu.memory_space<hbm>>) target_semaphore(%arg23 : memref<!tpu.dma_semaphore, #tpu.memory_space<semaphore_mem>>)
    %dma_wait3A_432 = arith.constant 0 : i32
    %dma_wait3A_433 = arith.constant 0 : i32
    %dma_wait3A_434 = tpu.memref_slice %arg7[%dma_wait3A_432, %dma_wait3A_433] : memref<52000x128xf32, #tpu.memory_space<hbm>> -> memref<125x128xf32, #tpu.memory_space<hbm>>
    %dma_wait3A_435 = arith.constant 0 : i32
    %dma_wait3A_436 = arith.constant 0 : i32
    %dma_wait3A_437 = tpu.memref_slice %arg7[%dma_wait3A_435, %dma_wait3A_436] : memref<52000x128xf32, #tpu.memory_space<hbm>> -> memref<125x128xf32, #tpu.memory_space<hbm>>
    tpu.wait_dma2 semaphore(%arg21 : memref<!tpu.dma_semaphore, #tpu.memory_space<semaphore_mem>>) src(%arg11 : memref<125x128xf32, #tpu.memory_space<vmem>>) dst(%dma_wait3A_437 : memref<125x128xf32, #tpu.memory_space<hbm>>)
    %dma_start3A_438 = arith.constant 7 : i32
    %dma_start3A_439 = arith.constant 0 : i32
    %dma_start3A_440 = arith.constant 0 : i32
    %dma_start3A_441 = tpu.memref_slice %arg8[%dma_start3A_438, %dma_start3A_439, %dma_start3A_440] : memref<13x4x125xi32, #tpu.memory_space<vmem>> -> memref<1x1x125xi32, #tpu.memory_space<vmem>>
    %dma_start3A_442 = tpu.memref_squeeze %dma_start3A_441 : memref<1x1x125xi32, #tpu.memory_space<vmem>> -> memref<125xi32, #tpu.memory_space<vmem>>
    %dma_start3A_443 = arith.constant 0 : i32
    %dma_start3A_444 = arith.constant 0 : i32
    %dma_start3A_445 = tpu.memref_slice %arg3[%dma_start3A_443, %dma_start3A_444] : memref<50000x128xf32, #tpu.memory_space<hbm>> -> memref<50000x128xf32, #tpu.memory_space<hbm>>
    tpu.enqueue_indirect_dma source(%dma_start3A_445 : memref<50000x128xf32, #tpu.memory_space<hbm>>) target(%arg11 : memref<125x128xf32, #tpu.memory_space<vmem>>) offsets(%dma_start3A_442 : memref<125xi32, #tpu.memory_space<vmem>>) semaphore(%arg16 : memref<!tpu.dma_semaphore, #tpu.memory_space<semaphore_mem>>)
    %dma_wait3A_446 = arith.constant 6 : i32
    %dma_wait3A_447 = arith.constant 0 : i32
    %dma_wait3A_448 = arith.constant 0 : i32
    %dma_wait3A_449 = tpu.memref_slice %arg8[%dma_wait3A_446, %dma_wait3A_447, %dma_wait3A_448] : memref<13x4x125xi32, #tpu.memory_space<vmem>> -> memref<1x1x125xi32, #tpu.memory_space<vmem>>
    %dma_wait3A_450 = tpu.memref_squeeze %dma_wait3A_449 : memref<1x1x125xi32, #tpu.memory_space<vmem>> -> memref<125xi32, #tpu.memory_space<vmem>>
    %dma_wait3A_451 = arith.constant 0 : i32
    %dma_wait3A_452 = arith.constant 0 : i32
    %dma_wait3A_453 = tpu.memref_slice %arg3[%dma_wait3A_451, %dma_wait3A_452] : memref<50000x128xf32, #tpu.memory_space<hbm>> -> memref<50000x128xf32, #tpu.memory_space<hbm>>
    tpu.wait_indirect_dma semaphore(%arg15 : memref<!tpu.dma_semaphore, #tpu.memory_space<semaphore_mem>>) src(%dma_wait3A_453 : memref<50000x128xf32, #tpu.memory_space<hbm>>) dst(%arg10 : memref<125x128xf32, #tpu.memory_space<vmem>>)
    %dma_start3A_454 = arith.constant 6 : i32
    %dma_start3A_455 = arith.constant 1 : i32
    %dma_start3A_456 = arith.constant 0 : i32
    %dma_start3A_457 = tpu.memref_slice %arg8[%dma_start3A_454, %dma_start3A_455, %dma_start3A_456] : memref<13x4x125xi32, #tpu.memory_space<vmem>> -> memref<1x1x125xi32, #tpu.memory_space<vmem>>
    %dma_start3A_458 = tpu.memref_squeeze %dma_start3A_457 : memref<1x1x125xi32, #tpu.memory_space<vmem>> -> memref<125xi32, #tpu.memory_space<vmem>>
    %dma_start3A_459 = arith.constant 0 : i32
    %dma_start3A_460 = arith.constant 0 : i32
    %dma_start3A_461 = tpu.memref_slice %arg4[%dma_start3A_459, %dma_start3A_460] : memref<50000x128xf32, #tpu.memory_space<hbm>> -> memref<50000x128xf32, #tpu.memory_space<hbm>>
    tpu.enqueue_indirect_dma source(%dma_start3A_461 : memref<50000x128xf32, #tpu.memory_space<hbm>>) target(%arg10 : memref<125x128xf32, #tpu.memory_space<vmem>>) offsets(%dma_start3A_458 : memref<125xi32, #tpu.memory_space<vmem>>) semaphore(%arg15 : memref<!tpu.dma_semaphore, #tpu.memory_space<semaphore_mem>>) {add = true}
    %dma_start3A_462 = arith.constant 6 : i32
    %dma_start3A_463 = arith.constant 2 : i32
    %dma_start3A_464 = arith.constant 0 : i32
    %dma_start3A_465 = tpu.memref_slice %arg8[%dma_start3A_462, %dma_start3A_463, %dma_start3A_464] : memref<13x4x125xi32, #tpu.memory_space<vmem>> -> memref<1x1x125xi32, #tpu.memory_space<vmem>>
    %dma_start3A_466 = tpu.memref_squeeze %dma_start3A_465 : memref<1x1x125xi32, #tpu.memory_space<vmem>> -> memref<125xi32, #tpu.memory_space<vmem>>
    %dma_start3A_467 = arith.constant 0 : i32
    %dma_start3A_468 = arith.constant 0 : i32
    %dma_start3A_469 = tpu.memref_slice %arg5[%dma_start3A_467, %dma_start3A_468] : memref<50000x128xf32, #tpu.memory_space<hbm>> -> memref<50000x128xf32, #tpu.memory_space<hbm>>
    tpu.enqueue_indirect_dma source(%dma_start3A_469 : memref<50000x128xf32, #tpu.memory_space<hbm>>) target(%arg10 : memref<125x128xf32, #tpu.memory_space<vmem>>) offsets(%dma_start3A_466 : memref<125xi32, #tpu.memory_space<vmem>>) semaphore(%arg15 : memref<!tpu.dma_semaphore, #tpu.memory_space<semaphore_mem>>) {add = true}
    %dma_start3A_470 = arith.constant 6 : i32
    %dma_start3A_471 = arith.constant 3 : i32
    %dma_start3A_472 = arith.constant 0 : i32
    %dma_start3A_473 = tpu.memref_slice %arg8[%dma_start3A_470, %dma_start3A_471, %dma_start3A_472] : memref<13x4x125xi32, #tpu.memory_space<vmem>> -> memref<1x1x125xi32, #tpu.memory_space<vmem>>
    %dma_start3A_474 = tpu.memref_squeeze %dma_start3A_473 : memref<1x1x125xi32, #tpu.memory_space<vmem>> -> memref<125xi32, #tpu.memory_space<vmem>>
    %dma_start3A_475 = arith.constant 0 : i32
    %dma_start3A_476 = arith.constant 0 : i32
    %dma_start3A_477 = tpu.memref_slice %arg6[%dma_start3A_475, %dma_start3A_476] : memref<50000x128xf32, #tpu.memory_space<hbm>> -> memref<50000x128xf32, #tpu.memory_space<hbm>>
    tpu.enqueue_indirect_dma source(%dma_start3A_477 : memref<50000x128xf32, #tpu.memory_space<hbm>>) target(%arg10 : memref<125x128xf32, #tpu.memory_space<vmem>>) offsets(%dma_start3A_474 : memref<125xi32, #tpu.memory_space<vmem>>) semaphore(%arg15 : memref<!tpu.dma_semaphore, #tpu.memory_space<semaphore_mem>>) {add = true}
    %dma_wait3A_478 = arith.constant 5 : i32
    %dma_wait3A_479 = arith.constant 1 : i32
    %dma_wait3A_480 = arith.constant 0 : i32
    %dma_wait3A_481 = tpu.memref_slice %arg8[%dma_wait3A_478, %dma_wait3A_479, %dma_wait3A_480] : memref<13x4x125xi32, #tpu.memory_space<vmem>> -> memref<1x1x125xi32, #tpu.memory_space<vmem>>
    %dma_wait3A_482 = tpu.memref_squeeze %dma_wait3A_481 : memref<1x1x125xi32, #tpu.memory_space<vmem>> -> memref<125xi32, #tpu.memory_space<vmem>>
    %dma_wait3A_483 = arith.constant 0 : i32
    %dma_wait3A_484 = arith.constant 0 : i32
    %dma_wait3A_485 = tpu.memref_slice %arg4[%dma_wait3A_483, %dma_wait3A_484] : memref<50000x128xf32, #tpu.memory_space<hbm>> -> memref<50000x128xf32, #tpu.memory_space<hbm>>
    tpu.wait_indirect_dma semaphore(%arg14 : memref<!tpu.dma_semaphore, #tpu.memory_space<semaphore_mem>>) src(%dma_wait3A_485 : memref<50000x128xf32, #tpu.memory_space<hbm>>) dst(%arg9 : memref<125x128xf32, #tpu.memory_space<vmem>>)
    %dma_wait3A_486 = arith.constant 5 : i32
    %dma_wait3A_487 = arith.constant 2 : i32
    %dma_wait3A_488 = arith.constant 0 : i32
    %dma_wait3A_489 = tpu.memref_slice %arg8[%dma_wait3A_486, %dma_wait3A_487, %dma_wait3A_488] : memref<13x4x125xi32, #tpu.memory_space<vmem>> -> memref<1x1x125xi32, #tpu.memory_space<vmem>>
    %dma_wait3A_490 = tpu.memref_squeeze %dma_wait3A_489 : memref<1x1x125xi32, #tpu.memory_space<vmem>> -> memref<125xi32, #tpu.memory_space<vmem>>
    %dma_wait3A_491 = arith.constant 0 : i32
    %dma_wait3A_492 = arith.constant 0 : i32
    %dma_wait3A_493 = tpu.memref_slice %arg5[%dma_wait3A_491, %dma_wait3A_492] : memref<50000x128xf32, #tpu.memory_space<hbm>> -> memref<50000x128xf32, #tpu.memory_space<hbm>>
    tpu.wait_indirect_dma semaphore(%arg14 : memref<!tpu.dma_semaphore, #tpu.memory_space<semaphore_mem>>) src(%dma_wait3A_493 : memref<50000x128xf32, #tpu.memory_space<hbm>>) dst(%arg9 : memref<125x128xf32, #tpu.memory_space<vmem>>)
    %dma_wait3A_494 = arith.constant 5 : i32
    %dma_wait3A_495 = arith.constant 3 : i32
    %dma_wait3A_496 = arith.constant 0 : i32
    %dma_wait3A_497 = tpu.memref_slice %arg8[%dma_wait3A_494, %dma_wait3A_495, %dma_wait3A_496] : memref<13x4x125xi32, #tpu.memory_space<vmem>> -> memref<1x1x125xi32, #tpu.memory_space<vmem>>
    %dma_wait3A_498 = tpu.memref_squeeze %dma_wait3A_497 : memref<1x1x125xi32, #tpu.memory_space<vmem>> -> memref<125xi32, #tpu.memory_space<vmem>>
    %dma_wait3A_499 = arith.constant 0 : i32
    %dma_wait3A_500 = arith.constant 0 : i32
    %dma_wait3A_501 = tpu.memref_slice %arg6[%dma_wait3A_499, %dma_wait3A_500] : memref<50000x128xf32, #tpu.memory_space<hbm>> -> memref<50000x128xf32, #tpu.memory_space<hbm>>
    tpu.wait_indirect_dma semaphore(%arg14 : memref<!tpu.dma_semaphore, #tpu.memory_space<semaphore_mem>>) src(%dma_wait3A_501 : memref<50000x128xf32, #tpu.memory_space<hbm>>) dst(%arg9 : memref<125x128xf32, #tpu.memory_space<vmem>>)
    %sub3A_502 = arith.constant 384 : i32
    %sub3A_503 = arith.subi %add3A_4, %sub3A_502 : i32
    %add3A_504 = arith.constant 5 : i32
    %add3A_505 = arith.addi %sub3A_503, %add3A_504 : i32
    %mul3A_506 = arith.constant 125 : i32
    %mul3A_507 = arith.muli %add3A_505, %mul3A_506 : i32
    %dma_start3A_508 = arith.constant 0 : i32
    %dma_start3A_509 = tpu.memref_slice %arg7[%mul3A_507, %dma_start3A_508] : memref<52000x128xf32, #tpu.memory_space<hbm>> -> memref<125x128xf32, #tpu.memory_space<hbm>>
    %dma_start3A_510 = arith.constant 0 : i32
    %dma_start3A_511 = tpu.memref_slice %arg7[%mul3A_507, %dma_start3A_510] : memref<52000x128xf32, #tpu.memory_space<hbm>> -> memref<125x128xf32, #tpu.memory_space<hbm>>
    tpu.enqueue_dma source(%arg9 : memref<125x128xf32, #tpu.memory_space<vmem>>) target(%dma_start3A_511 : memref<125x128xf32, #tpu.memory_space<hbm>>) target_semaphore(%arg19 : memref<!tpu.dma_semaphore, #tpu.memory_space<semaphore_mem>>)
    %dma_wait3A_512 = arith.constant 0 : i32
    %dma_wait3A_513 = arith.constant 0 : i32
    %dma_wait3A_514 = tpu.memref_slice %arg7[%dma_wait3A_512, %dma_wait3A_513] : memref<52000x128xf32, #tpu.memory_space<hbm>> -> memref<125x128xf32, #tpu.memory_space<hbm>>
    %dma_wait3A_515 = arith.constant 0 : i32
    %dma_wait3A_516 = arith.constant 0 : i32
    %dma_wait3A_517 = tpu.memref_slice %arg7[%dma_wait3A_515, %dma_wait3A_516] : memref<52000x128xf32, #tpu.memory_space<hbm>> -> memref<125x128xf32, #tpu.memory_space<hbm>>
    tpu.wait_dma2 semaphore(%arg22 : memref<!tpu.dma_semaphore, #tpu.memory_space<semaphore_mem>>) src(%arg12 : memref<125x128xf32, #tpu.memory_space<vmem>>) dst(%dma_wait3A_517 : memref<125x128xf32, #tpu.memory_space<hbm>>)
    %dma_start3A_518 = arith.constant 8 : i32
    %dma_start3A_519 = arith.constant 0 : i32
    %dma_start3A_520 = arith.constant 0 : i32
    %dma_start3A_521 = tpu.memref_slice %arg8[%dma_start3A_518, %dma_start3A_519, %dma_start3A_520] : memref<13x4x125xi32, #tpu.memory_space<vmem>> -> memref<1x1x125xi32, #tpu.memory_space<vmem>>
    %dma_start3A_522 = tpu.memref_squeeze %dma_start3A_521 : memref<1x1x125xi32, #tpu.memory_space<vmem>> -> memref<125xi32, #tpu.memory_space<vmem>>
    %dma_start3A_523 = arith.constant 0 : i32
    %dma_start3A_524 = arith.constant 0 : i32
    %dma_start3A_525 = tpu.memref_slice %arg3[%dma_start3A_523, %dma_start3A_524] : memref<50000x128xf32, #tpu.memory_space<hbm>> -> memref<50000x128xf32, #tpu.memory_space<hbm>>
    tpu.enqueue_indirect_dma source(%dma_start3A_525 : memref<50000x128xf32, #tpu.memory_space<hbm>>) target(%arg12 : memref<125x128xf32, #tpu.memory_space<vmem>>) offsets(%dma_start3A_522 : memref<125xi32, #tpu.memory_space<vmem>>) semaphore(%arg17 : memref<!tpu.dma_semaphore, #tpu.memory_space<semaphore_mem>>)
    %dma_wait3A_526 = arith.constant 7 : i32
    %dma_wait3A_527 = arith.constant 0 : i32
    %dma_wait3A_528 = arith.constant 0 : i32
    %dma_wait3A_529 = tpu.memref_slice %arg8[%dma_wait3A_526, %dma_wait3A_527, %dma_wait3A_528] : memref<13x4x125xi32, #tpu.memory_space<vmem>> -> memref<1x1x125xi32, #tpu.memory_space<vmem>>
    %dma_wait3A_530 = tpu.memref_squeeze %dma_wait3A_529 : memref<1x1x125xi32, #tpu.memory_space<vmem>> -> memref<125xi32, #tpu.memory_space<vmem>>
    %dma_wait3A_531 = arith.constant 0 : i32
    %dma_wait3A_532 = arith.constant 0 : i32
    %dma_wait3A_533 = tpu.memref_slice %arg3[%dma_wait3A_531, %dma_wait3A_532] : memref<50000x128xf32, #tpu.memory_space<hbm>> -> memref<50000x128xf32, #tpu.memory_space<hbm>>
    tpu.wait_indirect_dma semaphore(%arg16 : memref<!tpu.dma_semaphore, #tpu.memory_space<semaphore_mem>>) src(%dma_wait3A_533 : memref<50000x128xf32, #tpu.memory_space<hbm>>) dst(%arg11 : memref<125x128xf32, #tpu.memory_space<vmem>>)
    %dma_start3A_534 = arith.constant 7 : i32
    %dma_start3A_535 = arith.constant 1 : i32
    %dma_start3A_536 = arith.constant 0 : i32
    %dma_start3A_537 = tpu.memref_slice %arg8[%dma_start3A_534, %dma_start3A_535, %dma_start3A_536] : memref<13x4x125xi32, #tpu.memory_space<vmem>> -> memref<1x1x125xi32, #tpu.memory_space<vmem>>
    %dma_start3A_538 = tpu.memref_squeeze %dma_start3A_537 : memref<1x1x125xi32, #tpu.memory_space<vmem>> -> memref<125xi32, #tpu.memory_space<vmem>>
    %dma_start3A_539 = arith.constant 0 : i32
    %dma_start3A_540 = arith.constant 0 : i32
    %dma_start3A_541 = tpu.memref_slice %arg4[%dma_start3A_539, %dma_start3A_540] : memref<50000x128xf32, #tpu.memory_space<hbm>> -> memref<50000x128xf32, #tpu.memory_space<hbm>>
    tpu.enqueue_indirect_dma source(%dma_start3A_541 : memref<50000x128xf32, #tpu.memory_space<hbm>>) target(%arg11 : memref<125x128xf32, #tpu.memory_space<vmem>>) offsets(%dma_start3A_538 : memref<125xi32, #tpu.memory_space<vmem>>) semaphore(%arg16 : memref<!tpu.dma_semaphore, #tpu.memory_space<semaphore_mem>>) {add = true}
    %dma_start3A_542 = arith.constant 7 : i32
    %dma_start3A_543 = arith.constant 2 : i32
    %dma_start3A_544 = arith.constant 0 : i32
    %dma_start3A_545 = tpu.memref_slice %arg8[%dma_start3A_542, %dma_start3A_543, %dma_start3A_544] : memref<13x4x125xi32, #tpu.memory_space<vmem>> -> memref<1x1x125xi32, #tpu.memory_space<vmem>>
    %dma_start3A_546 = tpu.memref_squeeze %dma_start3A_545 : memref<1x1x125xi32, #tpu.memory_space<vmem>> -> memref<125xi32, #tpu.memory_space<vmem>>
    %dma_start3A_547 = arith.constant 0 : i32
    %dma_start3A_548 = arith.constant 0 : i32
    %dma_start3A_549 = tpu.memref_slice %arg5[%dma_start3A_547, %dma_start3A_548] : memref<50000x128xf32, #tpu.memory_space<hbm>> -> memref<50000x128xf32, #tpu.memory_space<hbm>>
    tpu.enqueue_indirect_dma source(%dma_start3A_549 : memref<50000x128xf32, #tpu.memory_space<hbm>>) target(%arg11 : memref<125x128xf32, #tpu.memory_space<vmem>>) offsets(%dma_start3A_546 : memref<125xi32, #tpu.memory_space<vmem>>) semaphore(%arg16 : memref<!tpu.dma_semaphore, #tpu.memory_space<semaphore_mem>>) {add = true}
    %dma_start3A_550 = arith.constant 7 : i32
    %dma_start3A_551 = arith.constant 3 : i32
    %dma_start3A_552 = arith.constant 0 : i32
    %dma_start3A_553 = tpu.memref_slice %arg8[%dma_start3A_550, %dma_start3A_551, %dma_start3A_552] : memref<13x4x125xi32, #tpu.memory_space<vmem>> -> memref<1x1x125xi32, #tpu.memory_space<vmem>>
    %dma_start3A_554 = tpu.memref_squeeze %dma_start3A_553 : memref<1x1x125xi32, #tpu.memory_space<vmem>> -> memref<125xi32, #tpu.memory_space<vmem>>
    %dma_start3A_555 = arith.constant 0 : i32
    %dma_start3A_556 = arith.constant 0 : i32
    %dma_start3A_557 = tpu.memref_slice %arg6[%dma_start3A_555, %dma_start3A_556] : memref<50000x128xf32, #tpu.memory_space<hbm>> -> memref<50000x128xf32, #tpu.memory_space<hbm>>
    tpu.enqueue_indirect_dma source(%dma_start3A_557 : memref<50000x128xf32, #tpu.memory_space<hbm>>) target(%arg11 : memref<125x128xf32, #tpu.memory_space<vmem>>) offsets(%dma_start3A_554 : memref<125xi32, #tpu.memory_space<vmem>>) semaphore(%arg16 : memref<!tpu.dma_semaphore, #tpu.memory_space<semaphore_mem>>) {add = true}
    %dma_wait3A_558 = arith.constant 6 : i32
    %dma_wait3A_559 = arith.constant 1 : i32
    %dma_wait3A_560 = arith.constant 0 : i32
    %dma_wait3A_561 = tpu.memref_slice %arg8[%dma_wait3A_558, %dma_wait3A_559, %dma_wait3A_560] : memref<13x4x125xi32, #tpu.memory_space<vmem>> -> memref<1x1x125xi32, #tpu.memory_space<vmem>>
    %dma_wait3A_562 = tpu.memref_squeeze %dma_wait3A_561 : memref<1x1x125xi32, #tpu.memory_space<vmem>> -> memref<125xi32, #tpu.memory_space<vmem>>
    %dma_wait3A_563 = arith.constant 0 : i32
    %dma_wait3A_564 = arith.constant 0 : i32
    %dma_wait3A_565 = tpu.memref_slice %arg4[%dma_wait3A_563, %dma_wait3A_564] : memref<50000x128xf32, #tpu.memory_space<hbm>> -> memref<50000x128xf32, #tpu.memory_space<hbm>>
    tpu.wait_indirect_dma semaphore(%arg15 : memref<!tpu.dma_semaphore, #tpu.memory_space<semaphore_mem>>) src(%dma_wait3A_565 : memref<50000x128xf32, #tpu.memory_space<hbm>>) dst(%arg10 : memref<125x128xf32, #tpu.memory_space<vmem>>)
    %dma_wait3A_566 = arith.constant 6 : i32
    %dma_wait3A_567 = arith.constant 2 : i32
    %dma_wait3A_568 = arith.constant 0 : i32
    %dma_wait3A_569 = tpu.memref_slice %arg8[%dma_wait3A_566, %dma_wait3A_567, %dma_wait3A_568] : memref<13x4x125xi32, #tpu.memory_space<vmem>> -> memref<1x1x125xi32, #tpu.memory_space<vmem>>
    %dma_wait3A_570 = tpu.memref_squeeze %dma_wait3A_569 : memref<1x1x125xi32, #tpu.memory_space<vmem>> -> memref<125xi32, #tpu.memory_space<vmem>>
    %dma_wait3A_571 = arith.constant 0 : i32
    %dma_wait3A_572 = arith.constant 0 : i32
    %dma_wait3A_573 = tpu.memref_slice %arg5[%dma_wait3A_571, %dma_wait3A_572] : memref<50000x128xf32, #tpu.memory_space<hbm>> -> memref<50000x128xf32, #tpu.memory_space<hbm>>
    tpu.wait_indirect_dma semaphore(%arg15 : memref<!tpu.dma_semaphore, #tpu.memory_space<semaphore_mem>>) src(%dma_wait3A_573 : memref<50000x128xf32, #tpu.memory_space<hbm>>) dst(%arg10 : memref<125x128xf32, #tpu.memory_space<vmem>>)
    %dma_wait3A_574 = arith.constant 6 : i32
    %dma_wait3A_575 = arith.constant 3 : i32
    %dma_wait3A_576 = arith.constant 0 : i32
    %dma_wait3A_577 = tpu.memref_slice %arg8[%dma_wait3A_574, %dma_wait3A_575, %dma_wait3A_576] : memref<13x4x125xi32, #tpu.memory_space<vmem>> -> memref<1x1x125xi32, #tpu.memory_space<vmem>>
    %dma_wait3A_578 = tpu.memref_squeeze %dma_wait3A_577 : memref<1x1x125xi32, #tpu.memory_space<vmem>> -> memref<125xi32, #tpu.memory_space<vmem>>
    %dma_wait3A_579 = arith.constant 0 : i32
    %dma_wait3A_580 = arith.constant 0 : i32
    %dma_wait3A_581 = tpu.memref_slice %arg6[%dma_wait3A_579, %dma_wait3A_580] : memref<50000x128xf32, #tpu.memory_space<hbm>> -> memref<50000x128xf32, #tpu.memory_space<hbm>>
    tpu.wait_indirect_dma semaphore(%arg15 : memref<!tpu.dma_semaphore, #tpu.memory_space<semaphore_mem>>) src(%dma_wait3A_581 : memref<50000x128xf32, #tpu.memory_space<hbm>>) dst(%arg10 : memref<125x128xf32, #tpu.memory_space<vmem>>)
    %sub3A_582 = arith.constant 384 : i32
    %sub3A_583 = arith.subi %add3A_4, %sub3A_582 : i32
    %add3A_584 = arith.constant 6 : i32
    %add3A_585 = arith.addi %sub3A_583, %add3A_584 : i32
    %mul3A_586 = arith.constant 125 : i32
    %mul3A_587 = arith.muli %add3A_585, %mul3A_586 : i32
    %dma_start3A_588 = arith.constant 0 : i32
    %dma_start3A_589 = tpu.memref_slice %arg7[%mul3A_587, %dma_start3A_588] : memref<52000x128xf32, #tpu.memory_space<hbm>> -> memref<125x128xf32, #tpu.memory_space<hbm>>
    %dma_start3A_590 = arith.constant 0 : i32
    %dma_start3A_591 = tpu.memref_slice %arg7[%mul3A_587, %dma_start3A_590] : memref<52000x128xf32, #tpu.memory_space<hbm>> -> memref<125x128xf32, #tpu.memory_space<hbm>>
    tpu.enqueue_dma source(%arg10 : memref<125x128xf32, #tpu.memory_space<vmem>>) target(%dma_start3A_591 : memref<125x128xf32, #tpu.memory_space<hbm>>) target_semaphore(%arg20 : memref<!tpu.dma_semaphore, #tpu.memory_space<semaphore_mem>>)
    %dma_wait3A_592 = arith.constant 0 : i32
    %dma_wait3A_593 = arith.constant 0 : i32
    %dma_wait3A_594 = tpu.memref_slice %arg7[%dma_wait3A_592, %dma_wait3A_593] : memref<52000x128xf32, #tpu.memory_space<hbm>> -> memref<125x128xf32, #tpu.memory_space<hbm>>
    %dma_wait3A_595 = arith.constant 0 : i32
    %dma_wait3A_596 = arith.constant 0 : i32
    %dma_wait3A_597 = tpu.memref_slice %arg7[%dma_wait3A_595, %dma_wait3A_596] : memref<52000x128xf32, #tpu.memory_space<hbm>> -> memref<125x128xf32, #tpu.memory_space<hbm>>
    tpu.wait_dma2 semaphore(%arg23 : memref<!tpu.dma_semaphore, #tpu.memory_space<semaphore_mem>>) src(%arg13 : memref<125x128xf32, #tpu.memory_space<vmem>>) dst(%dma_wait3A_597 : memref<125x128xf32, #tpu.memory_space<hbm>>)
    %dma_start3A_598 = arith.constant 9 : i32
    %dma_start3A_599 = arith.constant 0 : i32
    %dma_start3A_600 = arith.constant 0 : i32
    %dma_start3A_601 = tpu.memref_slice %arg8[%dma_start3A_598, %dma_start3A_599, %dma_start3A_600] : memref<13x4x125xi32, #tpu.memory_space<vmem>> -> memref<1x1x125xi32, #tpu.memory_space<vmem>>
    %dma_start3A_602 = tpu.memref_squeeze %dma_start3A_601 : memref<1x1x125xi32, #tpu.memory_space<vmem>> -> memref<125xi32, #tpu.memory_space<vmem>>
    %dma_start3A_603 = arith.constant 0 : i32
    %dma_start3A_604 = arith.constant 0 : i32
    %dma_start3A_605 = tpu.memref_slice %arg3[%dma_start3A_603, %dma_start3A_604] : memref<50000x128xf32, #tpu.memory_space<hbm>> -> memref<50000x128xf32, #tpu.memory_space<hbm>>
    tpu.enqueue_indirect_dma source(%dma_start3A_605 : memref<50000x128xf32, #tpu.memory_space<hbm>>) target(%arg13 : memref<125x128xf32, #tpu.memory_space<vmem>>) offsets(%dma_start3A_602 : memref<125xi32, #tpu.memory_space<vmem>>) semaphore(%arg18 : memref<!tpu.dma_semaphore, #tpu.memory_space<semaphore_mem>>)
    %dma_wait3A_606 = arith.constant 8 : i32
    %dma_wait3A_607 = arith.constant 0 : i32
    %dma_wait3A_608 = arith.constant 0 : i32
    %dma_wait3A_609 = tpu.memref_slice %arg8[%dma_wait3A_606, %dma_wait3A_607, %dma_wait3A_608] : memref<13x4x125xi32, #tpu.memory_space<vmem>> -> memref<1x1x125xi32, #tpu.memory_space<vmem>>
    %dma_wait3A_610 = tpu.memref_squeeze %dma_wait3A_609 : memref<1x1x125xi32, #tpu.memory_space<vmem>> -> memref<125xi32, #tpu.memory_space<vmem>>
    %dma_wait3A_611 = arith.constant 0 : i32
    %dma_wait3A_612 = arith.constant 0 : i32
    %dma_wait3A_613 = tpu.memref_slice %arg3[%dma_wait3A_611, %dma_wait3A_612] : memref<50000x128xf32, #tpu.memory_space<hbm>> -> memref<50000x128xf32, #tpu.memory_space<hbm>>
    tpu.wait_indirect_dma semaphore(%arg17 : memref<!tpu.dma_semaphore, #tpu.memory_space<semaphore_mem>>) src(%dma_wait3A_613 : memref<50000x128xf32, #tpu.memory_space<hbm>>) dst(%arg12 : memref<125x128xf32, #tpu.memory_space<vmem>>)
    %dma_start3A_614 = arith.constant 8 : i32
    %dma_start3A_615 = arith.constant 1 : i32
    %dma_start3A_616 = arith.constant 0 : i32
    %dma_start3A_617 = tpu.memref_slice %arg8[%dma_start3A_614, %dma_start3A_615, %dma_start3A_616] : memref<13x4x125xi32, #tpu.memory_space<vmem>> -> memref<1x1x125xi32, #tpu.memory_space<vmem>>
    %dma_start3A_618 = tpu.memref_squeeze %dma_start3A_617 : memref<1x1x125xi32, #tpu.memory_space<vmem>> -> memref<125xi32, #tpu.memory_space<vmem>>
    %dma_start3A_619 = arith.constant 0 : i32
    %dma_start3A_620 = arith.constant 0 : i32
    %dma_start3A_621 = tpu.memref_slice %arg4[%dma_start3A_619, %dma_start3A_620] : memref<50000x128xf32, #tpu.memory_space<hbm>> -> memref<50000x128xf32, #tpu.memory_space<hbm>>
    tpu.enqueue_indirect_dma source(%dma_start3A_621 : memref<50000x128xf32, #tpu.memory_space<hbm>>) target(%arg12 : memref<125x128xf32, #tpu.memory_space<vmem>>) offsets(%dma_start3A_618 : memref<125xi32, #tpu.memory_space<vmem>>) semaphore(%arg17 : memref<!tpu.dma_semaphore, #tpu.memory_space<semaphore_mem>>) {add = true}
    %dma_start3A_622 = arith.constant 8 : i32
    %dma_start3A_623 = arith.constant 2 : i32
    %dma_start3A_624 = arith.constant 0 : i32
    %dma_start3A_625 = tpu.memref_slice %arg8[%dma_start3A_622, %dma_start3A_623, %dma_start3A_624] : memref<13x4x125xi32, #tpu.memory_space<vmem>> -> memref<1x1x125xi32, #tpu.memory_space<vmem>>
    %dma_start3A_626 = tpu.memref_squeeze %dma_start3A_625 : memref<1x1x125xi32, #tpu.memory_space<vmem>> -> memref<125xi32, #tpu.memory_space<vmem>>
    %dma_start3A_627 = arith.constant 0 : i32
    %dma_start3A_628 = arith.constant 0 : i32
    %dma_start3A_629 = tpu.memref_slice %arg5[%dma_start3A_627, %dma_start3A_628] : memref<50000x128xf32, #tpu.memory_space<hbm>> -> memref<50000x128xf32, #tpu.memory_space<hbm>>
    tpu.enqueue_indirect_dma source(%dma_start3A_629 : memref<50000x128xf32, #tpu.memory_space<hbm>>) target(%arg12 : memref<125x128xf32, #tpu.memory_space<vmem>>) offsets(%dma_start3A_626 : memref<125xi32, #tpu.memory_space<vmem>>) semaphore(%arg17 : memref<!tpu.dma_semaphore, #tpu.memory_space<semaphore_mem>>) {add = true}
    %dma_start3A_630 = arith.constant 8 : i32
    %dma_start3A_631 = arith.constant 3 : i32
    %dma_start3A_632 = arith.constant 0 : i32
    %dma_start3A_633 = tpu.memref_slice %arg8[%dma_start3A_630, %dma_start3A_631, %dma_start3A_632] : memref<13x4x125xi32, #tpu.memory_space<vmem>> -> memref<1x1x125xi32, #tpu.memory_space<vmem>>
    %dma_start3A_634 = tpu.memref_squeeze %dma_start3A_633 : memref<1x1x125xi32, #tpu.memory_space<vmem>> -> memref<125xi32, #tpu.memory_space<vmem>>
    %dma_start3A_635 = arith.constant 0 : i32
    %dma_start3A_636 = arith.constant 0 : i32
    %dma_start3A_637 = tpu.memref_slice %arg6[%dma_start3A_635, %dma_start3A_636] : memref<50000x128xf32, #tpu.memory_space<hbm>> -> memref<50000x128xf32, #tpu.memory_space<hbm>>
    tpu.enqueue_indirect_dma source(%dma_start3A_637 : memref<50000x128xf32, #tpu.memory_space<hbm>>) target(%arg12 : memref<125x128xf32, #tpu.memory_space<vmem>>) offsets(%dma_start3A_634 : memref<125xi32, #tpu.memory_space<vmem>>) semaphore(%arg17 : memref<!tpu.dma_semaphore, #tpu.memory_space<semaphore_mem>>) {add = true}
    %dma_wait3A_638 = arith.constant 7 : i32
    %dma_wait3A_639 = arith.constant 1 : i32
    %dma_wait3A_640 = arith.constant 0 : i32
    %dma_wait3A_641 = tpu.memref_slice %arg8[%dma_wait3A_638, %dma_wait3A_639, %dma_wait3A_640] : memref<13x4x125xi32, #tpu.memory_space<vmem>> -> memref<1x1x125xi32, #tpu.memory_space<vmem>>
    %dma_wait3A_642 = tpu.memref_squeeze %dma_wait3A_641 : memref<1x1x125xi32, #tpu.memory_space<vmem>> -> memref<125xi32, #tpu.memory_space<vmem>>
    %dma_wait3A_643 = arith.constant 0 : i32
    %dma_wait3A_644 = arith.constant 0 : i32
    %dma_wait3A_645 = tpu.memref_slice %arg4[%dma_wait3A_643, %dma_wait3A_644] : memref<50000x128xf32, #tpu.memory_space<hbm>> -> memref<50000x128xf32, #tpu.memory_space<hbm>>
    tpu.wait_indirect_dma semaphore(%arg16 : memref<!tpu.dma_semaphore, #tpu.memory_space<semaphore_mem>>) src(%dma_wait3A_645 : memref<50000x128xf32, #tpu.memory_space<hbm>>) dst(%arg11 : memref<125x128xf32, #tpu.memory_space<vmem>>)
    %dma_wait3A_646 = arith.constant 7 : i32
    %dma_wait3A_647 = arith.constant 2 : i32
    %dma_wait3A_648 = arith.constant 0 : i32
    %dma_wait3A_649 = tpu.memref_slice %arg8[%dma_wait3A_646, %dma_wait3A_647, %dma_wait3A_648] : memref<13x4x125xi32, #tpu.memory_space<vmem>> -> memref<1x1x125xi32, #tpu.memory_space<vmem>>
    %dma_wait3A_650 = tpu.memref_squeeze %dma_wait3A_649 : memref<1x1x125xi32, #tpu.memory_space<vmem>> -> memref<125xi32, #tpu.memory_space<vmem>>
    %dma_wait3A_651 = arith.constant 0 : i32
    %dma_wait3A_652 = arith.constant 0 : i32
    %dma_wait3A_653 = tpu.memref_slice %arg5[%dma_wait3A_651, %dma_wait3A_652] : memref<50000x128xf32, #tpu.memory_space<hbm>> -> memref<50000x128xf32, #tpu.memory_space<hbm>>
    tpu.wait_indirect_dma semaphore(%arg16 : memref<!tpu.dma_semaphore, #tpu.memory_space<semaphore_mem>>) src(%dma_wait3A_653 : memref<50000x128xf32, #tpu.memory_space<hbm>>) dst(%arg11 : memref<125x128xf32, #tpu.memory_space<vmem>>)
    %dma_wait3A_654 = arith.constant 7 : i32
    %dma_wait3A_655 = arith.constant 3 : i32
    %dma_wait3A_656 = arith.constant 0 : i32
    %dma_wait3A_657 = tpu.memref_slice %arg8[%dma_wait3A_654, %dma_wait3A_655, %dma_wait3A_656] : memref<13x4x125xi32, #tpu.memory_space<vmem>> -> memref<1x1x125xi32, #tpu.memory_space<vmem>>
    %dma_wait3A_658 = tpu.memref_squeeze %dma_wait3A_657 : memref<1x1x125xi32, #tpu.memory_space<vmem>> -> memref<125xi32, #tpu.memory_space<vmem>>
    %dma_wait3A_659 = arith.constant 0 : i32
    %dma_wait3A_660 = arith.constant 0 : i32
    %dma_wait3A_661 = tpu.memref_slice %arg6[%dma_wait3A_659, %dma_wait3A_660] : memref<50000x128xf32, #tpu.memory_space<hbm>> -> memref<50000x128xf32, #tpu.memory_space<hbm>>
    tpu.wait_indirect_dma semaphore(%arg16 : memref<!tpu.dma_semaphore, #tpu.memory_space<semaphore_mem>>) src(%dma_wait3A_661 : memref<50000x128xf32, #tpu.memory_space<hbm>>) dst(%arg11 : memref<125x128xf32, #tpu.memory_space<vmem>>)
    %sub3A_662 = arith.constant 384 : i32
    %sub3A_663 = arith.subi %add3A_4, %sub3A_662 : i32
    %add3A_664 = arith.constant 7 : i32
    %add3A_665 = arith.addi %sub3A_663, %add3A_664 : i32
    %mul3A_666 = arith.constant 125 : i32
    %mul3A_667 = arith.muli %add3A_665, %mul3A_666 : i32
    %dma_start3A_668 = arith.constant 0 : i32
    %dma_start3A_669 = tpu.memref_slice %arg7[%mul3A_667, %dma_start3A_668] : memref<52000x128xf32, #tpu.memory_space<hbm>> -> memref<125x128xf32, #tpu.memory_space<hbm>>
    %dma_start3A_670 = arith.constant 0 : i32
    %dma_start3A_671 = tpu.memref_slice %arg7[%mul3A_667, %dma_start3A_670] : memref<52000x128xf32, #tpu.memory_space<hbm>> -> memref<125x128xf32, #tpu.memory_space<hbm>>
    tpu.enqueue_dma source(%arg11 : memref<125x128xf32, #tpu.memory_space<vmem>>) target(%dma_start3A_671 : memref<125x128xf32, #tpu.memory_space<hbm>>) target_semaphore(%arg21 : memref<!tpu.dma_semaphore, #tpu.memory_space<semaphore_mem>>)
    %dma_wait3A_672 = arith.constant 0 : i32
    %dma_wait3A_673 = arith.constant 0 : i32
    %dma_wait3A_674 = tpu.memref_slice %arg7[%dma_wait3A_672, %dma_wait3A_673] : memref<52000x128xf32, #tpu.memory_space<hbm>> -> memref<125x128xf32, #tpu.memory_space<hbm>>
    %dma_wait3A_675 = arith.constant 0 : i32
    %dma_wait3A_676 = arith.constant 0 : i32
    %dma_wait3A_677 = tpu.memref_slice %arg7[%dma_wait3A_675, %dma_wait3A_676] : memref<52000x128xf32, #tpu.memory_space<hbm>> -> memref<125x128xf32, #tpu.memory_space<hbm>>
    tpu.wait_dma2 semaphore(%arg19 : memref<!tpu.dma_semaphore, #tpu.memory_space<semaphore_mem>>) src(%arg9 : memref<125x128xf32, #tpu.memory_space<vmem>>) dst(%dma_wait3A_677 : memref<125x128xf32, #tpu.memory_space<hbm>>)
    %dma_start3A_678 = arith.constant 10 : i32
    %dma_start3A_679 = arith.constant 0 : i32
    %dma_start3A_680 = arith.constant 0 : i32
    %dma_start3A_681 = tpu.memref_slice %arg8[%dma_start3A_678, %dma_start3A_679, %dma_start3A_680] : memref<13x4x125xi32, #tpu.memory_space<vmem>> -> memref<1x1x125xi32, #tpu.memory_space<vmem>>
    %dma_start3A_682 = tpu.memref_squeeze %dma_start3A_681 : memref<1x1x125xi32, #tpu.memory_space<vmem>> -> memref<125xi32, #tpu.memory_space<vmem>>
    %dma_start3A_683 = arith.constant 0 : i32
    %dma_start3A_684 = arith.constant 0 : i32
    %dma_start3A_685 = tpu.memref_slice %arg3[%dma_start3A_683, %dma_start3A_684] : memref<50000x128xf32, #tpu.memory_space<hbm>> -> memref<50000x128xf32, #tpu.memory_space<hbm>>
    tpu.enqueue_indirect_dma source(%dma_start3A_685 : memref<50000x128xf32, #tpu.memory_space<hbm>>) target(%arg9 : memref<125x128xf32, #tpu.memory_space<vmem>>) offsets(%dma_start3A_682 : memref<125xi32, #tpu.memory_space<vmem>>) semaphore(%arg14 : memref<!tpu.dma_semaphore, #tpu.memory_space<semaphore_mem>>)
    %dma_wait3A_686 = arith.constant 9 : i32
    %dma_wait3A_687 = arith.constant 0 : i32
    %dma_wait3A_688 = arith.constant 0 : i32
    %dma_wait3A_689 = tpu.memref_slice %arg8[%dma_wait3A_686, %dma_wait3A_687, %dma_wait3A_688] : memref<13x4x125xi32, #tpu.memory_space<vmem>> -> memref<1x1x125xi32, #tpu.memory_space<vmem>>
    %dma_wait3A_690 = tpu.memref_squeeze %dma_wait3A_689 : memref<1x1x125xi32, #tpu.memory_space<vmem>> -> memref<125xi32, #tpu.memory_space<vmem>>
    %dma_wait3A_691 = arith.constant 0 : i32
    %dma_wait3A_692 = arith.constant 0 : i32
    %dma_wait3A_693 = tpu.memref_slice %arg3[%dma_wait3A_691, %dma_wait3A_692] : memref<50000x128xf32, #tpu.memory_space<hbm>> -> memref<50000x128xf32, #tpu.memory_space<hbm>>
    tpu.wait_indirect_dma semaphore(%arg18 : memref<!tpu.dma_semaphore, #tpu.memory_space<semaphore_mem>>) src(%dma_wait3A_693 : memref<50000x128xf32, #tpu.memory_space<hbm>>) dst(%arg13 : memref<125x128xf32, #tpu.memory_space<vmem>>)
    %dma_start3A_694 = arith.constant 9 : i32
    %dma_start3A_695 = arith.constant 1 : i32
    %dma_start3A_696 = arith.constant 0 : i32
    %dma_start3A_697 = tpu.memref_slice %arg8[%dma_start3A_694, %dma_start3A_695, %dma_start3A_696] : memref<13x4x125xi32, #tpu.memory_space<vmem>> -> memref<1x1x125xi32, #tpu.memory_space<vmem>>
    %dma_start3A_698 = tpu.memref_squeeze %dma_start3A_697 : memref<1x1x125xi32, #tpu.memory_space<vmem>> -> memref<125xi32, #tpu.memory_space<vmem>>
    %dma_start3A_699 = arith.constant 0 : i32
    %dma_start3A_700 = arith.constant 0 : i32
    %dma_start3A_701 = tpu.memref_slice %arg4[%dma_start3A_699, %dma_start3A_700] : memref<50000x128xf32, #tpu.memory_space<hbm>> -> memref<50000x128xf32, #tpu.memory_space<hbm>>
    tpu.enqueue_indirect_dma source(%dma_start3A_701 : memref<50000x128xf32, #tpu.memory_space<hbm>>) target(%arg13 : memref<125x128xf32, #tpu.memory_space<vmem>>) offsets(%dma_start3A_698 : memref<125xi32, #tpu.memory_space<vmem>>) semaphore(%arg18 : memref<!tpu.dma_semaphore, #tpu.memory_space<semaphore_mem>>) {add = true}
    %dma_start3A_702 = arith.constant 9 : i32
    %dma_start3A_703 = arith.constant 2 : i32
    %dma_start3A_704 = arith.constant 0 : i32
    %dma_start3A_705 = tpu.memref_slice %arg8[%dma_start3A_702, %dma_start3A_703, %dma_start3A_704] : memref<13x4x125xi32, #tpu.memory_space<vmem>> -> memref<1x1x125xi32, #tpu.memory_space<vmem>>
    %dma_start3A_706 = tpu.memref_squeeze %dma_start3A_705 : memref<1x1x125xi32, #tpu.memory_space<vmem>> -> memref<125xi32, #tpu.memory_space<vmem>>
    %dma_start3A_707 = arith.constant 0 : i32
    %dma_start3A_708 = arith.constant 0 : i32
    %dma_start3A_709 = tpu.memref_slice %arg5[%dma_start3A_707, %dma_start3A_708] : memref<50000x128xf32, #tpu.memory_space<hbm>> -> memref<50000x128xf32, #tpu.memory_space<hbm>>
    tpu.enqueue_indirect_dma source(%dma_start3A_709 : memref<50000x128xf32, #tpu.memory_space<hbm>>) target(%arg13 : memref<125x128xf32, #tpu.memory_space<vmem>>) offsets(%dma_start3A_706 : memref<125xi32, #tpu.memory_space<vmem>>) semaphore(%arg18 : memref<!tpu.dma_semaphore, #tpu.memory_space<semaphore_mem>>) {add = true}
    %dma_start3A_710 = arith.constant 9 : i32
    %dma_start3A_711 = arith.constant 3 : i32
    %dma_start3A_712 = arith.constant 0 : i32
    %dma_start3A_713 = tpu.memref_slice %arg8[%dma_start3A_710, %dma_start3A_711, %dma_start3A_712] : memref<13x4x125xi32, #tpu.memory_space<vmem>> -> memref<1x1x125xi32, #tpu.memory_space<vmem>>
    %dma_start3A_714 = tpu.memref_squeeze %dma_start3A_713 : memref<1x1x125xi32, #tpu.memory_space<vmem>> -> memref<125xi32, #tpu.memory_space<vmem>>
    %dma_start3A_715 = arith.constant 0 : i32
    %dma_start3A_716 = arith.constant 0 : i32
    %dma_start3A_717 = tpu.memref_slice %arg6[%dma_start3A_715, %dma_start3A_716] : memref<50000x128xf32, #tpu.memory_space<hbm>> -> memref<50000x128xf32, #tpu.memory_space<hbm>>
    tpu.enqueue_indirect_dma source(%dma_start3A_717 : memref<50000x128xf32, #tpu.memory_space<hbm>>) target(%arg13 : memref<125x128xf32, #tpu.memory_space<vmem>>) offsets(%dma_start3A_714 : memref<125xi32, #tpu.memory_space<vmem>>) semaphore(%arg18 : memref<!tpu.dma_semaphore, #tpu.memory_space<semaphore_mem>>) {add = true}
    %dma_wait3A_718 = arith.constant 8 : i32
    %dma_wait3A_719 = arith.constant 1 : i32
    %dma_wait3A_720 = arith.constant 0 : i32
    %dma_wait3A_721 = tpu.memref_slice %arg8[%dma_wait3A_718, %dma_wait3A_719, %dma_wait3A_720] : memref<13x4x125xi32, #tpu.memory_space<vmem>> -> memref<1x1x125xi32, #tpu.memory_space<vmem>>
    %dma_wait3A_722 = tpu.memref_squeeze %dma_wait3A_721 : memref<1x1x125xi32, #tpu.memory_space<vmem>> -> memref<125xi32, #tpu.memory_space<vmem>>
    %dma_wait3A_723 = arith.constant 0 : i32
    %dma_wait3A_724 = arith.constant 0 : i32
    %dma_wait3A_725 = tpu.memref_slice %arg4[%dma_wait3A_723, %dma_wait3A_724] : memref<50000x128xf32, #tpu.memory_space<hbm>> -> memref<50000x128xf32, #tpu.memory_space<hbm>>
    tpu.wait_indirect_dma semaphore(%arg17 : memref<!tpu.dma_semaphore, #tpu.memory_space<semaphore_mem>>) src(%dma_wait3A_725 : memref<50000x128xf32, #tpu.memory_space<hbm>>) dst(%arg12 : memref<125x128xf32, #tpu.memory_space<vmem>>)
    %dma_wait3A_726 = arith.constant 8 : i32
    %dma_wait3A_727 = arith.constant 2 : i32
    %dma_wait3A_728 = arith.constant 0 : i32
    %dma_wait3A_729 = tpu.memref_slice %arg8[%dma_wait3A_726, %dma_wait3A_727, %dma_wait3A_728] : memref<13x4x125xi32, #tpu.memory_space<vmem>> -> memref<1x1x125xi32, #tpu.memory_space<vmem>>
    %dma_wait3A_730 = tpu.memref_squeeze %dma_wait3A_729 : memref<1x1x125xi32, #tpu.memory_space<vmem>> -> memref<125xi32, #tpu.memory_space<vmem>>
    %dma_wait3A_731 = arith.constant 0 : i32
    %dma_wait3A_732 = arith.constant 0 : i32
    %dma_wait3A_733 = tpu.memref_slice %arg5[%dma_wait3A_731, %dma_wait3A_732] : memref<50000x128xf32, #tpu.memory_space<hbm>> -> memref<50000x128xf32, #tpu.memory_space<hbm>>
    tpu.wait_indirect_dma semaphore(%arg17 : memref<!tpu.dma_semaphore, #tpu.memory_space<semaphore_mem>>) src(%dma_wait3A_733 : memref<50000x128xf32, #tpu.memory_space<hbm>>) dst(%arg12 : memref<125x128xf32, #tpu.memory_space<vmem>>)
    %dma_wait3A_734 = arith.constant 8 : i32
    %dma_wait3A_735 = arith.constant 3 : i32
    %dma_wait3A_736 = arith.constant 0 : i32
    %dma_wait3A_737 = tpu.memref_slice %arg8[%dma_wait3A_734, %dma_wait3A_735, %dma_wait3A_736] : memref<13x4x125xi32, #tpu.memory_space<vmem>> -> memref<1x1x125xi32, #tpu.memory_space<vmem>>
    %dma_wait3A_738 = tpu.memref_squeeze %dma_wait3A_737 : memref<1x1x125xi32, #tpu.memory_space<vmem>> -> memref<125xi32, #tpu.memory_space<vmem>>
    %dma_wait3A_739 = arith.constant 0 : i32
    %dma_wait3A_740 = arith.constant 0 : i32
    %dma_wait3A_741 = tpu.memref_slice %arg6[%dma_wait3A_739, %dma_wait3A_740] : memref<50000x128xf32, #tpu.memory_space<hbm>> -> memref<50000x128xf32, #tpu.memory_space<hbm>>
    tpu.wait_indirect_dma semaphore(%arg17 : memref<!tpu.dma_semaphore, #tpu.memory_space<semaphore_mem>>) src(%dma_wait3A_741 : memref<50000x128xf32, #tpu.memory_space<hbm>>) dst(%arg12 : memref<125x128xf32, #tpu.memory_space<vmem>>)
    %sub3A_742 = arith.constant 384 : i32
    %sub3A_743 = arith.subi %add3A_4, %sub3A_742 : i32
    %add3A_744 = arith.constant 8 : i32
    %add3A_745 = arith.addi %sub3A_743, %add3A_744 : i32
    %mul3A_746 = arith.constant 125 : i32
    %mul3A_747 = arith.muli %add3A_745, %mul3A_746 : i32
    %dma_start3A_748 = arith.constant 0 : i32
    %dma_start3A_749 = tpu.memref_slice %arg7[%mul3A_747, %dma_start3A_748] : memref<52000x128xf32, #tpu.memory_space<hbm>> -> memref<125x128xf32, #tpu.memory_space<hbm>>
    %dma_start3A_750 = arith.constant 0 : i32
    %dma_start3A_751 = tpu.memref_slice %arg7[%mul3A_747, %dma_start3A_750] : memref<52000x128xf32, #tpu.memory_space<hbm>> -> memref<125x128xf32, #tpu.memory_space<hbm>>
    tpu.enqueue_dma source(%arg12 : memref<125x128xf32, #tpu.memory_space<vmem>>) target(%dma_start3A_751 : memref<125x128xf32, #tpu.memory_space<hbm>>) target_semaphore(%arg22 : memref<!tpu.dma_semaphore, #tpu.memory_space<semaphore_mem>>)
    %dma_wait3A_752 = arith.constant 0 : i32
    %dma_wait3A_753 = arith.constant 0 : i32
    %dma_wait3A_754 = tpu.memref_slice %arg7[%dma_wait3A_752, %dma_wait3A_753] : memref<52000x128xf32, #tpu.memory_space<hbm>> -> memref<125x128xf32, #tpu.memory_space<hbm>>
    %dma_wait3A_755 = arith.constant 0 : i32
    %dma_wait3A_756 = arith.constant 0 : i32
    %dma_wait3A_757 = tpu.memref_slice %arg7[%dma_wait3A_755, %dma_wait3A_756] : memref<52000x128xf32, #tpu.memory_space<hbm>> -> memref<125x128xf32, #tpu.memory_space<hbm>>
    tpu.wait_dma2 semaphore(%arg20 : memref<!tpu.dma_semaphore, #tpu.memory_space<semaphore_mem>>) src(%arg10 : memref<125x128xf32, #tpu.memory_space<vmem>>) dst(%dma_wait3A_757 : memref<125x128xf32, #tpu.memory_space<hbm>>)
    %dma_start3A_758 = arith.constant 11 : i32
    %dma_start3A_759 = arith.constant 0 : i32
    %dma_start3A_760 = arith.constant 0 : i32
    %dma_start3A_761 = tpu.memref_slice %arg8[%dma_start3A_758, %dma_start3A_759, %dma_start3A_760] : memref<13x4x125xi32, #tpu.memory_space<vmem>> -> memref<1x1x125xi32, #tpu.memory_space<vmem>>
    %dma_start3A_762 = tpu.memref_squeeze %dma_start3A_761 : memref<1x1x125xi32, #tpu.memory_space<vmem>> -> memref<125xi32, #tpu.memory_space<vmem>>
    %dma_start3A_763 = arith.constant 0 : i32
    %dma_start3A_764 = arith.constant 0 : i32
    %dma_start3A_765 = tpu.memref_slice %arg3[%dma_start3A_763, %dma_start3A_764] : memref<50000x128xf32, #tpu.memory_space<hbm>> -> memref<50000x128xf32, #tpu.memory_space<hbm>>
    tpu.enqueue_indirect_dma source(%dma_start3A_765 : memref<50000x128xf32, #tpu.memory_space<hbm>>) target(%arg10 : memref<125x128xf32, #tpu.memory_space<vmem>>) offsets(%dma_start3A_762 : memref<125xi32, #tpu.memory_space<vmem>>) semaphore(%arg15 : memref<!tpu.dma_semaphore, #tpu.memory_space<semaphore_mem>>)
    %dma_wait3A_766 = arith.constant 10 : i32
    %dma_wait3A_767 = arith.constant 0 : i32
    %dma_wait3A_768 = arith.constant 0 : i32
    %dma_wait3A_769 = tpu.memref_slice %arg8[%dma_wait3A_766, %dma_wait3A_767, %dma_wait3A_768] : memref<13x4x125xi32, #tpu.memory_space<vmem>> -> memref<1x1x125xi32, #tpu.memory_space<vmem>>
    %dma_wait3A_770 = tpu.memref_squeeze %dma_wait3A_769 : memref<1x1x125xi32, #tpu.memory_space<vmem>> -> memref<125xi32, #tpu.memory_space<vmem>>
    %dma_wait3A_771 = arith.constant 0 : i32
    %dma_wait3A_772 = arith.constant 0 : i32
    %dma_wait3A_773 = tpu.memref_slice %arg3[%dma_wait3A_771, %dma_wait3A_772] : memref<50000x128xf32, #tpu.memory_space<hbm>> -> memref<50000x128xf32, #tpu.memory_space<hbm>>
    tpu.wait_indirect_dma semaphore(%arg14 : memref<!tpu.dma_semaphore, #tpu.memory_space<semaphore_mem>>) src(%dma_wait3A_773 : memref<50000x128xf32, #tpu.memory_space<hbm>>) dst(%arg9 : memref<125x128xf32, #tpu.memory_space<vmem>>)
    %dma_start3A_774 = arith.constant 10 : i32
    %dma_start3A_775 = arith.constant 1 : i32
    %dma_start3A_776 = arith.constant 0 : i32
    %dma_start3A_777 = tpu.memref_slice %arg8[%dma_start3A_774, %dma_start3A_775, %dma_start3A_776] : memref<13x4x125xi32, #tpu.memory_space<vmem>> -> memref<1x1x125xi32, #tpu.memory_space<vmem>>
    %dma_start3A_778 = tpu.memref_squeeze %dma_start3A_777 : memref<1x1x125xi32, #tpu.memory_space<vmem>> -> memref<125xi32, #tpu.memory_space<vmem>>
    %dma_start3A_779 = arith.constant 0 : i32
    %dma_start3A_780 = arith.constant 0 : i32
    %dma_start3A_781 = tpu.memref_slice %arg4[%dma_start3A_779, %dma_start3A_780] : memref<50000x128xf32, #tpu.memory_space<hbm>> -> memref<50000x128xf32, #tpu.memory_space<hbm>>
    tpu.enqueue_indirect_dma source(%dma_start3A_781 : memref<50000x128xf32, #tpu.memory_space<hbm>>) target(%arg9 : memref<125x128xf32, #tpu.memory_space<vmem>>) offsets(%dma_start3A_778 : memref<125xi32, #tpu.memory_space<vmem>>) semaphore(%arg14 : memref<!tpu.dma_semaphore, #tpu.memory_space<semaphore_mem>>) {add = true}
    %dma_start3A_782 = arith.constant 10 : i32
    %dma_start3A_783 = arith.constant 2 : i32
    %dma_start3A_784 = arith.constant 0 : i32
    %dma_start3A_785 = tpu.memref_slice %arg8[%dma_start3A_782, %dma_start3A_783, %dma_start3A_784] : memref<13x4x125xi32, #tpu.memory_space<vmem>> -> memref<1x1x125xi32, #tpu.memory_space<vmem>>
    %dma_start3A_786 = tpu.memref_squeeze %dma_start3A_785 : memref<1x1x125xi32, #tpu.memory_space<vmem>> -> memref<125xi32, #tpu.memory_space<vmem>>
    %dma_start3A_787 = arith.constant 0 : i32
    %dma_start3A_788 = arith.constant 0 : i32
    %dma_start3A_789 = tpu.memref_slice %arg5[%dma_start3A_787, %dma_start3A_788] : memref<50000x128xf32, #tpu.memory_space<hbm>> -> memref<50000x128xf32, #tpu.memory_space<hbm>>
    tpu.enqueue_indirect_dma source(%dma_start3A_789 : memref<50000x128xf32, #tpu.memory_space<hbm>>) target(%arg9 : memref<125x128xf32, #tpu.memory_space<vmem>>) offsets(%dma_start3A_786 : memref<125xi32, #tpu.memory_space<vmem>>) semaphore(%arg14 : memref<!tpu.dma_semaphore, #tpu.memory_space<semaphore_mem>>) {add = true}
    %dma_start3A_790 = arith.constant 10 : i32
    %dma_start3A_791 = arith.constant 3 : i32
    %dma_start3A_792 = arith.constant 0 : i32
    %dma_start3A_793 = tpu.memref_slice %arg8[%dma_start3A_790, %dma_start3A_791, %dma_start3A_792] : memref<13x4x125xi32, #tpu.memory_space<vmem>> -> memref<1x1x125xi32, #tpu.memory_space<vmem>>
    %dma_start3A_794 = tpu.memref_squeeze %dma_start3A_793 : memref<1x1x125xi32, #tpu.memory_space<vmem>> -> memref<125xi32, #tpu.memory_space<vmem>>
    %dma_start3A_795 = arith.constant 0 : i32
    %dma_start3A_796 = arith.constant 0 : i32
    %dma_start3A_797 = tpu.memref_slice %arg6[%dma_start3A_795, %dma_start3A_796] : memref<50000x128xf32, #tpu.memory_space<hbm>> -> memref<50000x128xf32, #tpu.memory_space<hbm>>
    tpu.enqueue_indirect_dma source(%dma_start3A_797 : memref<50000x128xf32, #tpu.memory_space<hbm>>) target(%arg9 : memref<125x128xf32, #tpu.memory_space<vmem>>) offsets(%dma_start3A_794 : memref<125xi32, #tpu.memory_space<vmem>>) semaphore(%arg14 : memref<!tpu.dma_semaphore, #tpu.memory_space<semaphore_mem>>) {add = true}
    %dma_wait3A_798 = arith.constant 9 : i32
    %dma_wait3A_799 = arith.constant 1 : i32
    %dma_wait3A_800 = arith.constant 0 : i32
    %dma_wait3A_801 = tpu.memref_slice %arg8[%dma_wait3A_798, %dma_wait3A_799, %dma_wait3A_800] : memref<13x4x125xi32, #tpu.memory_space<vmem>> -> memref<1x1x125xi32, #tpu.memory_space<vmem>>
    %dma_wait3A_802 = tpu.memref_squeeze %dma_wait3A_801 : memref<1x1x125xi32, #tpu.memory_space<vmem>> -> memref<125xi32, #tpu.memory_space<vmem>>
    %dma_wait3A_803 = arith.constant 0 : i32
    %dma_wait3A_804 = arith.constant 0 : i32
    %dma_wait3A_805 = tpu.memref_slice %arg4[%dma_wait3A_803, %dma_wait3A_804] : memref<50000x128xf32, #tpu.memory_space<hbm>> -> memref<50000x128xf32, #tpu.memory_space<hbm>>
    tpu.wait_indirect_dma semaphore(%arg18 : memref<!tpu.dma_semaphore, #tpu.memory_space<semaphore_mem>>) src(%dma_wait3A_805 : memref<50000x128xf32, #tpu.memory_space<hbm>>) dst(%arg13 : memref<125x128xf32, #tpu.memory_space<vmem>>)
    %dma_wait3A_806 = arith.constant 9 : i32
    %dma_wait3A_807 = arith.constant 2 : i32
    %dma_wait3A_808 = arith.constant 0 : i32
    %dma_wait3A_809 = tpu.memref_slice %arg8[%dma_wait3A_806, %dma_wait3A_807, %dma_wait3A_808] : memref<13x4x125xi32, #tpu.memory_space<vmem>> -> memref<1x1x125xi32, #tpu.memory_space<vmem>>
    %dma_wait3A_810 = tpu.memref_squeeze %dma_wait3A_809 : memref<1x1x125xi32, #tpu.memory_space<vmem>> -> memref<125xi32, #tpu.memory_space<vmem>>
    %dma_wait3A_811 = arith.constant 0 : i32
    %dma_wait3A_812 = arith.constant 0 : i32
    %dma_wait3A_813 = tpu.memref_slice %arg5[%dma_wait3A_811, %dma_wait3A_812] : memref<50000x128xf32, #tpu.memory_space<hbm>> -> memref<50000x128xf32, #tpu.memory_space<hbm>>
    tpu.wait_indirect_dma semaphore(%arg18 : memref<!tpu.dma_semaphore, #tpu.memory_space<semaphore_mem>>) src(%dma_wait3A_813 : memref<50000x128xf32, #tpu.memory_space<hbm>>) dst(%arg13 : memref<125x128xf32, #tpu.memory_space<vmem>>)
    %dma_wait3A_814 = arith.constant 9 : i32
    %dma_wait3A_815 = arith.constant 3 : i32
    %dma_wait3A_816 = arith.constant 0 : i32
    %dma_wait3A_817 = tpu.memref_slice %arg8[%dma_wait3A_814, %dma_wait3A_815, %dma_wait3A_816] : memref<13x4x125xi32, #tpu.memory_space<vmem>> -> memref<1x1x125xi32, #tpu.memory_space<vmem>>
    %dma_wait3A_818 = tpu.memref_squeeze %dma_wait3A_817 : memref<1x1x125xi32, #tpu.memory_space<vmem>> -> memref<125xi32, #tpu.memory_space<vmem>>
    %dma_wait3A_819 = arith.constant 0 : i32
    %dma_wait3A_820 = arith.constant 0 : i32
    %dma_wait3A_821 = tpu.memref_slice %arg6[%dma_wait3A_819, %dma_wait3A_820] : memref<50000x128xf32, #tpu.memory_space<hbm>> -> memref<50000x128xf32, #tpu.memory_space<hbm>>
    tpu.wait_indirect_dma semaphore(%arg18 : memref<!tpu.dma_semaphore, #tpu.memory_space<semaphore_mem>>) src(%dma_wait3A_821 : memref<50000x128xf32, #tpu.memory_space<hbm>>) dst(%arg13 : memref<125x128xf32, #tpu.memory_space<vmem>>)
    %sub3A_822 = arith.constant 384 : i32
    %sub3A_823 = arith.subi %add3A_4, %sub3A_822 : i32
    %add3A_824 = arith.constant 9 : i32
    %add3A_825 = arith.addi %sub3A_823, %add3A_824 : i32
    %mul3A_826 = arith.constant 125 : i32
    %mul3A_827 = arith.muli %add3A_825, %mul3A_826 : i32
    %dma_start3A_828 = arith.constant 0 : i32
    %dma_start3A_829 = tpu.memref_slice %arg7[%mul3A_827, %dma_start3A_828] : memref<52000x128xf32, #tpu.memory_space<hbm>> -> memref<125x128xf32, #tpu.memory_space<hbm>>
    %dma_start3A_830 = arith.constant 0 : i32
    %dma_start3A_831 = tpu.memref_slice %arg7[%mul3A_827, %dma_start3A_830] : memref<52000x128xf32, #tpu.memory_space<hbm>> -> memref<125x128xf32, #tpu.memory_space<hbm>>
    tpu.enqueue_dma source(%arg13 : memref<125x128xf32, #tpu.memory_space<vmem>>) target(%dma_start3A_831 : memref<125x128xf32, #tpu.memory_space<hbm>>) target_semaphore(%arg23 : memref<!tpu.dma_semaphore, #tpu.memory_space<semaphore_mem>>)
    %dma_wait3A_832 = arith.constant 0 : i32
    %dma_wait3A_833 = arith.constant 0 : i32
    %dma_wait3A_834 = tpu.memref_slice %arg7[%dma_wait3A_832, %dma_wait3A_833] : memref<52000x128xf32, #tpu.memory_space<hbm>> -> memref<125x128xf32, #tpu.memory_space<hbm>>
    %dma_wait3A_835 = arith.constant 0 : i32
    %dma_wait3A_836 = arith.constant 0 : i32
    %dma_wait3A_837 = tpu.memref_slice %arg7[%dma_wait3A_835, %dma_wait3A_836] : memref<52000x128xf32, #tpu.memory_space<hbm>> -> memref<125x128xf32, #tpu.memory_space<hbm>>
    tpu.wait_dma2 semaphore(%arg21 : memref<!tpu.dma_semaphore, #tpu.memory_space<semaphore_mem>>) src(%arg11 : memref<125x128xf32, #tpu.memory_space<vmem>>) dst(%dma_wait3A_837 : memref<125x128xf32, #tpu.memory_space<hbm>>)
    %dma_start3A_838 = arith.constant 12 : i32
    %dma_start3A_839 = arith.constant 0 : i32
    %dma_start3A_840 = arith.constant 0 : i32
    %dma_start3A_841 = tpu.memref_slice %arg8[%dma_start3A_838, %dma_start3A_839, %dma_start3A_840] : memref<13x4x125xi32, #tpu.memory_space<vmem>> -> memref<1x1x125xi32, #tpu.memory_space<vmem>>
    %dma_start3A_842 = tpu.memref_squeeze %dma_start3A_841 : memref<1x1x125xi32, #tpu.memory_space<vmem>> -> memref<125xi32, #tpu.memory_space<vmem>>
    %dma_start3A_843 = arith.constant 0 : i32
    %dma_start3A_844 = arith.constant 0 : i32
    %dma_start3A_845 = tpu.memref_slice %arg3[%dma_start3A_843, %dma_start3A_844] : memref<50000x128xf32, #tpu.memory_space<hbm>> -> memref<50000x128xf32, #tpu.memory_space<hbm>>
    tpu.enqueue_indirect_dma source(%dma_start3A_845 : memref<50000x128xf32, #tpu.memory_space<hbm>>) target(%arg11 : memref<125x128xf32, #tpu.memory_space<vmem>>) offsets(%dma_start3A_842 : memref<125xi32, #tpu.memory_space<vmem>>) semaphore(%arg16 : memref<!tpu.dma_semaphore, #tpu.memory_space<semaphore_mem>>)
    %dma_wait3A_846 = arith.constant 11 : i32
    %dma_wait3A_847 = arith.constant 0 : i32
    %dma_wait3A_848 = arith.constant 0 : i32
    %dma_wait3A_849 = tpu.memref_slice %arg8[%dma_wait3A_846, %dma_wait3A_847, %dma_wait3A_848] : memref<13x4x125xi32, #tpu.memory_space<vmem>> -> memref<1x1x125xi32, #tpu.memory_space<vmem>>
    %dma_wait3A_850 = tpu.memref_squeeze %dma_wait3A_849 : memref<1x1x125xi32, #tpu.memory_space<vmem>> -> memref<125xi32, #tpu.memory_space<vmem>>
    %dma_wait3A_851 = arith.constant 0 : i32
    %dma_wait3A_852 = arith.constant 0 : i32
    %dma_wait3A_853 = tpu.memref_slice %arg3[%dma_wait3A_851, %dma_wait3A_852] : memref<50000x128xf32, #tpu.memory_space<hbm>> -> memref<50000x128xf32, #tpu.memory_space<hbm>>
    tpu.wait_indirect_dma semaphore(%arg15 : memref<!tpu.dma_semaphore, #tpu.memory_space<semaphore_mem>>) src(%dma_wait3A_853 : memref<50000x128xf32, #tpu.memory_space<hbm>>) dst(%arg10 : memref<125x128xf32, #tpu.memory_space<vmem>>)
    %dma_start3A_854 = arith.constant 11 : i32
    %dma_start3A_855 = arith.constant 1 : i32
    %dma_start3A_856 = arith.constant 0 : i32
    %dma_start3A_857 = tpu.memref_slice %arg8[%dma_start3A_854, %dma_start3A_855, %dma_start3A_856] : memref<13x4x125xi32, #tpu.memory_space<vmem>> -> memref<1x1x125xi32, #tpu.memory_space<vmem>>
    %dma_start3A_858 = tpu.memref_squeeze %dma_start3A_857 : memref<1x1x125xi32, #tpu.memory_space<vmem>> -> memref<125xi32, #tpu.memory_space<vmem>>
    %dma_start3A_859 = arith.constant 0 : i32
    %dma_start3A_860 = arith.constant 0 : i32
    %dma_start3A_861 = tpu.memref_slice %arg4[%dma_start3A_859, %dma_start3A_860] : memref<50000x128xf32, #tpu.memory_space<hbm>> -> memref<50000x128xf32, #tpu.memory_space<hbm>>
    tpu.enqueue_indirect_dma source(%dma_start3A_861 : memref<50000x128xf32, #tpu.memory_space<hbm>>) target(%arg10 : memref<125x128xf32, #tpu.memory_space<vmem>>) offsets(%dma_start3A_858 : memref<125xi32, #tpu.memory_space<vmem>>) semaphore(%arg15 : memref<!tpu.dma_semaphore, #tpu.memory_space<semaphore_mem>>) {add = true}
    %dma_start3A_862 = arith.constant 11 : i32
    %dma_start3A_863 = arith.constant 2 : i32
    %dma_start3A_864 = arith.constant 0 : i32
    %dma_start3A_865 = tpu.memref_slice %arg8[%dma_start3A_862, %dma_start3A_863, %dma_start3A_864] : memref<13x4x125xi32, #tpu.memory_space<vmem>> -> memref<1x1x125xi32, #tpu.memory_space<vmem>>
    %dma_start3A_866 = tpu.memref_squeeze %dma_start3A_865 : memref<1x1x125xi32, #tpu.memory_space<vmem>> -> memref<125xi32, #tpu.memory_space<vmem>>
    %dma_start3A_867 = arith.constant 0 : i32
    %dma_start3A_868 = arith.constant 0 : i32
    %dma_start3A_869 = tpu.memref_slice %arg5[%dma_start3A_867, %dma_start3A_868] : memref<50000x128xf32, #tpu.memory_space<hbm>> -> memref<50000x128xf32, #tpu.memory_space<hbm>>
    tpu.enqueue_indirect_dma source(%dma_start3A_869 : memref<50000x128xf32, #tpu.memory_space<hbm>>) target(%arg10 : memref<125x128xf32, #tpu.memory_space<vmem>>) offsets(%dma_start3A_866 : memref<125xi32, #tpu.memory_space<vmem>>) semaphore(%arg15 : memref<!tpu.dma_semaphore, #tpu.memory_space<semaphore_mem>>) {add = true}
    %dma_start3A_870 = arith.constant 11 : i32
    %dma_start3A_871 = arith.constant 3 : i32
    %dma_start3A_872 = arith.constant 0 : i32
    %dma_start3A_873 = tpu.memref_slice %arg8[%dma_start3A_870, %dma_start3A_871, %dma_start3A_872] : memref<13x4x125xi32, #tpu.memory_space<vmem>> -> memref<1x1x125xi32, #tpu.memory_space<vmem>>
    %dma_start3A_874 = tpu.memref_squeeze %dma_start3A_873 : memref<1x1x125xi32, #tpu.memory_space<vmem>> -> memref<125xi32, #tpu.memory_space<vmem>>
    %dma_start3A_875 = arith.constant 0 : i32
    %dma_start3A_876 = arith.constant 0 : i32
    %dma_start3A_877 = tpu.memref_slice %arg6[%dma_start3A_875, %dma_start3A_876] : memref<50000x128xf32, #tpu.memory_space<hbm>> -> memref<50000x128xf32, #tpu.memory_space<hbm>>
    tpu.enqueue_indirect_dma source(%dma_start3A_877 : memref<50000x128xf32, #tpu.memory_space<hbm>>) target(%arg10 : memref<125x128xf32, #tpu.memory_space<vmem>>) offsets(%dma_start3A_874 : memref<125xi32, #tpu.memory_space<vmem>>) semaphore(%arg15 : memref<!tpu.dma_semaphore, #tpu.memory_space<semaphore_mem>>) {add = true}
    %dma_wait3A_878 = arith.constant 10 : i32
    %dma_wait3A_879 = arith.constant 1 : i32
    %dma_wait3A_880 = arith.constant 0 : i32
    %dma_wait3A_881 = tpu.memref_slice %arg8[%dma_wait3A_878, %dma_wait3A_879, %dma_wait3A_880] : memref<13x4x125xi32, #tpu.memory_space<vmem>> -> memref<1x1x125xi32, #tpu.memory_space<vmem>>
    %dma_wait3A_882 = tpu.memref_squeeze %dma_wait3A_881 : memref<1x1x125xi32, #tpu.memory_space<vmem>> -> memref<125xi32, #tpu.memory_space<vmem>>
    %dma_wait3A_883 = arith.constant 0 : i32
    %dma_wait3A_884 = arith.constant 0 : i32
    %dma_wait3A_885 = tpu.memref_slice %arg4[%dma_wait3A_883, %dma_wait3A_884] : memref<50000x128xf32, #tpu.memory_space<hbm>> -> memref<50000x128xf32, #tpu.memory_space<hbm>>
    tpu.wait_indirect_dma semaphore(%arg14 : memref<!tpu.dma_semaphore, #tpu.memory_space<semaphore_mem>>) src(%dma_wait3A_885 : memref<50000x128xf32, #tpu.memory_space<hbm>>) dst(%arg9 : memref<125x128xf32, #tpu.memory_space<vmem>>)
    %dma_wait3A_886 = arith.constant 10 : i32
    %dma_wait3A_887 = arith.constant 2 : i32
    %dma_wait3A_888 = arith.constant 0 : i32
    %dma_wait3A_889 = tpu.memref_slice %arg8[%dma_wait3A_886, %dma_wait3A_887, %dma_wait3A_888] : memref<13x4x125xi32, #tpu.memory_space<vmem>> -> memref<1x1x125xi32, #tpu.memory_space<vmem>>
    %dma_wait3A_890 = tpu.memref_squeeze %dma_wait3A_889 : memref<1x1x125xi32, #tpu.memory_space<vmem>> -> memref<125xi32, #tpu.memory_space<vmem>>
    %dma_wait3A_891 = arith.constant 0 : i32
    %dma_wait3A_892 = arith.constant 0 : i32
    %dma_wait3A_893 = tpu.memref_slice %arg5[%dma_wait3A_891, %dma_wait3A_892] : memref<50000x128xf32, #tpu.memory_space<hbm>> -> memref<50000x128xf32, #tpu.memory_space<hbm>>
    tpu.wait_indirect_dma semaphore(%arg14 : memref<!tpu.dma_semaphore, #tpu.memory_space<semaphore_mem>>) src(%dma_wait3A_893 : memref<50000x128xf32, #tpu.memory_space<hbm>>) dst(%arg9 : memref<125x128xf32, #tpu.memory_space<vmem>>)
    %dma_wait3A_894 = arith.constant 10 : i32
    %dma_wait3A_895 = arith.constant 3 : i32
    %dma_wait3A_896 = arith.constant 0 : i32
    %dma_wait3A_897 = tpu.memref_slice %arg8[%dma_wait3A_894, %dma_wait3A_895, %dma_wait3A_896] : memref<13x4x125xi32, #tpu.memory_space<vmem>> -> memref<1x1x125xi32, #tpu.memory_space<vmem>>
    %dma_wait3A_898 = tpu.memref_squeeze %dma_wait3A_897 : memref<1x1x125xi32, #tpu.memory_space<vmem>> -> memref<125xi32, #tpu.memory_space<vmem>>
    %dma_wait3A_899 = arith.constant 0 : i32
    %dma_wait3A_900 = arith.constant 0 : i32
    %dma_wait3A_901 = tpu.memref_slice %arg6[%dma_wait3A_899, %dma_wait3A_900] : memref<50000x128xf32, #tpu.memory_space<hbm>> -> memref<50000x128xf32, #tpu.memory_space<hbm>>
    tpu.wait_indirect_dma semaphore(%arg14 : memref<!tpu.dma_semaphore, #tpu.memory_space<semaphore_mem>>) src(%dma_wait3A_901 : memref<50000x128xf32, #tpu.memory_space<hbm>>) dst(%arg9 : memref<125x128xf32, #tpu.memory_space<vmem>>)
    %sub3A_902 = arith.constant 384 : i32
    %sub3A_903 = arith.subi %add3A_4, %sub3A_902 : i32
    %add3A_904 = arith.constant 10 : i32
    %add3A_905 = arith.addi %sub3A_903, %add3A_904 : i32
    %mul3A_906 = arith.constant 125 : i32
    %mul3A_907 = arith.muli %add3A_905, %mul3A_906 : i32
    %dma_start3A_908 = arith.constant 0 : i32
    %dma_start3A_909 = tpu.memref_slice %arg7[%mul3A_907, %dma_start3A_908] : memref<52000x128xf32, #tpu.memory_space<hbm>> -> memref<125x128xf32, #tpu.memory_space<hbm>>
    %dma_start3A_910 = arith.constant 0 : i32
    %dma_start3A_911 = tpu.memref_slice %arg7[%mul3A_907, %dma_start3A_910] : memref<52000x128xf32, #tpu.memory_space<hbm>> -> memref<125x128xf32, #tpu.memory_space<hbm>>
    tpu.enqueue_dma source(%arg9 : memref<125x128xf32, #tpu.memory_space<vmem>>) target(%dma_start3A_911 : memref<125x128xf32, #tpu.memory_space<hbm>>) target_semaphore(%arg19 : memref<!tpu.dma_semaphore, #tpu.memory_space<semaphore_mem>>)
    %dma_wait3A_912 = arith.constant 12 : i32
    %dma_wait3A_913 = arith.constant 0 : i32
    %dma_wait3A_914 = arith.constant 0 : i32
    %dma_wait3A_915 = tpu.memref_slice %arg8[%dma_wait3A_912, %dma_wait3A_913, %dma_wait3A_914] : memref<13x4x125xi32, #tpu.memory_space<vmem>> -> memref<1x1x125xi32, #tpu.memory_space<vmem>>
    %dma_wait3A_916 = tpu.memref_squeeze %dma_wait3A_915 : memref<1x1x125xi32, #tpu.memory_space<vmem>> -> memref<125xi32, #tpu.memory_space<vmem>>
    %dma_wait3A_917 = arith.constant 0 : i32
    %dma_wait3A_918 = arith.constant 0 : i32
    %dma_wait3A_919 = tpu.memref_slice %arg3[%dma_wait3A_917, %dma_wait3A_918] : memref<50000x128xf32, #tpu.memory_space<hbm>> -> memref<50000x128xf32, #tpu.memory_space<hbm>>
    tpu.wait_indirect_dma semaphore(%arg16 : memref<!tpu.dma_semaphore, #tpu.memory_space<semaphore_mem>>) src(%dma_wait3A_919 : memref<50000x128xf32, #tpu.memory_space<hbm>>) dst(%arg11 : memref<125x128xf32, #tpu.memory_space<vmem>>)
    %dma_start3A_920 = arith.constant 12 : i32
    %dma_start3A_921 = arith.constant 1 : i32
    %dma_start3A_922 = arith.constant 0 : i32
    %dma_start3A_923 = tpu.memref_slice %arg8[%dma_start3A_920, %dma_start3A_921, %dma_start3A_922] : memref<13x4x125xi32, #tpu.memory_space<vmem>> -> memref<1x1x125xi32, #tpu.memory_space<vmem>>
    %dma_start3A_924 = tpu.memref_squeeze %dma_start3A_923 : memref<1x1x125xi32, #tpu.memory_space<vmem>> -> memref<125xi32, #tpu.memory_space<vmem>>
    %dma_start3A_925 = arith.constant 0 : i32
    %dma_start3A_926 = arith.constant 0 : i32
    %dma_start3A_927 = tpu.memref_slice %arg4[%dma_start3A_925, %dma_start3A_926] : memref<50000x128xf32, #tpu.memory_space<hbm>> -> memref<50000x128xf32, #tpu.memory_space<hbm>>
    tpu.enqueue_indirect_dma source(%dma_start3A_927 : memref<50000x128xf32, #tpu.memory_space<hbm>>) target(%arg11 : memref<125x128xf32, #tpu.memory_space<vmem>>) offsets(%dma_start3A_924 : memref<125xi32, #tpu.memory_space<vmem>>) semaphore(%arg16 : memref<!tpu.dma_semaphore, #tpu.memory_space<semaphore_mem>>) {add = true}
    %dma_start3A_928 = arith.constant 12 : i32
    %dma_start3A_929 = arith.constant 2 : i32
    %dma_start3A_930 = arith.constant 0 : i32
    %dma_start3A_931 = tpu.memref_slice %arg8[%dma_start3A_928, %dma_start3A_929, %dma_start3A_930] : memref<13x4x125xi32, #tpu.memory_space<vmem>> -> memref<1x1x125xi32, #tpu.memory_space<vmem>>
    %dma_start3A_932 = tpu.memref_squeeze %dma_start3A_931 : memref<1x1x125xi32, #tpu.memory_space<vmem>> -> memref<125xi32, #tpu.memory_space<vmem>>
    %dma_start3A_933 = arith.constant 0 : i32
    %dma_start3A_934 = arith.constant 0 : i32
    %dma_start3A_935 = tpu.memref_slice %arg5[%dma_start3A_933, %dma_start3A_934] : memref<50000x128xf32, #tpu.memory_space<hbm>> -> memref<50000x128xf32, #tpu.memory_space<hbm>>
    tpu.enqueue_indirect_dma source(%dma_start3A_935 : memref<50000x128xf32, #tpu.memory_space<hbm>>) target(%arg11 : memref<125x128xf32, #tpu.memory_space<vmem>>) offsets(%dma_start3A_932 : memref<125xi32, #tpu.memory_space<vmem>>) semaphore(%arg16 : memref<!tpu.dma_semaphore, #tpu.memory_space<semaphore_mem>>) {add = true}
    %dma_start3A_936 = arith.constant 12 : i32
    %dma_start3A_937 = arith.constant 3 : i32
    %dma_start3A_938 = arith.constant 0 : i32
    %dma_start3A_939 = tpu.memref_slice %arg8[%dma_start3A_936, %dma_start3A_937, %dma_start3A_938] : memref<13x4x125xi32, #tpu.memory_space<vmem>> -> memref<1x1x125xi32, #tpu.memory_space<vmem>>
    %dma_start3A_940 = tpu.memref_squeeze %dma_start3A_939 : memref<1x1x125xi32, #tpu.memory_space<vmem>> -> memref<125xi32, #tpu.memory_space<vmem>>
    %dma_start3A_941 = arith.constant 0 : i32
    %dma_start3A_942 = arith.constant 0 : i32
    %dma_start3A_943 = tpu.memref_slice %arg6[%dma_start3A_941, %dma_start3A_942] : memref<50000x128xf32, #tpu.memory_space<hbm>> -> memref<50000x128xf32, #tpu.memory_space<hbm>>
    tpu.enqueue_indirect_dma source(%dma_start3A_943 : memref<50000x128xf32, #tpu.memory_space<hbm>>) target(%arg11 : memref<125x128xf32, #tpu.memory_space<vmem>>) offsets(%dma_start3A_940 : memref<125xi32, #tpu.memory_space<vmem>>) semaphore(%arg16 : memref<!tpu.dma_semaphore, #tpu.memory_space<semaphore_mem>>) {add = true}
    %dma_wait3A_944 = arith.constant 11 : i32
    %dma_wait3A_945 = arith.constant 1 : i32
    %dma_wait3A_946 = arith.constant 0 : i32
    %dma_wait3A_947 = tpu.memref_slice %arg8[%dma_wait3A_944, %dma_wait3A_945, %dma_wait3A_946] : memref<13x4x125xi32, #tpu.memory_space<vmem>> -> memref<1x1x125xi32, #tpu.memory_space<vmem>>
    %dma_wait3A_948 = tpu.memref_squeeze %dma_wait3A_947 : memref<1x1x125xi32, #tpu.memory_space<vmem>> -> memref<125xi32, #tpu.memory_space<vmem>>
    %dma_wait3A_949 = arith.constant 0 : i32
    %dma_wait3A_950 = arith.constant 0 : i32
    %dma_wait3A_951 = tpu.memref_slice %arg4[%dma_wait3A_949, %dma_wait3A_950] : memref<50000x128xf32, #tpu.memory_space<hbm>> -> memref<50000x128xf32, #tpu.memory_space<hbm>>
    tpu.wait_indirect_dma semaphore(%arg15 : memref<!tpu.dma_semaphore, #tpu.memory_space<semaphore_mem>>) src(%dma_wait3A_951 : memref<50000x128xf32, #tpu.memory_space<hbm>>) dst(%arg10 : memref<125x128xf32, #tpu.memory_space<vmem>>)
    %dma_wait3A_952 = arith.constant 11 : i32
    %dma_wait3A_953 = arith.constant 2 : i32
    %dma_wait3A_954 = arith.constant 0 : i32
    %dma_wait3A_955 = tpu.memref_slice %arg8[%dma_wait3A_952, %dma_wait3A_953, %dma_wait3A_954] : memref<13x4x125xi32, #tpu.memory_space<vmem>> -> memref<1x1x125xi32, #tpu.memory_space<vmem>>
    %dma_wait3A_956 = tpu.memref_squeeze %dma_wait3A_955 : memref<1x1x125xi32, #tpu.memory_space<vmem>> -> memref<125xi32, #tpu.memory_space<vmem>>
    %dma_wait3A_957 = arith.constant 0 : i32
    %dma_wait3A_958 = arith.constant 0 : i32
    %dma_wait3A_959 = tpu.memref_slice %arg5[%dma_wait3A_957, %dma_wait3A_958] : memref<50000x128xf32, #tpu.memory_space<hbm>> -> memref<50000x128xf32, #tpu.memory_space<hbm>>
    tpu.wait_indirect_dma semaphore(%arg15 : memref<!tpu.dma_semaphore, #tpu.memory_space<semaphore_mem>>) src(%dma_wait3A_959 : memref<50000x128xf32, #tpu.memory_space<hbm>>) dst(%arg10 : memref<125x128xf32, #tpu.memory_space<vmem>>)
    %dma_wait3A_960 = arith.constant 11 : i32
    %dma_wait3A_961 = arith.constant 3 : i32
    %dma_wait3A_962 = arith.constant 0 : i32
    %dma_wait3A_963 = tpu.memref_slice %arg8[%dma_wait3A_960, %dma_wait3A_961, %dma_wait3A_962] : memref<13x4x125xi32, #tpu.memory_space<vmem>> -> memref<1x1x125xi32, #tpu.memory_space<vmem>>
    %dma_wait3A_964 = tpu.memref_squeeze %dma_wait3A_963 : memref<1x1x125xi32, #tpu.memory_space<vmem>> -> memref<125xi32, #tpu.memory_space<vmem>>
    %dma_wait3A_965 = arith.constant 0 : i32
    %dma_wait3A_966 = arith.constant 0 : i32
    %dma_wait3A_967 = tpu.memref_slice %arg6[%dma_wait3A_965, %dma_wait3A_966] : memref<50000x128xf32, #tpu.memory_space<hbm>> -> memref<50000x128xf32, #tpu.memory_space<hbm>>
    tpu.wait_indirect_dma semaphore(%arg15 : memref<!tpu.dma_semaphore, #tpu.memory_space<semaphore_mem>>) src(%dma_wait3A_967 : memref<50000x128xf32, #tpu.memory_space<hbm>>) dst(%arg10 : memref<125x128xf32, #tpu.memory_space<vmem>>)
    %sub3A_968 = arith.constant 384 : i32
    %sub3A_969 = arith.subi %add3A_4, %sub3A_968 : i32
    %add3A_970 = arith.constant 11 : i32
    %add3A_971 = arith.addi %sub3A_969, %add3A_970 : i32
    %mul3A_972 = arith.constant 125 : i32
    %mul3A_973 = arith.muli %add3A_971, %mul3A_972 : i32
    %dma_start3A_974 = arith.constant 0 : i32
    %dma_start3A_975 = tpu.memref_slice %arg7[%mul3A_973, %dma_start3A_974] : memref<52000x128xf32, #tpu.memory_space<hbm>> -> memref<125x128xf32, #tpu.memory_space<hbm>>
    %dma_start3A_976 = arith.constant 0 : i32
    %dma_start3A_977 = tpu.memref_slice %arg7[%mul3A_973, %dma_start3A_976] : memref<52000x128xf32, #tpu.memory_space<hbm>> -> memref<125x128xf32, #tpu.memory_space<hbm>>
    tpu.enqueue_dma source(%arg10 : memref<125x128xf32, #tpu.memory_space<vmem>>) target(%dma_start3A_977 : memref<125x128xf32, #tpu.memory_space<hbm>>) target_semaphore(%arg20 : memref<!tpu.dma_semaphore, #tpu.memory_space<semaphore_mem>>)
    %dma_wait3A_978 = arith.constant 12 : i32
    %dma_wait3A_979 = arith.constant 1 : i32
    %dma_wait3A_980 = arith.constant 0 : i32
    %dma_wait3A_981 = tpu.memref_slice %arg8[%dma_wait3A_978, %dma_wait3A_979, %dma_wait3A_980] : memref<13x4x125xi32, #tpu.memory_space<vmem>> -> memref<1x1x125xi32, #tpu.memory_space<vmem>>
    %dma_wait3A_982 = tpu.memref_squeeze %dma_wait3A_981 : memref<1x1x125xi32, #tpu.memory_space<vmem>> -> memref<125xi32, #tpu.memory_space<vmem>>
    %dma_wait3A_983 = arith.constant 0 : i32
    %dma_wait3A_984 = arith.constant 0 : i32
    %dma_wait3A_985 = tpu.memref_slice %arg4[%dma_wait3A_983, %dma_wait3A_984] : memref<50000x128xf32, #tpu.memory_space<hbm>> -> memref<50000x128xf32, #tpu.memory_space<hbm>>
    tpu.wait_indirect_dma semaphore(%arg16 : memref<!tpu.dma_semaphore, #tpu.memory_space<semaphore_mem>>) src(%dma_wait3A_985 : memref<50000x128xf32, #tpu.memory_space<hbm>>) dst(%arg11 : memref<125x128xf32, #tpu.memory_space<vmem>>)
    %dma_wait3A_986 = arith.constant 12 : i32
    %dma_wait3A_987 = arith.constant 2 : i32
    %dma_wait3A_988 = arith.constant 0 : i32
    %dma_wait3A_989 = tpu.memref_slice %arg8[%dma_wait3A_986, %dma_wait3A_987, %dma_wait3A_988] : memref<13x4x125xi32, #tpu.memory_space<vmem>> -> memref<1x1x125xi32, #tpu.memory_space<vmem>>
    %dma_wait3A_990 = tpu.memref_squeeze %dma_wait3A_989 : memref<1x1x125xi32, #tpu.memory_space<vmem>> -> memref<125xi32, #tpu.memory_space<vmem>>
    %dma_wait3A_991 = arith.constant 0 : i32
    %dma_wait3A_992 = arith.constant 0 : i32
    %dma_wait3A_993 = tpu.memref_slice %arg5[%dma_wait3A_991, %dma_wait3A_992] : memref<50000x128xf32, #tpu.memory_space<hbm>> -> memref<50000x128xf32, #tpu.memory_space<hbm>>
    tpu.wait_indirect_dma semaphore(%arg16 : memref<!tpu.dma_semaphore, #tpu.memory_space<semaphore_mem>>) src(%dma_wait3A_993 : memref<50000x128xf32, #tpu.memory_space<hbm>>) dst(%arg11 : memref<125x128xf32, #tpu.memory_space<vmem>>)
    %dma_wait3A_994 = arith.constant 12 : i32
    %dma_wait3A_995 = arith.constant 3 : i32
    %dma_wait3A_996 = arith.constant 0 : i32
    %dma_wait3A_997 = tpu.memref_slice %arg8[%dma_wait3A_994, %dma_wait3A_995, %dma_wait3A_996] : memref<13x4x125xi32, #tpu.memory_space<vmem>> -> memref<1x1x125xi32, #tpu.memory_space<vmem>>
    %dma_wait3A_998 = tpu.memref_squeeze %dma_wait3A_997 : memref<1x1x125xi32, #tpu.memory_space<vmem>> -> memref<125xi32, #tpu.memory_space<vmem>>
    %dma_wait3A_999 = arith.constant 0 : i32
    %dma_wait3A_1000 = arith.constant 0 : i32
    %dma_wait3A_1001 = tpu.memref_slice %arg6[%dma_wait3A_999, %dma_wait3A_1000] : memref<50000x128xf32, #tpu.memory_space<hbm>> -> memref<50000x128xf32, #tpu.memory_space<hbm>>
    tpu.wait_indirect_dma semaphore(%arg16 : memref<!tpu.dma_semaphore, #tpu.memory_space<semaphore_mem>>) src(%dma_wait3A_1001 : memref<50000x128xf32, #tpu.memory_space<hbm>>) dst(%arg11 : memref<125x128xf32, #tpu.memory_space<vmem>>)
    %sub3A_1002 = arith.constant 384 : i32
    %sub3A_1003 = arith.subi %add3A_4, %sub3A_1002 : i32
    %add3A_1004 = arith.constant 12 : i32
    %add3A_1005 = arith.addi %sub3A_1003, %add3A_1004 : i32
    %mul3A_1006 = arith.constant 125 : i32
    %mul3A_1007 = arith.muli %add3A_1005, %mul3A_1006 : i32
    %dma_start3A_1008 = arith.constant 0 : i32
    %dma_start3A_1009 = tpu.memref_slice %arg7[%mul3A_1007, %dma_start3A_1008] : memref<52000x128xf32, #tpu.memory_space<hbm>> -> memref<125x128xf32, #tpu.memory_space<hbm>>
    %dma_start3A_1010 = arith.constant 0 : i32
    %dma_start3A_1011 = tpu.memref_slice %arg7[%mul3A_1007, %dma_start3A_1010] : memref<52000x128xf32, #tpu.memory_space<hbm>> -> memref<125x128xf32, #tpu.memory_space<hbm>>
    tpu.enqueue_dma source(%arg11 : memref<125x128xf32, #tpu.memory_space<vmem>>) target(%dma_start3A_1011 : memref<125x128xf32, #tpu.memory_space<hbm>>) target_semaphore(%arg21 : memref<!tpu.dma_semaphore, #tpu.memory_space<semaphore_mem>>)
    %dma_wait3A_1012 = arith.constant 0 : i32
    %dma_wait3A_1013 = arith.constant 0 : i32
    %dma_wait3A_1014 = tpu.memref_slice %arg7[%dma_wait3A_1012, %dma_wait3A_1013] : memref<52000x128xf32, #tpu.memory_space<hbm>> -> memref<125x128xf32, #tpu.memory_space<hbm>>
    %dma_wait3A_1015 = arith.constant 0 : i32
    %dma_wait3A_1016 = arith.constant 0 : i32
    %dma_wait3A_1017 = tpu.memref_slice %arg7[%dma_wait3A_1015, %dma_wait3A_1016] : memref<52000x128xf32, #tpu.memory_space<hbm>> -> memref<125x128xf32, #tpu.memory_space<hbm>>
    tpu.wait_dma2 semaphore(%arg19 : memref<!tpu.dma_semaphore, #tpu.memory_space<semaphore_mem>>) src(%arg9 : memref<125x128xf32, #tpu.memory_space<vmem>>) dst(%dma_wait3A_1017 : memref<125x128xf32, #tpu.memory_space<hbm>>)
    %dma_wait3A_1018 = arith.constant 0 : i32
    %dma_wait3A_1019 = arith.constant 0 : i32
    %dma_wait3A_1020 = tpu.memref_slice %arg7[%dma_wait3A_1018, %dma_wait3A_1019] : memref<52000x128xf32, #tpu.memory_space<hbm>> -> memref<125x128xf32, #tpu.memory_space<hbm>>
    %dma_wait3A_1021 = arith.constant 0 : i32
    %dma_wait3A_1022 = arith.constant 0 : i32
    %dma_wait3A_1023 = tpu.memref_slice %arg7[%dma_wait3A_1021, %dma_wait3A_1022] : memref<52000x128xf32, #tpu.memory_space<hbm>> -> memref<125x128xf32, #tpu.memory_space<hbm>>
    tpu.wait_dma2 semaphore(%arg20 : memref<!tpu.dma_semaphore, #tpu.memory_space<semaphore_mem>>) src(%arg10 : memref<125x128xf32, #tpu.memory_space<vmem>>) dst(%dma_wait3A_1023 : memref<125x128xf32, #tpu.memory_space<hbm>>)
    %dma_wait3A_1024 = arith.constant 0 : i32
    %dma_wait3A_1025 = arith.constant 0 : i32
    %dma_wait3A_1026 = tpu.memref_slice %arg7[%dma_wait3A_1024, %dma_wait3A_1025] : memref<52000x128xf32, #tpu.memory_space<hbm>> -> memref<125x128xf32, #tpu.memory_space<hbm>>
    %dma_wait3A_1027 = arith.constant 0 : i32
    %dma_wait3A_1028 = arith.constant 0 : i32
    %dma_wait3A_1029 = tpu.memref_slice %arg7[%dma_wait3A_1027, %dma_wait3A_1028] : memref<52000x128xf32, #tpu.memory_space<hbm>> -> memref<125x128xf32, #tpu.memory_space<hbm>>
    tpu.wait_dma2 semaphore(%arg21 : memref<!tpu.dma_semaphore, #tpu.memory_space<semaphore_mem>>) src(%arg11 : memref<125x128xf32, #tpu.memory_space<vmem>>) dst(%dma_wait3A_1029 : memref<125x128xf32, #tpu.memory_space<hbm>>)
    %dma_wait3A_1030 = arith.constant 0 : i32
    %dma_wait3A_1031 = arith.constant 0 : i32
    %dma_wait3A_1032 = tpu.memref_slice %arg7[%dma_wait3A_1030, %dma_wait3A_1031] : memref<52000x128xf32, #tpu.memory_space<hbm>> -> memref<125x128xf32, #tpu.memory_space<hbm>>
    %dma_wait3A_1033 = arith.constant 0 : i32
    %dma_wait3A_1034 = arith.constant 0 : i32
    %dma_wait3A_1035 = tpu.memref_slice %arg7[%dma_wait3A_1033, %dma_wait3A_1034] : memref<52000x128xf32, #tpu.memory_space<hbm>> -> memref<125x128xf32, #tpu.memory_space<hbm>>
    tpu.wait_dma2 semaphore(%arg22 : memref<!tpu.dma_semaphore, #tpu.memory_space<semaphore_mem>>) src(%arg12 : memref<125x128xf32, #tpu.memory_space<vmem>>) dst(%dma_wait3A_1035 : memref<125x128xf32, #tpu.memory_space<hbm>>)
    %dma_wait3A_1036 = arith.constant 0 : i32
    %dma_wait3A_1037 = arith.constant 0 : i32
    %dma_wait3A_1038 = tpu.memref_slice %arg7[%dma_wait3A_1036, %dma_wait3A_1037] : memref<52000x128xf32, #tpu.memory_space<hbm>> -> memref<125x128xf32, #tpu.memory_space<hbm>>
    %dma_wait3A_1039 = arith.constant 0 : i32
    %dma_wait3A_1040 = arith.constant 0 : i32
    %dma_wait3A_1041 = tpu.memref_slice %arg7[%dma_wait3A_1039, %dma_wait3A_1040] : memref<52000x128xf32, #tpu.memory_space<hbm>> -> memref<125x128xf32, #tpu.memory_space<hbm>>
    tpu.wait_dma2 semaphore(%arg23 : memref<!tpu.dma_semaphore, #tpu.memory_space<semaphore_mem>>) src(%arg13 : memref<125x128xf32, #tpu.memory_space<vmem>>) dst(%dma_wait3A_1041 : memref<125x128xf32, #tpu.memory_space<hbm>>)
    return
  }
}

module attributes {stable_mosaic.version = 14 : i64} {
  func.func @body(%arg0: i32, %arg1: memref<2000x128xf32, #tpu.memory_space<vmem>>, %arg2: memref<2000x68xf32, #tpu.memory_space<vmem>>, %arg3: memref<68x128xf32, #tpu.memory_space<vmem>>, %arg4: memref<1x128xf32, #tpu.memory_space<vmem>>, %arg5: memref<2000x128xf32, #tpu.memory_space<vmem>>) attributes {dimension_semantics = [#tpu.dimension_semantics<arbitrary>], iteration_bounds = array<i64: 24>, scalar_prefetch = 0 : i64, scratch_operands = 0 : i64, tpu.core_type = #tpu.core_type<tc>, window_params = [{transform_indices = @transform_0, window_bounds = array<i64: 2000, 128>}, {transform_indices = @transform_1, window_bounds = array<i64: 2000, 68>}, {pipeline_mode = #tpu.pipeline_mode<synchronous>, transform_indices = @transform_2, window_bounds = array<i64: 68, 128>}, {pipeline_mode = #tpu.pipeline_mode<synchronous>, transform_indices = @transform_3, window_bounds = array<i64: 1, 128>}, {transform_indices = @transform_4, window_bounds = array<i64: 2000, 128>}]} {
    %get3A = arith.constant 0 : index
    %get3A_0 = arith.constant 0 : index
    %get3A_1 = vector.load %arg1[%get3A, %get3A_0] : memref<2000x128xf32, #tpu.memory_space<vmem>>, vector<2000x128xf32>
    %get3A_2 = arith.constant 0 : index
    %get3A_3 = arith.constant 0 : index
    %get3A_4 = vector.load %arg2[%get3A_2, %get3A_3] : memref<2000x68xf32, #tpu.memory_space<vmem>>, vector<2000x68xf32>
    %get3A_5 = arith.constant 0 : index
    %get3A_6 = arith.constant 0 : index
    %get3A_7 = vector.load %arg3[%get3A_5, %get3A_6] : memref<68x128xf32, #tpu.memory_space<vmem>>, vector<68x128xf32>
    %dot_general3A = arith.constant dense<0.000000e+00> : vector<2000x128xf32>
    %dot_general3A_8 = tpu.matmul %get3A_4, %get3A_7, %dot_general3A {dimension_numbers = #tpu.dot_dimension_numbers<[1], [0], [0], [1], [0, 0, 1, 1], [], []>, transpose_lhs_hint = false} : vector<2000x68xf32>, vector<68x128xf32>, vector<2000x128xf32> -> vector<2000x128xf32>
    %add3A = arith.addf %get3A_1, %dot_general3A_8 : vector<2000x128xf32>
    %get3A_9 = arith.constant 0 : index
    %get3A_10 = arith.constant 0 : index
    %get3A_11 = vector.load %arg4[%get3A_9, %get3A_10] : memref<1x128xf32, #tpu.memory_space<vmem>>, vector<1x128xf32>
    %add3A_12 = vector.broadcast %get3A_11 : vector<1x128xf32> to vector<2000x128xf32>
    %add3A_13 = arith.addf %add3A, %add3A_12 : vector<2000x128xf32>
    %swap3A = arith.constant 0 : index
    %swap3A_14 = arith.constant 0 : index
    %swap3A_15 = vector.load %arg5[%swap3A, %swap3A_14] : memref<2000x128xf32, #tpu.memory_space<vmem>>, vector<2000x128xf32>
    tpu.vector_store %arg5[%swap3A, %swap3A_14], %add3A_13 {strides = array<i32>} : memref<2000x128xf32, #tpu.memory_space<vmem>>, vector<2000x128xf32>,
    return
  }
  func.func @transform_0(%arg0: i32) -> (i32, i32) {
    %c0_i32 = arith.constant 0 : i32
    %c0_i32_0 = arith.constant 0 : i32
    return %arg0, %c0_i32 : i32, i32
  }
  func.func @transform_1(%arg0: i32) -> (i32, i32) {
    %c0_i32 = arith.constant 0 : i32
    %c0_i32_0 = arith.constant 0 : i32
    return %arg0, %c0_i32 : i32, i32
  }
  func.func @transform_2(%arg0: i32) -> (i32, i32) {
    %c0_i32 = arith.constant 0 : i32
    %c0_i32_0 = arith.constant 0 : i32
    %c0_i32_1 = arith.constant 0 : i32
    return %c0_i32, %c0_i32_0 : i32, i32
  }
  func.func @transform_3(%arg0: i32) -> (i32, i32) {
    %c0_i32 = arith.constant 0 : i32
    %c0_i32_0 = arith.constant 0 : i32
    %c0_i32_1 = arith.constant 0 : i32
    return %c0_i32, %c0_i32_0 : i32, i32
  }
  func.func @transform_4(%arg0: i32) -> (i32, i32) {
    %c0_i32 = arith.constant 0 : i32
    %c0_i32_0 = arith.constant 0 : i32
    return %arg0, %c0_i32 : i32, i32
  }
}

module attributes {stable_mosaic.version = 14 : i64} {
  func.func @body(%arg0: i32, %arg1: memref<100000x128xf32, #tpu.memory_space<hbm>>, %arg2: memref<2000x128xf32, #tpu.memory_space<vmem>>, %arg3: memref<2000x68xf32, #tpu.memory_space<vmem>>, %arg4: memref<68x128xf32, #tpu.memory_space<vmem>>, %arg5: memref<1x128xf32, #tpu.memory_space<vmem>>, %arg6: memref<2000x128xf32, #tpu.memory_space<vmem>>) attributes {dimension_semantics = [#tpu.dimension_semantics<arbitrary>], iteration_bounds = array<i64: 26>, scalar_prefetch = 0 : i64, scratch_operands = 0 : i64, tpu.core_type = #tpu.core_type<tc>, window_params = [{}, {transform_indices = @transform_1, window_bounds = array<i64: 2000, 128>}, {transform_indices = @transform_2, window_bounds = array<i64: 2000, 68>}, {pipeline_mode = #tpu.pipeline_mode<synchronous>, transform_indices = @transform_3, window_bounds = array<i64: 68, 128>}, {pipeline_mode = #tpu.pipeline_mode<synchronous>, transform_indices = @transform_4, window_bounds = array<i64: 1, 128>}, {transform_indices = @transform_5, window_bounds = array<i64: 2000, 128>}]} {
    %get3A = arith.constant 0 : index
    %get3A_0 = arith.constant 0 : index
    %get3A_1 = vector.load %arg2[%get3A, %get3A_0] : memref<2000x128xf32, #tpu.memory_space<vmem>>, vector<2000x128xf32>
    %get3A_2 = arith.constant 0 : index
    %get3A_3 = arith.constant 0 : index
    %get3A_4 = vector.load %arg3[%get3A_2, %get3A_3] : memref<2000x68xf32, #tpu.memory_space<vmem>>, vector<2000x68xf32>
    %get3A_5 = arith.constant 0 : index
    %get3A_6 = arith.constant 0 : index
    %get3A_7 = vector.load %arg4[%get3A_5, %get3A_6] : memref<68x128xf32, #tpu.memory_space<vmem>>, vector<68x128xf32>
    %dot_general3A = arith.constant dense<0.000000e+00> : vector<2000x128xf32>
    %dot_general3A_8 = tpu.matmul %get3A_4, %get3A_7, %dot_general3A {dimension_numbers = #tpu.dot_dimension_numbers<[1], [0], [0], [1], [0, 0, 1, 1], [], []>, transpose_lhs_hint = false} : vector<2000x68xf32>, vector<68x128xf32>, vector<2000x128xf32> -> vector<2000x128xf32>
    %add3A = arith.addf %get3A_1, %dot_general3A_8 : vector<2000x128xf32>
    %get3A_9 = arith.constant 0 : index
    %get3A_10 = arith.constant 0 : index
    %get3A_11 = vector.load %arg5[%get3A_9, %get3A_10] : memref<1x128xf32, #tpu.memory_space<vmem>>, vector<1x128xf32>
    %add3A_12 = vector.broadcast %get3A_11 : vector<1x128xf32> to vector<2000x128xf32>
    %add3A_13 = arith.addf %add3A, %add3A_12 : vector<2000x128xf32>
    %swap3A = arith.constant 0 : index
    %swap3A_14 = arith.constant 0 : index
    %swap3A_15 = vector.load %arg6[%swap3A, %swap3A_14] : memref<2000x128xf32, #tpu.memory_space<vmem>>, vector<2000x128xf32>
    tpu.vector_store %arg6[%swap3A, %swap3A_14], %add3A_13 {strides = array<i32>} : memref<2000x128xf32, #tpu.memory_space<vmem>>, vector<2000x128xf32>,
    return
  }
  func.func @transform_1(%arg0: i32) -> (i32, i32) {
    %c0_i32 = arith.constant 0 : i32
    %c0_i32_0 = arith.constant 0 : i32
    return %arg0, %c0_i32 : i32, i32
  }
  func.func @transform_2(%arg0: i32) -> (i32, i32) {
    %add3A = arith.constant 24 : i32
    %add3A_0 = arith.addi %arg0, %add3A : i32
    %c0_i32 = arith.constant 0 : i32
    %c0_i32_1 = arith.constant 0 : i32
    return %add3A_0, %c0_i32 : i32, i32
  }
  func.func @transform_3(%arg0: i32) -> (i32, i32) {
    %c0_i32 = arith.constant 0 : i32
    %c0_i32_0 = arith.constant 0 : i32
    %c0_i32_1 = arith.constant 0 : i32
    return %c0_i32, %c0_i32_0 : i32, i32
  }
  func.func @transform_4(%arg0: i32) -> (i32, i32) {
    %c0_i32 = arith.constant 0 : i32
    %c0_i32_0 = arith.constant 0 : i32
    %c0_i32_1 = arith.constant 0 : i32
    return %c0_i32, %c0_i32_0 : i32, i32
  }
  func.func @transform_5(%arg0: i32) -> (i32, i32) {
    %add3A = arith.constant 24 : i32
    %add3A_0 = arith.addi %arg0, %add3A : i32
    %c0_i32 = arith.constant 0 : i32
    %c0_i32_1 = arith.constant 0 : i32
    return %add3A_0, %c0_i32 : i32, i32
  }
}

</mosaic_0001>

<sc_bundles>
// kernel: kernel.6.cloned.1.call-start
scs
__scs_entry_jumppad:
0x0: {  	(pc) =	sbr.rel $0x88, $3  }
0x1: {  	(tag) =	ssettag $0x0;
	lr =	simm.s32 $0x1  }
0x2: {  	[smem:$0x3F9A] =	sst lr;
	_ =	strace $0xD0000000  }
0x3: {  	_ = 	snop  }
0x4: {  	_ = 	snop  }
0x5: {  	_ = 	snop  }
0x6: {  	_ = 	snop  }
0x7: {  	_ = 	snop  }
__scs_overlays_trampoline_lowered:
0x8: {  	[smem:$0x3FA9] =	sst s0  }
0x9: {  	[smem:$0x3FAA] =	sst s1  }
0xa: {  	[smem:$0x3FAB] =	sst s2  }
0xb: {  	[smem:$0x3FAC] =	sst s3  }
0xc: {  	[smem:$0x3FAD] =	sst s4  }
0xd: {  	[smem:$0x3FAE] =	sst s5  }
0xe: {  	[smem:$0x3FAF] =	sst s6  }
0xf: {  	[smem:$0x3FB0] =	sst s7  }
0x10: {  	[smem:$0x3FB1] =	sst s8  }
0x11: {  	[smem:$0x3FB2] =	sst s9;
	s0 =	simm.s32 @!p0 $0x0  }
0x12: {  	s1 =	sld [smem:$0x3F98];
	s0 =	simm.s32 @p0 $0x1  }
0x13: {  	[smem:$0x3FB3] =	sst s0;
	s0 =	simm.s32 @!p1 $0x0  }
0x14: {  	s2 =	sld [smem:$0x3F97];
	s0 =	simm.s32 @p1 $0x1  }
0x15: {  	[smem:$0x3FB4] =	sst s0;
	s0 =	simm.s32 @!p2 $0x0  }
0x16: {  	s3 =	sld [smem:$0x3FDB];
	s0 =	simm.s32 @p2 $0x1  }
0x17: {  	s4 =	simm.s32 $0x1BF5;
	[smem:$0x3FB6] =	sst s0  }
0x18: {  	s0 =	sld [smem:$0x3F99];
	_ =	swait.ge [sflag:s4], $0x0  }
0x19: {  	s7 =	sld [smem:$0x3F9A]  }
0x1a: {  	s8 =	sadd.s32 $0xFFFFE003, lr  }
0x1b: {  	s9 =	sadd.s32 $0xFFFFFEF7, lr;
	s5 =	simm.s32 $0xFFFFFFFF;
	p2 =	slt.u32 s8, $0xFFFFF086  }
0x1c: {  	p1 =	slt.u32 s9, $0xF7A;
	s5 =	simm.s32 @!p2 $0x0  }
0x1d: {  	s5 =	simm.s32 @p1 $0x1;
	p0 =	seq.s32 s7, s2  }
0x1e: {  	s7 =	smul.u32 @!p0 $0xF7A, s2;
	p2 =	seq.s32 @!p0 s5, $0x0  }
0x1f: {  	s9 =	smul.u32 $0xF7A, s1;
	s8 =	simm.s32 @!p0 $0x1BF5;
	p2 =	por !p2, p0  }
0x20: {  	[sflag:s8] =	ssyncset.s32 @!p0 $0xFFFFF086;
	s6 =	sadd.s32 @!p0 s3, s7;
	s7 =	simm.s32 @!p0 $0x108  }
0x21: {  	s3 =	sadd.s32 s3, s9;
	s6 =	sadd.s32 @!p0 $0x88, s6;
	s7 =	simm.s32 @p2 $0x1082  }
0x22: {  	[simem:s7], [sflag:s8] =	dma.local @!p0 [hbm:s6], $0xF7A  }
0x23: {  	s9 =	sor.u32 $0xD0000000, s2;
	s6 =	simm.s32 $0x108;
	_ =	swait.ge @!p0 [sflag:s8], $0x0  }
0x24: {  	s3 =	sadd.s32 $0x88, s3;
	s6 =	simm.s32 @!p1 $0x1082;
	[sflag:s4] =	ssyncset.s32 $0xFFFFF086  }
0x25: {  	[simem:s6], [sflag:s4] =	dma.local [hbm:s3], $0xF7A  }
0x26: {  	[smem:$0x3F9A] =	sst s1;
	(tag) =	ssettag s2;
	_ =	strace s9  }
0x27: {  	s1 =	sld [smem:$0x3FAA]  }
0x28: {  	s2 =	sld [smem:$0x3FAB]  }
0x29: {  	s4 =	sld [smem:$0x3FAD]  }
0x2a: {  	p0 =	seq.s32 s5, $0x0;
	s5 =	sld [smem:$0x3FAE]  }
0x2b: {  	s6 =	sld [smem:$0x3FAF]  }
0x2c: {  	s7 =	sld [smem:$0x3FB0]  }
0x2d: {  	s3 =	simm.s32 $0x108;
	s8 =	sld [smem:$0x3FB1]  }
0x2e: {  	s3 =	simm.s32 @!p0 $0x1082;
	s9 =	sld [smem:$0x3FB2]  }
0x2f: {  	lr =	sadd.s32 s0, s3;
	s0 =	sld [smem:$0x3FA9]  }
0x30: {  	s3 =	sld [smem:$0x3FAC]  }
0x31: {  	[smem:$0x3FB5] =	sst s10  }
0x32: {  	s10 =	sld [smem:$0x3FB3];
	_ =	sdelay $0x3  }
0x33: {  	p0 =	seq.s32 s10, $0x1;
	s10 =	sld [smem:$0x3FB5];
	_ =	sdelay $0x3  }
0x34: {  	[smem:$0x3FB5] =	sst s10  }
0x35: {  	s10 =	sld [smem:$0x3FB4];
	_ =	sdelay $0x3  }
0x36: {  	p1 =	seq.s32 s10, $0x1;
	s10 =	sld [smem:$0x3FB5];
	_ =	sdelay $0x3  }
0x37: {  	[smem:$0x3FB5] =	sst s10  }
0x38: {  	s10 =	sld [smem:$0x3FB6]  }
0x39: {  	_ = 	snop;
	(pc) =	sbr.ind lr, $3  }
0x3a: {  	_ = 	snop  }
0x3b: {  	_ = 	snop  }
0x3c: {  	p2 =	seq.s32 s10, $0x1;
	s10 =	sld [smem:$0x3FB5]  }
0x3d: {  	_ =	shalt  }
0x3e: {  	_ =	shalt  }
0x3f: {  	_ =	shalt  }
0x40: {  	_ =	shalt  }
0x41: {  	_ =	shalt  }
0x42: {  	_ =	shalt  }
0x43: {  	_ =	shalt  }
0x44: {  	_ =	shalt  }
0x45: {  	_ =	shalt  }
0x46: {  	_ =	shalt  }
0x47: {  	_ =	shalt  }
0x48: {  	_ =	shalt  }
0x49: {  	_ =	shalt  }
0x4a: {  	_ =	shalt  }
0x4b: {  	_ =	shalt  }
0x4c: {  	_ =	shalt  }
0x4d: {  	_ =	shalt  }
0x4e: {  	_ =	shalt  }
0x4f: {  	_ =	shalt  }
0x50: {  	_ =	shalt  }
0x51: {  	_ =	shalt  }
0x52: {  	_ =	shalt  }
0x53: {  	_ =	shalt  }
0x54: {  	_ =	shalt  }
0x55: {  	_ =	shalt  }
0x56: {  	_ =	shalt  }
0x57: {  	_ =	shalt  }
0x58: {  	_ =	shalt  }
0x59: {  	_ =	shalt  }
0x5a: {  	_ =	shalt  }
0x5b: {  	_ =	shalt  }
0x5c: {  	_ =	shalt  }
0x5d: {  	_ =	shalt  }
0x5e: {  	_ =	shalt  }
0x5f: {  	_ =	shalt  }
0x60: {  	_ =	shalt  }
0x61: {  	_ =	shalt  }
0x62: {  	_ =	shalt  }
0x63: {  	_ =	shalt  }
0x64: {  	_ =	shalt  }
0x65: {  	_ =	shalt  }
0x66: {  	_ =	shalt  }
0x67: {  	_ =	shalt  }
0x68: {  	_ =	shalt  }
0x69: {  	_ =	shalt  }
0x6a: {  	_ =	shalt  }
0x6b: {  	_ =	shalt  }
0x6c: {  	_ =	shalt  }
0x6d: {  	_ =	shalt  }
0x6e: {  	_ =	shalt  }
0x6f: {  	_ =	shalt  }
0x70: {  	_ =	shalt  }
0x71: {  	_ =	shalt  }
0x72: {  	_ =	shalt  }
0x73: {  	_ =	shalt  }
0x74: {  	_ =	shalt  }
0x75: {  	_ =	shalt  }
0x76: {  	_ =	shalt  }
0x77: {  	_ =	shalt  }
0x78: {  	_ =	shalt  }
0x79: {  	_ =	shalt  }
0x7a: {  	_ =	shalt  }
0x7b: {  	_ =	shalt  }
0x7c: {  	_ =	shalt  }
0x7d: {  	_ =	shalt  }
0x7e: {  	_ =	shalt  }
0x7f: {  	_ =	shalt  }
0x80: {  	_ =	shalt  }
0x81: {  	_ =	shalt  }
0x82: {  	_ =	shalt  }
0x83: {  	_ =	shalt  }
0x84: {  	_ =	shalt  }
0x85: {  	_ =	shalt  }
0x86: {  	_ =	shalt  }
0x87: {  	_ =	shalt  }
.Lfunc_end0:
.L_simem_size_0:
called_computation_lowered:
.L_overlay_start_0:
0x88: {  	s2 =	sld [smem:$0x3FD9]  }
0x89: {  	s3 =	sld [smem:$0x3FFE];
	_ =	sdelay $0x1  }
0x8a: {  	s1 =	srdreg.scid  }
0x8b: {  	s0 =	sand.u32 $0x1, s1  }
0x8c: {  	s17 =	sshll.u32 s0, $0xA;
	s2 =	sadd.s32 s3, s2  }
0x8d: {  	s2 =	sadd.s32 s2, s17  }
0x8e: {  	[smem:$0x3FC1] =	sst s2  }
0x8f: {  	_ = 	snop  }
0x90: {  	s2 =	sld [smem:$0x3FC8]  }
0x91: {  	s18 =	sld [smem:$0x3FC7]  }
0x92: {  	s4 =	sld [smem:$0x3FC6]  }
0x93: {  	s5 =	sld [smem:$0x3FC5]  }
0x94: {  	s6 =	sld [smem:$0x3FD0];
	(tm) =	ssettm $0x1  }
0x95: {  	s7 =	sld [smem:$0x3FFB];
	_ =	sdelay $0x3  }
0x96: {  	_ =	strace s7  }
0x97: {  	s7 =	sld [smem:$0x3FFC];
	_ =	sdelay $0x3  }
0x98: {  	_ =	strace s7  }
0x99: {  	s7 =	sld [smem:$0x3FFD];
	_ =	sdelay $0x3  }
0x9a: {  	_ =	strace s7  }
0x9b: {  	_ =	strace $0x8FFFFFFF  }
0x9c: {  	s19 =	sld [smem:$0x3FDB];
	_ =	sdelay $0x1  }
0x9d: {  	s8 =	simm.s32 $_scs_section_size  }
0x9e: {  	s9 =	simm.s32 $_size__tile_overlayer_lowered;
	s10 =	simm.s32 $_tile_overlayer_lowered  }
0x9f: {  	s22 =	simm.s32 $0x1BFF;
	s21 =	sshll.u32 s10, $0x1;
	s7 =	sadd.s32 s8, s19  }
0xa0: {  	s11 =	simm.s32 $0x0;
	s20 =	sshll.u32 s9, $0x1;
	s9 =	sadd.s32 s21, s7  }
0xa1: {  	[timem:s11], [sflag:s22] =	dma.local [hbm:s9], s20  }
0xa2: {  	_ =	swait.ge [sflag:s22], s20  }
0xa3: {  	s8 =	ssub.s32 $0x0, s20;
	[sflag:s22] =	ssyncset.done $0x0  }
0xa4: {  	[sflag:s22] =	ssyncadd.s32 s8;
	_ =	sdelay $0x1  }
0xa5: {  	s23 =	simm.s32 $0x1B8B  }
0xa6: {  	_ =	swait.ge [sflag:s23], $0x1  }
0xa7: {  	[sflag:s23] =	ssyncset.done $0x0  }
0xa8: {  	s25 =	simm.s32 $0x1B8E;
	s24 =	sld [smem:$0x3FFE];
	[sflag:s23] =	ssyncadd.s32 $0xFFFFFFFF  }
0xa9: {  	s26 =	simm.s32 $execute0_lowered;
	[smem:$0x3FD2] =	sst s25  }
0xaa: {  	s9 =	sshll.u32 s26, $0x1;
	_ =	strace $0x80000046;
	[dreg:$0x1] =	wrdreg $0xFFFFFFFF  }
0xab: {  	s28 =	simm.s32 $_size_execute0_lowered;
	s7 =	sadd.s32 s7, s9;
	[dreg:$0x0] =	wrdreg $0x0  }
0xac: {  	s9 =	sshll.u32 s28, $0x1;
	[dreg:$0x2] =	wrdreg s7  }
0xad: {  	[dreg:$0x3] =	wrdreg s9  }
0xae: {  	[dreg:$0x4] =	wrdreg $0xC0  }
0xaf: {  	_ =	task [dreg:s11], $0x5FFFF  }
0xb0: {  	[dreg:$0x1] =	wrdreg $0xFFFFFFFF  }
0xb1: {  	[dreg:$0x0] =	wrdreg $0x60  }
0xb2: {  	[dreg:$0x2] =	wrdreg s24  }
0xb3: {  	[dreg:$0x3] =	wrdreg s2  }
0xb4: {  	[dreg:$0x4] =	wrdreg s18  }
0xb5: {  	[dreg:$0x5] =	wrdreg s4  }
0xb6: {  	[dreg:$0x6] =	wrdreg s5  }
0xb7: {  	[dreg:$0x7] =	wrdreg s6  }
0xb8: {  	[dreg:$0x8] =	wrdreg $0x9  }
0xb9: {  	_ =	task.clear_ibuf [dreg:s11], $0x9FFFF;
	_ =	strace $0x90000046  }
0xba: {  	s29 =	simm.s32 $0x9;
	_ =	strace $0x80000048  }
0xbb: {  	_ =	swait.ge [sflag:s29], $0x1  }
0xbc: {  	[sflag:s29] =	ssyncadd.s32 $0xFFFFFFFF  }
0xbd: {  	_ =	strace $0x90000048  }
0xbe: {  	_ =	sfence  }
0xbf: {  	s30 =	sld [smem:$0x0];
	_ =	sdelay $0x2  }
0xc0: {  	s31 =	sshll.u32 s1, $0xD;
	s1 =	sshrl.u32 s1, $0x2  }
0xc1: {  	s3 =	sand.u32 $0x4000, s31;
	s1 =	sadd.s32 s1, s30  }
0xc2: {  	s0 =	sor.u32 s3, s0;
	s1 =	sshll.u32 s1, $0x11  }
0xc3: {  	s0 =	sor.u32 s1, s0  }
0xc4: {  	s0 =	sadd.s32 $0x8F2B, s0  }
0xc5: {  	[sflag:s0] =	ssyncadd.remote.s32 $0x1  }
0xc6: {  	_ =	sfence.sel $0xFFFF  }
0xc7: {  	[dreg:$0x0] =	wrdreg $0xFFFFFFFF;
	(pc) =	sbr.abs _section_cstart, $3  }
0xc8: {  	[dreg:$0x1] =	wrdreg $0xFFFFFFFF  }
0xc9: {  	_ =	task.clear_ibuf [dreg:s11], $0x2FFFF;
	_ =	strace $0x9FFFFFFF  }
0xca: {  	(tm) =	ssettm $0x7FFFFFFF  }
0xcb: {  	_ =	shalt  }
tec
execute0_lowered:
.L_overlay_start_1:
0x0: {  	(tag) =	ssettag $0x1  }
0x1: {  	s0 =	rddreg [dreg:$0x0]  }
0x2: {  	s6 =	rddreg [dreg:$0x1]  }
0x3: {  	s3 =	rddreg [dreg:$0x2];
	s1 =	srdreg.scid  }
0x4: {  	s21 =	stileid.u32;
	s4 =	rddreg [dreg:$0x3]  }
0x5: {  	s5 =	rddreg [dreg:$0x4];
	s1 =	sand.u32 $0x1, s1;
	s2 =	sshll.u32 s21, $0x1  }
0x6: {  	s8 =	rddreg [dreg:$0x5];
	s7 =	sor.u32 s1, s2;
	s2 =	simm.s32 $0x0  }
0x7: {  	s12 =	simm.s32 $0x200;
	[smem:$0x7FF] =	sst s2  }
0x8: {  	s13 =	simm.s32 $0x80;
	_ =	strace $0x80000047;
	[dreg:$0x14] =	wrdreg s12  }
0x9: {  	s14 =	simm.s32 $0x100;
	[dreg:$0x15] =	wrdreg s13  }
0xa: {  	s15 =	simm.s32 $0x180;
	s9 =	smul.u32 $0x300, s7;
	[dreg:$0x16] =	wrdreg s14  }
0xb: {  	s10 =	smul.u32 $0x2EE00, s7;
	[dreg:$0x17] =	wrdreg s15;
	s12 =	simm.s32 $0x980  }
0xc: {  	s7 =	smul.u32 $0x5DC0, s7;
	s14 =	simm.s32 $0xC00;
	[smem:$0x7E9] =	sst s12  }
0xd: {  	s15 =	simm.s32 $0xA80;
	[smem:$0x7EA] =	sst s14  }
0xe: {  	s17 =	sadd.s32 s8, s7;
	[smem:$0x7EB] =	sst s15  }
0xf: {  	s1 =	ssub.s32 $0x2, s1;
	s7 =	simm.s32 $0x700;
	[dreg:$0x8] =	wrdreg s17  }
0x10: {  	s13 =	sshrl.u32 s1, $0x1;
	s12 =	simm.s32 $0xF80;
	[smem:$0x7E4] =	sst s7  }
0x11: {  	s1 =	ssub.s32 s1, s13;
	s13 =	simm.s32 $0x1200;
	[smem:$0x7F5] =	sst s12  }
0x12: {  	s14 =	simm.s32 $0x1080;
	[smem:$0x7F6] =	sst s13  }
0x13: {  	s0 =	sadd.s32 s9, s0;
	s15 =	simm.s32 $0x1100;
	[smem:$0x7F7] =	sst s14  }
0x14: {  	s16 =	sshrl.u32 s10, $0x3;
	s0 =	sadd.s32 $0xE00, s0;
	[smem:$0x7F8] =	sst s15  }
0x15: {  	s18 =	sadd.s32 s8, s16;
	s16 =	simm.s32 $0x400;
	[dreg:$0x7] =	wrdreg s0  }
0x16: {  	s17 =	simm.s32 $0x280;
	[dreg:$0x18] =	wrdreg s16  }
0x17: {  	s19 =	sadd.s32 $0x7D0, s18;
	[dreg:$0x19] =	wrdreg s17  }
0x18: {  	s20 =	sadd.s32 $0xFA0, s18;
	[dreg:$0x9] =	wrdreg s19  }
0x19: {  	s22 =	sadd.s32 $0x1770, s18;
	[dreg:$0xa] =	wrdreg s20  }
0x1a: {  	s23 =	sadd.s32 $0x1F40, s18;
	[dreg:$0xb] =	wrdreg s22  }
0x1b: {  	s24 =	sadd.s32 $0x2710, s18;
	[dreg:$0xc] =	wrdreg s23  }
0x1c: {  	s25 =	sadd.s32 $0x2EE0, s18;
	[dreg:$0xd] =	wrdreg s24  }
0x1d: {  	s26 =	sadd.s32 $0x36B0, s18;
	[dreg:$0xe] =	wrdreg s25  }
0x1e: {  	s8 =	sadd.s32 $0x3E80, s18;
	[dreg:$0xf] =	wrdreg s26  }
0x1f: {  	s9 =	sadd.s32 $0x4650, s18;
	[dreg:$0x10] =	wrdreg s8  }
0x20: {  	s10 =	sadd.s32 $0x4E20, s18;
	[dreg:$0x11] =	wrdreg s9  }
0x21: {  	s11 =	sadd.s32 $0x55F0, s18;
	[dreg:$0x12] =	wrdreg s10  }
0x22: {  	s18 =	simm.s32 $0x300;
	[dreg:$0x13] =	wrdreg s11  }
0x23: {  	s16 =	simm.s32 $0xB00;
	[dreg:$0x1a] =	wrdreg s18  }
0x24: {  	s17 =	simm.s32 $0xB80;
	[smem:$0x7EC] =	sst s16  }
0x25: {  	[smem:$0x7ED] =	sst s17  }
0x26: {  	s31 =	simm.s32 $0xB;
	s19 =	simm.s32 $0x380;
	s0 =	rddreg [dreg:$0x7]  }
0x27: {  	s30 =	simm.s32 $0x3;
	s20 =	simm.s32 $0x600;
	[dreg:$0x1b] =	wrdreg s19  }
0x28: {  	p0 =	por $0x0, $0x0;
	s22 =	simm.s32 $0x480;
	[dreg:$0x1c] =	wrdreg s20  }
0x29: {  	s28 =	simm.s32 $0x1480;
	s23 =	simm.s32 $0x500;
	[dreg:$0x1d] =	wrdreg s22  }
0x2a: {  	s29 =	simm.s32 $0x1500;
	s24 =	simm.s32 $0x580;
	[dreg:$0x1e] =	wrdreg s23  }
0x2b: {  	s1 =	smax.u32 s1, $0x1;
	s25 =	simm.s32 $0x800;
	[dreg:$0x1f] =	wrdreg s24  }
0x2c: {  	s7 =	simm.s32 $0x5680;
	s26 =	simm.s32 $0x680;
	[smem:$0x7E2] =	sst s25  }
0x2d: {  	s12 =	simm.s32 $0x6;
	s8 =	simm.s32 $0x780;
	[smem:$0x7E3] =	sst s26  }
0x2e: {  	s13 =	simm.s32 $0x7;
	s9 =	simm.s32 $0xA00;
	[smem:$0x7E5] =	sst s8  }
0x2f: {  	s14 =	simm.s32 $0x8;
	s10 =	simm.s32 $0x880;
	[smem:$0x7E6] =	sst s9  }
0x30: {  	s15 =	simm.s32 $0x9;
	s11 =	simm.s32 $0x900;
	[smem:$0x7E7] =	sst s10  }
0x31: {  	p1 =	sne.s32 s1, $0x1;
	s18 =	simm.s32 $0xE00;
	[smem:$0x7E8] =	sst s11  }
0x32: {  	s1 =	sadd.s32 $0xFFFFFFFF, s1;
	s16 =	simm.s32 $0x1180;
	[smem:$0x7EE] =	sst s18  }
0x33: {  	s17 =	simm.s32 $0x11200;
	s19 =	simm.s32 $0xC80;
	[smem:$0x7F9] =	sst s16  }
0x34: {  	s11 =	simm.s32 $0x7D;
	s20 =	simm.s32 $0xD00;
	[smem:$0x7EF] =	sst s19  }
0x35: {  	s8 =	simm.s32 $0x1800;
	s22 =	simm.s32 $0xD80;
	[smem:$0x7F0] =	sst s20  }
0x36: {  	s10 =	simm.s32 $0x1;
	s23 =	simm.s32 $0x1000;
	[smem:$0x7F1] =	sst s22  }
0x37: {  	s24 =	simm.s32 $0x9500;
	s25 =	simm.s32 $0xE80;
	[smem:$0x7F2] =	sst s23  }
0x38: {  	s9 =	simm.s32 $0x2;
	s26 =	simm.s32 $0xF00;
	[smem:$0x7F3] =	sst s25  }
0x39: {  	s18 =	simm.s32 $0x5;
	[smem:$0x7F4] =	sst s26;
	s22 =	simm.s32 $0x1400  }
.Ltmp0:
0x3a: {  	s23 =	simm.s32 $0x1280;
	[smem:$0x7FA] =	sst s22;
	(pc) =	sbr.rel @!p1 .LBB2_1-.Ltmp0, $4  }
0x3b: {  	s16 =	simm.s32 $0xA;
	s25 =	simm.s32 $0x1300;
	[smem:$0x7FB] =	sst s23  }
0x3c: {  	s19 =	simm.s32 $0xD380;
	s26 =	simm.s32 $0x1380;
	[smem:$0x7FC] =	sst s25  }
0x3d: {  	s20 =	simm.s32 $0x4;
	[smem:$0x7FD] =	sst s26;
	s26 =	simm.s32 $0x1580  }
0x3e: {  	s22 =	simm.s32 $0x1680;
	s23 =	simm.s32 $0x1700;
	s25 =	simm.s32 $0x1780  }
0x3f: {  	[tilespmem:s2], [sflag:$0xB] =	stream.linear.gather [hbm4b:s0+s2], $0x1800, $0x38;
	[tilespmem:$0x15080] =	vst v63  }
0x40: {  	_ =	swait.ge [sflag:s31], $0x1800  }
0x41: {  	[sflag:s31] =	ssyncset.done $0x0  }
0x42: {  	[sflag:s31] =	ssyncadd.s32 $0xFFFFE800  }
0x43: {  	[tilespmem:s8], [sflag:$0x1] =	stream.indirect.gather [hbm4b:s6+s11], $0x80, s2, s11, $0xb8;
	[tilespmem:$0x15080] =	vst v63  }
0x44: {  	s21 =	rddreg [dreg:$0x14]  }
0x45: {  	[tilespmem:s7], [sflag:$0x2] =	stream.indirect.gather [hbm4b:s6+s11], $0x80, s21, s11, $0xb8;
	[tilespmem:$0x15080] =	vst v63  }
0x46: {  	_ =	swait.ge [sflag:s10], $0x3E80  }
0x47: {  	[sflag:s10] =	ssyncset.done $0x0  }
0x48: {  	s0 =	rddreg [dreg:$0x15];
	[sflag:s10] =	ssyncadd.s32 $0xFFFFC180  }
0x49: {  	[tilespmem:s8], [sflag:$0x1] =	stream.indirect.gather.add.f32 [hbm:s3], $0x80, s0, s11, $0xb8;
	[tilespmem:$0x15080] =	vst v63  }
0x4a: {  	s21 =	smov.u32 s1;
	s1 =	rddreg [dreg:$0x16]  }
0x4b: {  	[tilespmem:s8], [sflag:$0x1] =	stream.indirect.gather.add.f32 [hbm:s4], $0x80, s1, s11, $0xb8;
	[tilespmem:$0x15080] =	vst v63  }
0x4c: {  	s0 =	rddreg [dreg:$0x17]  }
0x4d: {  	[tilespmem:s8], [sflag:$0x1] =	stream.indirect.gather.add.f32 [hbm:s5], $0x80, s0, s11, $0xb8;
	[tilespmem:$0x15080] =	vst v63  }
0x4e: {  	s1 =	rddreg [dreg:$0x18]  }
0x4f: {  	[tilespmem:s24], [sflag:$0x3] =	stream.indirect.gather [hbm4b:s6+s11], $0x80, s1, s11, $0xb8;
	[tilespmem:$0x15080] =	vst v63  }
0x50: {  	_ =	swait.ge [sflag:s9], $0x3E80  }
0x51: {  	[sflag:s9] =	ssyncset.done $0x0  }
0x52: {  	s0 =	rddreg [dreg:$0x19];
	[sflag:s9] =	ssyncadd.s32 $0xFFFFC180  }
0x53: {  	[tilespmem:s7], [sflag:$0x2] =	stream.indirect.gather.add.f32 [hbm:s3], $0x80, s0, s11, $0xb8;
	[tilespmem:$0x15080] =	vst v63  }
0x54: {  	s1 =	rddreg [dreg:$0x1a]  }
0x55: {  	[tilespmem:s7], [sflag:$0x2] =	stream.indirect.gather.add.f32 [hbm:s4], $0x80, s1, s11, $0xb8;
	[tilespmem:$0x15080] =	vst v63  }
0x56: {  	s0 =	rddreg [dreg:$0x1b]  }
0x57: {  	[tilespmem:s7], [sflag:$0x2] =	stream.indirect.gather.add.f32 [hbm:s5], $0x80, s0, s11, $0xb8;
	[tilespmem:$0x15080] =	vst v63  }
0x58: {  	_ =	swait.ge [sflag:s10], $0x3E80  }
0x59: {  	[sflag:s10] =	ssyncset.done $0x0  }
0x5a: {  	[sflag:s10] =	ssyncadd.s32 $0xFFFFC180  }
0x5b: {  	_ =	swait.ge [sflag:s10], $0x3E80  }
0x5c: {  	[sflag:s10] =	ssyncset.done $0x0  }
0x5d: {  	[sflag:s10] =	ssyncadd.s32 $0xFFFFC180  }
0x5e: {  	_ =	swait.ge [sflag:s10], $0x3E80  }
0x5f: {  	[sflag:s10] =	ssyncset.done $0x0  }
0x60: {  	s0 =	rddreg [dreg:$0x8];
	[sflag:s10] =	ssyncadd.s32 $0xFFFFC180  }
0x61: {  	[hbm4b:s0+s2] =	stream.linear.scatter [tilespmem:s8], [sflag:$0x6], $0x3E80, $0x38;
	[tilespmem:$0x15080] =	vst v63  }
0x62: {  	s1 =	rddreg [dreg:$0x1c]  }
0x63: {  	[tilespmem:s19], [sflag:$0x4] =	stream.indirect.gather [hbm4b:s6+s11], $0x80, s1, s11, $0xb8;
	[tilespmem:$0x15080] =	vst v63  }
0x64: {  	_ =	swait.ge [sflag:s30], $0x3E80  }
0x65: {  	[sflag:s30] =	ssyncset.done $0x0  }
0x66: {  	s0 =	rddreg [dreg:$0x1d];
	[sflag:s30] =	ssyncadd.s32 $0xFFFFC180  }
0x67: {  	[tilespmem:s24], [sflag:$0x3] =	stream.indirect.gather.add.f32 [hbm:s3], $0x80, s0, s11, $0xb8;
	[tilespmem:$0x15080] =	vst v63  }
0x68: {  	s1 =	rddreg [dreg:$0x1e]  }
0x69: {  	[tilespmem:s24], [sflag:$0x3] =	stream.indirect.gather.add.f32 [hbm:s4], $0x80, s1, s11, $0xb8;
	[tilespmem:$0x15080] =	vst v63  }
0x6a: {  	s0 =	rddreg [dreg:$0x1f]  }
0x6b: {  	[tilespmem:s24], [sflag:$0x3] =	stream.indirect.gather.add.f32 [hbm:s5], $0x80, s0, s11, $0xb8;
	[tilespmem:$0x15080] =	vst v63  }
0x6c: {  	_ =	swait.ge [sflag:s9], $0x3E80  }
0x6d: {  	[sflag:s9] =	ssyncset.done $0x0  }
0x6e: {  	[sflag:s9] =	ssyncadd.s32 $0xFFFFC180  }
0x6f: {  	_ =	swait.ge [sflag:s9], $0x3E80  }
0x70: {  	[sflag:s9] =	ssyncset.done $0x0  }
0x71: {  	[sflag:s9] =	ssyncadd.s32 $0xFFFFC180  }
0x72: {  	_ =	swait.ge [sflag:s9], $0x3E80  }
0x73: {  	s0 =	rddreg [dreg:$0x9];
	[sflag:s9] =	ssyncset.done $0x0  }
0x74: {  	s1 =	sld [smem:$0x7E2];
	[sflag:s9] =	ssyncadd.s32 $0xFFFFC180  }
0x75: {  	[hbm4b:s0+s2] =	stream.linear.scatter [tilespmem:s7], [sflag:$0x7], $0x3E80, $0x38;
	[tilespmem:$0x15080] =	vst v63  }
0x76: {  	_ = 	snop  }
0x77: {  	[tilespmem:s17], [sflag:$0x5] =	stream.indirect.gather [hbm4b:s6+s11], $0x80, s1, s11, $0xb8;
	[tilespmem:$0x15080] =	vst v63  }
0x78: {  	_ =	swait.ge [sflag:s20], $0x3E80  }
0x79: {  	s0 =	sld [smem:$0x7E3]  }
0x7a: {  	[sflag:s20] =	ssyncset.done $0x0  }
0x7b: {  	s1 =	sld [smem:$0x7E4];
	[sflag:s20] =	ssyncadd.s32 $0xFFFFC180  }
0x7c: {  	[tilespmem:s19], [sflag:$0x4] =	stream.indirect.gather.add.f32 [hbm:s3], $0x80, s0, s11, $0xb8;
	[tilespmem:$0x15080] =	vst v63  }
0x7d: {  	s0 =	sld [smem:$0x7E5]  }
0x7e: {  	[tilespmem:s19], [sflag:$0x4] =	stream.indirect.gather.add.f32 [hbm:s4], $0x80, s1, s11, $0xb8;
	[tilespmem:$0x15080] =	vst v63  }
0x7f: {  	_ = 	snop  }
0x80: {  	[tilespmem:s19], [sflag:$0x4] =	stream.indirect.gather.add.f32 [hbm:s5], $0x80, s0, s11, $0xb8;
	[tilespmem:$0x15080] =	vst v63  }
0x81: {  	_ =	swait.ge [sflag:s30], $0x3E80  }
0x82: {  	[sflag:s30] =	ssyncset.done $0x0  }
0x83: {  	[sflag:s30] =	ssyncadd.s32 $0xFFFFC180  }
0x84: {  	_ =	swait.ge [sflag:s30], $0x3E80  }
0x85: {  	[sflag:s30] =	ssyncset.done $0x0  }
0x86: {  	[sflag:s30] =	ssyncadd.s32 $0xFFFFC180  }
0x87: {  	_ =	swait.ge [sflag:s30], $0x3E80  }
0x88: {  	[sflag:s30] =	ssyncset.done $0x0  }
0x89: {  	s1 =	rddreg [dreg:$0xa];
	[sflag:s30] =	ssyncadd.s32 $0xFFFFC180  }
0x8a: {  	[hbm4b:s1+s2] =	stream.linear.scatter [tilespmem:s24], [sflag:$0x8], $0x3E80, $0x38;
	[tilespmem:$0x15080] =	vst v63  }
0x8b: {  	_ =	swait.ge [sflag:s12], $0x3E80  }
0x8c: {  	s1 =	sld [smem:$0x7E6]  }
0x8d: {  	[sflag:s12] =	ssyncset.done $0x0  }
0x8e: {  	[sflag:s12] =	ssyncadd.s32 $0xFFFFC180  }
0x8f: {  	[tilespmem:s8], [sflag:$0x1] =	stream.indirect.gather [hbm4b:s6+s11], $0x80, s1, s11, $0xb8;
	[tilespmem:$0x15080] =	vst v63  }
0x90: {  	_ =	swait.ge [sflag:s18], $0x3E80  }
0x91: {  	s0 =	sld [smem:$0x7E7]  }
0x92: {  	[sflag:s18] =	ssyncset.done $0x0  }
0x93: {  	s1 =	sld [smem:$0x7E8];
	[sflag:s18] =	ssyncadd.s32 $0xFFFFC180  }
0x94: {  	[tilespmem:s17], [sflag:$0x5] =	stream.indirect.gather.add.f32 [hbm:s3], $0x80, s0, s11, $0xb8;
	[tilespmem:$0x15080] =	vst v63  }
0x95: {  	s0 =	sld [smem:$0x7E9]  }
0x96: {  	[tilespmem:s17], [sflag:$0x5] =	stream.indirect.gather.add.f32 [hbm:s4], $0x80, s1, s11, $0xb8;
	[tilespmem:$0x15080] =	vst v63  }
0x97: {  	_ = 	snop  }
0x98: {  	[tilespmem:s17], [sflag:$0x5] =	stream.indirect.gather.add.f32 [hbm:s5], $0x80, s0, s11, $0xb8;
	[tilespmem:$0x15080] =	vst v63  }
0x99: {  	_ =	swait.ge [sflag:s20], $0x3E80  }
0x9a: {  	[sflag:s20] =	ssyncset.done $0x0  }
0x9b: {  	[sflag:s20] =	ssyncadd.s32 $0xFFFFC180  }
0x9c: {  	_ =	swait.ge [sflag:s20], $0x3E80  }
0x9d: {  	[sflag:s20] =	ssyncset.done $0x0  }
0x9e: {  	[sflag:s20] =	ssyncadd.s32 $0xFFFFC180  }
0x9f: {  	_ =	swait.ge [sflag:s20], $0x3E80  }
0xa0: {  	[sflag:s20] =	ssyncset.done $0x0  }
0xa1: {  	s1 =	rddreg [dreg:$0xb];
	[sflag:s20] =	ssyncadd.s32 $0xFFFFC180  }
0xa2: {  	[hbm4b:s1+s2] =	stream.linear.scatter [tilespmem:s19], [sflag:$0x9], $0x3E80, $0x38;
	[tilespmem:$0x15080] =	vst v63  }
0xa3: {  	_ =	swait.ge [sflag:s13], $0x3E80  }
0xa4: {  	s1 =	sld [smem:$0x7EA]  }
0xa5: {  	[sflag:s13] =	ssyncset.done $0x0  }
0xa6: {  	[sflag:s13] =	ssyncadd.s32 $0xFFFFC180  }
0xa7: {  	[tilespmem:s7], [sflag:$0x2] =	stream.indirect.gather [hbm4b:s6+s11], $0x80, s1, s11, $0xb8;
	[tilespmem:$0x15080] =	vst v63  }
0xa8: {  	_ =	swait.ge [sflag:s10], $0x3E80  }
0xa9: {  	s0 =	sld [smem:$0x7EB]  }
0xaa: {  	[sflag:s10] =	ssyncset.done $0x0  }
0xab: {  	s1 =	sld [smem:$0x7EC];
	[sflag:s10] =	ssyncadd.s32 $0xFFFFC180  }
0xac: {  	[tilespmem:s8], [sflag:$0x1] =	stream.indirect.gather.add.f32 [hbm:s3], $0x80, s0, s11, $0xb8;
	[tilespmem:$0x15080] =	vst v63  }
0xad: {  	s0 =	sld [smem:$0x7ED]  }
0xae: {  	[tilespmem:s8], [sflag:$0x1] =	stream.indirect.gather.add.f32 [hbm:s4], $0x80, s1, s11, $0xb8;
	[tilespmem:$0x15080] =	vst v63  }
0xaf: {  	_ = 	snop  }
0xb0: {  	[tilespmem:s8], [sflag:$0x1] =	stream.indirect.gather.add.f32 [hbm:s5], $0x80, s0, s11, $0xb8;
	[tilespmem:$0x15080] =	vst v63  }
0xb1: {  	_ =	swait.ge [sflag:s18], $0x3E80  }
0xb2: {  	[sflag:s18] =	ssyncset.done $0x0  }
0xb3: {  	[sflag:s18] =	ssyncadd.s32 $0xFFFFC180  }
0xb4: {  	_ =	swait.ge [sflag:s18], $0x3E80  }
0xb5: {  	[sflag:s18] =	ssyncset.done $0x0  }
0xb6: {  	[sflag:s18] =	ssyncadd.s32 $0xFFFFC180  }
0xb7: {  	_ =	swait.ge [sflag:s18], $0x3E80  }
0xb8: {  	[sflag:s18] =	ssyncset.done $0x0  }
0xb9: {  	s1 =	rddreg [dreg:$0xc];
	[sflag:s18] =	ssyncadd.s32 $0xFFFFC180  }
0xba: {  	[hbm4b:s1+s2] =	stream.linear.scatter [tilespmem:s17], [sflag:$0xA], $0x3E80, $0x38;
	[tilespmem:$0x15080] =	vst v63  }
0xbb: {  	_ =	swait.ge [sflag:s14], $0x3E80  }
0xbc: {  	s1 =	sld [smem:$0x7EE]  }
0xbd: {  	[sflag:s14] =	ssyncset.done $0x0  }
0xbe: {  	[sflag:s14] =	ssyncadd.s32 $0xFFFFC180  }
0xbf: {  	[tilespmem:s24], [sflag:$0x3] =	stream.indirect.gather [hbm4b:s6+s11], $0x80, s1, s11, $0xb8;
	[tilespmem:$0x15080] =	vst v63  }
0xc0: {  	_ =	swait.ge [sflag:s9], $0x3E80  }
0xc1: {  	s0 =	sld [smem:$0x7EF]  }
0xc2: {  	[sflag:s9] =	ssyncset.done $0x0  }
0xc3: {  	s1 =	sld [smem:$0x7F0];
	[sflag:s9] =	ssyncadd.s32 $0xFFFFC180  }
0xc4: {  	[tilespmem:s7], [sflag:$0x2] =	stream.indirect.gather.add.f32 [hbm:s3], $0x80, s0, s11, $0xb8;
	[tilespmem:$0x15080] =	vst v63  }
0xc5: {  	s0 =	sld [smem:$0x7F1]  }
0xc6: {  	[tilespmem:s7], [sflag:$0x2] =	stream.indirect.gather.add.f32 [hbm:s4], $0x80, s1, s11, $0xb8;
	[tilespmem:$0x15080] =	vst v63  }
0xc7: {  	_ = 	snop  }
0xc8: {  	[tilespmem:s7], [sflag:$0x2] =	stream.indirect.gather.add.f32 [hbm:s5], $0x80, s0, s11, $0xb8;
	[tilespmem:$0x15080] =	vst v63  }
0xc9: {  	_ =	swait.ge [sflag:s10], $0x3E80  }
0xca: {  	[sflag:s10] =	ssyncset.done $0x0  }
0xcb: {  	[sflag:s10] =	ssyncadd.s32 $0xFFFFC180  }
0xcc: {  	_ =	swait.ge [sflag:s10], $0x3E80  }
0xcd: {  	[sflag:s10] =	ssyncset.done $0x0  }
0xce: {  	[sflag:s10] =	ssyncadd.s32 $0xFFFFC180  }
0xcf: {  	_ =	swait.ge [sflag:s10], $0x3E80  }
0xd0: {  	[sflag:s10] =	ssyncset.done $0x0  }
0xd1: {  	s1 =	rddreg [dreg:$0xd];
	[sflag:s10] =	ssyncadd.s32 $0xFFFFC180  }
0xd2: {  	[hbm4b:s1+s2] =	stream.linear.scatter [tilespmem:s8], [sflag:$0x6], $0x3E80, $0x38;
	[tilespmem:$0x15080] =	vst v63  }
0xd3: {  	_ =	swait.ge [sflag:s15], $0x3E80  }
0xd4: {  	s1 =	sld [smem:$0x7F2]  }
0xd5: {  	[sflag:s15] =	ssyncset.done $0x0  }
0xd6: {  	[sflag:s15] =	ssyncadd.s32 $0xFFFFC180  }
0xd7: {  	[tilespmem:s19], [sflag:$0x4] =	stream.indirect.gather [hbm4b:s6+s11], $0x80, s1, s11, $0xb8;
	[tilespmem:$0x15080] =	vst v63  }
0xd8: {  	_ =	swait.ge [sflag:s30], $0x3E80  }
0xd9: {  	s0 =	sld [smem:$0x7F3]  }
0xda: {  	[sflag:s30] =	ssyncset.done $0x0  }
0xdb: {  	s1 =	sld [smem:$0x7F4];
	[sflag:s30] =	ssyncadd.s32 $0xFFFFC180  }
0xdc: {  	[tilespmem:s24], [sflag:$0x3] =	stream.indirect.gather.add.f32 [hbm:s3], $0x80, s0, s11, $0xb8;
	[tilespmem:$0x15080] =	vst v63  }
0xdd: {  	s0 =	sld [smem:$0x7F5]  }
0xde: {  	[tilespmem:s24], [sflag:$0x3] =	stream.indirect.gather.add.f32 [hbm:s4], $0x80, s1, s11, $0xb8;
	[tilespmem:$0x15080] =	vst v63  }
0xdf: {  	_ = 	snop  }
0xe0: {  	[tilespmem:s24], [sflag:$0x3] =	stream.indirect.gather.add.f32 [hbm:s5], $0x80, s0, s11, $0xb8;
	[tilespmem:$0x15080] =	vst v63  }
0xe1: {  	_ =	swait.ge [sflag:s9], $0x3E80  }
0xe2: {  	[sflag:s9] =	ssyncset.done $0x0  }
0xe3: {  	[sflag:s9] =	ssyncadd.s32 $0xFFFFC180  }
0xe4: {  	_ =	swait.ge [sflag:s9], $0x3E80  }
0xe5: {  	[sflag:s9] =	ssyncset.done $0x0  }
0xe6: {  	[sflag:s9] =	ssyncadd.s32 $0xFFFFC180  }
0xe7: {  	_ =	swait.ge [sflag:s9], $0x3E80  }
0xe8: {  	[sflag:s9] =	ssyncset.done $0x0  }
0xe9: {  	s1 =	rddreg [dreg:$0xe];
	[sflag:s9] =	ssyncadd.s32 $0xFFFFC180  }
0xea: {  	[hbm4b:s1+s2] =	stream.linear.scatter [tilespmem:s7], [sflag:$0x7], $0x3E80, $0x38;
	[tilespmem:$0x15080] =	vst v63  }
0xeb: {  	_ =	swait.ge [sflag:s16], $0x3E80  }
0xec: {  	s1 =	sld [smem:$0x7F6]  }
0xed: {  	[sflag:s16] =	ssyncset.done $0x0  }
0xee: {  	[sflag:s16] =	ssyncadd.s32 $0xFFFFC180  }
0xef: {  	[tilespmem:s17], [sflag:$0x5] =	stream.indirect.gather [hbm4b:s6+s11], $0x80, s1, s11, $0xb8;
	[tilespmem:$0x15080] =	vst v63  }
0xf0: {  	_ =	swait.ge [sflag:s20], $0x3E80  }
0xf1: {  	s0 =	sld [smem:$0x7F7]  }
0xf2: {  	[sflag:s20] =	ssyncset.done $0x0  }
0xf3: {  	s1 =	sld [smem:$0x7F8];
	[sflag:s20] =	ssyncadd.s32 $0xFFFFC180  }
0xf4: {  	[tilespmem:s19], [sflag:$0x4] =	stream.indirect.gather.add.f32 [hbm:s3], $0x80, s0, s11, $0xb8;
	[tilespmem:$0x15080] =	vst v63  }
0xf5: {  	s0 =	sld [smem:$0x7F9]  }
0xf6: {  	[tilespmem:s19], [sflag:$0x4] =	stream.indirect.gather.add.f32 [hbm:s4], $0x80, s1, s11, $0xb8;
	[tilespmem:$0x15080] =	vst v63  }
0xf7: {  	_ = 	snop  }
0xf8: {  	[tilespmem:s19], [sflag:$0x4] =	stream.indirect.gather.add.f32 [hbm:s5], $0x80, s0, s11, $0xb8;
	[tilespmem:$0x15080] =	vst v63  }
0xf9: {  	_ =	swait.ge [sflag:s30], $0x3E80  }
0xfa: {  	[sflag:s30] =	ssyncset.done $0x0  }
0xfb: {  	[sflag:s30] =	ssyncadd.s32 $0xFFFFC180  }
0xfc: {  	_ =	swait.ge [sflag:s30], $0x3E80  }
0xfd: {  	[sflag:s30] =	ssyncset.done $0x0  }
0xfe: {  	[sflag:s30] =	ssyncadd.s32 $0xFFFFC180  }
0xff: {  	_ =	swait.ge [sflag:s30], $0x3E80  }
0x100: {  	[sflag:s30] =	ssyncset.done $0x0  }
0x101: {  	s1 =	rddreg [dreg:$0xf];
	[sflag:s30] =	ssyncadd.s32 $0xFFFFC180  }
0x102: {  	[hbm4b:s1+s2] =	stream.linear.scatter [tilespmem:s24], [sflag:$0x8], $0x3E80, $0x38;
	[tilespmem:$0x15080] =	vst v63  }
0x103: {  	_ =	swait.ge [sflag:s12], $0x3E80  }
0x104: {  	s1 =	sld [smem:$0x7FA]  }
0x105: {  	[sflag:s12] =	ssyncset.done $0x0  }
0x106: {  	[sflag:s12] =	ssyncadd.s32 $0xFFFFC180  }
0x107: {  	[tilespmem:s8], [sflag:$0x1] =	stream.indirect.gather [hbm4b:s6+s11], $0x80, s1, s11, $0xb8;
	[tilespmem:$0x15080] =	vst v63  }
0x108: {  	_ =	swait.ge [sflag:s18], $0x3E80  }
0x109: {  	s0 =	sld [smem:$0x7FB]  }
0x10a: {  	[sflag:s18] =	ssyncset.done $0x0  }
0x10b: {  	s1 =	sld [smem:$0x7FC];
	[sflag:s18] =	ssyncadd.s32 $0xFFFFC180  }
0x10c: {  	[tilespmem:s17], [sflag:$0x5] =	stream.indirect.gather.add.f32 [hbm:s3], $0x80, s0, s11, $0xb8;
	[tilespmem:$0x15080] =	vst v63  }
0x10d: {  	s0 =	sld [smem:$0x7FD]  }
0x10e: {  	[tilespmem:s17], [sflag:$0x5] =	stream.indirect.gather.add.f32 [hbm:s4], $0x80, s1, s11, $0xb8;
	[tilespmem:$0x15080] =	vst v63  }
0x10f: {  	_ = 	snop  }
0x110: {  	[tilespmem:s17], [sflag:$0x5] =	stream.indirect.gather.add.f32 [hbm:s5], $0x80, s0, s11, $0xb8;
	[tilespmem:$0x15080] =	vst v63  }
0x111: {  	_ =	swait.ge [sflag:s20], $0x3E80  }
0x112: {  	[sflag:s20] =	ssyncset.done $0x0  }
0x113: {  	[sflag:s20] =	ssyncadd.s32 $0xFFFFC180  }
0x114: {  	_ =	swait.ge [sflag:s20], $0x3E80  }
0x115: {  	[sflag:s20] =	ssyncset.done $0x0  }
0x116: {  	[sflag:s20] =	ssyncadd.s32 $0xFFFFC180  }
0x117: {  	_ =	swait.ge [sflag:s20], $0x3E80  }
0x118: {  	[sflag:s20] =	ssyncset.done $0x0  }
0x119: {  	s1 =	rddreg [dreg:$0x10];
	[sflag:s20] =	ssyncadd.s32 $0xFFFFC180  }
0x11a: {  	[hbm4b:s1+s2] =	stream.linear.scatter [tilespmem:s19], [sflag:$0x9], $0x3E80, $0x38;
	[tilespmem:$0x15080] =	vst v63  }
0x11b: {  	_ =	swait.ge [sflag:s13], $0x3E80  }
0x11c: {  	[sflag:s13] =	ssyncset.done $0x0  }
0x11d: {  	s1 =	simm.s32 $0x1600;
	[sflag:s13] =	ssyncadd.s32 $0xFFFFC180  }
0x11e: {  	[tilespmem:s7], [sflag:$0x2] =	stream.indirect.gather [hbm4b:s6+s11], $0x80, s1, s11, $0xb8;
	[tilespmem:$0x15080] =	vst v63  }
0x11f: {  	_ =	swait.ge [sflag:s10], $0x3E80  }
0x120: {  	[sflag:s10] =	ssyncset.done $0x0  }
0x121: {  	[sflag:s10] =	ssyncadd.s32 $0xFFFFC180  }
0x122: {  	[tilespmem:s8], [sflag:$0x1] =	stream.indirect.gather.add.f32 [hbm:s3], $0x80, s28, s11, $0xb8;
	[tilespmem:$0x15080] =	vst v63  }
0x123: {  	_ = 	snop  }
0x124: {  	[tilespmem:s8], [sflag:$0x1] =	stream.indirect.gather.add.f32 [hbm:s4], $0x80, s29, s11, $0xb8;
	[tilespmem:$0x15080] =	vst v63  }
0x125: {  	_ = 	snop  }
0x126: {  	[tilespmem:s8], [sflag:$0x1] =	stream.indirect.gather.add.f32 [hbm:s5], $0x80, s26, s11, $0xb8;
	[tilespmem:$0x15080] =	vst v63  }
0x127: {  	_ =	swait.ge [sflag:s18], $0x3E80  }
0x128: {  	[sflag:s18] =	ssyncset.done $0x0  }
0x129: {  	[sflag:s18] =	ssyncadd.s32 $0xFFFFC180  }
0x12a: {  	_ =	swait.ge [sflag:s18], $0x3E80  }
0x12b: {  	[sflag:s18] =	ssyncset.done $0x0  }
0x12c: {  	[sflag:s18] =	ssyncadd.s32 $0xFFFFC180  }
0x12d: {  	_ =	swait.ge [sflag:s18], $0x3E80  }
0x12e: {  	[sflag:s18] =	ssyncset.done $0x0  }
0x12f: {  	s1 =	rddreg [dreg:$0x11];
	[sflag:s18] =	ssyncadd.s32 $0xFFFFC180  }
0x130: {  	[hbm4b:s1+s2] =	stream.linear.scatter [tilespmem:s17], [sflag:$0xA], $0x3E80, $0x38;
	[tilespmem:$0x15080] =	vst v63  }
0x131: {  	_ =	swait.ge [sflag:s9], $0x3E80  }
0x132: {  	[sflag:s9] =	ssyncset.done $0x0  }
0x133: {  	[sflag:s9] =	ssyncadd.s32 $0xFFFFC180  }
0x134: {  	[tilespmem:s7], [sflag:$0x2] =	stream.indirect.gather.add.f32 [hbm:s3], $0x80, s22, s11, $0xb8;
	[tilespmem:$0x15080] =	vst v63  }
0x135: {  	_ = 	snop  }
0x136: {  	[tilespmem:s7], [sflag:$0x2] =	stream.indirect.gather.add.f32 [hbm:s4], $0x80, s23, s11, $0xb8;
	[tilespmem:$0x15080] =	vst v63  }
0x137: {  	_ = 	snop  }
0x138: {  	[tilespmem:s7], [sflag:$0x2] =	stream.indirect.gather.add.f32 [hbm:s5], $0x80, s25, s11, $0xb8;
	[tilespmem:$0x15080] =	vst v63  }
0x139: {  	_ =	swait.ge [sflag:s10], $0x3E80  }
0x13a: {  	[sflag:s10] =	ssyncset.done $0x0  }
0x13b: {  	[sflag:s10] =	ssyncadd.s32 $0xFFFFC180  }
0x13c: {  	_ =	swait.ge [sflag:s10], $0x3E80  }
0x13d: {  	[sflag:s10] =	ssyncset.done $0x0  }
0x13e: {  	[sflag:s10] =	ssyncadd.s32 $0xFFFFC180  }
0x13f: {  	_ =	swait.ge [sflag:s10], $0x3E80  }
0x140: {  	[sflag:s10] =	ssyncset.done $0x0  }
0x141: {  	s1 =	rddreg [dreg:$0x12];
	[sflag:s10] =	ssyncadd.s32 $0xFFFFC180  }
0x142: {  	[hbm4b:s1+s2] =	stream.linear.scatter [tilespmem:s8], [sflag:$0x6], $0x3E80, $0x38;
	[tilespmem:$0x15080] =	vst v63  }
0x143: {  	_ =	swait.ge [sflag:s9], $0x3E80  }
0x144: {  	[sflag:s9] =	ssyncset.done $0x0  }
0x145: {  	[sflag:s9] =	ssyncadd.s32 $0xFFFFC180  }
0x146: {  	_ =	swait.ge [sflag:s9], $0x3E80  }
0x147: {  	[sflag:s9] =	ssyncset.done $0x0  }
0x148: {  	[sflag:s9] =	ssyncadd.s32 $0xFFFFC180  }
0x149: {  	_ =	swait.ge [sflag:s9], $0x3E80  }
0x14a: {  	[sflag:s9] =	ssyncset.done $0x0  }
0x14b: {  	s1 =	rddreg [dreg:$0x13];
	[sflag:s9] =	ssyncadd.s32 $0xFFFFC180  }
0x14c: {  	[hbm4b:s1+s2] =	stream.linear.scatter [tilespmem:s7], [sflag:$0x7], $0x3E80, $0x38;
	[tilespmem:$0x15080] =	vst v63  }
0x14d: {  	_ =	swait.ge [sflag:s12], $0x3E80  }
0x14e: {  	[sflag:s12] =	ssyncset.done $0x0  }
0x14f: {  	[sflag:s12] =	ssyncadd.s32 $0xFFFFC180  }
0x150: {  	_ =	swait.ge [sflag:s13], $0x3E80  }
0x151: {  	[sflag:s13] =	ssyncset.done $0x0  }
0x152: {  	[sflag:s13] =	ssyncadd.s32 $0xFFFFC180  }
0x153: {  	_ =	swait.ge [sflag:s14], $0x3E80  }
0x154: {  	[sflag:s14] =	ssyncset.done $0x0  }
0x155: {  	p1 =	sne.s32 s21, $0x1;
	[sflag:s14] =	ssyncadd.s32 $0xFFFFC180  }
.Ltmp1:
0x156: {  	_ =	swait.ge [sflag:s15], $0x3E80;
	(pc) =	sbr.rel @!p1 .LBB2_3-.Ltmp1, $4  }
0x157: {  	[sflag:s15] =	ssyncset.done $0x0  }
0x158: {  	[sflag:s15] =	ssyncadd.s32 $0xFFFFC180  }
0x159: {  	p0 =	por $0x1, $0x1;
	_ =	swait.ge [sflag:s16], $0x3E80  }
0x15a: {  	s1 =	sadd.s32 $0xFFFFFFFF, s21;
	s0 =	rddreg [dreg:$0x7];
	[sflag:s16] =	ssyncset.done $0x0  }
.LBB2_4:
0x15b: {  	[sflag:s16] =	ssyncadd.s32 $0xFFFFC180  }
0x15c: {  	[tilespmem:s2], [sflag:$0xB] =	stream.linear.gather [hbm4b:s0+s2], $0x1800, $0x38;
	[tilespmem:$0x15080] =	vst v63  }
0x15d: {  	_ =	swait.ge [sflag:s31], $0x1800  }
0x15e: {  	[sflag:s31] =	ssyncset.done $0x0  }
0x15f: {  	[sflag:s31] =	ssyncadd.s32 $0xFFFFE800  }
0x160: {  	[tilespmem:s8], [sflag:$0x1] =	stream.indirect.gather [hbm4b:s6+s11], $0x80, s2, s11, $0xb8;
	[tilespmem:$0x15080] =	vst v63  }
0x161: {  	s21 =	rddreg [dreg:$0x14]  }
0x162: {  	[tilespmem:s7], [sflag:$0x2] =	stream.indirect.gather [hbm4b:s6+s11], $0x80, s21, s11, $0xb8;
	[tilespmem:$0x15080] =	vst v63  }
0x163: {  	_ =	swait.ge [sflag:s10], $0x3E80  }
0x164: {  	[sflag:s10] =	ssyncset.done $0x0  }
0x165: {  	s0 =	rddreg [dreg:$0x15];
	[sflag:s10] =	ssyncadd.s32 $0xFFFFC180  }
0x166: {  	[tilespmem:s8], [sflag:$0x1] =	stream.indirect.gather.add.f32 [hbm:s3], $0x80, s0, s11, $0xb8;
	[tilespmem:$0x15080] =	vst v63  }
0x167: {  	s21 =	rddreg [dreg:$0x16]  }
0x168: {  	[tilespmem:s8], [sflag:$0x1] =	stream.indirect.gather.add.f32 [hbm:s4], $0x80, s21, s11, $0xb8;
	[tilespmem:$0x15080] =	vst v63  }
0x169: {  	s0 =	rddreg [dreg:$0x17]  }
0x16a: {  	[tilespmem:s8], [sflag:$0x1] =	stream.indirect.gather.add.f32 [hbm:s5], $0x80, s0, s11, $0xb8;
	[tilespmem:$0x15080] =	vst v63  }
0x16b: {  	s21 =	rddreg [dreg:$0x18]  }
0x16c: {  	[tilespmem:s24], [sflag:$0x3] =	stream.indirect.gather [hbm4b:s6+s11], $0x80, s21, s11, $0xb8;
	[tilespmem:$0x15080] =	vst v63  }
0x16d: {  	_ =	swait.ge [sflag:s9], $0x3E80  }
0x16e: {  	[sflag:s9] =	ssyncset.done $0x0  }
0x16f: {  	s0 =	rddreg [dreg:$0x19];
	[sflag:s9] =	ssyncadd.s32 $0xFFFFC180  }
0x170: {  	[tilespmem:s7], [sflag:$0x2] =	stream.indirect.gather.add.f32 [hbm:s3], $0x80, s0, s11, $0xb8;
	[tilespmem:$0x15080] =	vst v63  }
0x171: {  	s21 =	rddreg [dreg:$0x1a]  }
0x172: {  	[tilespmem:s7], [sflag:$0x2] =	stream.indirect.gather.add.f32 [hbm:s4], $0x80, s21, s11, $0xb8;
	[tilespmem:$0x15080] =	vst v63  }
0x173: {  	s0 =	rddreg [dreg:$0x1b]  }
0x174: {  	[tilespmem:s7], [sflag:$0x2] =	stream.indirect.gather.add.f32 [hbm:s5], $0x80, s0, s11, $0xb8;
	[tilespmem:$0x15080] =	vst v63  }
0x175: {  	_ =	swait.ge [sflag:s10], $0x3E80  }
0x176: {  	[sflag:s10] =	ssyncset.done $0x0  }
0x177: {  	[sflag:s10] =	ssyncadd.s32 $0xFFFFC180  }
0x178: {  	_ =	swait.ge [sflag:s10], $0x3E80  }
0x179: {  	[sflag:s10] =	ssyncset.done $0x0  }
0x17a: {  	[sflag:s10] =	ssyncadd.s32 $0xFFFFC180  }
0x17b: {  	_ =	swait.ge [sflag:s10], $0x3E80  }
0x17c: {  	[sflag:s10] =	ssyncset.done $0x0  }
0x17d: {  	s0 =	rddreg [dreg:$0x8];
	[sflag:s10] =	ssyncadd.s32 $0xFFFFC180  }
0x17e: {  	[hbm4b:s0+s2] =	stream.linear.scatter [tilespmem:s8], [sflag:$0x6], $0x3E80, $0x38;
	[tilespmem:$0x15080] =	vst v63  }
0x17f: {  	s21 =	rddreg [dreg:$0x1c]  }
0x180: {  	[tilespmem:s19], [sflag:$0x4] =	stream.indirect.gather [hbm4b:s6+s11], $0x80, s21, s11, $0xb8;
	[tilespmem:$0x15080] =	vst v63  }
0x181: {  	_ =	swait.ge [sflag:s30], $0x3E80  }
0x182: {  	[sflag:s30] =	ssyncset.done $0x0  }
0x183: {  	s0 =	rddreg [dreg:$0x1d];
	[sflag:s30] =	ssyncadd.s32 $0xFFFFC180  }
0x184: {  	[tilespmem:s24], [sflag:$0x3] =	stream.indirect.gather.add.f32 [hbm:s3], $0x80, s0, s11, $0xb8;
	[tilespmem:$0x15080] =	vst v63  }
0x185: {  	s21 =	rddreg [dreg:$0x1e]  }
0x186: {  	[tilespmem:s24], [sflag:$0x3] =	stream.indirect.gather.add.f32 [hbm:s4], $0x80, s21, s11, $0xb8;
	[tilespmem:$0x15080] =	vst v63  }
0x187: {  	s0 =	rddreg [dreg:$0x1f]  }
0x188: {  	[tilespmem:s24], [sflag:$0x3] =	stream.indirect.gather.add.f32 [hbm:s5], $0x80, s0, s11, $0xb8;
	[tilespmem:$0x15080] =	vst v63  }
0x189: {  	_ =	swait.ge [sflag:s9], $0x3E80  }
0x18a: {  	[sflag:s9] =	ssyncset.done $0x0  }
0x18b: {  	[sflag:s9] =	ssyncadd.s32 $0xFFFFC180  }
0x18c: {  	_ =	swait.ge [sflag:s9], $0x3E80  }
0x18d: {  	[sflag:s9] =	ssyncset.done $0x0  }
0x18e: {  	[sflag:s9] =	ssyncadd.s32 $0xFFFFC180  }
0x18f: {  	_ =	swait.ge [sflag:s9], $0x3E80  }
0x190: {  	s0 =	rddreg [dreg:$0x9];
	[sflag:s9] =	ssyncset.done $0x0  }
0x191: {  	s21 =	sld [smem:$0x7E2];
	[sflag:s9] =	ssyncadd.s32 $0xFFFFC180  }
0x192: {  	[hbm4b:s0+s2] =	stream.linear.scatter [tilespmem:s7], [sflag:$0x7], $0x3E80, $0x38;
	[tilespmem:$0x15080] =	vst v63  }
0x193: {  	_ = 	snop  }
0x194: {  	[tilespmem:s17], [sflag:$0x5] =	stream.indirect.gather [hbm4b:s6+s11], $0x80, s21, s11, $0xb8;
	[tilespmem:$0x15080] =	vst v63  }
0x195: {  	_ =	swait.ge [sflag:s20], $0x3E80  }
0x196: {  	s0 =	sld [smem:$0x7E3]  }
0x197: {  	[sflag:s20] =	ssyncset.done $0x0  }
0x198: {  	s21 =	sld [smem:$0x7E4];
	[sflag:s20] =	ssyncadd.s32 $0xFFFFC180  }
0x199: {  	[tilespmem:s19], [sflag:$0x4] =	stream.indirect.gather.add.f32 [hbm:s3], $0x80, s0, s11, $0xb8;
	[tilespmem:$0x15080] =	vst v63  }
0x19a: {  	s0 =	sld [smem:$0x7E5]  }
0x19b: {  	[tilespmem:s19], [sflag:$0x4] =	stream.indirect.gather.add.f32 [hbm:s4], $0x80, s21, s11, $0xb8;
	[tilespmem:$0x15080] =	vst v63  }
0x19c: {  	_ = 	snop  }
0x19d: {  	[tilespmem:s19], [sflag:$0x4] =	stream.indirect.gather.add.f32 [hbm:s5], $0x80, s0, s11, $0xb8;
	[tilespmem:$0x15080] =	vst v63  }
0x19e: {  	_ =	swait.ge [sflag:s30], $0x3E80  }
0x19f: {  	[sflag:s30] =	ssyncset.done $0x0  }
0x1a0: {  	[sflag:s30] =	ssyncadd.s32 $0xFFFFC180  }
0x1a1: {  	_ =	swait.ge [sflag:s30], $0x3E80  }
0x1a2: {  	[sflag:s30] =	ssyncset.done $0x0  }
0x1a3: {  	[sflag:s30] =	ssyncadd.s32 $0xFFFFC180  }
0x1a4: {  	_ =	swait.ge [sflag:s30], $0x3E80  }
0x1a5: {  	[sflag:s30] =	ssyncset.done $0x0  }
0x1a6: {  	s21 =	rddreg [dreg:$0xa];
	[sflag:s30] =	ssyncadd.s32 $0xFFFFC180  }
0x1a7: {  	[hbm4b:s21+s2] =	stream.linear.scatter [tilespmem:s24], [sflag:$0x8], $0x3E80, $0x38;
	[tilespmem:$0x15080] =	vst v63  }
0x1a8: {  	_ =	swait.ge [sflag:s12], $0x3E80  }
0x1a9: {  	s21 =	sld [smem:$0x7E6]  }
0x1aa: {  	[sflag:s12] =	ssyncset.done $0x0  }
0x1ab: {  	[sflag:s12] =	ssyncadd.s32 $0xFFFFC180  }
0x1ac: {  	[tilespmem:s8], [sflag:$0x1] =	stream.indirect.gather [hbm4b:s6+s11], $0x80, s21, s11, $0xb8;
	[tilespmem:$0x15080] =	vst v63  }
0x1ad: {  	_ =	swait.ge [sflag:s18], $0x3E80  }
0x1ae: {  	s0 =	sld [smem:$0x7E7]  }
0x1af: {  	[sflag:s18] =	ssyncset.done $0x0  }
0x1b0: {  	s21 =	sld [smem:$0x7E8];
	[sflag:s18] =	ssyncadd.s32 $0xFFFFC180  }
0x1b1: {  	[tilespmem:s17], [sflag:$0x5] =	stream.indirect.gather.add.f32 [hbm:s3], $0x80, s0, s11, $0xb8;
	[tilespmem:$0x15080] =	vst v63  }
0x1b2: {  	s0 =	sld [smem:$0x7E9]  }
0x1b3: {  	[tilespmem:s17], [sflag:$0x5] =	stream.indirect.gather.add.f32 [hbm:s4], $0x80, s21, s11, $0xb8;
	[tilespmem:$0x15080] =	vst v63  }
0x1b4: {  	_ = 	snop  }
0x1b5: {  	[tilespmem:s17], [sflag:$0x5] =	stream.indirect.gather.add.f32 [hbm:s5], $0x80, s0, s11, $0xb8;
	[tilespmem:$0x15080] =	vst v63  }
0x1b6: {  	_ =	swait.ge [sflag:s20], $0x3E80  }
0x1b7: {  	[sflag:s20] =	ssyncset.done $0x0  }
0x1b8: {  	[sflag:s20] =	ssyncadd.s32 $0xFFFFC180  }
0x1b9: {  	_ =	swait.ge [sflag:s20], $0x3E80  }
0x1ba: {  	[sflag:s20] =	ssyncset.done $0x0  }
0x1bb: {  	[sflag:s20] =	ssyncadd.s32 $0xFFFFC180  }
0x1bc: {  	_ =	swait.ge [sflag:s20], $0x3E80  }
0x1bd: {  	[sflag:s20] =	ssyncset.done $0x0  }
0x1be: {  	s21 =	rddreg [dreg:$0xb];
	[sflag:s20] =	ssyncadd.s32 $0xFFFFC180  }
0x1bf: {  	[hbm4b:s21+s2] =	stream.linear.scatter [tilespmem:s19], [sflag:$0x9], $0x3E80, $0x38;
	[tilespmem:$0x15080] =	vst v63  }
0x1c0: {  	_ =	swait.ge [sflag:s13], $0x3E80  }
0x1c1: {  	s21 =	sld [smem:$0x7EA]  }
0x1c2: {  	[sflag:s13] =	ssyncset.done $0x0  }
0x1c3: {  	[sflag:s13] =	ssyncadd.s32 $0xFFFFC180  }
0x1c4: {  	[tilespmem:s7], [sflag:$0x2] =	stream.indirect.gather [hbm4b:s6+s11], $0x80, s21, s11, $0xb8;
	[tilespmem:$0x15080] =	vst v63  }
0x1c5: {  	_ =	swait.ge [sflag:s10], $0x3E80  }
0x1c6: {  	s0 =	sld [smem:$0x7EB]  }
0x1c7: {  	[sflag:s10] =	ssyncset.done $0x0  }
0x1c8: {  	s21 =	sld [smem:$0x7EC];
	[sflag:s10] =	ssyncadd.s32 $0xFFFFC180  }
0x1c9: {  	[tilespmem:s8], [sflag:$0x1] =	stream.indirect.gather.add.f32 [hbm:s3], $0x80, s0, s11, $0xb8;
	[tilespmem:$0x15080] =	vst v63  }
0x1ca: {  	s0 =	sld [smem:$0x7ED]  }
0x1cb: {  	[tilespmem:s8], [sflag:$0x1] =	stream.indirect.gather.add.f32 [hbm:s4], $0x80, s21, s11, $0xb8;
	[tilespmem:$0x15080] =	vst v63  }
0x1cc: {  	_ = 	snop  }
0x1cd: {  	[tilespmem:s8], [sflag:$0x1] =	stream.indirect.gather.add.f32 [hbm:s5], $0x80, s0, s11, $0xb8;
	[tilespmem:$0x15080] =	vst v63  }
0x1ce: {  	_ =	swait.ge [sflag:s18], $0x3E80  }
0x1cf: {  	[sflag:s18] =	ssyncset.done $0x0  }
0x1d0: {  	[sflag:s18] =	ssyncadd.s32 $0xFFFFC180  }
0x1d1: {  	_ =	swait.ge [sflag:s18], $0x3E80  }
0x1d2: {  	[sflag:s18] =	ssyncset.done $0x0  }
0x1d3: {  	[sflag:s18] =	ssyncadd.s32 $0xFFFFC180  }
0x1d4: {  	_ =	swait.ge [sflag:s18], $0x3E80  }
0x1d5: {  	[sflag:s18] =	ssyncset.done $0x0  }
0x1d6: {  	s21 =	rddreg [dreg:$0xc];
	[sflag:s18] =	ssyncadd.s32 $0xFFFFC180  }
0x1d7: {  	[hbm4b:s21+s2] =	stream.linear.scatter [tilespmem:s17], [sflag:$0xA], $0x3E80, $0x38;
	[tilespmem:$0x15080] =	vst v63  }
0x1d8: {  	_ =	swait.ge [sflag:s14], $0x3E80  }
0x1d9: {  	s21 =	sld [smem:$0x7EE]  }
0x1da: {  	[sflag:s14] =	ssyncset.done $0x0  }
0x1db: {  	[sflag:s14] =	ssyncadd.s32 $0xFFFFC180  }
0x1dc: {  	[tilespmem:s24], [sflag:$0x3] =	stream.indirect.gather [hbm4b:s6+s11], $0x80, s21, s11, $0xb8;
	[tilespmem:$0x15080] =	vst v63  }
0x1dd: {  	_ =	swait.ge [sflag:s9], $0x3E80  }
0x1de: {  	s0 =	sld [smem:$0x7EF]  }
0x1df: {  	[sflag:s9] =	ssyncset.done $0x0  }
0x1e0: {  	s21 =	sld [smem:$0x7F0];
	[sflag:s9] =	ssyncadd.s32 $0xFFFFC180  }
0x1e1: {  	[tilespmem:s7], [sflag:$0x2] =	stream.indirect.gather.add.f32 [hbm:s3], $0x80, s0, s11, $0xb8;
	[tilespmem:$0x15080] =	vst v63  }
0x1e2: {  	s0 =	sld [smem:$0x7F1]  }
0x1e3: {  	[tilespmem:s7], [sflag:$0x2] =	stream.indirect.gather.add.f32 [hbm:s4], $0x80, s21, s11, $0xb8;
	[tilespmem:$0x15080] =	vst v63  }
0x1e4: {  	_ = 	snop  }
0x1e5: {  	[tilespmem:s7], [sflag:$0x2] =	stream.indirect.gather.add.f32 [hbm:s5], $0x80, s0, s11, $0xb8;
	[tilespmem:$0x15080] =	vst v63  }
0x1e6: {  	_ =	swait.ge [sflag:s10], $0x3E80  }
0x1e7: {  	[sflag:s10] =	ssyncset.done $0x0  }
0x1e8: {  	[sflag:s10] =	ssyncadd.s32 $0xFFFFC180  }
0x1e9: {  	_ =	swait.ge [sflag:s10], $0x3E80  }
0x1ea: {  	[sflag:s10] =	ssyncset.done $0x0  }
0x1eb: {  	[sflag:s10] =	ssyncadd.s32 $0xFFFFC180  }
0x1ec: {  	_ =	swait.ge [sflag:s10], $0x3E80  }
0x1ed: {  	[sflag:s10] =	ssyncset.done $0x0  }
0x1ee: {  	s21 =	rddreg [dreg:$0xd];
	[sflag:s10] =	ssyncadd.s32 $0xFFFFC180  }
0x1ef: {  	[hbm4b:s21+s2] =	stream.linear.scatter [tilespmem:s8], [sflag:$0x6], $0x3E80, $0x38;
	[tilespmem:$0x15080] =	vst v63  }
0x1f0: {  	_ =	swait.ge [sflag:s15], $0x3E80  }
0x1f1: {  	s21 =	sld [smem:$0x7F2]  }
0x1f2: {  	[sflag:s15] =	ssyncset.done $0x0  }
0x1f3: {  	[sflag:s15] =	ssyncadd.s32 $0xFFFFC180  }
0x1f4: {  	[tilespmem:s19], [sflag:$0x4] =	stream.indirect.gather [hbm4b:s6+s11], $0x80, s21, s11, $0xb8;
	[tilespmem:$0x15080] =	vst v63  }
0x1f5: {  	_ =	swait.ge [sflag:s30], $0x3E80  }
0x1f6: {  	s0 =	sld [smem:$0x7F3]  }
0x1f7: {  	[sflag:s30] =	ssyncset.done $0x0  }
0x1f8: {  	s21 =	sld [smem:$0x7F4];
	[sflag:s30] =	ssyncadd.s32 $0xFFFFC180  }
0x1f9: {  	[tilespmem:s24], [sflag:$0x3] =	stream.indirect.gather.add.f32 [hbm:s3], $0x80, s0, s11, $0xb8;
	[tilespmem:$0x15080] =	vst v63  }
0x1fa: {  	s0 =	sld [smem:$0x7F5]  }
0x1fb: {  	[tilespmem:s24], [sflag:$0x3] =	stream.indirect.gather.add.f32 [hbm:s4], $0x80, s21, s11, $0xb8;
	[tilespmem:$0x15080] =	vst v63  }
0x1fc: {  	_ = 	snop  }
0x1fd: {  	[tilespmem:s24], [sflag:$0x3] =	stream.indirect.gather.add.f32 [hbm:s5], $0x80, s0, s11, $0xb8;
	[tilespmem:$0x15080] =	vst v63  }
0x1fe: {  	_ =	swait.ge [sflag:s9], $0x3E80  }
0x1ff: {  	[sflag:s9] =	ssyncset.done $0x0  }
0x200: {  	[sflag:s9] =	ssyncadd.s32 $0xFFFFC180  }
0x201: {  	_ =	swait.ge [sflag:s9], $0x3E80  }
0x202: {  	[sflag:s9] =	ssyncset.done $0x0  }
0x203: {  	[sflag:s9] =	ssyncadd.s32 $0xFFFFC180  }
0x204: {  	_ =	swait.ge [sflag:s9], $0x3E80  }
0x205: {  	[sflag:s9] =	ssyncset.done $0x0  }
0x206: {  	s21 =	rddreg [dreg:$0xe];
	[sflag:s9] =	ssyncadd.s32 $0xFFFFC180  }
0x207: {  	[hbm4b:s21+s2] =	stream.linear.scatter [tilespmem:s7], [sflag:$0x7], $0x3E80, $0x38;
	[tilespmem:$0x15080] =	vst v63  }
0x208: {  	_ =	swait.ge [sflag:s16], $0x3E80  }
0x209: {  	s21 =	sld [smem:$0x7F6]  }
0x20a: {  	[sflag:s16] =	ssyncset.done $0x0  }
0x20b: {  	[sflag:s16] =	ssyncadd.s32 $0xFFFFC180  }
0x20c: {  	[tilespmem:s17], [sflag:$0x5] =	stream.indirect.gather [hbm4b:s6+s11], $0x80, s21, s11, $0xb8;
	[tilespmem:$0x15080] =	vst v63  }
0x20d: {  	_ =	swait.ge [sflag:s20], $0x3E80  }
0x20e: {  	s0 =	sld [smem:$0x7F7]  }
0x20f: {  	[sflag:s20] =	ssyncset.done $0x0  }
0x210: {  	s21 =	sld [smem:$0x7F8];
	[sflag:s20] =	ssyncadd.s32 $0xFFFFC180  }
0x211: {  	[tilespmem:s19], [sflag:$0x4] =	stream.indirect.gather.add.f32 [hbm:s3], $0x80, s0, s11, $0xb8;
	[tilespmem:$0x15080] =	vst v63  }
0x212: {  	s0 =	sld [smem:$0x7F9]  }
0x213: {  	[tilespmem:s19], [sflag:$0x4] =	stream.indirect.gather.add.f32 [hbm:s4], $0x80, s21, s11, $0xb8;
	[tilespmem:$0x15080] =	vst v63  }
0x214: {  	_ = 	snop  }
0x215: {  	[tilespmem:s19], [sflag:$0x4] =	stream.indirect.gather.add.f32 [hbm:s5], $0x80, s0, s11, $0xb8;
	[tilespmem:$0x15080] =	vst v63  }
0x216: {  	_ =	swait.ge [sflag:s30], $0x3E80  }
0x217: {  	[sflag:s30] =	ssyncset.done $0x0  }
0x218: {  	[sflag:s30] =	ssyncadd.s32 $0xFFFFC180  }
0x219: {  	_ =	swait.ge [sflag:s30], $0x3E80  }
0x21a: {  	[sflag:s30] =	ssyncset.done $0x0  }
0x21b: {  	[sflag:s30] =	ssyncadd.s32 $0xFFFFC180  }
0x21c: {  	_ =	swait.ge [sflag:s30], $0x3E80  }
0x21d: {  	[sflag:s30] =	ssyncset.done $0x0  }
0x21e: {  	s21 =	rddreg [dreg:$0xf];
	[sflag:s30] =	ssyncadd.s32 $0xFFFFC180  }
0x21f: {  	[hbm4b:s21+s2] =	stream.linear.scatter [tilespmem:s24], [sflag:$0x8], $0x3E80, $0x38;
	[tilespmem:$0x15080] =	vst v63  }
0x220: {  	_ =	swait.ge [sflag:s12], $0x3E80  }
0x221: {  	s21 =	sld [smem:$0x7FA]  }
0x222: {  	[sflag:s12] =	ssyncset.done $0x0  }
0x223: {  	[sflag:s12] =	ssyncadd.s32 $0xFFFFC180  }
0x224: {  	[tilespmem:s8], [sflag:$0x1] =	stream.indirect.gather [hbm4b:s6+s11], $0x80, s21, s11, $0xb8;
	[tilespmem:$0x15080] =	vst v63  }
0x225: {  	_ =	swait.ge [sflag:s18], $0x3E80  }
0x226: {  	s0 =	sld [smem:$0x7FB]  }
0x227: {  	[sflag:s18] =	ssyncset.done $0x0  }
0x228: {  	s21 =	sld [smem:$0x7FC];
	[sflag:s18] =	ssyncadd.s32 $0xFFFFC180  }
0x229: {  	[tilespmem:s17], [sflag:$0x5] =	stream.indirect.gather.add.f32 [hbm:s3], $0x80, s0, s11, $0xb8;
	[tilespmem:$0x15080] =	vst v63  }
0x22a: {  	s0 =	sld [smem:$0x7FD]  }
0x22b: {  	[tilespmem:s17], [sflag:$0x5] =	stream.indirect.gather.add.f32 [hbm:s4], $0x80, s21, s11, $0xb8;
	[tilespmem:$0x15080] =	vst v63  }
0x22c: {  	_ = 	snop  }
0x22d: {  	[tilespmem:s17], [sflag:$0x5] =	stream.indirect.gather.add.f32 [hbm:s5], $0x80, s0, s11, $0xb8;
	[tilespmem:$0x15080] =	vst v63  }
0x22e: {  	_ =	swait.ge [sflag:s20], $0x3E80  }
0x22f: {  	[sflag:s20] =	ssyncset.done $0x0  }
0x230: {  	[sflag:s20] =	ssyncadd.s32 $0xFFFFC180  }
0x231: {  	_ =	swait.ge [sflag:s20], $0x3E80  }
0x232: {  	[sflag:s20] =	ssyncset.done $0x0  }
0x233: {  	[sflag:s20] =	ssyncadd.s32 $0xFFFFC180  }
0x234: {  	_ =	swait.ge [sflag:s20], $0x3E80  }
0x235: {  	[sflag:s20] =	ssyncset.done $0x0  }
0x236: {  	s21 =	rddreg [dreg:$0x10];
	[sflag:s20] =	ssyncadd.s32 $0xFFFFC180  }
0x237: {  	[hbm4b:s21+s2] =	stream.linear.scatter [tilespmem:s19], [sflag:$0x9], $0x3E80, $0x38;
	[tilespmem:$0x15080] =	vst v63  }
0x238: {  	_ =	swait.ge [sflag:s13], $0x3E80  }
0x239: {  	[sflag:s13] =	ssyncset.done $0x0  }
0x23a: {  	s21 =	simm.s32 $0x1600;
	[sflag:s13] =	ssyncadd.s32 $0xFFFFC180  }
0x23b: {  	[tilespmem:s7], [sflag:$0x2] =	stream.indirect.gather [hbm4b:s6+s11], $0x80, s21, s11, $0xb8;
	[tilespmem:$0x15080] =	vst v63  }
0x23c: {  	_ =	swait.ge [sflag:s10], $0x3E80  }
0x23d: {  	[sflag:s10] =	ssyncset.done $0x0  }
0x23e: {  	[sflag:s10] =	ssyncadd.s32 $0xFFFFC180  }
0x23f: {  	[tilespmem:s8], [sflag:$0x1] =	stream.indirect.gather.add.f32 [hbm:s3], $0x80, s28, s11, $0xb8;
	[tilespmem:$0x15080] =	vst v63  }
0x240: {  	_ = 	snop  }
0x241: {  	[tilespmem:s8], [sflag:$0x1] =	stream.indirect.gather.add.f32 [hbm:s4], $0x80, s29, s11, $0xb8;
	[tilespmem:$0x15080] =	vst v63  }
0x242: {  	_ = 	snop  }
0x243: {  	[tilespmem:s8], [sflag:$0x1] =	stream.indirect.gather.add.f32 [hbm:s5], $0x80, s26, s11, $0xb8;
	[tilespmem:$0x15080] =	vst v63  }
0x244: {  	_ =	swait.ge [sflag:s18], $0x3E80  }
0x245: {  	[sflag:s18] =	ssyncset.done $0x0  }
0x246: {  	[sflag:s18] =	ssyncadd.s32 $0xFFFFC180  }
0x247: {  	_ =	swait.ge [sflag:s18], $0x3E80  }
0x248: {  	[sflag:s18] =	ssyncset.done $0x0  }
0x249: {  	[sflag:s18] =	ssyncadd.s32 $0xFFFFC180  }
0x24a: {  	_ =	swait.ge [sflag:s18], $0x3E80  }
0x24b: {  	[sflag:s18] =	ssyncset.done $0x0  }
0x24c: {  	s21 =	rddreg [dreg:$0x11];
	[sflag:s18] =	ssyncadd.s32 $0xFFFFC180  }
0x24d: {  	[hbm4b:s21+s2] =	stream.linear.scatter [tilespmem:s17], [sflag:$0xA], $0x3E80, $0x38;
	[tilespmem:$0x15080] =	vst v63  }
0x24e: {  	_ =	swait.ge [sflag:s9], $0x3E80  }
0x24f: {  	[sflag:s9] =	ssyncset.done $0x0  }
0x250: {  	[sflag:s9] =	ssyncadd.s32 $0xFFFFC180  }
0x251: {  	[tilespmem:s7], [sflag:$0x2] =	stream.indirect.gather.add.f32 [hbm:s3], $0x80, s22, s11, $0xb8;
	[tilespmem:$0x15080] =	vst v63  }
0x252: {  	_ = 	snop  }
0x253: {  	[tilespmem:s7], [sflag:$0x2] =	stream.indirect.gather.add.f32 [hbm:s4], $0x80, s23, s11, $0xb8;
	[tilespmem:$0x15080] =	vst v63  }
0x254: {  	_ = 	snop  }
0x255: {  	[tilespmem:s7], [sflag:$0x2] =	stream.indirect.gather.add.f32 [hbm:s5], $0x80, s25, s11, $0xb8;
	[tilespmem:$0x15080] =	vst v63  }
0x256: {  	_ =	swait.ge [sflag:s10], $0x3E80  }
0x257: {  	[sflag:s10] =	ssyncset.done $0x0  }
0x258: {  	[sflag:s10] =	ssyncadd.s32 $0xFFFFC180  }
0x259: {  	_ =	swait.ge [sflag:s10], $0x3E80  }
0x25a: {  	[sflag:s10] =	ssyncset.done $0x0  }
0x25b: {  	[sflag:s10] =	ssyncadd.s32 $0xFFFFC180  }
0x25c: {  	_ =	swait.ge [sflag:s10], $0x3E80  }
0x25d: {  	[sflag:s10] =	ssyncset.done $0x0  }
0x25e: {  	s21 =	rddreg [dreg:$0x12];
	[sflag:s10] =	ssyncadd.s32 $0xFFFFC180  }
0x25f: {  	[hbm4b:s21+s2] =	stream.linear.scatter [tilespmem:s8], [sflag:$0x6], $0x3E80, $0x38;
	[tilespmem:$0x15080] =	vst v63  }
0x260: {  	_ =	swait.ge [sflag:s9], $0x3E80  }
0x261: {  	[sflag:s9] =	ssyncset.done $0x0  }
0x262: {  	[sflag:s9] =	ssyncadd.s32 $0xFFFFC180  }
0x263: {  	_ =	swait.ge [sflag:s9], $0x3E80  }
0x264: {  	[sflag:s9] =	ssyncset.done $0x0  }
0x265: {  	[sflag:s9] =	ssyncadd.s32 $0xFFFFC180  }
0x266: {  	_ =	swait.ge [sflag:s9], $0x3E80  }
0x267: {  	[sflag:s9] =	ssyncset.done $0x0  }
0x268: {  	s21 =	rddreg [dreg:$0x13];
	[sflag:s9] =	ssyncadd.s32 $0xFFFFC180  }
0x269: {  	[hbm4b:s21+s2] =	stream.linear.scatter [tilespmem:s7], [sflag:$0x7], $0x3E80, $0x38;
	[tilespmem:$0x15080] =	vst v63  }
0x26a: {  	_ =	swait.ge [sflag:s12], $0x3E80  }
0x26b: {  	[sflag:s12] =	ssyncset.done $0x0  }
0x26c: {  	[sflag:s12] =	ssyncadd.s32 $0xFFFFC180  }
0x26d: {  	_ =	swait.ge [sflag:s13], $0x3E80  }
0x26e: {  	[sflag:s13] =	ssyncset.done $0x0  }
0x26f: {  	[sflag:s13] =	ssyncadd.s32 $0xFFFFC180  }
0x270: {  	_ =	swait.ge [sflag:s14], $0x3E80  }
0x271: {  	[sflag:s14] =	ssyncset.done $0x0  }
0x272: {  	p1 =	sne.s32 s1, $0x1;
	[sflag:s14] =	ssyncadd.s32 $0xFFFFC180  }
.Ltmp2:
0x273: {  	_ =	swait.ge [sflag:s15], $0x3E80;
	(pc) =	sbr.rel @p1 .LBB2_4-.Ltmp2, $4  }
0x274: {  	[sflag:s15] =	ssyncset.done $0x0  }
0x275: {  	[sflag:s15] =	ssyncadd.s32 $0xFFFFC180  }
0x276: {  	_ =	swait.ge [sflag:s16], $0x3E80  }
0x277: {  	s1 =	sadd.s32 $0xFFFFFFFF, s1;
	s0 =	rddreg [dreg:$0x7];
	[sflag:s16] =	ssyncset.done $0x0  }
0x278: {  	s25 =	simm.s32 $0x1580  }
0x279: {  	s29 =	simm.s32 $0x1500;
	s28 =	simm.s32 $0x1480;
	s26 =	simm.s32 $0x1600  }
0x27a: {  	s23 =	simm.s32 $0x1700;
	s22 =	simm.s32 $0x1680;
	s21 =	stileid.u32  }
.LBB2_6:
0x27b: {  	[sflag:s16] =	ssyncadd.s32 @p0 $0xFFFFC180  }
0x27c: {  	[tilespmem:s2], [sflag:$0xB] =	stream.linear.gather [hbm4b:s0+s2], $0x1800, $0x38;
	[tilespmem:$0x15080] =	vst v63  }
0x27d: {  	_ =	swait.ge [sflag:s31], $0x1800  }
0x27e: {  	[sflag:s31] =	ssyncset.done $0x0  }
0x27f: {  	[sflag:s31] =	ssyncadd.s32 $0xFFFFE800  }
0x280: {  	[tilespmem:s8], [sflag:$0x1] =	stream.indirect.gather [hbm4b:s6+s11], $0x80, s2, s11, $0xb8;
	[tilespmem:$0x15080] =	vst v63  }
0x281: {  	s1 =	rddreg [dreg:$0x14]  }
0x282: {  	[tilespmem:s7], [sflag:$0x2] =	stream.indirect.gather [hbm4b:s6+s11], $0x80, s1, s11, $0xb8;
	[tilespmem:$0x15080] =	vst v63  }
0x283: {  	_ =	swait.ge [sflag:s10], $0x3E80  }
0x284: {  	[sflag:s10] =	ssyncset.done $0x0  }
0x285: {  	s31 =	rddreg [dreg:$0x15];
	[sflag:s10] =	ssyncadd.s32 $0xFFFFC180  }
0x286: {  	[tilespmem:s8], [sflag:$0x1] =	stream.indirect.gather.add.f32 [hbm:s3], $0x80, s31, s11, $0xb8;
	[tilespmem:$0x15080] =	vst v63  }
0x287: {  	s1 =	rddreg [dreg:$0x16]  }
0x288: {  	[tilespmem:s8], [sflag:$0x1] =	stream.indirect.gather.add.f32 [hbm:s4], $0x80, s1, s11, $0xb8;
	[tilespmem:$0x15080] =	vst v63  }
0x289: {  	s0 =	rddreg [dreg:$0x17]  }
0x28a: {  	[tilespmem:s8], [sflag:$0x1] =	stream.indirect.gather.add.f32 [hbm:s5], $0x80, s0, s11, $0xb8;
	[tilespmem:$0x15080] =	vst v63  }
0x28b: {  	s31 =	rddreg [dreg:$0x18]  }
0x28c: {  	[tilespmem:s24], [sflag:$0x3] =	stream.indirect.gather [hbm4b:s6+s11], $0x80, s31, s11, $0xb8;
	[tilespmem:$0x15080] =	vst v63  }
0x28d: {  	_ =	swait.ge [sflag:s9], $0x3E80  }
0x28e: {  	[sflag:s9] =	ssyncset.done $0x0  }
0x28f: {  	s31 =	rddreg [dreg:$0x19];
	[sflag:s9] =	ssyncadd.s32 $0xFFFFC180  }
0x290: {  	[tilespmem:s7], [sflag:$0x2] =	stream.indirect.gather.add.f32 [hbm:s3], $0x80, s31, s11, $0xb8;
	[tilespmem:$0x15080] =	vst v63  }
0x291: {  	s1 =	rddreg [dreg:$0x1a]  }
0x292: {  	[tilespmem:s7], [sflag:$0x2] =	stream.indirect.gather.add.f32 [hbm:s4], $0x80, s1, s11, $0xb8;
	[tilespmem:$0x15080] =	vst v63  }
0x293: {  	s31 =	rddreg [dreg:$0x1b]  }
0x294: {  	[tilespmem:s7], [sflag:$0x2] =	stream.indirect.gather.add.f32 [hbm:s5], $0x80, s31, s11, $0xb8;
	[tilespmem:$0x15080] =	vst v63  }
0x295: {  	_ =	swait.ge [sflag:s10], $0x3E80  }
0x296: {  	[sflag:s10] =	ssyncset.done $0x0  }
0x297: {  	[sflag:s10] =	ssyncadd.s32 $0xFFFFC180  }
0x298: {  	_ =	swait.ge [sflag:s10], $0x3E80  }
0x299: {  	[sflag:s10] =	ssyncset.done $0x0  }
0x29a: {  	[sflag:s10] =	ssyncadd.s32 $0xFFFFC180  }
0x29b: {  	_ =	swait.ge [sflag:s10], $0x3E80  }
0x29c: {  	[sflag:s10] =	ssyncset.done $0x0  }
0x29d: {  	s1 =	rddreg [dreg:$0x8];
	[sflag:s10] =	ssyncadd.s32 $0xFFFFC180  }
0x29e: {  	[hbm4b:s1+s2] =	stream.linear.scatter [tilespmem:s8], [sflag:$0x6], $0x3E80, $0x38;
	[tilespmem:$0x15080] =	vst v63  }
0x29f: {  	s31 =	rddreg [dreg:$0x1c]  }
0x2a0: {  	[tilespmem:s19], [sflag:$0x4] =	stream.indirect.gather [hbm4b:s6+s11], $0x80, s31, s11, $0xb8;
	[tilespmem:$0x15080] =	vst v63  }
0x2a1: {  	_ =	swait.ge [sflag:s30], $0x3E80  }
0x2a2: {  	[sflag:s30] =	ssyncset.done $0x0  }
0x2a3: {  	s31 =	rddreg [dreg:$0x1d];
	[sflag:s30] =	ssyncadd.s32 $0xFFFFC180  }
0x2a4: {  	[tilespmem:s24], [sflag:$0x3] =	stream.indirect.gather.add.f32 [hbm:s3], $0x80, s31, s11, $0xb8;
	[tilespmem:$0x15080] =	vst v63  }
0x2a5: {  	s1 =	rddreg [dreg:$0x1e]  }
0x2a6: {  	[tilespmem:s24], [sflag:$0x3] =	stream.indirect.gather.add.f32 [hbm:s4], $0x80, s1, s11, $0xb8;
	[tilespmem:$0x15080] =	vst v63  }
0x2a7: {  	s31 =	rddreg [dreg:$0x1f]  }
0x2a8: {  	[tilespmem:s24], [sflag:$0x3] =	stream.indirect.gather.add.f32 [hbm:s5], $0x80, s31, s11, $0xb8;
	[tilespmem:$0x15080] =	vst v63  }
0x2a9: {  	_ =	swait.ge [sflag:s9], $0x3E80  }
0x2aa: {  	[sflag:s9] =	ssyncset.done $0x0  }
0x2ab: {  	[sflag:s9] =	ssyncadd.s32 $0xFFFFC180  }
0x2ac: {  	_ =	swait.ge [sflag:s9], $0x3E80  }
0x2ad: {  	[sflag:s9] =	ssyncset.done $0x0  }
0x2ae: {  	[sflag:s9] =	ssyncadd.s32 $0xFFFFC180  }
0x2af: {  	_ =	swait.ge [sflag:s9], $0x3E80  }
0x2b0: {  	s1 =	rddreg [dreg:$0x9];
	[sflag:s9] =	ssyncset.done $0x0  }
0x2b1: {  	s31 =	sld [smem:$0x7E2];
	[sflag:s9] =	ssyncadd.s32 $0xFFFFC180  }
0x2b2: {  	[hbm4b:s1+s2] =	stream.linear.scatter [tilespmem:s7], [sflag:$0x7], $0x3E80, $0x38;
	[tilespmem:$0x15080] =	vst v63  }
0x2b3: {  	_ = 	snop  }
0x2b4: {  	[tilespmem:s17], [sflag:$0x5] =	stream.indirect.gather [hbm4b:s6+s11], $0x80, s31, s11, $0xb8;
	[tilespmem:$0x15080] =	vst v63  }
0x2b5: {  	_ =	swait.ge [sflag:s20], $0x3E80  }
0x2b6: {  	s31 =	sld [smem:$0x7E3]  }
0x2b7: {  	[sflag:s20] =	ssyncset.done $0x0  }
0x2b8: {  	s1 =	sld [smem:$0x7E4];
	[sflag:s20] =	ssyncadd.s32 $0xFFFFC180  }
0x2b9: {  	[tilespmem:s19], [sflag:$0x4] =	stream.indirect.gather.add.f32 [hbm:s3], $0x80, s31, s11, $0xb8;
	[tilespmem:$0x15080] =	vst v63  }
0x2ba: {  	s31 =	sld [smem:$0x7E5]  }
0x2bb: {  	[tilespmem:s19], [sflag:$0x4] =	stream.indirect.gather.add.f32 [hbm:s4], $0x80, s1, s11, $0xb8;
	[tilespmem:$0x15080] =	vst v63  }
0x2bc: {  	_ = 	snop  }
0x2bd: {  	[tilespmem:s19], [sflag:$0x4] =	stream.indirect.gather.add.f32 [hbm:s5], $0x80, s31, s11, $0xb8;
	[tilespmem:$0x15080] =	vst v63  }
0x2be: {  	_ =	swait.ge [sflag:s30], $0x3E80  }
0x2bf: {  	[sflag:s30] =	ssyncset.done $0x0  }
0x2c0: {  	[sflag:s30] =	ssyncadd.s32 $0xFFFFC180  }
0x2c1: {  	_ =	swait.ge [sflag:s30], $0x3E80  }
0x2c2: {  	[sflag:s30] =	ssyncset.done $0x0  }
0x2c3: {  	[sflag:s30] =	ssyncadd.s32 $0xFFFFC180  }
0x2c4: {  	_ =	swait.ge [sflag:s30], $0x3E80  }
0x2c5: {  	[sflag:s30] =	ssyncset.done $0x0  }
0x2c6: {  	s31 =	rddreg [dreg:$0xa];
	[sflag:s30] =	ssyncadd.s32 $0xFFFFC180  }
0x2c7: {  	[hbm4b:s31+s2] =	stream.linear.scatter [tilespmem:s24], [sflag:$0x8], $0x3E80, $0x38;
	[tilespmem:$0x15080] =	vst v63  }
0x2c8: {  	_ =	swait.ge [sflag:s12], $0x3E80  }
0x2c9: {  	s1 =	sld [smem:$0x7E6]  }
0x2ca: {  	[sflag:s12] =	ssyncset.done $0x0  }
0x2cb: {  	[sflag:s12] =	ssyncadd.s32 $0xFFFFC180  }
0x2cc: {  	[tilespmem:s8], [sflag:$0x1] =	stream.indirect.gather [hbm4b:s6+s11], $0x80, s1, s11, $0xb8;
	[tilespmem:$0x15080] =	vst v63  }
0x2cd: {  	_ =	swait.ge [sflag:s18], $0x3E80  }
0x2ce: {  	s31 =	sld [smem:$0x7E7]  }
0x2cf: {  	[sflag:s18] =	ssyncset.done $0x0  }
0x2d0: {  	s1 =	sld [smem:$0x7E8];
	[sflag:s18] =	ssyncadd.s32 $0xFFFFC180  }
0x2d1: {  	[tilespmem:s17], [sflag:$0x5] =	stream.indirect.gather.add.f32 [hbm:s3], $0x80, s31, s11, $0xb8;
	[tilespmem:$0x15080] =	vst v63  }
0x2d2: {  	s31 =	sld [smem:$0x7E9]  }
0x2d3: {  	[tilespmem:s17], [sflag:$0x5] =	stream.indirect.gather.add.f32 [hbm:s4], $0x80, s1, s11, $0xb8;
	[tilespmem:$0x15080] =	vst v63  }
0x2d4: {  	_ = 	snop  }
0x2d5: {  	[tilespmem:s17], [sflag:$0x5] =	stream.indirect.gather.add.f32 [hbm:s5], $0x80, s31, s11, $0xb8;
	[tilespmem:$0x15080] =	vst v63  }
0x2d6: {  	_ =	swait.ge [sflag:s20], $0x3E80  }
0x2d7: {  	[sflag:s20] =	ssyncset.done $0x0  }
0x2d8: {  	[sflag:s20] =	ssyncadd.s32 $0xFFFFC180  }
0x2d9: {  	_ =	swait.ge [sflag:s20], $0x3E80  }
0x2da: {  	[sflag:s20] =	ssyncset.done $0x0  }
0x2db: {  	[sflag:s20] =	ssyncadd.s32 $0xFFFFC180  }
0x2dc: {  	_ =	swait.ge [sflag:s20], $0x3E80  }
0x2dd: {  	[sflag:s20] =	ssyncset.done $0x0  }
0x2de: {  	s31 =	rddreg [dreg:$0xb];
	[sflag:s20] =	ssyncadd.s32 $0xFFFFC180  }
0x2df: {  	[hbm4b:s31+s2] =	stream.linear.scatter [tilespmem:s19], [sflag:$0x9], $0x3E80, $0x38;
	[tilespmem:$0x15080] =	vst v63  }
0x2e0: {  	_ =	swait.ge [sflag:s13], $0x3E80  }
0x2e1: {  	s1 =	sld [smem:$0x7EA]  }
0x2e2: {  	[sflag:s13] =	ssyncset.done $0x0  }
0x2e3: {  	[sflag:s13] =	ssyncadd.s32 $0xFFFFC180  }
0x2e4: {  	[tilespmem:s7], [sflag:$0x2] =	stream.indirect.gather [hbm4b:s6+s11], $0x80, s1, s11, $0xb8;
	[tilespmem:$0x15080] =	vst v63  }
0x2e5: {  	_ =	swait.ge [sflag:s10], $0x3E80  }
0x2e6: {  	s31 =	sld [smem:$0x7EB]  }
0x2e7: {  	[sflag:s10] =	ssyncset.done $0x0  }
0x2e8: {  	s1 =	sld [smem:$0x7EC];
	[sflag:s10] =	ssyncadd.s32 $0xFFFFC180  }
0x2e9: {  	[tilespmem:s8], [sflag:$0x1] =	stream.indirect.gather.add.f32 [hbm:s3], $0x80, s31, s11, $0xb8;
	[tilespmem:$0x15080] =	vst v63  }
0x2ea: {  	s31 =	sld [smem:$0x7ED]  }
0x2eb: {  	[tilespmem:s8], [sflag:$0x1] =	stream.indirect.gather.add.f32 [hbm:s4], $0x80, s1, s11, $0xb8;
	[tilespmem:$0x15080] =	vst v63  }
0x2ec: {  	_ = 	snop  }
0x2ed: {  	[tilespmem:s8], [sflag:$0x1] =	stream.indirect.gather.add.f32 [hbm:s5], $0x80, s31, s11, $0xb8;
	[tilespmem:$0x15080] =	vst v63  }
0x2ee: {  	_ =	swait.ge [sflag:s18], $0x3E80  }
0x2ef: {  	[sflag:s18] =	ssyncset.done $0x0  }
0x2f0: {  	[sflag:s18] =	ssyncadd.s32 $0xFFFFC180  }
0x2f1: {  	_ =	swait.ge [sflag:s18], $0x3E80  }
0x2f2: {  	[sflag:s18] =	ssyncset.done $0x0  }
0x2f3: {  	[sflag:s18] =	ssyncadd.s32 $0xFFFFC180  }
0x2f4: {  	_ =	swait.ge [sflag:s18], $0x3E80  }
0x2f5: {  	[sflag:s18] =	ssyncset.done $0x0  }
0x2f6: {  	s31 =	rddreg [dreg:$0xc];
	[sflag:s18] =	ssyncadd.s32 $0xFFFFC180  }
0x2f7: {  	[hbm4b:s31+s2] =	stream.linear.scatter [tilespmem:s17], [sflag:$0xA], $0x3E80, $0x38;
	[tilespmem:$0x15080] =	vst v63  }
0x2f8: {  	_ =	swait.ge [sflag:s14], $0x3E80  }
0x2f9: {  	s1 =	sld [smem:$0x7EE]  }
0x2fa: {  	[sflag:s14] =	ssyncset.done $0x0  }
0x2fb: {  	[sflag:s14] =	ssyncadd.s32 $0xFFFFC180  }
0x2fc: {  	[tilespmem:s24], [sflag:$0x3] =	stream.indirect.gather [hbm4b:s6+s11], $0x80, s1, s11, $0xb8;
	[tilespmem:$0x15080] =	vst v63  }
0x2fd: {  	_ =	swait.ge [sflag:s9], $0x3E80  }
0x2fe: {  	s31 =	sld [smem:$0x7EF]  }
0x2ff: {  	[sflag:s9] =	ssyncset.done $0x0  }
0x300: {  	s1 =	sld [smem:$0x7F0];
	[sflag:s9] =	ssyncadd.s32 $0xFFFFC180  }
0x301: {  	[tilespmem:s7], [sflag:$0x2] =	stream.indirect.gather.add.f32 [hbm:s3], $0x80, s31, s11, $0xb8;
	[tilespmem:$0x15080] =	vst v63  }
0x302: {  	s31 =	sld [smem:$0x7F1]  }
0x303: {  	[tilespmem:s7], [sflag:$0x2] =	stream.indirect.gather.add.f32 [hbm:s4], $0x80, s1, s11, $0xb8;
	[tilespmem:$0x15080] =	vst v63  }
0x304: {  	_ = 	snop  }
0x305: {  	[tilespmem:s7], [sflag:$0x2] =	stream.indirect.gather.add.f32 [hbm:s5], $0x80, s31, s11, $0xb8;
	[tilespmem:$0x15080] =	vst v63  }
0x306: {  	_ =	swait.ge [sflag:s10], $0x3E80  }
0x307: {  	[sflag:s10] =	ssyncset.done $0x0  }
0x308: {  	[sflag:s10] =	ssyncadd.s32 $0xFFFFC180  }
0x309: {  	_ =	swait.ge [sflag:s10], $0x3E80  }
0x30a: {  	[sflag:s10] =	ssyncset.done $0x0  }
0x30b: {  	[sflag:s10] =	ssyncadd.s32 $0xFFFFC180  }
0x30c: {  	_ =	swait.ge [sflag:s10], $0x3E80  }
0x30d: {  	[sflag:s10] =	ssyncset.done $0x0  }
0x30e: {  	s31 =	rddreg [dreg:$0xd];
	[sflag:s10] =	ssyncadd.s32 $0xFFFFC180  }
0x30f: {  	[hbm4b:s31+s2] =	stream.linear.scatter [tilespmem:s8], [sflag:$0x6], $0x3E80, $0x38;
	[tilespmem:$0x15080] =	vst v63  }
0x310: {  	_ =	swait.ge [sflag:s15], $0x3E80  }
0x311: {  	s1 =	sld [smem:$0x7F2]  }
0x312: {  	[sflag:s15] =	ssyncset.done $0x0  }
0x313: {  	[sflag:s15] =	ssyncadd.s32 $0xFFFFC180  }
0x314: {  	[tilespmem:s19], [sflag:$0x4] =	stream.indirect.gather [hbm4b:s6+s11], $0x80, s1, s11, $0xb8;
	[tilespmem:$0x15080] =	vst v63  }
0x315: {  	_ =	swait.ge [sflag:s30], $0x3E80  }
0x316: {  	s31 =	sld [smem:$0x7F3]  }
0x317: {  	[sflag:s30] =	ssyncset.done $0x0  }
0x318: {  	s1 =	sld [smem:$0x7F4];
	[sflag:s30] =	ssyncadd.s32 $0xFFFFC180  }
0x319: {  	[tilespmem:s24], [sflag:$0x3] =	stream.indirect.gather.add.f32 [hbm:s3], $0x80, s31, s11, $0xb8;
	[tilespmem:$0x15080] =	vst v63  }
0x31a: {  	s31 =	sld [smem:$0x7F5]  }
0x31b: {  	[tilespmem:s24], [sflag:$0x3] =	stream.indirect.gather.add.f32 [hbm:s4], $0x80, s1, s11, $0xb8;
	[tilespmem:$0x15080] =	vst v63  }
0x31c: {  	_ = 	snop  }
0x31d: {  	[tilespmem:s24], [sflag:$0x3] =	stream.indirect.gather.add.f32 [hbm:s5], $0x80, s31, s11, $0xb8;
	[tilespmem:$0x15080] =	vst v63  }
0x31e: {  	_ =	swait.ge [sflag:s9], $0x3E80  }
0x31f: {  	[sflag:s9] =	ssyncset.done $0x0  }
0x320: {  	[sflag:s9] =	ssyncadd.s32 $0xFFFFC180  }
0x321: {  	_ =	swait.ge [sflag:s9], $0x3E80  }
0x322: {  	[sflag:s9] =	ssyncset.done $0x0  }
0x323: {  	[sflag:s9] =	ssyncadd.s32 $0xFFFFC180  }
0x324: {  	_ =	swait.ge [sflag:s9], $0x3E80  }
0x325: {  	[sflag:s9] =	ssyncset.done $0x0  }
0x326: {  	s31 =	rddreg [dreg:$0xe];
	[sflag:s9] =	ssyncadd.s32 $0xFFFFC180  }
0x327: {  	[hbm4b:s31+s2] =	stream.linear.scatter [tilespmem:s7], [sflag:$0x7], $0x3E80, $0x38;
	[tilespmem:$0x15080] =	vst v63  }
0x328: {  	_ =	swait.ge [sflag:s16], $0x3E80  }
0x329: {  	s1 =	sld [smem:$0x7F6]  }
0x32a: {  	[sflag:s16] =	ssyncset.done $0x0  }
0x32b: {  	[sflag:s16] =	ssyncadd.s32 $0xFFFFC180  }
0x32c: {  	[tilespmem:s17], [sflag:$0x5] =	stream.indirect.gather [hbm4b:s6+s11], $0x80, s1, s11, $0xb8;
	[tilespmem:$0x15080] =	vst v63  }
0x32d: {  	_ =	swait.ge [sflag:s20], $0x3E80  }
0x32e: {  	s31 =	sld [smem:$0x7F7]  }
0x32f: {  	[sflag:s20] =	ssyncset.done $0x0  }
0x330: {  	s1 =	sld [smem:$0x7F8];
	[sflag:s20] =	ssyncadd.s32 $0xFFFFC180  }
0x331: {  	[tilespmem:s19], [sflag:$0x4] =	stream.indirect.gather.add.f32 [hbm:s3], $0x80, s31, s11, $0xb8;
	[tilespmem:$0x15080] =	vst v63  }
0x332: {  	s31 =	sld [smem:$0x7F9]  }
0x333: {  	[tilespmem:s19], [sflag:$0x4] =	stream.indirect.gather.add.f32 [hbm:s4], $0x80, s1, s11, $0xb8;
	[tilespmem:$0x15080] =	vst v63  }
0x334: {  	_ = 	snop  }
0x335: {  	[tilespmem:s19], [sflag:$0x4] =	stream.indirect.gather.add.f32 [hbm:s5], $0x80, s31, s11, $0xb8;
	[tilespmem:$0x15080] =	vst v63  }
0x336: {  	_ =	swait.ge [sflag:s30], $0x3E80  }
0x337: {  	[sflag:s30] =	ssyncset.done $0x0  }
0x338: {  	[sflag:s30] =	ssyncadd.s32 $0xFFFFC180  }
0x339: {  	_ =	swait.ge [sflag:s30], $0x3E80  }
0x33a: {  	[sflag:s30] =	ssyncset.done $0x0  }
0x33b: {  	[sflag:s30] =	ssyncadd.s32 $0xFFFFC180  }
0x33c: {  	_ =	swait.ge [sflag:s30], $0x3E80  }
0x33d: {  	[sflag:s30] =	ssyncset.done $0x0  }
0x33e: {  	s31 =	rddreg [dreg:$0xf];
	[sflag:s30] =	ssyncadd.s32 $0xFFFFC180  }
0x33f: {  	[hbm4b:s31+s2] =	stream.linear.scatter [tilespmem:s24], [sflag:$0x8], $0x3E80, $0x38;
	[tilespmem:$0x15080] =	vst v63  }
0x340: {  	_ =	swait.ge [sflag:s12], $0x3E80  }
0x341: {  	s1 =	sld [smem:$0x7FA]  }
0x342: {  	[sflag:s12] =	ssyncset.done $0x0  }
0x343: {  	[sflag:s12] =	ssyncadd.s32 $0xFFFFC180  }
0x344: {  	[tilespmem:s8], [sflag:$0x1] =	stream.indirect.gather [hbm4b:s6+s11], $0x80, s1, s11, $0xb8;
	[tilespmem:$0x15080] =	vst v63  }
0x345: {  	_ =	swait.ge [sflag:s18], $0x3E80  }
0x346: {  	s24 =	sld [smem:$0x7FB]  }
0x347: {  	[sflag:s18] =	ssyncset.done $0x0  }
0x348: {  	s30 =	sld [smem:$0x7FC];
	[sflag:s18] =	ssyncadd.s32 $0xFFFFC180  }
0x349: {  	[tilespmem:s17], [sflag:$0x5] =	stream.indirect.gather.add.f32 [hbm:s3], $0x80, s24, s11, $0xb8;
	[tilespmem:$0x15080] =	vst v63  }
0x34a: {  	s31 =	sld [smem:$0x7FD]  }
0x34b: {  	[tilespmem:s17], [sflag:$0x5] =	stream.indirect.gather.add.f32 [hbm:s4], $0x80, s30, s11, $0xb8;
	[tilespmem:$0x15080] =	vst v63  }
0x34c: {  	_ = 	snop  }
0x34d: {  	[tilespmem:s17], [sflag:$0x5] =	stream.indirect.gather.add.f32 [hbm:s5], $0x80, s31, s11, $0xb8;
	[tilespmem:$0x15080] =	vst v63  }
0x34e: {  	_ =	swait.ge [sflag:s20], $0x3E80  }
0x34f: {  	[sflag:s20] =	ssyncset.done $0x0  }
0x350: {  	[sflag:s20] =	ssyncadd.s32 $0xFFFFC180  }
0x351: {  	_ =	swait.ge [sflag:s20], $0x3E80  }
0x352: {  	[sflag:s20] =	ssyncset.done $0x0  }
0x353: {  	[sflag:s20] =	ssyncadd.s32 $0xFFFFC180  }
0x354: {  	_ =	swait.ge [sflag:s20], $0x3E80  }
0x355: {  	[sflag:s20] =	ssyncset.done $0x0  }
0x356: {  	s24 =	rddreg [dreg:$0x10];
	[sflag:s20] =	ssyncadd.s32 $0xFFFFC180  }
0x357: {  	[hbm4b:s24+s2] =	stream.linear.scatter [tilespmem:s19], [sflag:$0x9], $0x3E80, $0x38;
	[tilespmem:$0x15080] =	vst v63  }
0x358: {  	_ =	swait.ge [sflag:s13], $0x3E80  }
0x359: {  	[sflag:s13] =	ssyncset.done $0x0  }
0x35a: {  	[sflag:s13] =	ssyncadd.s32 $0xFFFFC180  }
0x35b: {  	[tilespmem:s7], [sflag:$0x2] =	stream.indirect.gather [hbm4b:s6+s11], $0x80, s26, s11, $0xb8;
	[tilespmem:$0x15080] =	vst v63  }
0x35c: {  	_ =	swait.ge [sflag:s10], $0x3E80  }
0x35d: {  	[sflag:s10] =	ssyncset.done $0x0  }
0x35e: {  	[sflag:s10] =	ssyncadd.s32 $0xFFFFC180  }
0x35f: {  	[tilespmem:s8], [sflag:$0x1] =	stream.indirect.gather.add.f32 [hbm:s3], $0x80, s28, s11, $0xb8;
	[tilespmem:$0x15080] =	vst v63  }
0x360: {  	_ = 	snop  }
0x361: {  	[tilespmem:s8], [sflag:$0x1] =	stream.indirect.gather.add.f32 [hbm:s4], $0x80, s29, s11, $0xb8;
	[tilespmem:$0x15080] =	vst v63  }
0x362: {  	_ = 	snop  }
0x363: {  	[tilespmem:s8], [sflag:$0x1] =	stream.indirect.gather.add.f32 [hbm:s5], $0x80, s25, s11, $0xb8;
	[tilespmem:$0x15080] =	vst v63  }
0x364: {  	_ =	swait.ge [sflag:s18], $0x3E80  }
0x365: {  	[sflag:s18] =	ssyncset.done $0x0  }
0x366: {  	[sflag:s18] =	ssyncadd.s32 $0xFFFFC180  }
0x367: {  	_ =	swait.ge [sflag:s18], $0x3E80  }
0x368: {  	[sflag:s18] =	ssyncset.done $0x0  }
0x369: {  	[sflag:s18] =	ssyncadd.s32 $0xFFFFC180  }
0x36a: {  	_ =	swait.ge [sflag:s18], $0x3E80  }
0x36b: {  	[sflag:s18] =	ssyncset.done $0x0  }
0x36c: {  	s28 =	rddreg [dreg:$0x11];
	[sflag:s18] =	ssyncadd.s32 $0xFFFFC180  }
0x36d: {  	[hbm4b:s28+s2] =	stream.linear.scatter [tilespmem:s17], [sflag:$0xA], $0x3E80, $0x38;
	[tilespmem:$0x15080] =	vst v63  }
0x36e: {  	_ =	swait.ge [sflag:s9], $0x3E80  }
0x36f: {  	[sflag:s9] =	ssyncset.done $0x0  }
0x370: {  	[sflag:s9] =	ssyncadd.s32 $0xFFFFC180  }
0x371: {  	[tilespmem:s7], [sflag:$0x2] =	stream.indirect.gather.add.f32 [hbm:s3], $0x80, s22, s11, $0xb8;
	[tilespmem:$0x15080] =	vst v63  }
0x372: {  	_ = 	snop  }
0x373: {  	[tilespmem:s7], [sflag:$0x2] =	stream.indirect.gather.add.f32 [hbm:s4], $0x80, s23, s11, $0xb8;
	[tilespmem:$0x15080] =	vst v63  }
0x374: {  	s29 =	simm.s32 $0x1780  }
0x375: {  	[tilespmem:s7], [sflag:$0x2] =	stream.indirect.gather.add.f32 [hbm:s5], $0x80, s29, s11, $0xb8;
	[tilespmem:$0x15080] =	vst v63  }
0x376: {  	_ =	swait.ge [sflag:s10], $0x3E80  }
0x377: {  	[sflag:s10] =	ssyncset.done $0x0  }
0x378: {  	[sflag:s10] =	ssyncadd.s32 $0xFFFFC180  }
0x379: {  	_ =	swait.ge [sflag:s10], $0x3E80  }
0x37a: {  	[sflag:s10] =	ssyncset.done $0x0  }
0x37b: {  	[sflag:s10] =	ssyncadd.s32 $0xFFFFC180  }
0x37c: {  	_ =	swait.ge [sflag:s10], $0x3E80  }
0x37d: {  	[sflag:s10] =	ssyncset.done $0x0  }
0x37e: {  	s30 =	rddreg [dreg:$0x12];
	[sflag:s10] =	ssyncadd.s32 $0xFFFFC180  }
0x37f: {  	[hbm4b:s30+s2] =	stream.linear.scatter [tilespmem:s8], [sflag:$0x6], $0x3E80, $0x38;
	[tilespmem:$0x15080] =	vst v63  }
0x380: {  	_ =	swait.ge [sflag:s9], $0x3E80  }
0x381: {  	[sflag:s9] =	ssyncset.done $0x0  }
0x382: {  	[sflag:s9] =	ssyncadd.s32 $0xFFFFC180  }
0x383: {  	_ =	swait.ge [sflag:s9], $0x3E80  }
0x384: {  	[sflag:s9] =	ssyncset.done $0x0  }
0x385: {  	[sflag:s9] =	ssyncadd.s32 $0xFFFFC180  }
0x386: {  	_ =	swait.ge [sflag:s9], $0x3E80  }
0x387: {  	[sflag:s9] =	ssyncset.done $0x0  }
0x388: {  	s31 =	rddreg [dreg:$0x13];
	[sflag:s9] =	ssyncadd.s32 $0xFFFFC180  }
0x389: {  	[hbm4b:s31+s2] =	stream.linear.scatter [tilespmem:s7], [sflag:$0x7], $0x3E80, $0x38;
	[tilespmem:$0x15080] =	vst v63  }
0x38a: {  	_ =	swait.ge [sflag:s12], $0x3E80  }
0x38b: {  	[sflag:s12] =	ssyncset.done $0x0  }
0x38c: {  	[sflag:s12] =	ssyncadd.s32 $0xFFFFC180  }
0x38d: {  	_ =	swait.ge [sflag:s13], $0x3E80  }
0x38e: {  	[sflag:s13] =	ssyncset.done $0x0  }
0x38f: {  	[sflag:s13] =	ssyncadd.s32 $0xFFFFC180  }
0x390: {  	_ =	swait.ge [sflag:s14], $0x3E80  }
0x391: {  	[sflag:s14] =	ssyncset.done $0x0  }
0x392: {  	[sflag:s14] =	ssyncadd.s32 $0xFFFFC180  }
0x393: {  	_ =	swait.ge [sflag:s15], $0x3E80  }
0x394: {  	[sflag:s15] =	ssyncset.done $0x0  }
0x395: {  	[sflag:s15] =	ssyncadd.s32 $0xFFFFC180  }
0x396: {  	_ =	swait.ge [sflag:s16], $0x3E80  }
0x397: {  	[sflag:s16] =	ssyncset.done $0x0  }
0x398: {  	[sflag:s16] =	ssyncadd.s32 $0xFFFFC180  }
0x399: {  	_ =	sfence.sel $0x180000  }
0x39a: {  	[bflag:$0x0] =	sbarrier.arrive $0xFFFF  }
0x39b: {  	_ =	strace $0x90000047  }
0x39c: {  	[bflag:$0x2] =	sbarrier.arrive $0xFFFF  }
0x39d: {  	p0 =	sne.s32 s21, $0x0;
	s0 =	rddreg [dreg:$0x6]  }
0x39e: {  	s0 =	sadd.s32 @!p0 $0x100000, s0  }
0x39f: {  	[sflag:s0] =	ssyncadd.tile.s32 @!p0 $0x1;
	_ =	shalt  }
.LBB2_1:
.Ltmp3:
0x3a0: {  	(pc) =	sbr.rel .LBB2_6-.Ltmp3, $3  }
0x3a1: {  	_ =	sdelay $0x1  }
0x3a2: {  	s25 =	simm.s32 $0x1580;
	s29 =	simm.s32 $0x1500;
	s28 =	simm.s32 $0x1480  }
0x3a3: {  	s26 =	simm.s32 $0x1600;
	s23 =	simm.s32 $0x1700;
	s22 =	simm.s32 $0x1680  }
.LBB2_3:
.Ltmp4:
0x3a4: {  	(pc) =	sbr.rel .LBB2_6-.Ltmp4, $4  }
0x3a5: {  	_ = 	snop  }
0x3a6: {  	s25 =	simm.s32 $0x1580  }
0x3a7: {  	s29 =	simm.s32 $0x1500;
	s28 =	simm.s32 $0x1480;
	s26 =	simm.s32 $0x1600  }
0x3a8: {  	s23 =	simm.s32 $0x1700;
	s22 =	simm.s32 $0x1680;
	s21 =	stileid.u32  }
.Lfunc_end2:
_tile_overlayer_lowered:
.L_overlay_start_2:
0x3a9: {  	(tag) =	ssettag $0x2  }
0x3aa: {  	s0 =	rddreg [dreg:$0x0];
	s2 =	stileid.u32  }
0x3ab: {  	s1 =	rddreg [dreg:$0x1];
	p0 =	sne.s32 s2, $0x0  }
0x3ac: {  	s3 =	rddreg [dreg:$0x2];
	[bflag:$0x3] =	sbarrier.arrive $0xFFFF;
	s2 =	simm.s32 @!p0 $0x1C0B  }
0x3ad: {  	[timem:s3], [sflag:s2] =	dma.local @!p0 [hbm:s0], s1  }
0x3ae: {  	s0 =	simm.s32 @!p0 $0xB  }
0x3af: {  	_ =	swait.ge @!p0 [sflag:s0], s1  }
0x3b0: {  	s1 =	ssub.s32 @!p0 $0x0, s1;
	[sflag:s0] =	ssyncset.done @!p0 $0x0  }
0x3b1: {  	[sflag:s0] =	ssyncadd.s32 @!p0 s1  }
0x3b2: {  	[bflag:$0x3] =	sbarrier.arrive $0xFFFF  }
0x3b3: {  	_ =	shalt  }

// kernel: kernel.9.cloned.1.call-start
scs
__scs_entry_jumppad:
0x0: {  	(pc) =	sbr.rel $0x88, $3  }
0x1: {  	(tag) =	ssettag $0x0;
	lr =	simm.s32 $0x1  }
0x2: {  	[smem:$0x3F9A] =	sst lr;
	_ =	strace $0xD0000000  }
0x3: {  	_ = 	snop  }
0x4: {  	_ = 	snop  }
0x5: {  	_ = 	snop  }
0x6: {  	_ = 	snop  }
0x7: {  	_ = 	snop  }
__scs_overlays_trampoline_lowered:
0x8: {  	[smem:$0x3FA9] =	sst s0  }
0x9: {  	[smem:$0x3FAA] =	sst s1  }
0xa: {  	[smem:$0x3FAB] =	sst s2  }
0xb: {  	[smem:$0x3FAC] =	sst s3  }
0xc: {  	[smem:$0x3FAD] =	sst s4  }
0xd: {  	[smem:$0x3FAE] =	sst s5  }
0xe: {  	[smem:$0x3FAF] =	sst s6  }
0xf: {  	[smem:$0x3FB0] =	sst s7  }
0x10: {  	[smem:$0x3FB1] =	sst s8  }
0x11: {  	[smem:$0x3FB2] =	sst s9;
	s0 =	simm.s32 @!p0 $0x0  }
0x12: {  	s1 =	sld [smem:$0x3F98];
	s0 =	simm.s32 @p0 $0x1  }
0x13: {  	[smem:$0x3FB3] =	sst s0;
	s0 =	simm.s32 @!p1 $0x0  }
0x14: {  	s2 =	sld [smem:$0x3F97];
	s0 =	simm.s32 @p1 $0x1  }
0x15: {  	[smem:$0x3FB4] =	sst s0;
	s0 =	simm.s32 @!p2 $0x0  }
0x16: {  	s3 =	sld [smem:$0x3FDB];
	s0 =	simm.s32 @p2 $0x1  }
0x17: {  	s4 =	simm.s32 $0x1BF5;
	[smem:$0x3FB6] =	sst s0  }
0x18: {  	s0 =	sld [smem:$0x3F99];
	_ =	swait.ge [sflag:s4], $0x0  }
0x19: {  	s7 =	sld [smem:$0x3F9A]  }
0x1a: {  	s8 =	sadd.s32 $0xFFFFE003, lr  }
0x1b: {  	s9 =	sadd.s32 $0xFFFFFEF7, lr;
	s5 =	simm.s32 $0xFFFFFFFF;
	p2 =	slt.u32 s8, $0xFFFFF086  }
0x1c: {  	p1 =	slt.u32 s9, $0xF7A;
	s5 =	simm.s32 @!p2 $0x0  }
0x1d: {  	s5 =	simm.s32 @p1 $0x1;
	p0 =	seq.s32 s7, s2  }
0x1e: {  	s7 =	smul.u32 @!p0 $0xF7A, s2;
	p2 =	seq.s32 @!p0 s5, $0x0  }
0x1f: {  	s9 =	smul.u32 $0xF7A, s1;
	s8 =	simm.s32 @!p0 $0x1BF5;
	p2 =	por !p2, p0  }
0x20: {  	[sflag:s8] =	ssyncset.s32 @!p0 $0xFFFFF086;
	s6 =	sadd.s32 @!p0 s3, s7;
	s7 =	simm.s32 @!p0 $0x108  }
0x21: {  	s3 =	sadd.s32 s3, s9;
	s6 =	sadd.s32 @!p0 $0x88, s6;
	s7 =	simm.s32 @p2 $0x1082  }
0x22: {  	[simem:s7], [sflag:s8] =	dma.local @!p0 [hbm:s6], $0xF7A  }
0x23: {  	s9 =	sor.u32 $0xD0000000, s2;
	s6 =	simm.s32 $0x108;
	_ =	swait.ge @!p0 [sflag:s8], $0x0  }
0x24: {  	s3 =	sadd.s32 $0x88, s3;
	s6 =	simm.s32 @!p1 $0x1082;
	[sflag:s4] =	ssyncset.s32 $0xFFFFF086  }
0x25: {  	[simem:s6], [sflag:s4] =	dma.local [hbm:s3], $0xF7A  }
0x26: {  	[smem:$0x3F9A] =	sst s1;
	(tag) =	ssettag s2;
	_ =	strace s9  }
0x27: {  	s1 =	sld [smem:$0x3FAA]  }
0x28: {  	s2 =	sld [smem:$0x3FAB]  }
0x29: {  	s4 =	sld [smem:$0x3FAD]  }
0x2a: {  	p0 =	seq.s32 s5, $0x0;
	s5 =	sld [smem:$0x3FAE]  }
0x2b: {  	s6 =	sld [smem:$0x3FAF]  }
0x2c: {  	s7 =	sld [smem:$0x3FB0]  }
0x2d: {  	s3 =	simm.s32 $0x108;
	s8 =	sld [smem:$0x3FB1]  }
0x2e: {  	s3 =	simm.s32 @!p0 $0x1082;
	s9 =	sld [smem:$0x3FB2]  }
0x2f: {  	lr =	sadd.s32 s0, s3;
	s0 =	sld [smem:$0x3FA9]  }
0x30: {  	s3 =	sld [smem:$0x3FAC]  }
0x31: {  	[smem:$0x3FB5] =	sst s10  }
0x32: {  	s10 =	sld [smem:$0x3FB3];
	_ =	sdelay $0x3  }
0x33: {  	p0 =	seq.s32 s10, $0x1;
	s10 =	sld [smem:$0x3FB5];
	_ =	sdelay $0x3  }
0x34: {  	[smem:$0x3FB5] =	sst s10  }
0x35: {  	s10 =	sld [smem:$0x3FB4];
	_ =	sdelay $0x3  }
0x36: {  	p1 =	seq.s32 s10, $0x1;
	s10 =	sld [smem:$0x3FB5];
	_ =	sdelay $0x3  }
0x37: {  	[smem:$0x3FB5] =	sst s10  }
0x38: {  	s10 =	sld [smem:$0x3FB6]  }
0x39: {  	_ = 	snop;
	(pc) =	sbr.ind lr, $3  }
0x3a: {  	_ = 	snop  }
0x3b: {  	_ = 	snop  }
0x3c: {  	p2 =	seq.s32 s10, $0x1;
	s10 =	sld [smem:$0x3FB5]  }
0x3d: {  	_ =	shalt  }
0x3e: {  	_ =	shalt  }
0x3f: {  	_ =	shalt  }
0x40: {  	_ =	shalt  }
0x41: {  	_ =	shalt  }
0x42: {  	_ =	shalt  }
0x43: {  	_ =	shalt  }
0x44: {  	_ =	shalt  }
0x45: {  	_ =	shalt  }
0x46: {  	_ =	shalt  }
0x47: {  	_ =	shalt  }
0x48: {  	_ =	shalt  }
0x49: {  	_ =	shalt  }
0x4a: {  	_ =	shalt  }
0x4b: {  	_ =	shalt  }
0x4c: {  	_ =	shalt  }
0x4d: {  	_ =	shalt  }
0x4e: {  	_ =	shalt  }
0x4f: {  	_ =	shalt  }
0x50: {  	_ =	shalt  }
0x51: {  	_ =	shalt  }
0x52: {  	_ =	shalt  }
0x53: {  	_ =	shalt  }
0x54: {  	_ =	shalt  }
0x55: {  	_ =	shalt  }
0x56: {  	_ =	shalt  }
0x57: {  	_ =	shalt  }
0x58: {  	_ =	shalt  }
0x59: {  	_ =	shalt  }
0x5a: {  	_ =	shalt  }
0x5b: {  	_ =	shalt  }
0x5c: {  	_ =	shalt  }
0x5d: {  	_ =	shalt  }
0x5e: {  	_ =	shalt  }
0x5f: {  	_ =	shalt  }
0x60: {  	_ =	shalt  }
0x61: {  	_ =	shalt  }
0x62: {  	_ =	shalt  }
0x63: {  	_ =	shalt  }
0x64: {  	_ =	shalt  }
0x65: {  	_ =	shalt  }
0x66: {  	_ =	shalt  }
0x67: {  	_ =	shalt  }
0x68: {  	_ =	shalt  }
0x69: {  	_ =	shalt  }
0x6a: {  	_ =	shalt  }
0x6b: {  	_ =	shalt  }
0x6c: {  	_ =	shalt  }
0x6d: {  	_ =	shalt  }
0x6e: {  	_ =	shalt  }
0x6f: {  	_ =	shalt  }
0x70: {  	_ =	shalt  }
0x71: {  	_ =	shalt  }
0x72: {  	_ =	shalt  }
0x73: {  	_ =	shalt  }
0x74: {  	_ =	shalt  }
0x75: {  	_ =	shalt  }
0x76: {  	_ =	shalt  }
0x77: {  	_ =	shalt  }
0x78: {  	_ =	shalt  }
0x79: {  	_ =	shalt  }
0x7a: {  	_ =	shalt  }
0x7b: {  	_ =	shalt  }
0x7c: {  	_ =	shalt  }
0x7d: {  	_ =	shalt  }
0x7e: {  	_ =	shalt  }
0x7f: {  	_ =	shalt  }
0x80: {  	_ =	shalt  }
0x81: {  	_ =	shalt  }
0x82: {  	_ =	shalt  }
0x83: {  	_ =	shalt  }
0x84: {  	_ =	shalt  }
0x85: {  	_ =	shalt  }
0x86: {  	_ =	shalt  }
0x87: {  	_ =	shalt  }
.Lfunc_end0:
.L_simem_size_0:
called_computation.1_lowered:
.L_overlay_start_0:
0x88: {  	s2 =	sld [smem:$0x3FD9]  }
0x89: {  	s3 =	sld [smem:$0x3FFE];
	_ =	sdelay $0x1  }
0x8a: {  	s1 =	srdreg.scid  }
0x8b: {  	s0 =	sand.u32 $0x1, s1  }
0x8c: {  	s17 =	sshll.u32 s0, $0xA;
	s2 =	sadd.s32 s3, s2  }
0x8d: {  	s2 =	sadd.s32 s2, s17  }
0x8e: {  	[smem:$0x3FC1] =	sst s2  }
0x8f: {  	_ = 	snop  }
0x90: {  	s18 =	sld [smem:$0x3FC8]  }
0x91: {  	s4 =	sld [smem:$0x3FC7]  }
0x92: {  	s5 =	sld [smem:$0x3FC6]  }
0x93: {  	s6 =	sld [smem:$0x3FC5];
	(tm) =	ssettm $0x1  }
0x94: {  	s19 =	sld [smem:$0x3FFB];
	_ =	sdelay $0x3  }
0x95: {  	_ =	strace s19  }
0x96: {  	s2 =	sld [smem:$0x3FFC];
	_ =	sdelay $0x3  }
0x97: {  	_ =	strace s2  }
0x98: {  	s2 =	sld [smem:$0x3FFD];
	_ =	sdelay $0x3  }
0x99: {  	_ =	strace s2  }
0x9a: {  	_ =	strace $0x8FFFFFFF  }
0x9b: {  	s20 =	sld [smem:$0x3FDB];
	_ =	sdelay $0x1  }
0x9c: {  	s7 =	simm.s32 $_scs_section_size  }
0x9d: {  	s8 =	simm.s32 $_size__tile_overlayer_lowered;
	s9 =	simm.s32 $_tile_overlayer_lowered  }
0x9e: {  	s10 =	simm.s32 $0x1BFF;
	s21 =	sshll.u32 s9, $0x1;
	s7 =	sadd.s32 s7, s20  }
0x9f: {  	s22 =	simm.s32 $0x0;
	s8 =	sshll.u32 s8, $0x1;
	s9 =	sadd.s32 s21, s7  }
0xa0: {  	[timem:s22], [sflag:s10] =	dma.local [hbm:s9], s8  }
0xa1: {  	_ =	swait.ge [sflag:s10], s8  }
0xa2: {  	s8 =	ssub.s32 $0x0, s8;
	[sflag:s10] =	ssyncset.done $0x0  }
0xa3: {  	[sflag:s10] =	ssyncadd.s32 s8;
	_ =	sdelay $0x1  }
0xa4: {  	s23 =	simm.s32 $0x1B8B  }
0xa5: {  	_ =	swait.ge [sflag:s23], $0x1  }
0xa6: {  	[sflag:s23] =	ssyncset.done $0x0  }
0xa7: {  	[sflag:s23] =	ssyncadd.s32 $0xFFFFFFFF  }
0xa8: {  	s8 =	sld [smem:$0x0]  }
0xa9: {  	s9 =	sand.u32 $0xFFFFFFFE, s1  }
0xaa: {  	p0 =	sne.s32 s1, s9  }
0xab: {  	s9 =	sshll.u32 @p0 s9, $0xE  }
0xac: {  	s9 =	sadd.s32 @p0 $0x11B8D, s9;
	s10 =	sshll.u32 @p0 s8, $0x11  }
0xad: {  	s9 =	sor.u32 @p0 s10, s9  }
0xae: {  	[sflag:s9] =	ssyncadd.remote.s32 @p0 $0x1;
	_ =	sdelay $0x1  }
0xaf: {  	s9 =	simm.s32 @p0 $0x1B8D  }
0xb0: {  	_ =	swait.eq @p0 [sflag:s9], $0x1  }
0xb1: {  	[sflag:s9] =	ssyncadd.s32 @p0 $0xFFFFFFFF  }
0xb2: {  	s10 =	sshll.u32 @!p0 s1, $0xE  }
0xb3: {  	s10 =	sor.u32 @!p0 $0x4000, s10;
	s9 =	simm.s32 @!p0 $0x1B8D  }
0xb4: {  	s8 =	sshll.u32 @!p0 s8, $0x11;
	s10 =	sadd.s32 @!p0 $0x11B8D, s10;
	_ =	swait.eq @!p0 [sflag:s9], $0x1  }
0xb5: {  	s8 =	sor.u32 @!p0 s8, s10;
	[sflag:s9] =	ssyncadd.s32 @!p0 $0xFFFFFFFF  }
0xb6: {  	s25 =	simm.s32 $0x1B8E;
	s24 =	sld [smem:$0x3FFE];
	[sflag:s8] =	ssyncadd.remote.s32 @!p0 $0x1  }
0xb7: {  	s26 =	simm.s32 $execute0_lowered;
	[smem:$0x3FD2] =	sst s25  }
0xb8: {  	s9 =	sshll.u32 s26, $0x1;
	_ =	strace $0x80000049;
	[dreg:$0x1] =	wrdreg $0xFFFFFFFF  }
0xb9: {  	s28 =	simm.s32 $_size_execute0_lowered;
	s7 =	sadd.s32 s7, s9;
	[dreg:$0x0] =	wrdreg $0x0  }
0xba: {  	s9 =	sshll.u32 s28, $0x1;
	[dreg:$0x2] =	wrdreg s7  }
0xbb: {  	[dreg:$0x3] =	wrdreg s9  }
0xbc: {  	[dreg:$0x4] =	wrdreg $0xC0  }
0xbd: {  	_ =	task [dreg:s22], $0x5FFFF  }
0xbe: {  	[dreg:$0x1] =	wrdreg $0xFFFFFFFF  }
0xbf: {  	[dreg:$0x0] =	wrdreg $0x60  }
0xc0: {  	[dreg:$0x2] =	wrdreg s24  }
0xc1: {  	[dreg:$0x3] =	wrdreg s18  }
0xc2: {  	[dreg:$0x4] =	wrdreg s4  }
0xc3: {  	[dreg:$0x5] =	wrdreg s5  }
0xc4: {  	[dreg:$0x6] =	wrdreg s6  }
0xc5: {  	[dreg:$0x7] =	wrdreg $0xA  }
0xc6: {  	_ =	task.clear_ibuf [dreg:s22], $0x8FFFF;
	_ =	strace $0x90000049  }
0xc7: {  	s29 =	simm.s32 $0xA;
	_ =	strace $0x8000004B  }
0xc8: {  	_ =	swait.ge [sflag:s29], $0x1  }
0xc9: {  	[sflag:s29] =	ssyncadd.s32 $0xFFFFFFFF  }
0xca: {  	_ =	strace $0x9000004B  }
0xcb: {  	_ =	sfence  }
0xcc: {  	s30 =	sld [smem:$0x0];
	_ =	sdelay $0x2  }
0xcd: {  	s31 =	sshll.u32 s1, $0xD;
	s1 =	sshrl.u32 s1, $0x2  }
0xce: {  	s4 =	sand.u32 $0x4000, s31;
	s1 =	sadd.s32 s1, s30  }
0xcf: {  	s0 =	sor.u32 s4, s0;
	s1 =	sshll.u32 s1, $0x11  }
0xd0: {  	s0 =	sor.u32 s1, s0  }
0xd1: {  	s0 =	sadd.s32 $0x8F2B, s0  }
0xd2: {  	[sflag:s0] =	ssyncadd.remote.s32 $0x1  }
0xd3: {  	_ =	sfence.sel $0xFFFF  }
0xd4: {  	[dreg:$0x0] =	wrdreg $0xFFFFFFFF;
	(pc) =	sbr.abs _section_cstart, $3  }
0xd5: {  	[dreg:$0x1] =	wrdreg $0xFFFFFFFF  }
0xd6: {  	_ =	task.clear_ibuf [dreg:s22], $0x2FFFF;
	_ =	strace $0x9FFFFFFF  }
0xd7: {  	(tm) =	ssettm $0x7FFFFFFF  }
tec
execute0_lowered:
.L_overlay_start_1:
0x0: {  	(tag) =	ssettag $0x1  }
0x1: {  	s0 =	rddreg [dreg:$0x0]  }
0x2: {  	s6 =	rddreg [dreg:$0x1];
	s1 =	srdreg.scid  }
0x3: {  	s20 =	stileid.u32;
	s3 =	rddreg [dreg:$0x2]  }
0x4: {  	s4 =	rddreg [dreg:$0x3];
	s1 =	sand.u32 $0x1, s1;
	s2 =	sshll.u32 s20, $0x1  }
0x5: {  	s5 =	rddreg [dreg:$0x4];
	s7 =	sor.u32 s1, s2;
	s2 =	simm.s32 $0x0  }
0x6: {  	s10 =	simm.s32 $0x80;
	[smem:$0x7FF] =	sst s2  }
0x7: {  	s11 =	simm.s32 $0x100;
	_ =	strace $0x8000004A;
	[dreg:$0x15] =	wrdreg s10  }
0x8: {  	s12 =	simm.s32 $0x180;
	[dreg:$0x16] =	wrdreg s11  }
0x9: {  	s13 =	simm.s32 $0x400;
	[dreg:$0x17] =	wrdreg s12  }
0xa: {  	s14 =	simm.s32 $0x280;
	[dreg:$0x18] =	wrdreg s13  }
0xb: {  	s15 =	simm.s32 $0x300;
	[dreg:$0x19] =	wrdreg s14  }
0xc: {  	[dreg:$0x1a] =	wrdreg s15;
	s10 =	simm.s32 $0xC00  }
0xd: {  	s1 =	ssub.s32 $0x2, s1;
	s11 =	simm.s32 $0xA80;
	[smem:$0x7E6] =	sst s10  }
0xe: {  	s8 =	smul.u32 $0x1A00, s7;
	s12 =	simm.s32 $0xB00;
	[smem:$0x7E7] =	sst s11  }
0xf: {  	s9 =	smul.u32 $0x32C80, s7;
	s13 =	simm.s32 $0xB80;
	[smem:$0x7E8] =	sst s12  }
0x10: {  	s7 =	smul.u32 $0x6590, s7;
	s15 =	simm.s32 $0xE00;
	[smem:$0x7E9] =	sst s13  }
0x11: {  	s14 =	sshrl.u32 s1, $0x1;
	[smem:$0x7EA] =	sst s15;
	s12 =	simm.s32 $0x1180  }
0x12: {  	s8 =	sshrl.u32 s8, $0x3;
	s13 =	simm.s32 $0x1400;
	[smem:$0x7F5] =	sst s12  }
0x13: {  	s1 =	ssub.s32 s1, s14;
	s14 =	simm.s32 $0x1280;
	[smem:$0x7F6] =	sst s13  }
0x14: {  	s15 =	simm.s32 $0x1300;
	s8 =	sadd.s32 s0, s8;
	[smem:$0x7F7] =	sst s14  }
0x15: {  	s0 =	sadd.s32 $0xD600, s0;
	[smem:$0x7F8] =	sst s15;
	s8 =	sadd.s32 $0x6E00, s8  }
0x16: {  	s9 =	sshrl.u32 s9, $0x3;
	s7 =	sadd.s32 s0, s7;
	[dreg:$0x6] =	wrdreg s8  }
0x17: {  	s0 =	sadd.s32 s0, s9;
	s9 =	simm.s32 $0x200;
	[dreg:$0x7] =	wrdreg s7  }
0x18: {  	s16 =	sadd.s32 $0x7D0, s0;
	[dreg:$0x14] =	wrdreg s9  }
0x19: {  	s17 =	sadd.s32 $0xFA0, s0;
	[dreg:$0x8] =	wrdreg s16  }
0x1a: {  	s18 =	sadd.s32 $0x1770, s0;
	[dreg:$0x9] =	wrdreg s17  }
0x1b: {  	s19 =	sadd.s32 $0x1F40, s0;
	[dreg:$0xa] =	wrdreg s18  }
0x1c: {  	s21 =	sadd.s32 $0x2710, s0;
	[dreg:$0xb] =	wrdreg s19  }
0x1d: {  	s22 =	sadd.s32 $0x2EE0, s0;
	[dreg:$0xc] =	wrdreg s21  }
0x1e: {  	s23 =	sadd.s32 $0x36B0, s0;
	[dreg:$0xd] =	wrdreg s22  }
0x1f: {  	s24 =	sadd.s32 $0x3E80, s0;
	[dreg:$0xe] =	wrdreg s23  }
0x20: {  	s25 =	sadd.s32 $0x4650, s0;
	[dreg:$0xf] =	wrdreg s24  }
0x21: {  	s26 =	sadd.s32 $0x4E20, s0;
	[dreg:$0x10] =	wrdreg s25  }
0x22: {  	s8 =	sadd.s32 $0x55F0, s0;
	[dreg:$0x11] =	wrdreg s26  }
0x23: {  	s0 =	sadd.s32 $0x5DC0, s0;
	[dreg:$0x12] =	wrdreg s8  }
0x24: {  	s7 =	simm.s32 $0x880;
	[dreg:$0x13] =	wrdreg s0  }
0x25: {  	s9 =	simm.s32 $0x980;
	[smem:$0x7E3] =	sst s7  }
0x26: {  	[smem:$0x7E5] =	sst s9  }
0x27: {  	s16 =	simm.s32 $0x380;
	s0 =	rddreg [dreg:$0x6]  }
0x28: {  	s17 =	simm.s32 $0x600;
	[dreg:$0x1b] =	wrdreg s16  }
0x29: {  	s18 =	simm.s32 $0x480;
	[dreg:$0x1c] =	wrdreg s17  }
0x2a: {  	s31 =	simm.s32 $0xB;
	s19 =	simm.s32 $0x500;
	[dreg:$0x1d] =	wrdreg s18  }
0x2b: {  	s30 =	simm.s32 $0x4;
	s21 =	simm.s32 $0x580;
	[dreg:$0x1e] =	wrdreg s19  }
0x2c: {  	p0 =	por $0x0, $0x0;
	s22 =	simm.s32 $0x800;
	[dreg:$0x1f] =	wrdreg s21  }
0x2d: {  	s28 =	simm.s32 $0x1680;
	s23 =	simm.s32 $0x680;
	[smem:$0x7DE] =	sst s22  }
0x2e: {  	s29 =	simm.s32 $0x1700;
	s24 =	simm.s32 $0x700;
	[smem:$0x7DF] =	sst s23  }
0x2f: {  	s11 =	simm.s32 $0x2;
	s25 =	simm.s32 $0x780;
	[smem:$0x7E0] =	sst s24  }
0x30: {  	s10 =	simm.s32 $0x3;
	s26 =	simm.s32 $0xA00;
	[smem:$0x7E1] =	sst s25  }
0x31: {  	s1 =	smax.u32 s1, $0x1;
	s8 =	simm.s32 $0x900;
	[smem:$0x7E2] =	sst s26  }
0x32: {  	s12 =	simm.s32 $0x6;
	[smem:$0x7E4] =	sst s8;
	s16 =	simm.s32 $0xC80  }
0x33: {  	s13 =	simm.s32 $0x7;
	s17 =	simm.s32 $0xD00;
	[smem:$0x7EB] =	sst s16  }
0x34: {  	s14 =	simm.s32 $0x8;
	s18 =	simm.s32 $0xD80;
	[smem:$0x7EC] =	sst s17  }
0x35: {  	s15 =	simm.s32 $0x9;
	s19 =	simm.s32 $0x1000;
	[smem:$0x7ED] =	sst s18  }
0x36: {  	p1 =	sne.s32 s1, $0x1;
	s21 =	simm.s32 $0xE80;
	[smem:$0x7EE] =	sst s19  }
0x37: {  	s1 =	sadd.s32 $0xFFFFFFFF, s1;
	s22 =	simm.s32 $0xF00;
	[smem:$0x7EF] =	sst s21  }
0x38: {  	s9 =	simm.s32 $0x7D;
	s23 =	simm.s32 $0xF80;
	[smem:$0x7F0] =	sst s22  }
0x39: {  	s7 =	simm.s32 $0x9700;
	s24 =	simm.s32 $0x1200;
	[smem:$0x7F1] =	sst s23  }
0x3a: {  	s8 =	simm.s32 $0x5880;
	s25 =	simm.s32 $0x1080;
	[smem:$0x7F2] =	sst s24  }
0x3b: {  	s26 =	simm.s32 $0x1100;
	s17 =	simm.s32 $0x1A00;
	[smem:$0x7F3] =	sst s25  }
0x3c: {  	s18 =	simm.s32 $0x1;
	[smem:$0x7F4] =	sst s26;
	s16 =	simm.s32 $0x1380  }
0x3d: {  	s24 =	simm.s32 $0xD580;
	s21 =	simm.s32 $0x1600;
	[smem:$0x7F9] =	sst s16  }
.Ltmp0:
0x3e: {  	s22 =	simm.s32 $0x1480;
	[smem:$0x7FA] =	sst s21;
	(pc) =	sbr.rel @!p1 .LBB2_1-.Ltmp0, $4  }
0x3f: {  	s19 =	simm.s32 $0x11400;
	s25 =	simm.s32 $0x1500;
	[smem:$0x7FB] =	sst s22  }
0x40: {  	s23 =	simm.s32 $0x5;
	s26 =	simm.s32 $0x1580;
	[smem:$0x7FC] =	sst s25  }
0x41: {  	s16 =	simm.s32 $0xA;
	[smem:$0x7FD] =	sst s26;
	s26 =	simm.s32 $0x1780  }
0x42: {  	s21 =	simm.s32 $0x1880;
	s22 =	simm.s32 $0x1900;
	s25 =	simm.s32 $0x1980  }
0x43: {  	[tilespmem:s2], [sflag:$0xB] =	stream.linear.gather [hbm4b:s0+s2], $0x1A00, $0x38;
	[tilespmem:$0x15280] =	vst v63  }
0x44: {  	_ =	swait.ge [sflag:s31], $0x1A00  }
0x45: {  	[sflag:s31] =	ssyncset.done $0x0  }
0x46: {  	[sflag:s31] =	ssyncadd.s32 $0xFFFFE600  }
0x47: {  	[tilespmem:s17], [sflag:$0x1] =	stream.indirect.gather [hbm4b:s6+s9], $0x80, s2, s9, $0xb8;
	[tilespmem:$0x15280] =	vst v63  }
0x48: {  	s20 =	rddreg [dreg:$0x14]  }
0x49: {  	[tilespmem:s8], [sflag:$0x2] =	stream.indirect.gather [hbm4b:s6+s9], $0x80, s20, s9, $0xb8;
	[tilespmem:$0x15280] =	vst v63  }
0x4a: {  	_ =	swait.ge [sflag:s18], $0x3E80  }
0x4b: {  	[sflag:s18] =	ssyncset.done $0x0  }
0x4c: {  	s0 =	rddreg [dreg:$0x15];
	[sflag:s18] =	ssyncadd.s32 $0xFFFFC180  }
0x4d: {  	[tilespmem:s17], [sflag:$0x1] =	stream.indirect.gather.add.f32 [hbm:s3], $0x80, s0, s9, $0xb8;
	[tilespmem:$0x15280] =	vst v63  }
0x4e: {  	s20 =	smov.u32 s1;
	s1 =	rddreg [dreg:$0x16]  }
0x4f: {  	[tilespmem:s17], [sflag:$0x1] =	stream.indirect.gather.add.f32 [hbm:s4], $0x80, s1, s9, $0xb8;
	[tilespmem:$0x15280] =	vst v63  }
0x50: {  	s0 =	rddreg [dreg:$0x17]  }
0x51: {  	[tilespmem:s17], [sflag:$0x1] =	stream.indirect.gather.add.f32 [hbm:s5], $0x80, s0, s9, $0xb8;
	[tilespmem:$0x15280] =	vst v63  }
0x52: {  	s1 =	rddreg [dreg:$0x18]  }
0x53: {  	[tilespmem:s7], [sflag:$0x3] =	stream.indirect.gather [hbm4b:s6+s9], $0x80, s1, s9, $0xb8;
	[tilespmem:$0x15280] =	vst v63  }
0x54: {  	_ =	swait.ge [sflag:s11], $0x3E80  }
0x55: {  	[sflag:s11] =	ssyncset.done $0x0  }
0x56: {  	s0 =	rddreg [dreg:$0x19];
	[sflag:s11] =	ssyncadd.s32 $0xFFFFC180  }
0x57: {  	[tilespmem:s8], [sflag:$0x2] =	stream.indirect.gather.add.f32 [hbm:s3], $0x80, s0, s9, $0xb8;
	[tilespmem:$0x15280] =	vst v63  }
0x58: {  	s1 =	rddreg [dreg:$0x1a]  }
0x59: {  	[tilespmem:s8], [sflag:$0x2] =	stream.indirect.gather.add.f32 [hbm:s4], $0x80, s1, s9, $0xb8;
	[tilespmem:$0x15280] =	vst v63  }
0x5a: {  	s0 =	rddreg [dreg:$0x1b]  }
0x5b: {  	[tilespmem:s8], [sflag:$0x2] =	stream.indirect.gather.add.f32 [hbm:s5], $0x80, s0, s9, $0xb8;
	[tilespmem:$0x15280] =	vst v63  }
0x5c: {  	_ =	swait.ge [sflag:s18], $0x3E80  }
0x5d: {  	[sflag:s18] =	ssyncset.done $0x0  }
0x5e: {  	[sflag:s18] =	ssyncadd.s32 $0xFFFFC180  }
0x5f: {  	_ =	swait.ge [sflag:s18], $0x3E80  }
0x60: {  	[sflag:s18] =	ssyncset.done $0x0  }
0x61: {  	[sflag:s18] =	ssyncadd.s32 $0xFFFFC180  }
0x62: {  	_ =	swait.ge [sflag:s18], $0x3E80  }
0x63: {  	[sflag:s18] =	ssyncset.done $0x0  }
0x64: {  	s0 =	rddreg [dreg:$0x7];
	[sflag:s18] =	ssyncadd.s32 $0xFFFFC180  }
0x65: {  	[hbm4b:s0+s2] =	stream.linear.scatter [tilespmem:s17], [sflag:$0x6], $0x3E80, $0x38;
	[tilespmem:$0x15280] =	vst v63  }
0x66: {  	s1 =	rddreg [dreg:$0x1c]  }
0x67: {  	[tilespmem:s24], [sflag:$0x4] =	stream.indirect.gather [hbm4b:s6+s9], $0x80, s1, s9, $0xb8;
	[tilespmem:$0x15280] =	vst v63  }
0x68: {  	_ =	swait.ge [sflag:s10], $0x3E80  }
0x69: {  	[sflag:s10] =	ssyncset.done $0x0  }
0x6a: {  	s0 =	rddreg [dreg:$0x1d];
	[sflag:s10] =	ssyncadd.s32 $0xFFFFC180  }
0x6b: {  	[tilespmem:s7], [sflag:$0x3] =	stream.indirect.gather.add.f32 [hbm:s3], $0x80, s0, s9, $0xb8;
	[tilespmem:$0x15280] =	vst v63  }
0x6c: {  	s1 =	rddreg [dreg:$0x1e]  }
0x6d: {  	[tilespmem:s7], [sflag:$0x3] =	stream.indirect.gather.add.f32 [hbm:s4], $0x80, s1, s9, $0xb8;
	[tilespmem:$0x15280] =	vst v63  }
0x6e: {  	s0 =	rddreg [dreg:$0x1f]  }
0x6f: {  	[tilespmem:s7], [sflag:$0x3] =	stream.indirect.gather.add.f32 [hbm:s5], $0x80, s0, s9, $0xb8;
	[tilespmem:$0x15280] =	vst v63  }
0x70: {  	_ =	swait.ge [sflag:s11], $0x3E80  }
0x71: {  	[sflag:s11] =	ssyncset.done $0x0  }
0x72: {  	[sflag:s11] =	ssyncadd.s32 $0xFFFFC180  }
0x73: {  	_ =	swait.ge [sflag:s11], $0x3E80  }
0x74: {  	[sflag:s11] =	ssyncset.done $0x0  }
0x75: {  	[sflag:s11] =	ssyncadd.s32 $0xFFFFC180  }
0x76: {  	_ =	swait.ge [sflag:s11], $0x3E80  }
0x77: {  	s0 =	rddreg [dreg:$0x8];
	[sflag:s11] =	ssyncset.done $0x0  }
0x78: {  	s1 =	sld [smem:$0x7DE];
	[sflag:s11] =	ssyncadd.s32 $0xFFFFC180  }
0x79: {  	[hbm4b:s0+s2] =	stream.linear.scatter [tilespmem:s8], [sflag:$0x7], $0x3E80, $0x38;
	[tilespmem:$0x15280] =	vst v63  }
0x7a: {  	_ = 	snop  }
0x7b: {  	[tilespmem:s19], [sflag:$0x5] =	stream.indirect.gather [hbm4b:s6+s9], $0x80, s1, s9, $0xb8;
	[tilespmem:$0x15280] =	vst v63  }
0x7c: {  	_ =	swait.ge [sflag:s30], $0x3E80  }
0x7d: {  	s0 =	sld [smem:$0x7DF]  }
0x7e: {  	[sflag:s30] =	ssyncset.done $0x0  }
0x7f: {  	s1 =	sld [smem:$0x7E0];
	[sflag:s30] =	ssyncadd.s32 $0xFFFFC180  }
0x80: {  	[tilespmem:s24], [sflag:$0x4] =	stream.indirect.gather.add.f32 [hbm:s3], $0x80, s0, s9, $0xb8;
	[tilespmem:$0x15280] =	vst v63  }
0x81: {  	s0 =	sld [smem:$0x7E1]  }
0x82: {  	[tilespmem:s24], [sflag:$0x4] =	stream.indirect.gather.add.f32 [hbm:s4], $0x80, s1, s9, $0xb8;
	[tilespmem:$0x15280] =	vst v63  }
0x83: {  	_ = 	snop  }
0x84: {  	[tilespmem:s24], [sflag:$0x4] =	stream.indirect.gather.add.f32 [hbm:s5], $0x80, s0, s9, $0xb8;
	[tilespmem:$0x15280] =	vst v63  }
0x85: {  	_ =	swait.ge [sflag:s10], $0x3E80  }
0x86: {  	[sflag:s10] =	ssyncset.done $0x0  }
0x87: {  	[sflag:s10] =	ssyncadd.s32 $0xFFFFC180  }
0x88: {  	_ =	swait.ge [sflag:s10], $0x3E80  }
0x89: {  	[sflag:s10] =	ssyncset.done $0x0  }
0x8a: {  	[sflag:s10] =	ssyncadd.s32 $0xFFFFC180  }
0x8b: {  	_ =	swait.ge [sflag:s10], $0x3E80  }
0x8c: {  	[sflag:s10] =	ssyncset.done $0x0  }
0x8d: {  	s1 =	rddreg [dreg:$0x9];
	[sflag:s10] =	ssyncadd.s32 $0xFFFFC180  }
0x8e: {  	[hbm4b:s1+s2] =	stream.linear.scatter [tilespmem:s7], [sflag:$0x8], $0x3E80, $0x38;
	[tilespmem:$0x15280] =	vst v63  }
0x8f: {  	_ =	swait.ge [sflag:s12], $0x3E80  }
0x90: {  	s1 =	sld [smem:$0x7E2]  }
0x91: {  	[sflag:s12] =	ssyncset.done $0x0  }
0x92: {  	[sflag:s12] =	ssyncadd.s32 $0xFFFFC180  }
0x93: {  	[tilespmem:s17], [sflag:$0x1] =	stream.indirect.gather [hbm4b:s6+s9], $0x80, s1, s9, $0xb8;
	[tilespmem:$0x15280] =	vst v63  }
0x94: {  	_ =	swait.ge [sflag:s23], $0x3E80  }
0x95: {  	s0 =	sld [smem:$0x7E3]  }
0x96: {  	[sflag:s23] =	ssyncset.done $0x0  }
0x97: {  	s1 =	sld [smem:$0x7E4];
	[sflag:s23] =	ssyncadd.s32 $0xFFFFC180  }
0x98: {  	[tilespmem:s19], [sflag:$0x5] =	stream.indirect.gather.add.f32 [hbm:s3], $0x80, s0, s9, $0xb8;
	[tilespmem:$0x15280] =	vst v63  }
0x99: {  	s0 =	sld [smem:$0x7E5]  }
0x9a: {  	[tilespmem:s19], [sflag:$0x5] =	stream.indirect.gather.add.f32 [hbm:s4], $0x80, s1, s9, $0xb8;
	[tilespmem:$0x15280] =	vst v63  }
0x9b: {  	_ = 	snop  }
0x9c: {  	[tilespmem:s19], [sflag:$0x5] =	stream.indirect.gather.add.f32 [hbm:s5], $0x80, s0, s9, $0xb8;
	[tilespmem:$0x15280] =	vst v63  }
0x9d: {  	_ =	swait.ge [sflag:s30], $0x3E80  }
0x9e: {  	[sflag:s30] =	ssyncset.done $0x0  }
0x9f: {  	[sflag:s30] =	ssyncadd.s32 $0xFFFFC180  }
0xa0: {  	_ =	swait.ge [sflag:s30], $0x3E80  }
0xa1: {  	[sflag:s30] =	ssyncset.done $0x0  }
0xa2: {  	[sflag:s30] =	ssyncadd.s32 $0xFFFFC180  }
0xa3: {  	_ =	swait.ge [sflag:s30], $0x3E80  }
0xa4: {  	[sflag:s30] =	ssyncset.done $0x0  }
0xa5: {  	s1 =	rddreg [dreg:$0xa];
	[sflag:s30] =	ssyncadd.s32 $0xFFFFC180  }
0xa6: {  	[hbm4b:s1+s2] =	stream.linear.scatter [tilespmem:s24], [sflag:$0x9], $0x3E80, $0x38;
	[tilespmem:$0x15280] =	vst v63  }
0xa7: {  	_ =	swait.ge [sflag:s13], $0x3E80  }
0xa8: {  	s1 =	sld [smem:$0x7E6]  }
0xa9: {  	[sflag:s13] =	ssyncset.done $0x0  }
0xaa: {  	[sflag:s13] =	ssyncadd.s32 $0xFFFFC180  }
0xab: {  	[tilespmem:s8], [sflag:$0x2] =	stream.indirect.gather [hbm4b:s6+s9], $0x80, s1, s9, $0xb8;
	[tilespmem:$0x15280] =	vst v63  }
0xac: {  	_ =	swait.ge [sflag:s18], $0x3E80  }
0xad: {  	s0 =	sld [smem:$0x7E7]  }
0xae: {  	[sflag:s18] =	ssyncset.done $0x0  }
0xaf: {  	s1 =	sld [smem:$0x7E8];
	[sflag:s18] =	ssyncadd.s32 $0xFFFFC180  }
0xb0: {  	[tilespmem:s17], [sflag:$0x1] =	stream.indirect.gather.add.f32 [hbm:s3], $0x80, s0, s9, $0xb8;
	[tilespmem:$0x15280] =	vst v63  }
0xb1: {  	s0 =	sld [smem:$0x7E9]  }
0xb2: {  	[tilespmem:s17], [sflag:$0x1] =	stream.indirect.gather.add.f32 [hbm:s4], $0x80, s1, s9, $0xb8;
	[tilespmem:$0x15280] =	vst v63  }
0xb3: {  	_ = 	snop  }
0xb4: {  	[tilespmem:s17], [sflag:$0x1] =	stream.indirect.gather.add.f32 [hbm:s5], $0x80, s0, s9, $0xb8;
	[tilespmem:$0x15280] =	vst v63  }
0xb5: {  	_ =	swait.ge [sflag:s23], $0x3E80  }
0xb6: {  	[sflag:s23] =	ssyncset.done $0x0  }
0xb7: {  	[sflag:s23] =	ssyncadd.s32 $0xFFFFC180  }
0xb8: {  	_ =	swait.ge [sflag:s23], $0x3E80  }
0xb9: {  	[sflag:s23] =	ssyncset.done $0x0  }
0xba: {  	[sflag:s23] =	ssyncadd.s32 $0xFFFFC180  }
0xbb: {  	_ =	swait.ge [sflag:s23], $0x3E80  }
0xbc: {  	[sflag:s23] =	ssyncset.done $0x0  }
0xbd: {  	s1 =	rddreg [dreg:$0xb];
	[sflag:s23] =	ssyncadd.s32 $0xFFFFC180  }
0xbe: {  	[hbm4b:s1+s2] =	stream.linear.scatter [tilespmem:s19], [sflag:$0xA], $0x3E80, $0x38;
	[tilespmem:$0x15280] =	vst v63  }
0xbf: {  	_ =	swait.ge [sflag:s14], $0x3E80  }
0xc0: {  	s1 =	sld [smem:$0x7EA]  }
0xc1: {  	[sflag:s14] =	ssyncset.done $0x0  }
0xc2: {  	[sflag:s14] =	ssyncadd.s32 $0xFFFFC180  }
0xc3: {  	[tilespmem:s7], [sflag:$0x3] =	stream.indirect.gather [hbm4b:s6+s9], $0x80, s1, s9, $0xb8;
	[tilespmem:$0x15280] =	vst v63  }
0xc4: {  	_ =	swait.ge [sflag:s11], $0x3E80  }
0xc5: {  	s0 =	sld [smem:$0x7EB]  }
0xc6: {  	[sflag:s11] =	ssyncset.done $0x0  }
0xc7: {  	s1 =	sld [smem:$0x7EC];
	[sflag:s11] =	ssyncadd.s32 $0xFFFFC180  }
0xc8: {  	[tilespmem:s8], [sflag:$0x2] =	stream.indirect.gather.add.f32 [hbm:s3], $0x80, s0, s9, $0xb8;
	[tilespmem:$0x15280] =	vst v63  }
0xc9: {  	s0 =	sld [smem:$0x7ED]  }
0xca: {  	[tilespmem:s8], [sflag:$0x2] =	stream.indirect.gather.add.f32 [hbm:s4], $0x80, s1, s9, $0xb8;
	[tilespmem:$0x15280] =	vst v63  }
0xcb: {  	_ = 	snop  }
0xcc: {  	[tilespmem:s8], [sflag:$0x2] =	stream.indirect.gather.add.f32 [hbm:s5], $0x80, s0, s9, $0xb8;
	[tilespmem:$0x15280] =	vst v63  }
0xcd: {  	_ =	swait.ge [sflag:s18], $0x3E80  }
0xce: {  	[sflag:s18] =	ssyncset.done $0x0  }
0xcf: {  	[sflag:s18] =	ssyncadd.s32 $0xFFFFC180  }
0xd0: {  	_ =	swait.ge [sflag:s18], $0x3E80  }
0xd1: {  	[sflag:s18] =	ssyncset.done $0x0  }
0xd2: {  	[sflag:s18] =	ssyncadd.s32 $0xFFFFC180  }
0xd3: {  	_ =	swait.ge [sflag:s18], $0x3E80  }
0xd4: {  	[sflag:s18] =	ssyncset.done $0x0  }
0xd5: {  	s1 =	rddreg [dreg:$0xc];
	[sflag:s18] =	ssyncadd.s32 $0xFFFFC180  }
0xd6: {  	[hbm4b:s1+s2] =	stream.linear.scatter [tilespmem:s17], [sflag:$0x6], $0x3E80, $0x38;
	[tilespmem:$0x15280] =	vst v63  }
0xd7: {  	_ =	swait.ge [sflag:s15], $0x3E80  }
0xd8: {  	s1 =	sld [smem:$0x7EE]  }
0xd9: {  	[sflag:s15] =	ssyncset.done $0x0  }
0xda: {  	[sflag:s15] =	ssyncadd.s32 $0xFFFFC180  }
0xdb: {  	[tilespmem:s24], [sflag:$0x4] =	stream.indirect.gather [hbm4b:s6+s9], $0x80, s1, s9, $0xb8;
	[tilespmem:$0x15280] =	vst v63  }
0xdc: {  	_ =	swait.ge [sflag:s10], $0x3E80  }
0xdd: {  	s0 =	sld [smem:$0x7EF]  }
0xde: {  	[sflag:s10] =	ssyncset.done $0x0  }
0xdf: {  	s1 =	sld [smem:$0x7F0];
	[sflag:s10] =	ssyncadd.s32 $0xFFFFC180  }
0xe0: {  	[tilespmem:s7], [sflag:$0x3] =	stream.indirect.gather.add.f32 [hbm:s3], $0x80, s0, s9, $0xb8;
	[tilespmem:$0x15280] =	vst v63  }
0xe1: {  	s0 =	sld [smem:$0x7F1]  }
0xe2: {  	[tilespmem:s7], [sflag:$0x3] =	stream.indirect.gather.add.f32 [hbm:s4], $0x80, s1, s9, $0xb8;
	[tilespmem:$0x15280] =	vst v63  }
0xe3: {  	_ = 	snop  }
0xe4: {  	[tilespmem:s7], [sflag:$0x3] =	stream.indirect.gather.add.f32 [hbm:s5], $0x80, s0, s9, $0xb8;
	[tilespmem:$0x15280] =	vst v63  }
0xe5: {  	_ =	swait.ge [sflag:s11], $0x3E80  }
0xe6: {  	[sflag:s11] =	ssyncset.done $0x0  }
0xe7: {  	[sflag:s11] =	ssyncadd.s32 $0xFFFFC180  }
0xe8: {  	_ =	swait.ge [sflag:s11], $0x3E80  }
0xe9: {  	[sflag:s11] =	ssyncset.done $0x0  }
0xea: {  	[sflag:s11] =	ssyncadd.s32 $0xFFFFC180  }
0xeb: {  	_ =	swait.ge [sflag:s11], $0x3E80  }
0xec: {  	[sflag:s11] =	ssyncset.done $0x0  }
0xed: {  	s1 =	rddreg [dreg:$0xd];
	[sflag:s11] =	ssyncadd.s32 $0xFFFFC180  }
0xee: {  	[hbm4b:s1+s2] =	stream.linear.scatter [tilespmem:s8], [sflag:$0x7], $0x3E80, $0x38;
	[tilespmem:$0x15280] =	vst v63  }
0xef: {  	_ =	swait.ge [sflag:s16], $0x3E80  }
0xf0: {  	s1 =	sld [smem:$0x7F2]  }
0xf1: {  	[sflag:s16] =	ssyncset.done $0x0  }
0xf2: {  	[sflag:s16] =	ssyncadd.s32 $0xFFFFC180  }
0xf3: {  	[tilespmem:s19], [sflag:$0x5] =	stream.indirect.gather [hbm4b:s6+s9], $0x80, s1, s9, $0xb8;
	[tilespmem:$0x15280] =	vst v63  }
0xf4: {  	_ =	swait.ge [sflag:s30], $0x3E80  }
0xf5: {  	s0 =	sld [smem:$0x7F3]  }
0xf6: {  	[sflag:s30] =	ssyncset.done $0x0  }
0xf7: {  	s1 =	sld [smem:$0x7F4];
	[sflag:s30] =	ssyncadd.s32 $0xFFFFC180  }
0xf8: {  	[tilespmem:s24], [sflag:$0x4] =	stream.indirect.gather.add.f32 [hbm:s3], $0x80, s0, s9, $0xb8;
	[tilespmem:$0x15280] =	vst v63  }
0xf9: {  	s0 =	sld [smem:$0x7F5]  }
0xfa: {  	[tilespmem:s24], [sflag:$0x4] =	stream.indirect.gather.add.f32 [hbm:s4], $0x80, s1, s9, $0xb8;
	[tilespmem:$0x15280] =	vst v63  }
0xfb: {  	_ = 	snop  }
0xfc: {  	[tilespmem:s24], [sflag:$0x4] =	stream.indirect.gather.add.f32 [hbm:s5], $0x80, s0, s9, $0xb8;
	[tilespmem:$0x15280] =	vst v63  }
0xfd: {  	_ =	swait.ge [sflag:s10], $0x3E80  }
0xfe: {  	[sflag:s10] =	ssyncset.done $0x0  }
0xff: {  	[sflag:s10] =	ssyncadd.s32 $0xFFFFC180  }
0x100: {  	_ =	swait.ge [sflag:s10], $0x3E80  }
0x101: {  	[sflag:s10] =	ssyncset.done $0x0  }
0x102: {  	[sflag:s10] =	ssyncadd.s32 $0xFFFFC180  }
0x103: {  	_ =	swait.ge [sflag:s10], $0x3E80  }
0x104: {  	[sflag:s10] =	ssyncset.done $0x0  }
0x105: {  	s1 =	rddreg [dreg:$0xe];
	[sflag:s10] =	ssyncadd.s32 $0xFFFFC180  }
0x106: {  	[hbm4b:s1+s2] =	stream.linear.scatter [tilespmem:s7], [sflag:$0x8], $0x3E80, $0x38;
	[tilespmem:$0x15280] =	vst v63  }
0x107: {  	_ =	swait.ge [sflag:s12], $0x3E80  }
0x108: {  	s1 =	sld [smem:$0x7F6]  }
0x109: {  	[sflag:s12] =	ssyncset.done $0x0  }
0x10a: {  	[sflag:s12] =	ssyncadd.s32 $0xFFFFC180  }
0x10b: {  	[tilespmem:s17], [sflag:$0x1] =	stream.indirect.gather [hbm4b:s6+s9], $0x80, s1, s9, $0xb8;
	[tilespmem:$0x15280] =	vst v63  }
0x10c: {  	_ =	swait.ge [sflag:s23], $0x3E80  }
0x10d: {  	s0 =	sld [smem:$0x7F7]  }
0x10e: {  	[sflag:s23] =	ssyncset.done $0x0  }
0x10f: {  	s1 =	sld [smem:$0x7F8];
	[sflag:s23] =	ssyncadd.s32 $0xFFFFC180  }
0x110: {  	[tilespmem:s19], [sflag:$0x5] =	stream.indirect.gather.add.f32 [hbm:s3], $0x80, s0, s9, $0xb8;
	[tilespmem:$0x15280] =	vst v63  }
0x111: {  	s0 =	sld [smem:$0x7F9]  }
0x112: {  	[tilespmem:s19], [sflag:$0x5] =	stream.indirect.gather.add.f32 [hbm:s4], $0x80, s1, s9, $0xb8;
	[tilespmem:$0x15280] =	vst v63  }
0x113: {  	_ = 	snop  }
0x114: {  	[tilespmem:s19], [sflag:$0x5] =	stream.indirect.gather.add.f32 [hbm:s5], $0x80, s0, s9, $0xb8;
	[tilespmem:$0x15280] =	vst v63  }
0x115: {  	_ =	swait.ge [sflag:s30], $0x3E80  }
0x116: {  	[sflag:s30] =	ssyncset.done $0x0  }
0x117: {  	[sflag:s30] =	ssyncadd.s32 $0xFFFFC180  }
0x118: {  	_ =	swait.ge [sflag:s30], $0x3E80  }
0x119: {  	[sflag:s30] =	ssyncset.done $0x0  }
0x11a: {  	[sflag:s30] =	ssyncadd.s32 $0xFFFFC180  }
0x11b: {  	_ =	swait.ge [sflag:s30], $0x3E80  }
0x11c: {  	[sflag:s30] =	ssyncset.done $0x0  }
0x11d: {  	s1 =	rddreg [dreg:$0xf];
	[sflag:s30] =	ssyncadd.s32 $0xFFFFC180  }
0x11e: {  	[hbm4b:s1+s2] =	stream.linear.scatter [tilespmem:s24], [sflag:$0x9], $0x3E80, $0x38;
	[tilespmem:$0x15280] =	vst v63  }
0x11f: {  	_ =	swait.ge [sflag:s13], $0x3E80  }
0x120: {  	s1 =	sld [smem:$0x7FA]  }
0x121: {  	[sflag:s13] =	ssyncset.done $0x0  }
0x122: {  	[sflag:s13] =	ssyncadd.s32 $0xFFFFC180  }
0x123: {  	[tilespmem:s8], [sflag:$0x2] =	stream.indirect.gather [hbm4b:s6+s9], $0x80, s1, s9, $0xb8;
	[tilespmem:$0x15280] =	vst v63  }
0x124: {  	_ =	swait.ge [sflag:s18], $0x3E80  }
0x125: {  	s0 =	sld [smem:$0x7FB]  }
0x126: {  	[sflag:s18] =	ssyncset.done $0x0  }
0x127: {  	s1 =	sld [smem:$0x7FC];
	[sflag:s18] =	ssyncadd.s32 $0xFFFFC180  }
0x128: {  	[tilespmem:s17], [sflag:$0x1] =	stream.indirect.gather.add.f32 [hbm:s3], $0x80, s0, s9, $0xb8;
	[tilespmem:$0x15280] =	vst v63  }
0x129: {  	s0 =	sld [smem:$0x7FD]  }
0x12a: {  	[tilespmem:s17], [sflag:$0x1] =	stream.indirect.gather.add.f32 [hbm:s4], $0x80, s1, s9, $0xb8;
	[tilespmem:$0x15280] =	vst v63  }
0x12b: {  	_ = 	snop  }
0x12c: {  	[tilespmem:s17], [sflag:$0x1] =	stream.indirect.gather.add.f32 [hbm:s5], $0x80, s0, s9, $0xb8;
	[tilespmem:$0x15280] =	vst v63  }
0x12d: {  	_ =	swait.ge [sflag:s23], $0x3E80  }
0x12e: {  	[sflag:s23] =	ssyncset.done $0x0  }
0x12f: {  	[sflag:s23] =	ssyncadd.s32 $0xFFFFC180  }
0x130: {  	_ =	swait.ge [sflag:s23], $0x3E80  }
0x131: {  	[sflag:s23] =	ssyncset.done $0x0  }
0x132: {  	[sflag:s23] =	ssyncadd.s32 $0xFFFFC180  }
0x133: {  	_ =	swait.ge [sflag:s23], $0x3E80  }
0x134: {  	[sflag:s23] =	ssyncset.done $0x0  }
0x135: {  	s1 =	rddreg [dreg:$0x10];
	[sflag:s23] =	ssyncadd.s32 $0xFFFFC180  }
0x136: {  	[hbm4b:s1+s2] =	stream.linear.scatter [tilespmem:s19], [sflag:$0xA], $0x3E80, $0x38;
	[tilespmem:$0x15280] =	vst v63  }
0x137: {  	_ =	swait.ge [sflag:s14], $0x3E80  }
0x138: {  	[sflag:s14] =	ssyncset.done $0x0  }
0x139: {  	s1 =	simm.s32 $0x1800;
	[sflag:s14] =	ssyncadd.s32 $0xFFFFC180  }
0x13a: {  	[tilespmem:s7], [sflag:$0x3] =	stream.indirect.gather [hbm4b:s6+s9], $0x80, s1, s9, $0xb8;
	[tilespmem:$0x15280] =	vst v63  }
0x13b: {  	_ =	swait.ge [sflag:s11], $0x3E80  }
0x13c: {  	[sflag:s11] =	ssyncset.done $0x0  }
0x13d: {  	[sflag:s11] =	ssyncadd.s32 $0xFFFFC180  }
0x13e: {  	[tilespmem:s8], [sflag:$0x2] =	stream.indirect.gather.add.f32 [hbm:s3], $0x80, s28, s9, $0xb8;
	[tilespmem:$0x15280] =	vst v63  }
0x13f: {  	_ = 	snop  }
0x140: {  	[tilespmem:s8], [sflag:$0x2] =	stream.indirect.gather.add.f32 [hbm:s4], $0x80, s29, s9, $0xb8;
	[tilespmem:$0x15280] =	vst v63  }
0x141: {  	_ = 	snop  }
0x142: {  	[tilespmem:s8], [sflag:$0x2] =	stream.indirect.gather.add.f32 [hbm:s5], $0x80, s26, s9, $0xb8;
	[tilespmem:$0x15280] =	vst v63  }
0x143: {  	_ =	swait.ge [sflag:s18], $0x3E80  }
0x144: {  	[sflag:s18] =	ssyncset.done $0x0  }
0x145: {  	[sflag:s18] =	ssyncadd.s32 $0xFFFFC180  }
0x146: {  	_ =	swait.ge [sflag:s18], $0x3E80  }
0x147: {  	[sflag:s18] =	ssyncset.done $0x0  }
0x148: {  	[sflag:s18] =	ssyncadd.s32 $0xFFFFC180  }
0x149: {  	_ =	swait.ge [sflag:s18], $0x3E80  }
0x14a: {  	[sflag:s18] =	ssyncset.done $0x0  }
0x14b: {  	s1 =	rddreg [dreg:$0x11];
	[sflag:s18] =	ssyncadd.s32 $0xFFFFC180  }
0x14c: {  	[hbm4b:s1+s2] =	stream.linear.scatter [tilespmem:s17], [sflag:$0x6], $0x3E80, $0x38;
	[tilespmem:$0x15280] =	vst v63  }
0x14d: {  	_ =	swait.ge [sflag:s10], $0x3E80  }
0x14e: {  	[sflag:s10] =	ssyncset.done $0x0  }
0x14f: {  	[sflag:s10] =	ssyncadd.s32 $0xFFFFC180  }
0x150: {  	[tilespmem:s7], [sflag:$0x3] =	stream.indirect.gather.add.f32 [hbm:s3], $0x80, s21, s9, $0xb8;
	[tilespmem:$0x15280] =	vst v63  }
0x151: {  	_ = 	snop  }
0x152: {  	[tilespmem:s7], [sflag:$0x3] =	stream.indirect.gather.add.f32 [hbm:s4], $0x80, s22, s9, $0xb8;
	[tilespmem:$0x15280] =	vst v63  }
0x153: {  	_ = 	snop  }
0x154: {  	[tilespmem:s7], [sflag:$0x3] =	stream.indirect.gather.add.f32 [hbm:s5], $0x80, s25, s9, $0xb8;
	[tilespmem:$0x15280] =	vst v63  }
0x155: {  	_ =	swait.ge [sflag:s11], $0x3E80  }
0x156: {  	[sflag:s11] =	ssyncset.done $0x0  }
0x157: {  	[sflag:s11] =	ssyncadd.s32 $0xFFFFC180  }
0x158: {  	_ =	swait.ge [sflag:s11], $0x3E80  }
0x159: {  	[sflag:s11] =	ssyncset.done $0x0  }
0x15a: {  	[sflag:s11] =	ssyncadd.s32 $0xFFFFC180  }
0x15b: {  	_ =	swait.ge [sflag:s11], $0x3E80  }
0x15c: {  	[sflag:s11] =	ssyncset.done $0x0  }
0x15d: {  	s1 =	rddreg [dreg:$0x12];
	[sflag:s11] =	ssyncadd.s32 $0xFFFFC180  }
0x15e: {  	[hbm4b:s1+s2] =	stream.linear.scatter [tilespmem:s8], [sflag:$0x7], $0x3E80, $0x38;
	[tilespmem:$0x15280] =	vst v63  }
0x15f: {  	_ =	swait.ge [sflag:s10], $0x3E80  }
0x160: {  	[sflag:s10] =	ssyncset.done $0x0  }
0x161: {  	[sflag:s10] =	ssyncadd.s32 $0xFFFFC180  }
0x162: {  	_ =	swait.ge [sflag:s10], $0x3E80  }
0x163: {  	[sflag:s10] =	ssyncset.done $0x0  }
0x164: {  	[sflag:s10] =	ssyncadd.s32 $0xFFFFC180  }
0x165: {  	_ =	swait.ge [sflag:s10], $0x3E80  }
0x166: {  	[sflag:s10] =	ssyncset.done $0x0  }
0x167: {  	s1 =	rddreg [dreg:$0x13];
	[sflag:s10] =	ssyncadd.s32 $0xFFFFC180  }
0x168: {  	[hbm4b:s1+s2] =	stream.linear.scatter [tilespmem:s7], [sflag:$0x8], $0x3E80, $0x38;
	[tilespmem:$0x15280] =	vst v63  }
0x169: {  	_ =	swait.ge [sflag:s12], $0x3E80  }
0x16a: {  	[sflag:s12] =	ssyncset.done $0x0  }
0x16b: {  	[sflag:s12] =	ssyncadd.s32 $0xFFFFC180  }
0x16c: {  	_ =	swait.ge [sflag:s13], $0x3E80  }
0x16d: {  	[sflag:s13] =	ssyncset.done $0x0  }
0x16e: {  	[sflag:s13] =	ssyncadd.s32 $0xFFFFC180  }
0x16f: {  	_ =	swait.ge [sflag:s14], $0x3E80  }
0x170: {  	[sflag:s14] =	ssyncset.done $0x0  }
0x171: {  	p1 =	sne.s32 s20, $0x1;
	[sflag:s14] =	ssyncadd.s32 $0xFFFFC180  }
.Ltmp1:
0x172: {  	_ =	swait.ge [sflag:s15], $0x3E80;
	(pc) =	sbr.rel @!p1 .LBB2_3-.Ltmp1, $4  }
0x173: {  	[sflag:s15] =	ssyncset.done $0x0  }
0x174: {  	[sflag:s15] =	ssyncadd.s32 $0xFFFFC180  }
0x175: {  	p0 =	por $0x1, $0x1;
	_ =	swait.ge [sflag:s16], $0x3E80  }
0x176: {  	s1 =	sadd.s32 $0xFFFFFFFF, s20;
	s0 =	rddreg [dreg:$0x6];
	[sflag:s16] =	ssyncset.done $0x0  }
.LBB2_4:
0x177: {  	[sflag:s16] =	ssyncadd.s32 $0xFFFFC180  }
0x178: {  	[tilespmem:s2], [sflag:$0xB] =	stream.linear.gather [hbm4b:s0+s2], $0x1A00, $0x38;
	[tilespmem:$0x15280] =	vst v63  }
0x179: {  	_ =	swait.ge [sflag:s31], $0x1A00  }
0x17a: {  	[sflag:s31] =	ssyncset.done $0x0  }
0x17b: {  	[sflag:s31] =	ssyncadd.s32 $0xFFFFE600  }
0x17c: {  	[tilespmem:s17], [sflag:$0x1] =	stream.indirect.gather [hbm4b:s6+s9], $0x80, s2, s9, $0xb8;
	[tilespmem:$0x15280] =	vst v63  }
0x17d: {  	s20 =	rddreg [dreg:$0x14]  }
0x17e: {  	[tilespmem:s8], [sflag:$0x2] =	stream.indirect.gather [hbm4b:s6+s9], $0x80, s20, s9, $0xb8;
	[tilespmem:$0x15280] =	vst v63  }
0x17f: {  	_ =	swait.ge [sflag:s18], $0x3E80  }
0x180: {  	[sflag:s18] =	ssyncset.done $0x0  }
0x181: {  	s0 =	rddreg [dreg:$0x15];
	[sflag:s18] =	ssyncadd.s32 $0xFFFFC180  }
0x182: {  	[tilespmem:s17], [sflag:$0x1] =	stream.indirect.gather.add.f32 [hbm:s3], $0x80, s0, s9, $0xb8;
	[tilespmem:$0x15280] =	vst v63  }
0x183: {  	s20 =	rddreg [dreg:$0x16]  }
0x184: {  	[tilespmem:s17], [sflag:$0x1] =	stream.indirect.gather.add.f32 [hbm:s4], $0x80, s20, s9, $0xb8;
	[tilespmem:$0x15280] =	vst v63  }
0x185: {  	s0 =	rddreg [dreg:$0x17]  }
0x186: {  	[tilespmem:s17], [sflag:$0x1] =	stream.indirect.gather.add.f32 [hbm:s5], $0x80, s0, s9, $0xb8;
	[tilespmem:$0x15280] =	vst v63  }
0x187: {  	s20 =	rddreg [dreg:$0x18]  }
0x188: {  	[tilespmem:s7], [sflag:$0x3] =	stream.indirect.gather [hbm4b:s6+s9], $0x80, s20, s9, $0xb8;
	[tilespmem:$0x15280] =	vst v63  }
0x189: {  	_ =	swait.ge [sflag:s11], $0x3E80  }
0x18a: {  	[sflag:s11] =	ssyncset.done $0x0  }
0x18b: {  	s0 =	rddreg [dreg:$0x19];
	[sflag:s11] =	ssyncadd.s32 $0xFFFFC180  }
0x18c: {  	[tilespmem:s8], [sflag:$0x2] =	stream.indirect.gather.add.f32 [hbm:s3], $0x80, s0, s9, $0xb8;
	[tilespmem:$0x15280] =	vst v63  }
0x18d: {  	s20 =	rddreg [dreg:$0x1a]  }
0x18e: {  	[tilespmem:s8], [sflag:$0x2] =	stream.indirect.gather.add.f32 [hbm:s4], $0x80, s20, s9, $0xb8;
	[tilespmem:$0x15280] =	vst v63  }
0x18f: {  	s0 =	rddreg [dreg:$0x1b]  }
0x190: {  	[tilespmem:s8], [sflag:$0x2] =	stream.indirect.gather.add.f32 [hbm:s5], $0x80, s0, s9, $0xb8;
	[tilespmem:$0x15280] =	vst v63  }
0x191: {  	_ =	swait.ge [sflag:s18], $0x3E80  }
0x192: {  	[sflag:s18] =	ssyncset.done $0x0  }
0x193: {  	[sflag:s18] =	ssyncadd.s32 $0xFFFFC180  }
0x194: {  	_ =	swait.ge [sflag:s18], $0x3E80  }
0x195: {  	[sflag:s18] =	ssyncset.done $0x0  }
0x196: {  	[sflag:s18] =	ssyncadd.s32 $0xFFFFC180  }
0x197: {  	_ =	swait.ge [sflag:s18], $0x3E80  }
0x198: {  	[sflag:s18] =	ssyncset.done $0x0  }
0x199: {  	s0 =	rddreg [dreg:$0x7];
	[sflag:s18] =	ssyncadd.s32 $0xFFFFC180  }
0x19a: {  	[hbm4b:s0+s2] =	stream.linear.scatter [tilespmem:s17], [sflag:$0x6], $0x3E80, $0x38;
	[tilespmem:$0x15280] =	vst v63  }
0x19b: {  	s20 =	rddreg [dreg:$0x1c]  }
0x19c: {  	[tilespmem:s24], [sflag:$0x4] =	stream.indirect.gather [hbm4b:s6+s9], $0x80, s20, s9, $0xb8;
	[tilespmem:$0x15280] =	vst v63  }
0x19d: {  	_ =	swait.ge [sflag:s10], $0x3E80  }
0x19e: {  	[sflag:s10] =	ssyncset.done $0x0  }
0x19f: {  	s0 =	rddreg [dreg:$0x1d];
	[sflag:s10] =	ssyncadd.s32 $0xFFFFC180  }
0x1a0: {  	[tilespmem:s7], [sflag:$0x3] =	stream.indirect.gather.add.f32 [hbm:s3], $0x80, s0, s9, $0xb8;
	[tilespmem:$0x15280] =	vst v63  }
0x1a1: {  	s20 =	rddreg [dreg:$0x1e]  }
0x1a2: {  	[tilespmem:s7], [sflag:$0x3] =	stream.indirect.gather.add.f32 [hbm:s4], $0x80, s20, s9, $0xb8;
	[tilespmem:$0x15280] =	vst v63  }
0x1a3: {  	s0 =	rddreg [dreg:$0x1f]  }
0x1a4: {  	[tilespmem:s7], [sflag:$0x3] =	stream.indirect.gather.add.f32 [hbm:s5], $0x80, s0, s9, $0xb8;
	[tilespmem:$0x15280] =	vst v63  }
0x1a5: {  	_ =	swait.ge [sflag:s11], $0x3E80  }
0x1a6: {  	[sflag:s11] =	ssyncset.done $0x0  }
0x1a7: {  	[sflag:s11] =	ssyncadd.s32 $0xFFFFC180  }
0x1a8: {  	_ =	swait.ge [sflag:s11], $0x3E80  }
0x1a9: {  	[sflag:s11] =	ssyncset.done $0x0  }
0x1aa: {  	[sflag:s11] =	ssyncadd.s32 $0xFFFFC180  }
0x1ab: {  	_ =	swait.ge [sflag:s11], $0x3E80  }
0x1ac: {  	s0 =	rddreg [dreg:$0x8];
	[sflag:s11] =	ssyncset.done $0x0  }
0x1ad: {  	s20 =	sld [smem:$0x7DE];
	[sflag:s11] =	ssyncadd.s32 $0xFFFFC180  }
0x1ae: {  	[hbm4b:s0+s2] =	stream.linear.scatter [tilespmem:s8], [sflag:$0x7], $0x3E80, $0x38;
	[tilespmem:$0x15280] =	vst v63  }
0x1af: {  	_ = 	snop  }
0x1b0: {  	[tilespmem:s19], [sflag:$0x5] =	stream.indirect.gather [hbm4b:s6+s9], $0x80, s20, s9, $0xb8;
	[tilespmem:$0x15280] =	vst v63  }
0x1b1: {  	_ =	swait.ge [sflag:s30], $0x3E80  }
0x1b2: {  	s0 =	sld [smem:$0x7DF]  }
0x1b3: {  	[sflag:s30] =	ssyncset.done $0x0  }
0x1b4: {  	s20 =	sld [smem:$0x7E0];
	[sflag:s30] =	ssyncadd.s32 $0xFFFFC180  }
0x1b5: {  	[tilespmem:s24], [sflag:$0x4] =	stream.indirect.gather.add.f32 [hbm:s3], $0x80, s0, s9, $0xb8;
	[tilespmem:$0x15280] =	vst v63  }
0x1b6: {  	s0 =	sld [smem:$0x7E1]  }
0x1b7: {  	[tilespmem:s24], [sflag:$0x4] =	stream.indirect.gather.add.f32 [hbm:s4], $0x80, s20, s9, $0xb8;
	[tilespmem:$0x15280] =	vst v63  }
0x1b8: {  	_ = 	snop  }
0x1b9: {  	[tilespmem:s24], [sflag:$0x4] =	stream.indirect.gather.add.f32 [hbm:s5], $0x80, s0, s9, $0xb8;
	[tilespmem:$0x15280] =	vst v63  }
0x1ba: {  	_ =	swait.ge [sflag:s10], $0x3E80  }
0x1bb: {  	[sflag:s10] =	ssyncset.done $0x0  }
0x1bc: {  	[sflag:s10] =	ssyncadd.s32 $0xFFFFC180  }
0x1bd: {  	_ =	swait.ge [sflag:s10], $0x3E80  }
0x1be: {  	[sflag:s10] =	ssyncset.done $0x0  }
0x1bf: {  	[sflag:s10] =	ssyncadd.s32 $0xFFFFC180  }
0x1c0: {  	_ =	swait.ge [sflag:s10], $0x3E80  }
0x1c1: {  	[sflag:s10] =	ssyncset.done $0x0  }
0x1c2: {  	s20 =	rddreg [dreg:$0x9];
	[sflag:s10] =	ssyncadd.s32 $0xFFFFC180  }
0x1c3: {  	[hbm4b:s20+s2] =	stream.linear.scatter [tilespmem:s7], [sflag:$0x8], $0x3E80, $0x38;
	[tilespmem:$0x15280] =	vst v63  }
0x1c4: {  	_ =	swait.ge [sflag:s12], $0x3E80  }
0x1c5: {  	s20 =	sld [smem:$0x7E2]  }
0x1c6: {  	[sflag:s12] =	ssyncset.done $0x0  }
0x1c7: {  	[sflag:s12] =	ssyncadd.s32 $0xFFFFC180  }
0x1c8: {  	[tilespmem:s17], [sflag:$0x1] =	stream.indirect.gather [hbm4b:s6+s9], $0x80, s20, s9, $0xb8;
	[tilespmem:$0x15280] =	vst v63  }
0x1c9: {  	_ =	swait.ge [sflag:s23], $0x3E80  }
0x1ca: {  	s0 =	sld [smem:$0x7E3]  }
0x1cb: {  	[sflag:s23] =	ssyncset.done $0x0  }
0x1cc: {  	s20 =	sld [smem:$0x7E4];
	[sflag:s23] =	ssyncadd.s32 $0xFFFFC180  }
0x1cd: {  	[tilespmem:s19], [sflag:$0x5] =	stream.indirect.gather.add.f32 [hbm:s3], $0x80, s0, s9, $0xb8;
	[tilespmem:$0x15280] =	vst v63  }
0x1ce: {  	s0 =	sld [smem:$0x7E5]  }
0x1cf: {  	[tilespmem:s19], [sflag:$0x5] =	stream.indirect.gather.add.f32 [hbm:s4], $0x80, s20, s9, $0xb8;
	[tilespmem:$0x15280] =	vst v63  }
0x1d0: {  	_ = 	snop  }
0x1d1: {  	[tilespmem:s19], [sflag:$0x5] =	stream.indirect.gather.add.f32 [hbm:s5], $0x80, s0, s9, $0xb8;
	[tilespmem:$0x15280] =	vst v63  }
0x1d2: {  	_ =	swait.ge [sflag:s30], $0x3E80  }
0x1d3: {  	[sflag:s30] =	ssyncset.done $0x0  }
0x1d4: {  	[sflag:s30] =	ssyncadd.s32 $0xFFFFC180  }
0x1d5: {  	_ =	swait.ge [sflag:s30], $0x3E80  }
0x1d6: {  	[sflag:s30] =	ssyncset.done $0x0  }
0x1d7: {  	[sflag:s30] =	ssyncadd.s32 $0xFFFFC180  }
0x1d8: {  	_ =	swait.ge [sflag:s30], $0x3E80  }
0x1d9: {  	[sflag:s30] =	ssyncset.done $0x0  }
0x1da: {  	s20 =	rddreg [dreg:$0xa];
	[sflag:s30] =	ssyncadd.s32 $0xFFFFC180  }
0x1db: {  	[hbm4b:s20+s2] =	stream.linear.scatter [tilespmem:s24], [sflag:$0x9], $0x3E80, $0x38;
	[tilespmem:$0x15280] =	vst v63  }
0x1dc: {  	_ =	swait.ge [sflag:s13], $0x3E80  }
0x1dd: {  	s20 =	sld [smem:$0x7E6]  }
0x1de: {  	[sflag:s13] =	ssyncset.done $0x0  }
0x1df: {  	[sflag:s13] =	ssyncadd.s32 $0xFFFFC180  }
0x1e0: {  	[tilespmem:s8], [sflag:$0x2] =	stream.indirect.gather [hbm4b:s6+s9], $0x80, s20, s9, $0xb8;
	[tilespmem:$0x15280] =	vst v63  }
0x1e1: {  	_ =	swait.ge [sflag:s18], $0x3E80  }
0x1e2: {  	s0 =	sld [smem:$0x7E7]  }
0x1e3: {  	[sflag:s18] =	ssyncset.done $0x0  }
0x1e4: {  	s20 =	sld [smem:$0x7E8];
	[sflag:s18] =	ssyncadd.s32 $0xFFFFC180  }
0x1e5: {  	[tilespmem:s17], [sflag:$0x1] =	stream.indirect.gather.add.f32 [hbm:s3], $0x80, s0, s9, $0xb8;
	[tilespmem:$0x15280] =	vst v63  }
0x1e6: {  	s0 =	sld [smem:$0x7E9]  }
0x1e7: {  	[tilespmem:s17], [sflag:$0x1] =	stream.indirect.gather.add.f32 [hbm:s4], $0x80, s20, s9, $0xb8;
	[tilespmem:$0x15280] =	vst v63  }
0x1e8: {  	_ = 	snop  }
0x1e9: {  	[tilespmem:s17], [sflag:$0x1] =	stream.indirect.gather.add.f32 [hbm:s5], $0x80, s0, s9, $0xb8;
	[tilespmem:$0x15280] =	vst v63  }
0x1ea: {  	_ =	swait.ge [sflag:s23], $0x3E80  }
0x1eb: {  	[sflag:s23] =	ssyncset.done $0x0  }
0x1ec: {  	[sflag:s23] =	ssyncadd.s32 $0xFFFFC180  }
0x1ed: {  	_ =	swait.ge [sflag:s23], $0x3E80  }
0x1ee: {  	[sflag:s23] =	ssyncset.done $0x0  }
0x1ef: {  	[sflag:s23] =	ssyncadd.s32 $0xFFFFC180  }
0x1f0: {  	_ =	swait.ge [sflag:s23], $0x3E80  }
0x1f1: {  	[sflag:s23] =	ssyncset.done $0x0  }
0x1f2: {  	s20 =	rddreg [dreg:$0xb];
	[sflag:s23] =	ssyncadd.s32 $0xFFFFC180  }
0x1f3: {  	[hbm4b:s20+s2] =	stream.linear.scatter [tilespmem:s19], [sflag:$0xA], $0x3E80, $0x38;
	[tilespmem:$0x15280] =	vst v63  }
0x1f4: {  	_ =	swait.ge [sflag:s14], $0x3E80  }
0x1f5: {  	s20 =	sld [smem:$0x7EA]  }
0x1f6: {  	[sflag:s14] =	ssyncset.done $0x0  }
0x1f7: {  	[sflag:s14] =	ssyncadd.s32 $0xFFFFC180  }
0x1f8: {  	[tilespmem:s7], [sflag:$0x3] =	stream.indirect.gather [hbm4b:s6+s9], $0x80, s20, s9, $0xb8;
	[tilespmem:$0x15280] =	vst v63  }
0x1f9: {  	_ =	swait.ge [sflag:s11], $0x3E80  }
0x1fa: {  	s0 =	sld [smem:$0x7EB]  }
0x1fb: {  	[sflag:s11] =	ssyncset.done $0x0  }
0x1fc: {  	s20 =	sld [smem:$0x7EC];
	[sflag:s11] =	ssyncadd.s32 $0xFFFFC180  }
0x1fd: {  	[tilespmem:s8], [sflag:$0x2] =	stream.indirect.gather.add.f32 [hbm:s3], $0x80, s0, s9, $0xb8;
	[tilespmem:$0x15280] =	vst v63  }
0x1fe: {  	s0 =	sld [smem:$0x7ED]  }
0x1ff: {  	[tilespmem:s8], [sflag:$0x2] =	stream.indirect.gather.add.f32 [hbm:s4], $0x80, s20, s9, $0xb8;
	[tilespmem:$0x15280] =	vst v63  }
0x200: {  	_ = 	snop  }
0x201: {  	[tilespmem:s8], [sflag:$0x2] =	stream.indirect.gather.add.f32 [hbm:s5], $0x80, s0, s9, $0xb8;
	[tilespmem:$0x15280] =	vst v63  }
0x202: {  	_ =	swait.ge [sflag:s18], $0x3E80  }
0x203: {  	[sflag:s18] =	ssyncset.done $0x0  }
0x204: {  	[sflag:s18] =	ssyncadd.s32 $0xFFFFC180  }
0x205: {  	_ =	swait.ge [sflag:s18], $0x3E80  }
0x206: {  	[sflag:s18] =	ssyncset.done $0x0  }
0x207: {  	[sflag:s18] =	ssyncadd.s32 $0xFFFFC180  }
0x208: {  	_ =	swait.ge [sflag:s18], $0x3E80  }
0x209: {  	[sflag:s18] =	ssyncset.done $0x0  }
0x20a: {  	s20 =	rddreg [dreg:$0xc];
	[sflag:s18] =	ssyncadd.s32 $0xFFFFC180  }
0x20b: {  	[hbm4b:s20+s2] =	stream.linear.scatter [tilespmem:s17], [sflag:$0x6], $0x3E80, $0x38;
	[tilespmem:$0x15280] =	vst v63  }
0x20c: {  	_ =	swait.ge [sflag:s15], $0x3E80  }
0x20d: {  	s20 =	sld [smem:$0x7EE]  }
0x20e: {  	[sflag:s15] =	ssyncset.done $0x0  }
0x20f: {  	[sflag:s15] =	ssyncadd.s32 $0xFFFFC180  }
0x210: {  	[tilespmem:s24], [sflag:$0x4] =	stream.indirect.gather [hbm4b:s6+s9], $0x80, s20, s9, $0xb8;
	[tilespmem:$0x15280] =	vst v63  }
0x211: {  	_ =	swait.ge [sflag:s10], $0x3E80  }
0x212: {  	s0 =	sld [smem:$0x7EF]  }
0x213: {  	[sflag:s10] =	ssyncset.done $0x0  }
0x214: {  	s20 =	sld [smem:$0x7F0];
	[sflag:s10] =	ssyncadd.s32 $0xFFFFC180  }
0x215: {  	[tilespmem:s7], [sflag:$0x3] =	stream.indirect.gather.add.f32 [hbm:s3], $0x80, s0, s9, $0xb8;
	[tilespmem:$0x15280] =	vst v63  }
0x216: {  	s0 =	sld [smem:$0x7F1]  }
0x217: {  	[tilespmem:s7], [sflag:$0x3] =	stream.indirect.gather.add.f32 [hbm:s4], $0x80, s20, s9, $0xb8;
	[tilespmem:$0x15280] =	vst v63  }
0x218: {  	_ = 	snop  }
0x219: {  	[tilespmem:s7], [sflag:$0x3] =	stream.indirect.gather.add.f32 [hbm:s5], $0x80, s0, s9, $0xb8;
	[tilespmem:$0x15280] =	vst v63  }
0x21a: {  	_ =	swait.ge [sflag:s11], $0x3E80  }
0x21b: {  	[sflag:s11] =	ssyncset.done $0x0  }
0x21c: {  	[sflag:s11] =	ssyncadd.s32 $0xFFFFC180  }
0x21d: {  	_ =	swait.ge [sflag:s11], $0x3E80  }
0x21e: {  	[sflag:s11] =	ssyncset.done $0x0  }
0x21f: {  	[sflag:s11] =	ssyncadd.s32 $0xFFFFC180  }
0x220: {  	_ =	swait.ge [sflag:s11], $0x3E80  }
0x221: {  	[sflag:s11] =	ssyncset.done $0x0  }
0x222: {  	s20 =	rddreg [dreg:$0xd];
	[sflag:s11] =	ssyncadd.s32 $0xFFFFC180  }
0x223: {  	[hbm4b:s20+s2] =	stream.linear.scatter [tilespmem:s8], [sflag:$0x7], $0x3E80, $0x38;
	[tilespmem:$0x15280] =	vst v63  }
0x224: {  	_ =	swait.ge [sflag:s16], $0x3E80  }
0x225: {  	s20 =	sld [smem:$0x7F2]  }
0x226: {  	[sflag:s16] =	ssyncset.done $0x0  }
0x227: {  	[sflag:s16] =	ssyncadd.s32 $0xFFFFC180  }
0x228: {  	[tilespmem:s19], [sflag:$0x5] =	stream.indirect.gather [hbm4b:s6+s9], $0x80, s20, s9, $0xb8;
	[tilespmem:$0x15280] =	vst v63  }
0x229: {  	_ =	swait.ge [sflag:s30], $0x3E80  }
0x22a: {  	s0 =	sld [smem:$0x7F3]  }
0x22b: {  	[sflag:s30] =	ssyncset.done $0x0  }
0x22c: {  	s20 =	sld [smem:$0x7F4];
	[sflag:s30] =	ssyncadd.s32 $0xFFFFC180  }
0x22d: {  	[tilespmem:s24], [sflag:$0x4] =	stream.indirect.gather.add.f32 [hbm:s3], $0x80, s0, s9, $0xb8;
	[tilespmem:$0x15280] =	vst v63  }
0x22e: {  	s0 =	sld [smem:$0x7F5]  }
0x22f: {  	[tilespmem:s24], [sflag:$0x4] =	stream.indirect.gather.add.f32 [hbm:s4], $0x80, s20, s9, $0xb8;
	[tilespmem:$0x15280] =	vst v63  }
0x230: {  	_ = 	snop  }
0x231: {  	[tilespmem:s24], [sflag:$0x4] =	stream.indirect.gather.add.f32 [hbm:s5], $0x80, s0, s9, $0xb8;
	[tilespmem:$0x15280] =	vst v63  }
0x232: {  	_ =	swait.ge [sflag:s10], $0x3E80  }
0x233: {  	[sflag:s10] =	ssyncset.done $0x0  }
0x234: {  	[sflag:s10] =	ssyncadd.s32 $0xFFFFC180  }
0x235: {  	_ =	swait.ge [sflag:s10], $0x3E80  }
0x236: {  	[sflag:s10] =	ssyncset.done $0x0  }
0x237: {  	[sflag:s10] =	ssyncadd.s32 $0xFFFFC180  }
0x238: {  	_ =	swait.ge [sflag:s10], $0x3E80  }
0x239: {  	[sflag:s10] =	ssyncset.done $0x0  }
0x23a: {  	s20 =	rddreg [dreg:$0xe];
	[sflag:s10] =	ssyncadd.s32 $0xFFFFC180  }
0x23b: {  	[hbm4b:s20+s2] =	stream.linear.scatter [tilespmem:s7], [sflag:$0x8], $0x3E80, $0x38;
	[tilespmem:$0x15280] =	vst v63  }
0x23c: {  	_ =	swait.ge [sflag:s12], $0x3E80  }
0x23d: {  	s20 =	sld [smem:$0x7F6]  }
0x23e: {  	[sflag:s12] =	ssyncset.done $0x0  }
0x23f: {  	[sflag:s12] =	ssyncadd.s32 $0xFFFFC180  }
0x240: {  	[tilespmem:s17], [sflag:$0x1] =	stream.indirect.gather [hbm4b:s6+s9], $0x80, s20, s9, $0xb8;
	[tilespmem:$0x15280] =	vst v63  }
0x241: {  	_ =	swait.ge [sflag:s23], $0x3E80  }
0x242: {  	s0 =	sld [smem:$0x7F7]  }
0x243: {  	[sflag:s23] =	ssyncset.done $0x0  }
0x244: {  	s20 =	sld [smem:$0x7F8];
	[sflag:s23] =	ssyncadd.s32 $0xFFFFC180  }
0x245: {  	[tilespmem:s19], [sflag:$0x5] =	stream.indirect.gather.add.f32 [hbm:s3], $0x80, s0, s9, $0xb8;
	[tilespmem:$0x15280] =	vst v63  }
0x246: {  	s0 =	sld [smem:$0x7F9]  }
0x247: {  	[tilespmem:s19], [sflag:$0x5] =	stream.indirect.gather.add.f32 [hbm:s4], $0x80, s20, s9, $0xb8;
	[tilespmem:$0x15280] =	vst v63  }
0x248: {  	_ = 	snop  }
0x249: {  	[tilespmem:s19], [sflag:$0x5] =	stream.indirect.gather.add.f32 [hbm:s5], $0x80, s0, s9, $0xb8;
	[tilespmem:$0x15280] =	vst v63  }
0x24a: {  	_ =	swait.ge [sflag:s30], $0x3E80  }
0x24b: {  	[sflag:s30] =	ssyncset.done $0x0  }
0x24c: {  	[sflag:s30] =	ssyncadd.s32 $0xFFFFC180  }
0x24d: {  	_ =	swait.ge [sflag:s30], $0x3E80  }
0x24e: {  	[sflag:s30] =	ssyncset.done $0x0  }
0x24f: {  	[sflag:s30] =	ssyncadd.s32 $0xFFFFC180  }
0x250: {  	_ =	swait.ge [sflag:s30], $0x3E80  }
0x251: {  	[sflag:s30] =	ssyncset.done $0x0  }
0x252: {  	s20 =	rddreg [dreg:$0xf];
	[sflag:s30] =	ssyncadd.s32 $0xFFFFC180  }
0x253: {  	[hbm4b:s20+s2] =	stream.linear.scatter [tilespmem:s24], [sflag:$0x9], $0x3E80, $0x38;
	[tilespmem:$0x15280] =	vst v63  }
0x254: {  	_ =	swait.ge [sflag:s13], $0x3E80  }
0x255: {  	s20 =	sld [smem:$0x7FA]  }
0x256: {  	[sflag:s13] =	ssyncset.done $0x0  }
0x257: {  	[sflag:s13] =	ssyncadd.s32 $0xFFFFC180  }
0x258: {  	[tilespmem:s8], [sflag:$0x2] =	stream.indirect.gather [hbm4b:s6+s9], $0x80, s20, s9, $0xb8;
	[tilespmem:$0x15280] =	vst v63  }
0x259: {  	_ =	swait.ge [sflag:s18], $0x3E80  }
0x25a: {  	s0 =	sld [smem:$0x7FB]  }
0x25b: {  	[sflag:s18] =	ssyncset.done $0x0  }
0x25c: {  	s20 =	sld [smem:$0x7FC];
	[sflag:s18] =	ssyncadd.s32 $0xFFFFC180  }
0x25d: {  	[tilespmem:s17], [sflag:$0x1] =	stream.indirect.gather.add.f32 [hbm:s3], $0x80, s0, s9, $0xb8;
	[tilespmem:$0x15280] =	vst v63  }
0x25e: {  	s0 =	sld [smem:$0x7FD]  }
0x25f: {  	[tilespmem:s17], [sflag:$0x1] =	stream.indirect.gather.add.f32 [hbm:s4], $0x80, s20, s9, $0xb8;
	[tilespmem:$0x15280] =	vst v63  }
0x260: {  	_ = 	snop  }
0x261: {  	[tilespmem:s17], [sflag:$0x1] =	stream.indirect.gather.add.f32 [hbm:s5], $0x80, s0, s9, $0xb8;
	[tilespmem:$0x15280] =	vst v63  }
0x262: {  	_ =	swait.ge [sflag:s23], $0x3E80  }
0x263: {  	[sflag:s23] =	ssyncset.done $0x0  }
0x264: {  	[sflag:s23] =	ssyncadd.s32 $0xFFFFC180  }
0x265: {  	_ =	swait.ge [sflag:s23], $0x3E80  }
0x266: {  	[sflag:s23] =	ssyncset.done $0x0  }
0x267: {  	[sflag:s23] =	ssyncadd.s32 $0xFFFFC180  }
0x268: {  	_ =	swait.ge [sflag:s23], $0x3E80  }
0x269: {  	[sflag:s23] =	ssyncset.done $0x0  }
0x26a: {  	s20 =	rddreg [dreg:$0x10];
	[sflag:s23] =	ssyncadd.s32 $0xFFFFC180  }
0x26b: {  	[hbm4b:s20+s2] =	stream.linear.scatter [tilespmem:s19], [sflag:$0xA], $0x3E80, $0x38;
	[tilespmem:$0x15280] =	vst v63  }
0x26c: {  	_ =	swait.ge [sflag:s14], $0x3E80  }
0x26d: {  	[sflag:s14] =	ssyncset.done $0x0  }
0x26e: {  	s20 =	simm.s32 $0x1800;
	[sflag:s14] =	ssyncadd.s32 $0xFFFFC180  }
0x26f: {  	[tilespmem:s7], [sflag:$0x3] =	stream.indirect.gather [hbm4b:s6+s9], $0x80, s20, s9, $0xb8;
	[tilespmem:$0x15280] =	vst v63  }
0x270: {  	_ =	swait.ge [sflag:s11], $0x3E80  }
0x271: {  	[sflag:s11] =	ssyncset.done $0x0  }
0x272: {  	[sflag:s11] =	ssyncadd.s32 $0xFFFFC180  }
0x273: {  	[tilespmem:s8], [sflag:$0x2] =	stream.indirect.gather.add.f32 [hbm:s3], $0x80, s28, s9, $0xb8;
	[tilespmem:$0x15280] =	vst v63  }
0x274: {  	_ = 	snop  }
0x275: {  	[tilespmem:s8], [sflag:$0x2] =	stream.indirect.gather.add.f32 [hbm:s4], $0x80, s29, s9, $0xb8;
	[tilespmem:$0x15280] =	vst v63  }
0x276: {  	_ = 	snop  }
0x277: {  	[tilespmem:s8], [sflag:$0x2] =	stream.indirect.gather.add.f32 [hbm:s5], $0x80, s26, s9, $0xb8;
	[tilespmem:$0x15280] =	vst v63  }
0x278: {  	_ =	swait.ge [sflag:s18], $0x3E80  }
0x279: {  	[sflag:s18] =	ssyncset.done $0x0  }
0x27a: {  	[sflag:s18] =	ssyncadd.s32 $0xFFFFC180  }
0x27b: {  	_ =	swait.ge [sflag:s18], $0x3E80  }
0x27c: {  	[sflag:s18] =	ssyncset.done $0x0  }
0x27d: {  	[sflag:s18] =	ssyncadd.s32 $0xFFFFC180  }
0x27e: {  	_ =	swait.ge [sflag:s18], $0x3E80  }
0x27f: {  	[sflag:s18] =	ssyncset.done $0x0  }
0x280: {  	s20 =	rddreg [dreg:$0x11];
	[sflag:s18] =	ssyncadd.s32 $0xFFFFC180  }
0x281: {  	[hbm4b:s20+s2] =	stream.linear.scatter [tilespmem:s17], [sflag:$0x6], $0x3E80, $0x38;
	[tilespmem:$0x15280] =	vst v63  }
0x282: {  	_ =	swait.ge [sflag:s10], $0x3E80  }
0x283: {  	[sflag:s10] =	ssyncset.done $0x0  }
0x284: {  	[sflag:s10] =	ssyncadd.s32 $0xFFFFC180  }
0x285: {  	[tilespmem:s7], [sflag:$0x3] =	stream.indirect.gather.add.f32 [hbm:s3], $0x80, s21, s9, $0xb8;
	[tilespmem:$0x15280] =	vst v63  }
0x286: {  	_ = 	snop  }
0x287: {  	[tilespmem:s7], [sflag:$0x3] =	stream.indirect.gather.add.f32 [hbm:s4], $0x80, s22, s9, $0xb8;
	[tilespmem:$0x15280] =	vst v63  }
0x288: {  	_ = 	snop  }
0x289: {  	[tilespmem:s7], [sflag:$0x3] =	stream.indirect.gather.add.f32 [hbm:s5], $0x80, s25, s9, $0xb8;
	[tilespmem:$0x15280] =	vst v63  }
0x28a: {  	_ =	swait.ge [sflag:s11], $0x3E80  }
0x28b: {  	[sflag:s11] =	ssyncset.done $0x0  }
0x28c: {  	[sflag:s11] =	ssyncadd.s32 $0xFFFFC180  }
0x28d: {  	_ =	swait.ge [sflag:s11], $0x3E80  }
0x28e: {  	[sflag:s11] =	ssyncset.done $0x0  }
0x28f: {  	[sflag:s11] =	ssyncadd.s32 $0xFFFFC180  }
0x290: {  	_ =	swait.ge [sflag:s11], $0x3E80  }
0x291: {  	[sflag:s11] =	ssyncset.done $0x0  }
0x292: {  	s20 =	rddreg [dreg:$0x12];
	[sflag:s11] =	ssyncadd.s32 $0xFFFFC180  }
0x293: {  	[hbm4b:s20+s2] =	stream.linear.scatter [tilespmem:s8], [sflag:$0x7], $0x3E80, $0x38;
	[tilespmem:$0x15280] =	vst v63  }
0x294: {  	_ =	swait.ge [sflag:s10], $0x3E80  }
0x295: {  	[sflag:s10] =	ssyncset.done $0x0  }
0x296: {  	[sflag:s10] =	ssyncadd.s32 $0xFFFFC180  }
0x297: {  	_ =	swait.ge [sflag:s10], $0x3E80  }
0x298: {  	[sflag:s10] =	ssyncset.done $0x0  }
0x299: {  	[sflag:s10] =	ssyncadd.s32 $0xFFFFC180  }
0x29a: {  	_ =	swait.ge [sflag:s10], $0x3E80  }
0x29b: {  	[sflag:s10] =	ssyncset.done $0x0  }
0x29c: {  	s20 =	rddreg [dreg:$0x13];
	[sflag:s10] =	ssyncadd.s32 $0xFFFFC180  }
0x29d: {  	[hbm4b:s20+s2] =	stream.linear.scatter [tilespmem:s7], [sflag:$0x8], $0x3E80, $0x38;
	[tilespmem:$0x15280] =	vst v63  }
0x29e: {  	_ =	swait.ge [sflag:s12], $0x3E80  }
0x29f: {  	[sflag:s12] =	ssyncset.done $0x0  }
0x2a0: {  	[sflag:s12] =	ssyncadd.s32 $0xFFFFC180  }
0x2a1: {  	_ =	swait.ge [sflag:s13], $0x3E80  }
0x2a2: {  	[sflag:s13] =	ssyncset.done $0x0  }
0x2a3: {  	[sflag:s13] =	ssyncadd.s32 $0xFFFFC180  }
0x2a4: {  	_ =	swait.ge [sflag:s14], $0x3E80  }
0x2a5: {  	[sflag:s14] =	ssyncset.done $0x0  }
0x2a6: {  	p1 =	sne.s32 s1, $0x1;
	[sflag:s14] =	ssyncadd.s32 $0xFFFFC180  }
.Ltmp2:
0x2a7: {  	_ =	swait.ge [sflag:s15], $0x3E80;
	(pc) =	sbr.rel @p1 .LBB2_4-.Ltmp2, $4  }
0x2a8: {  	[sflag:s15] =	ssyncset.done $0x0  }
0x2a9: {  	[sflag:s15] =	ssyncadd.s32 $0xFFFFC180  }
0x2aa: {  	_ =	swait.ge [sflag:s16], $0x3E80  }
0x2ab: {  	s1 =	sadd.s32 $0xFFFFFFFF, s1;
	s0 =	rddreg [dreg:$0x6];
	[sflag:s16] =	ssyncset.done $0x0  }
0x2ac: {  	s25 =	simm.s32 $0x1780  }
0x2ad: {  	s29 =	simm.s32 $0x1700;
	s28 =	simm.s32 $0x1680;
	s26 =	simm.s32 $0x1800  }
0x2ae: {  	s22 =	simm.s32 $0x1900;
	s21 =	simm.s32 $0x1880;
	s20 =	stileid.u32  }
.LBB2_6:
0x2af: {  	[sflag:s16] =	ssyncadd.s32 @p0 $0xFFFFC180  }
0x2b0: {  	[tilespmem:s2], [sflag:$0xB] =	stream.linear.gather [hbm4b:s0+s2], $0x1A00, $0x38;
	[tilespmem:$0x15280] =	vst v63  }
0x2b1: {  	_ =	swait.ge [sflag:s31], $0x1A00  }
0x2b2: {  	[sflag:s31] =	ssyncset.done $0x0  }
0x2b3: {  	[sflag:s31] =	ssyncadd.s32 $0xFFFFE600  }
0x2b4: {  	[tilespmem:s17], [sflag:$0x1] =	stream.indirect.gather [hbm4b:s6+s9], $0x80, s2, s9, $0xb8;
	[tilespmem:$0x15280] =	vst v63  }
0x2b5: {  	s1 =	rddreg [dreg:$0x14]  }
0x2b6: {  	[tilespmem:s8], [sflag:$0x2] =	stream.indirect.gather [hbm4b:s6+s9], $0x80, s1, s9, $0xb8;
	[tilespmem:$0x15280] =	vst v63  }
0x2b7: {  	_ =	swait.ge [sflag:s18], $0x3E80  }
0x2b8: {  	[sflag:s18] =	ssyncset.done $0x0  }
0x2b9: {  	s31 =	rddreg [dreg:$0x15];
	[sflag:s18] =	ssyncadd.s32 $0xFFFFC180  }
0x2ba: {  	[tilespmem:s17], [sflag:$0x1] =	stream.indirect.gather.add.f32 [hbm:s3], $0x80, s31, s9, $0xb8;
	[tilespmem:$0x15280] =	vst v63  }
0x2bb: {  	s1 =	rddreg [dreg:$0x16]  }
0x2bc: {  	[tilespmem:s17], [sflag:$0x1] =	stream.indirect.gather.add.f32 [hbm:s4], $0x80, s1, s9, $0xb8;
	[tilespmem:$0x15280] =	vst v63  }
0x2bd: {  	s0 =	rddreg [dreg:$0x17]  }
0x2be: {  	[tilespmem:s17], [sflag:$0x1] =	stream.indirect.gather.add.f32 [hbm:s5], $0x80, s0, s9, $0xb8;
	[tilespmem:$0x15280] =	vst v63  }
0x2bf: {  	s31 =	rddreg [dreg:$0x18]  }
0x2c0: {  	[tilespmem:s7], [sflag:$0x3] =	stream.indirect.gather [hbm4b:s6+s9], $0x80, s31, s9, $0xb8;
	[tilespmem:$0x15280] =	vst v63  }
0x2c1: {  	_ =	swait.ge [sflag:s11], $0x3E80  }
0x2c2: {  	[sflag:s11] =	ssyncset.done $0x0  }
0x2c3: {  	s31 =	rddreg [dreg:$0x19];
	[sflag:s11] =	ssyncadd.s32 $0xFFFFC180  }
0x2c4: {  	[tilespmem:s8], [sflag:$0x2] =	stream.indirect.gather.add.f32 [hbm:s3], $0x80, s31, s9, $0xb8;
	[tilespmem:$0x15280] =	vst v63  }
0x2c5: {  	s1 =	rddreg [dreg:$0x1a]  }
0x2c6: {  	[tilespmem:s8], [sflag:$0x2] =	stream.indirect.gather.add.f32 [hbm:s4], $0x80, s1, s9, $0xb8;
	[tilespmem:$0x15280] =	vst v63  }
0x2c7: {  	s31 =	rddreg [dreg:$0x1b]  }
0x2c8: {  	[tilespmem:s8], [sflag:$0x2] =	stream.indirect.gather.add.f32 [hbm:s5], $0x80, s31, s9, $0xb8;
	[tilespmem:$0x15280] =	vst v63  }
0x2c9: {  	_ =	swait.ge [sflag:s18], $0x3E80  }
0x2ca: {  	[sflag:s18] =	ssyncset.done $0x0  }
0x2cb: {  	[sflag:s18] =	ssyncadd.s32 $0xFFFFC180  }
0x2cc: {  	_ =	swait.ge [sflag:s18], $0x3E80  }
0x2cd: {  	[sflag:s18] =	ssyncset.done $0x0  }
0x2ce: {  	[sflag:s18] =	ssyncadd.s32 $0xFFFFC180  }
0x2cf: {  	_ =	swait.ge [sflag:s18], $0x3E80  }
0x2d0: {  	[sflag:s18] =	ssyncset.done $0x0  }
0x2d1: {  	s1 =	rddreg [dreg:$0x7];
	[sflag:s18] =	ssyncadd.s32 $0xFFFFC180  }
0x2d2: {  	[hbm4b:s1+s2] =	stream.linear.scatter [tilespmem:s17], [sflag:$0x6], $0x3E80, $0x38;
	[tilespmem:$0x15280] =	vst v63  }
0x2d3: {  	s31 =	rddreg [dreg:$0x1c]  }
0x2d4: {  	[tilespmem:s24], [sflag:$0x4] =	stream.indirect.gather [hbm4b:s6+s9], $0x80, s31, s9, $0xb8;
	[tilespmem:$0x15280] =	vst v63  }
0x2d5: {  	_ =	swait.ge [sflag:s10], $0x3E80  }
0x2d6: {  	[sflag:s10] =	ssyncset.done $0x0  }
0x2d7: {  	s31 =	rddreg [dreg:$0x1d];
	[sflag:s10] =	ssyncadd.s32 $0xFFFFC180  }
0x2d8: {  	[tilespmem:s7], [sflag:$0x3] =	stream.indirect.gather.add.f32 [hbm:s3], $0x80, s31, s9, $0xb8;
	[tilespmem:$0x15280] =	vst v63  }
0x2d9: {  	s1 =	rddreg [dreg:$0x1e]  }
0x2da: {  	[tilespmem:s7], [sflag:$0x3] =	stream.indirect.gather.add.f32 [hbm:s4], $0x80, s1, s9, $0xb8;
	[tilespmem:$0x15280] =	vst v63  }
0x2db: {  	s31 =	rddreg [dreg:$0x1f]  }
0x2dc: {  	[tilespmem:s7], [sflag:$0x3] =	stream.indirect.gather.add.f32 [hbm:s5], $0x80, s31, s9, $0xb8;
	[tilespmem:$0x15280] =	vst v63  }
0x2dd: {  	_ =	swait.ge [sflag:s11], $0x3E80  }
0x2de: {  	[sflag:s11] =	ssyncset.done $0x0  }
0x2df: {  	[sflag:s11] =	ssyncadd.s32 $0xFFFFC180  }
0x2e0: {  	_ =	swait.ge [sflag:s11], $0x3E80  }
0x2e1: {  	[sflag:s11] =	ssyncset.done $0x0  }
0x2e2: {  	[sflag:s11] =	ssyncadd.s32 $0xFFFFC180  }
0x2e3: {  	_ =	swait.ge [sflag:s11], $0x3E80  }
0x2e4: {  	s1 =	rddreg [dreg:$0x8];
	[sflag:s11] =	ssyncset.done $0x0  }
0x2e5: {  	s31 =	sld [smem:$0x7DE];
	[sflag:s11] =	ssyncadd.s32 $0xFFFFC180  }
0x2e6: {  	[hbm4b:s1+s2] =	stream.linear.scatter [tilespmem:s8], [sflag:$0x7], $0x3E80, $0x38;
	[tilespmem:$0x15280] =	vst v63  }
0x2e7: {  	_ = 	snop  }
0x2e8: {  	[tilespmem:s19], [sflag:$0x5] =	stream.indirect.gather [hbm4b:s6+s9], $0x80, s31, s9, $0xb8;
	[tilespmem:$0x15280] =	vst v63  }
0x2e9: {  	_ =	swait.ge [sflag:s30], $0x3E80  }
0x2ea: {  	s31 =	sld [smem:$0x7DF]  }
0x2eb: {  	[sflag:s30] =	ssyncset.done $0x0  }
0x2ec: {  	s1 =	sld [smem:$0x7E0];
	[sflag:s30] =	ssyncadd.s32 $0xFFFFC180  }
0x2ed: {  	[tilespmem:s24], [sflag:$0x4] =	stream.indirect.gather.add.f32 [hbm:s3], $0x80, s31, s9, $0xb8;
	[tilespmem:$0x15280] =	vst v63  }
0x2ee: {  	s31 =	sld [smem:$0x7E1]  }
0x2ef: {  	[tilespmem:s24], [sflag:$0x4] =	stream.indirect.gather.add.f32 [hbm:s4], $0x80, s1, s9, $0xb8;
	[tilespmem:$0x15280] =	vst v63  }
0x2f0: {  	_ = 	snop  }
0x2f1: {  	[tilespmem:s24], [sflag:$0x4] =	stream.indirect.gather.add.f32 [hbm:s5], $0x80, s31, s9, $0xb8;
	[tilespmem:$0x15280] =	vst v63  }
0x2f2: {  	_ =	swait.ge [sflag:s10], $0x3E80  }
0x2f3: {  	[sflag:s10] =	ssyncset.done $0x0  }
0x2f4: {  	[sflag:s10] =	ssyncadd.s32 $0xFFFFC180  }
0x2f5: {  	_ =	swait.ge [sflag:s10], $0x3E80  }
0x2f6: {  	[sflag:s10] =	ssyncset.done $0x0  }
0x2f7: {  	[sflag:s10] =	ssyncadd.s32 $0xFFFFC180  }
0x2f8: {  	_ =	swait.ge [sflag:s10], $0x3E80  }
0x2f9: {  	[sflag:s10] =	ssyncset.done $0x0  }
0x2fa: {  	s31 =	rddreg [dreg:$0x9];
	[sflag:s10] =	ssyncadd.s32 $0xFFFFC180  }
0x2fb: {  	[hbm4b:s31+s2] =	stream.linear.scatter [tilespmem:s7], [sflag:$0x8], $0x3E80, $0x38;
	[tilespmem:$0x15280] =	vst v63  }
0x2fc: {  	_ =	swait.ge [sflag:s12], $0x3E80  }
0x2fd: {  	s1 =	sld [smem:$0x7E2]  }
0x2fe: {  	[sflag:s12] =	ssyncset.done $0x0  }
0x2ff: {  	[sflag:s12] =	ssyncadd.s32 $0xFFFFC180  }
0x300: {  	[tilespmem:s17], [sflag:$0x1] =	stream.indirect.gather [hbm4b:s6+s9], $0x80, s1, s9, $0xb8;
	[tilespmem:$0x15280] =	vst v63  }
0x301: {  	_ =	swait.ge [sflag:s23], $0x3E80  }
0x302: {  	s31 =	sld [smem:$0x7E3]  }
0x303: {  	[sflag:s23] =	ssyncset.done $0x0  }
0x304: {  	s1 =	sld [smem:$0x7E4];
	[sflag:s23] =	ssyncadd.s32 $0xFFFFC180  }
0x305: {  	[tilespmem:s19], [sflag:$0x5] =	stream.indirect.gather.add.f32 [hbm:s3], $0x80, s31, s9, $0xb8;
	[tilespmem:$0x15280] =	vst v63  }
0x306: {  	s31 =	sld [smem:$0x7E5]  }
0x307: {  	[tilespmem:s19], [sflag:$0x5] =	stream.indirect.gather.add.f32 [hbm:s4], $0x80, s1, s9, $0xb8;
	[tilespmem:$0x15280] =	vst v63  }
0x308: {  	_ = 	snop  }
0x309: {  	[tilespmem:s19], [sflag:$0x5] =	stream.indirect.gather.add.f32 [hbm:s5], $0x80, s31, s9, $0xb8;
	[tilespmem:$0x15280] =	vst v63  }
0x30a: {  	_ =	swait.ge [sflag:s30], $0x3E80  }
0x30b: {  	[sflag:s30] =	ssyncset.done $0x0  }
0x30c: {  	[sflag:s30] =	ssyncadd.s32 $0xFFFFC180  }
0x30d: {  	_ =	swait.ge [sflag:s30], $0x3E80  }
0x30e: {  	[sflag:s30] =	ssyncset.done $0x0  }
0x30f: {  	[sflag:s30] =	ssyncadd.s32 $0xFFFFC180  }
0x310: {  	_ =	swait.ge [sflag:s30], $0x3E80  }
0x311: {  	[sflag:s30] =	ssyncset.done $0x0  }
0x312: {  	s31 =	rddreg [dreg:$0xa];
	[sflag:s30] =	ssyncadd.s32 $0xFFFFC180  }
0x313: {  	[hbm4b:s31+s2] =	stream.linear.scatter [tilespmem:s24], [sflag:$0x9], $0x3E80, $0x38;
	[tilespmem:$0x15280] =	vst v63  }
0x314: {  	_ =	swait.ge [sflag:s13], $0x3E80  }
0x315: {  	s1 =	sld [smem:$0x7E6]  }
0x316: {  	[sflag:s13] =	ssyncset.done $0x0  }
0x317: {  	[sflag:s13] =	ssyncadd.s32 $0xFFFFC180  }
0x318: {  	[tilespmem:s8], [sflag:$0x2] =	stream.indirect.gather [hbm4b:s6+s9], $0x80, s1, s9, $0xb8;
	[tilespmem:$0x15280] =	vst v63  }
0x319: {  	_ =	swait.ge [sflag:s18], $0x3E80  }
0x31a: {  	s31 =	sld [smem:$0x7E7]  }
0x31b: {  	[sflag:s18] =	ssyncset.done $0x0  }
0x31c: {  	s1 =	sld [smem:$0x7E8];
	[sflag:s18] =	ssyncadd.s32 $0xFFFFC180  }
0x31d: {  	[tilespmem:s17], [sflag:$0x1] =	stream.indirect.gather.add.f32 [hbm:s3], $0x80, s31, s9, $0xb8;
	[tilespmem:$0x15280] =	vst v63  }
0x31e: {  	s31 =	sld [smem:$0x7E9]  }
0x31f: {  	[tilespmem:s17], [sflag:$0x1] =	stream.indirect.gather.add.f32 [hbm:s4], $0x80, s1, s9, $0xb8;
	[tilespmem:$0x15280] =	vst v63  }
0x320: {  	_ = 	snop  }
0x321: {  	[tilespmem:s17], [sflag:$0x1] =	stream.indirect.gather.add.f32 [hbm:s5], $0x80, s31, s9, $0xb8;
	[tilespmem:$0x15280] =	vst v63  }
0x322: {  	_ =	swait.ge [sflag:s23], $0x3E80  }
0x323: {  	[sflag:s23] =	ssyncset.done $0x0  }
0x324: {  	[sflag:s23] =	ssyncadd.s32 $0xFFFFC180  }
0x325: {  	_ =	swait.ge [sflag:s23], $0x3E80  }
0x326: {  	[sflag:s23] =	ssyncset.done $0x0  }
0x327: {  	[sflag:s23] =	ssyncadd.s32 $0xFFFFC180  }
0x328: {  	_ =	swait.ge [sflag:s23], $0x3E80  }
0x329: {  	[sflag:s23] =	ssyncset.done $0x0  }
0x32a: {  	s31 =	rddreg [dreg:$0xb];
	[sflag:s23] =	ssyncadd.s32 $0xFFFFC180  }
0x32b: {  	[hbm4b:s31+s2] =	stream.linear.scatter [tilespmem:s19], [sflag:$0xA], $0x3E80, $0x38;
	[tilespmem:$0x15280] =	vst v63  }
0x32c: {  	_ =	swait.ge [sflag:s14], $0x3E80  }
0x32d: {  	s1 =	sld [smem:$0x7EA]  }
0x32e: {  	[sflag:s14] =	ssyncset.done $0x0  }
0x32f: {  	[sflag:s14] =	ssyncadd.s32 $0xFFFFC180  }
0x330: {  	[tilespmem:s7], [sflag:$0x3] =	stream.indirect.gather [hbm4b:s6+s9], $0x80, s1, s9, $0xb8;
	[tilespmem:$0x15280] =	vst v63  }
0x331: {  	_ =	swait.ge [sflag:s11], $0x3E80  }
0x332: {  	s31 =	sld [smem:$0x7EB]  }
0x333: {  	[sflag:s11] =	ssyncset.done $0x0  }
0x334: {  	s1 =	sld [smem:$0x7EC];
	[sflag:s11] =	ssyncadd.s32 $0xFFFFC180  }
0x335: {  	[tilespmem:s8], [sflag:$0x2] =	stream.indirect.gather.add.f32 [hbm:s3], $0x80, s31, s9, $0xb8;
	[tilespmem:$0x15280] =	vst v63  }
0x336: {  	s31 =	sld [smem:$0x7ED]  }
0x337: {  	[tilespmem:s8], [sflag:$0x2] =	stream.indirect.gather.add.f32 [hbm:s4], $0x80, s1, s9, $0xb8;
	[tilespmem:$0x15280] =	vst v63  }
0x338: {  	_ = 	snop  }
0x339: {  	[tilespmem:s8], [sflag:$0x2] =	stream.indirect.gather.add.f32 [hbm:s5], $0x80, s31, s9, $0xb8;
	[tilespmem:$0x15280] =	vst v63  }
0x33a: {  	_ =	swait.ge [sflag:s18], $0x3E80  }
0x33b: {  	[sflag:s18] =	ssyncset.done $0x0  }
0x33c: {  	[sflag:s18] =	ssyncadd.s32 $0xFFFFC180  }
0x33d: {  	_ =	swait.ge [sflag:s18], $0x3E80  }
0x33e: {  	[sflag:s18] =	ssyncset.done $0x0  }
0x33f: {  	[sflag:s18] =	ssyncadd.s32 $0xFFFFC180  }
0x340: {  	_ =	swait.ge [sflag:s18], $0x3E80  }
0x341: {  	[sflag:s18] =	ssyncset.done $0x0  }
0x342: {  	s31 =	rddreg [dreg:$0xc];
	[sflag:s18] =	ssyncadd.s32 $0xFFFFC180  }
0x343: {  	[hbm4b:s31+s2] =	stream.linear.scatter [tilespmem:s17], [sflag:$0x6], $0x3E80, $0x38;
	[tilespmem:$0x15280] =	vst v63  }
0x344: {  	_ =	swait.ge [sflag:s15], $0x3E80  }
0x345: {  	s1 =	sld [smem:$0x7EE]  }
0x346: {  	[sflag:s15] =	ssyncset.done $0x0  }
0x347: {  	[sflag:s15] =	ssyncadd.s32 $0xFFFFC180  }
0x348: {  	[tilespmem:s24], [sflag:$0x4] =	stream.indirect.gather [hbm4b:s6+s9], $0x80, s1, s9, $0xb8;
	[tilespmem:$0x15280] =	vst v63  }
0x349: {  	_ =	swait.ge [sflag:s10], $0x3E80  }
0x34a: {  	s31 =	sld [smem:$0x7EF]  }
0x34b: {  	[sflag:s10] =	ssyncset.done $0x0  }
0x34c: {  	s1 =	sld [smem:$0x7F0];
	[sflag:s10] =	ssyncadd.s32 $0xFFFFC180  }
0x34d: {  	[tilespmem:s7], [sflag:$0x3] =	stream.indirect.gather.add.f32 [hbm:s3], $0x80, s31, s9, $0xb8;
	[tilespmem:$0x15280] =	vst v63  }
0x34e: {  	s31 =	sld [smem:$0x7F1]  }
0x34f: {  	[tilespmem:s7], [sflag:$0x3] =	stream.indirect.gather.add.f32 [hbm:s4], $0x80, s1, s9, $0xb8;
	[tilespmem:$0x15280] =	vst v63  }
0x350: {  	_ = 	snop  }
0x351: {  	[tilespmem:s7], [sflag:$0x3] =	stream.indirect.gather.add.f32 [hbm:s5], $0x80, s31, s9, $0xb8;
	[tilespmem:$0x15280] =	vst v63  }
0x352: {  	_ =	swait.ge [sflag:s11], $0x3E80  }
0x353: {  	[sflag:s11] =	ssyncset.done $0x0  }
0x354: {  	[sflag:s11] =	ssyncadd.s32 $0xFFFFC180  }
0x355: {  	_ =	swait.ge [sflag:s11], $0x3E80  }
0x356: {  	[sflag:s11] =	ssyncset.done $0x0  }
0x357: {  	[sflag:s11] =	ssyncadd.s32 $0xFFFFC180  }
0x358: {  	_ =	swait.ge [sflag:s11], $0x3E80  }
0x359: {  	[sflag:s11] =	ssyncset.done $0x0  }
0x35a: {  	s31 =	rddreg [dreg:$0xd];
	[sflag:s11] =	ssyncadd.s32 $0xFFFFC180  }
0x35b: {  	[hbm4b:s31+s2] =	stream.linear.scatter [tilespmem:s8], [sflag:$0x7], $0x3E80, $0x38;
	[tilespmem:$0x15280] =	vst v63  }
0x35c: {  	_ =	swait.ge [sflag:s16], $0x3E80  }
0x35d: {  	s1 =	sld [smem:$0x7F2]  }
0x35e: {  	[sflag:s16] =	ssyncset.done $0x0  }
0x35f: {  	[sflag:s16] =	ssyncadd.s32 $0xFFFFC180  }
0x360: {  	[tilespmem:s19], [sflag:$0x5] =	stream.indirect.gather [hbm4b:s6+s9], $0x80, s1, s9, $0xb8;
	[tilespmem:$0x15280] =	vst v63  }
0x361: {  	_ =	swait.ge [sflag:s30], $0x3E80  }
0x362: {  	s31 =	sld [smem:$0x7F3]  }
0x363: {  	[sflag:s30] =	ssyncset.done $0x0  }
0x364: {  	s1 =	sld [smem:$0x7F4];
	[sflag:s30] =	ssyncadd.s32 $0xFFFFC180  }
0x365: {  	[tilespmem:s24], [sflag:$0x4] =	stream.indirect.gather.add.f32 [hbm:s3], $0x80, s31, s9, $0xb8;
	[tilespmem:$0x15280] =	vst v63  }
0x366: {  	s31 =	sld [smem:$0x7F5]  }
0x367: {  	[tilespmem:s24], [sflag:$0x4] =	stream.indirect.gather.add.f32 [hbm:s4], $0x80, s1, s9, $0xb8;
	[tilespmem:$0x15280] =	vst v63  }
0x368: {  	_ = 	snop  }
0x369: {  	[tilespmem:s24], [sflag:$0x4] =	stream.indirect.gather.add.f32 [hbm:s5], $0x80, s31, s9, $0xb8;
	[tilespmem:$0x15280] =	vst v63  }
0x36a: {  	_ =	swait.ge [sflag:s10], $0x3E80  }
0x36b: {  	[sflag:s10] =	ssyncset.done $0x0  }
0x36c: {  	[sflag:s10] =	ssyncadd.s32 $0xFFFFC180  }
0x36d: {  	_ =	swait.ge [sflag:s10], $0x3E80  }
0x36e: {  	[sflag:s10] =	ssyncset.done $0x0  }
0x36f: {  	[sflag:s10] =	ssyncadd.s32 $0xFFFFC180  }
0x370: {  	_ =	swait.ge [sflag:s10], $0x3E80  }
0x371: {  	[sflag:s10] =	ssyncset.done $0x0  }
0x372: {  	s31 =	rddreg [dreg:$0xe];
	[sflag:s10] =	ssyncadd.s32 $0xFFFFC180  }
0x373: {  	[hbm4b:s31+s2] =	stream.linear.scatter [tilespmem:s7], [sflag:$0x8], $0x3E80, $0x38;
	[tilespmem:$0x15280] =	vst v63  }
0x374: {  	_ =	swait.ge [sflag:s12], $0x3E80  }
0x375: {  	s1 =	sld [smem:$0x7F6]  }
0x376: {  	[sflag:s12] =	ssyncset.done $0x0  }
0x377: {  	[sflag:s12] =	ssyncadd.s32 $0xFFFFC180  }
0x378: {  	[tilespmem:s17], [sflag:$0x1] =	stream.indirect.gather [hbm4b:s6+s9], $0x80, s1, s9, $0xb8;
	[tilespmem:$0x15280] =	vst v63  }
0x379: {  	_ =	swait.ge [sflag:s23], $0x3E80  }
0x37a: {  	s31 =	sld [smem:$0x7F7]  }
0x37b: {  	[sflag:s23] =	ssyncset.done $0x0  }
0x37c: {  	s1 =	sld [smem:$0x7F8];
	[sflag:s23] =	ssyncadd.s32 $0xFFFFC180  }
0x37d: {  	[tilespmem:s19], [sflag:$0x5] =	stream.indirect.gather.add.f32 [hbm:s3], $0x80, s31, s9, $0xb8;
	[tilespmem:$0x15280] =	vst v63  }
0x37e: {  	s31 =	sld [smem:$0x7F9]  }
0x37f: {  	[tilespmem:s19], [sflag:$0x5] =	stream.indirect.gather.add.f32 [hbm:s4], $0x80, s1, s9, $0xb8;
	[tilespmem:$0x15280] =	vst v63  }
0x380: {  	_ = 	snop  }
0x381: {  	[tilespmem:s19], [sflag:$0x5] =	stream.indirect.gather.add.f32 [hbm:s5], $0x80, s31, s9, $0xb8;
	[tilespmem:$0x15280] =	vst v63  }
0x382: {  	_ =	swait.ge [sflag:s30], $0x3E80  }
0x383: {  	[sflag:s30] =	ssyncset.done $0x0  }
0x384: {  	[sflag:s30] =	ssyncadd.s32 $0xFFFFC180  }
0x385: {  	_ =	swait.ge [sflag:s30], $0x3E80  }
0x386: {  	[sflag:s30] =	ssyncset.done $0x0  }
0x387: {  	[sflag:s30] =	ssyncadd.s32 $0xFFFFC180  }
0x388: {  	_ =	swait.ge [sflag:s30], $0x3E80  }
0x389: {  	[sflag:s30] =	ssyncset.done $0x0  }
0x38a: {  	s31 =	rddreg [dreg:$0xf];
	[sflag:s30] =	ssyncadd.s32 $0xFFFFC180  }
0x38b: {  	[hbm4b:s31+s2] =	stream.linear.scatter [tilespmem:s24], [sflag:$0x9], $0x3E80, $0x38;
	[tilespmem:$0x15280] =	vst v63  }
0x38c: {  	_ =	swait.ge [sflag:s13], $0x3E80  }
0x38d: {  	s1 =	sld [smem:$0x7FA]  }
0x38e: {  	[sflag:s13] =	ssyncset.done $0x0  }
0x38f: {  	[sflag:s13] =	ssyncadd.s32 $0xFFFFC180  }
0x390: {  	[tilespmem:s8], [sflag:$0x2] =	stream.indirect.gather [hbm4b:s6+s9], $0x80, s1, s9, $0xb8;
	[tilespmem:$0x15280] =	vst v63  }
0x391: {  	_ =	swait.ge [sflag:s18], $0x3E80  }
0x392: {  	s24 =	sld [smem:$0x7FB]  }
0x393: {  	[sflag:s18] =	ssyncset.done $0x0  }
0x394: {  	s30 =	sld [smem:$0x7FC];
	[sflag:s18] =	ssyncadd.s32 $0xFFFFC180  }
0x395: {  	[tilespmem:s17], [sflag:$0x1] =	stream.indirect.gather.add.f32 [hbm:s3], $0x80, s24, s9, $0xb8;
	[tilespmem:$0x15280] =	vst v63  }
0x396: {  	s31 =	sld [smem:$0x7FD]  }
0x397: {  	[tilespmem:s17], [sflag:$0x1] =	stream.indirect.gather.add.f32 [hbm:s4], $0x80, s30, s9, $0xb8;
	[tilespmem:$0x15280] =	vst v63  }
0x398: {  	_ = 	snop  }
0x399: {  	[tilespmem:s17], [sflag:$0x1] =	stream.indirect.gather.add.f32 [hbm:s5], $0x80, s31, s9, $0xb8;
	[tilespmem:$0x15280] =	vst v63  }
0x39a: {  	_ =	swait.ge [sflag:s23], $0x3E80  }
0x39b: {  	[sflag:s23] =	ssyncset.done $0x0  }
0x39c: {  	[sflag:s23] =	ssyncadd.s32 $0xFFFFC180  }
0x39d: {  	_ =	swait.ge [sflag:s23], $0x3E80  }
0x39e: {  	[sflag:s23] =	ssyncset.done $0x0  }
0x39f: {  	[sflag:s23] =	ssyncadd.s32 $0xFFFFC180  }
0x3a0: {  	_ =	swait.ge [sflag:s23], $0x3E80  }
0x3a1: {  	[sflag:s23] =	ssyncset.done $0x0  }
0x3a2: {  	s24 =	rddreg [dreg:$0x10];
	[sflag:s23] =	ssyncadd.s32 $0xFFFFC180  }
0x3a3: {  	[hbm4b:s24+s2] =	stream.linear.scatter [tilespmem:s19], [sflag:$0xA], $0x3E80, $0x38;
	[tilespmem:$0x15280] =	vst v63  }
0x3a4: {  	_ =	swait.ge [sflag:s14], $0x3E80  }
0x3a5: {  	[sflag:s14] =	ssyncset.done $0x0  }
0x3a6: {  	[sflag:s14] =	ssyncadd.s32 $0xFFFFC180  }
0x3a7: {  	[tilespmem:s7], [sflag:$0x3] =	stream.indirect.gather [hbm4b:s6+s9], $0x80, s26, s9, $0xb8;
	[tilespmem:$0x15280] =	vst v63  }
0x3a8: {  	_ =	swait.ge [sflag:s11], $0x3E80  }
0x3a9: {  	[sflag:s11] =	ssyncset.done $0x0  }
0x3aa: {  	[sflag:s11] =	ssyncadd.s32 $0xFFFFC180  }
0x3ab: {  	[tilespmem:s8], [sflag:$0x2] =	stream.indirect.gather.add.f32 [hbm:s3], $0x80, s28, s9, $0xb8;
	[tilespmem:$0x15280] =	vst v63  }
0x3ac: {  	_ = 	snop  }
0x3ad: {  	[tilespmem:s8], [sflag:$0x2] =	stream.indirect.gather.add.f32 [hbm:s4], $0x80, s29, s9, $0xb8;
	[tilespmem:$0x15280] =	vst v63  }
0x3ae: {  	_ = 	snop  }
0x3af: {  	[tilespmem:s8], [sflag:$0x2] =	stream.indirect.gather.add.f32 [hbm:s5], $0x80, s25, s9, $0xb8;
	[tilespmem:$0x15280] =	vst v63  }
0x3b0: {  	_ =	swait.ge [sflag:s18], $0x3E80  }
0x3b1: {  	[sflag:s18] =	ssyncset.done $0x0  }
0x3b2: {  	[sflag:s18] =	ssyncadd.s32 $0xFFFFC180  }
0x3b3: {  	_ =	swait.ge [sflag:s18], $0x3E80  }
0x3b4: {  	[sflag:s18] =	ssyncset.done $0x0  }
0x3b5: {  	[sflag:s18] =	ssyncadd.s32 $0xFFFFC180  }
0x3b6: {  	_ =	swait.ge [sflag:s18], $0x3E80  }
0x3b7: {  	[sflag:s18] =	ssyncset.done $0x0  }
0x3b8: {  	s28 =	rddreg [dreg:$0x11];
	[sflag:s18] =	ssyncadd.s32 $0xFFFFC180  }
0x3b9: {  	[hbm4b:s28+s2] =	stream.linear.scatter [tilespmem:s17], [sflag:$0x6], $0x3E80, $0x38;
	[tilespmem:$0x15280] =	vst v63  }
0x3ba: {  	_ =	swait.ge [sflag:s10], $0x3E80  }
0x3bb: {  	[sflag:s10] =	ssyncset.done $0x0  }
0x3bc: {  	[sflag:s10] =	ssyncadd.s32 $0xFFFFC180  }
0x3bd: {  	[tilespmem:s7], [sflag:$0x3] =	stream.indirect.gather.add.f32 [hbm:s3], $0x80, s21, s9, $0xb8;
	[tilespmem:$0x15280] =	vst v63  }
0x3be: {  	_ = 	snop  }
0x3bf: {  	[tilespmem:s7], [sflag:$0x3] =	stream.indirect.gather.add.f32 [hbm:s4], $0x80, s22, s9, $0xb8;
	[tilespmem:$0x15280] =	vst v63  }
0x3c0: {  	s29 =	simm.s32 $0x1980  }
0x3c1: {  	[tilespmem:s7], [sflag:$0x3] =	stream.indirect.gather.add.f32 [hbm:s5], $0x80, s29, s9, $0xb8;
	[tilespmem:$0x15280] =	vst v63  }
0x3c2: {  	_ =	swait.ge [sflag:s11], $0x3E80  }
0x3c3: {  	[sflag:s11] =	ssyncset.done $0x0  }
0x3c4: {  	[sflag:s11] =	ssyncadd.s32 $0xFFFFC180  }
0x3c5: {  	_ =	swait.ge [sflag:s11], $0x3E80  }
0x3c6: {  	[sflag:s11] =	ssyncset.done $0x0  }
0x3c7: {  	[sflag:s11] =	ssyncadd.s32 $0xFFFFC180  }
0x3c8: {  	_ =	swait.ge [sflag:s11], $0x3E80  }
0x3c9: {  	[sflag:s11] =	ssyncset.done $0x0  }
0x3ca: {  	s30 =	rddreg [dreg:$0x12];
	[sflag:s11] =	ssyncadd.s32 $0xFFFFC180  }
0x3cb: {  	[hbm4b:s30+s2] =	stream.linear.scatter [tilespmem:s8], [sflag:$0x7], $0x3E80, $0x38;
	[tilespmem:$0x15280] =	vst v63  }
0x3cc: {  	_ =	swait.ge [sflag:s10], $0x3E80  }
0x3cd: {  	[sflag:s10] =	ssyncset.done $0x0  }
0x3ce: {  	[sflag:s10] =	ssyncadd.s32 $0xFFFFC180  }
0x3cf: {  	_ =	swait.ge [sflag:s10], $0x3E80  }
0x3d0: {  	[sflag:s10] =	ssyncset.done $0x0  }
0x3d1: {  	[sflag:s10] =	ssyncadd.s32 $0xFFFFC180  }
0x3d2: {  	_ =	swait.ge [sflag:s10], $0x3E80  }
0x3d3: {  	[sflag:s10] =	ssyncset.done $0x0  }
0x3d4: {  	s31 =	rddreg [dreg:$0x13];
	[sflag:s10] =	ssyncadd.s32 $0xFFFFC180  }
0x3d5: {  	[hbm4b:s31+s2] =	stream.linear.scatter [tilespmem:s7], [sflag:$0x8], $0x3E80, $0x38;
	[tilespmem:$0x15280] =	vst v63  }
0x3d6: {  	_ =	swait.ge [sflag:s12], $0x3E80  }
0x3d7: {  	[sflag:s12] =	ssyncset.done $0x0  }
0x3d8: {  	[sflag:s12] =	ssyncadd.s32 $0xFFFFC180  }
0x3d9: {  	_ =	swait.ge [sflag:s13], $0x3E80  }
0x3da: {  	[sflag:s13] =	ssyncset.done $0x0  }
0x3db: {  	[sflag:s13] =	ssyncadd.s32 $0xFFFFC180  }
0x3dc: {  	_ =	swait.ge [sflag:s14], $0x3E80  }
0x3dd: {  	[sflag:s14] =	ssyncset.done $0x0  }
0x3de: {  	[sflag:s14] =	ssyncadd.s32 $0xFFFFC180  }
0x3df: {  	_ =	swait.ge [sflag:s15], $0x3E80  }
0x3e0: {  	[sflag:s15] =	ssyncset.done $0x0  }
0x3e1: {  	[sflag:s15] =	ssyncadd.s32 $0xFFFFC180  }
0x3e2: {  	_ =	swait.ge [sflag:s16], $0x3E80  }
0x3e3: {  	[sflag:s16] =	ssyncset.done $0x0  }
0x3e4: {  	[sflag:s16] =	ssyncadd.s32 $0xFFFFC180  }
0x3e5: {  	_ =	sfence.sel $0x180000  }
0x3e6: {  	[bflag:$0x0] =	sbarrier.arrive $0xFFFF  }
0x3e7: {  	_ =	strace $0x9000004A  }
0x3e8: {  	[bflag:$0x2] =	sbarrier.arrive $0xFFFF  }
0x3e9: {  	p0 =	sne.s32 s20, $0x0;
	s0 =	rddreg [dreg:$0x5]  }
0x3ea: {  	s0 =	sadd.s32 @!p0 $0x100000, s0  }
0x3eb: {  	[sflag:s0] =	ssyncadd.tile.s32 @!p0 $0x1;
	_ =	shalt  }
.LBB2_1:
.Ltmp3:
0x3ec: {  	(pc) =	sbr.rel .LBB2_6-.Ltmp3, $3  }
0x3ed: {  	_ =	sdelay $0x1  }
0x3ee: {  	s25 =	simm.s32 $0x1780;
	s29 =	simm.s32 $0x1700;
	s28 =	simm.s32 $0x1680  }
0x3ef: {  	s26 =	simm.s32 $0x1800;
	s22 =	simm.s32 $0x1900;
	s21 =	simm.s32 $0x1880  }
.LBB2_3:
.Ltmp4:
0x3f0: {  	(pc) =	sbr.rel .LBB2_6-.Ltmp4, $4  }
0x3f1: {  	_ = 	snop  }
0x3f2: {  	s25 =	simm.s32 $0x1780  }
0x3f3: {  	s29 =	simm.s32 $0x1700;
	s28 =	simm.s32 $0x1680;
	s26 =	simm.s32 $0x1800  }
0x3f4: {  	s22 =	simm.s32 $0x1900;
	s21 =	simm.s32 $0x1880;
	s20 =	stileid.u32  }
.Lfunc_end2:
_tile_overlayer_lowered:
.L_overlay_start_2:
0x3f5: {  	(tag) =	ssettag $0x2  }
0x3f6: {  	s0 =	rddreg [dreg:$0x0];
	s2 =	stileid.u32  }
0x3f7: {  	s1 =	rddreg [dreg:$0x1];
	p0 =	sne.s32 s2, $0x0  }
0x3f8: {  	s3 =	rddreg [dreg:$0x2];
	[bflag:$0x3] =	sbarrier.arrive $0xFFFF;
	s2 =	simm.s32 @!p0 $0x1C0B  }
0x3f9: {  	[timem:s3], [sflag:s2] =	dma.local @!p0 [hbm:s0], s1  }
0x3fa: {  	s0 =	simm.s32 @!p0 $0xB  }
0x3fb: {  	_ =	swait.ge @!p0 [sflag:s0], s1  }
0x3fc: {  	s1 =	ssub.s32 @!p0 $0x0, s1;
	[sflag:s0] =	ssyncset.done @!p0 $0x0  }
0x3fd: {  	[sflag:s0] =	ssyncadd.s32 @!p0 s1  }
0x3fe: {  	[bflag:$0x3] =	sbarrier.arrive $0xFFFF  }
0x3ff: {  	_ =	shalt  }

</sc_bundles>
